<compile_context>
chip_gen: v7x
topology: tpu7x:2x2x1
jax: 0.10.2.dev20260603
libtpu: 0.0.44.dev20260713+nightly
codegen_flags: <defaults>
</compile_context>

<pallas_src>
import functools

import jax
import jax.numpy as jnp
from jax import lax
from jax.experimental import pallas as pl
from jax.experimental.pallas import tpu as pltpu
from jax.experimental.pallas import tpu_sc as plsc

_DD = 2.5
_GAMMA = 0.005
_K = 16
_HBLK = 48
_R0 = 288
_CROWS = 48
_NW = 32
_PLANES_PER_W = 12



def _sc_stats_body(feat_hbm, lab_hbm, sums_out, s2cnt_out,
                   lab_v, fbuf, acc_s, acc_qc, fold_s, fold_qc,
                   sem0, sem1):
    wid = lax.axis_index("s") * 2 + lax.axis_index("c")
    b = wid // 8
    c0 = (wid % 8) * _PLANES_PER_W

    zeros16 = jnp.zeros((16,), jnp.float32)
    ones16 = jnp.ones((16,), jnp.float32)
    lane = lax.iota(jnp.int32, 16)

    def _zero(i, _):
        acc_s[pl.ds(i * 16, 16)] = zeros16
        return 0
    lax.fori_loop(0, _PLANES_PER_W * 16, _zero, 0)

    def _zero2(i, _):
        acc_qc[pl.ds(i * 16, 16)] = zeros16
        return 0
    lax.fori_loop(0, 32, _zero2, 0)

    sems = (sem0, sem1)
    nchunks = (384 - _R0) // _CROWS
    _NB = 2

    def _chunk(chunk, _):
        row0 = _R0 + chunk * _CROWS
        pltpu.sync_copy(lab_hbm.at[b, pl.ds(row0, _CROWS), :], lab_v)
        copies = [None] * _NB
        for j0 in range(_NB - 1):
            copies[j0] = pltpu.async_copy(
                feat_hbm.at[b, c0 + j0, pl.ds(row0, _CROWS), :],
                fbuf.at[j0], sems[j0])
        for j in range(_PLANES_PER_W):
            par = j % _NB
            if j + _NB - 1 < _PLANES_PER_W:
                nxt = (j + _NB - 1) % _NB
                copies[nxt] = pltpu.async_copy(
                    feat_hbm.at[b, c0 + j + _NB - 1, pl.ds(row0, _CROWS), :],
                    fbuf.at[nxt], sems[nxt])
            copies[par].wait()
            jbase = j * 256

            def _rows(r, _):
                @plsc.parallel_loop(0, 384, 16, unroll=8)
                def _col(col):
                    lab16 = lab_v[r, pl.ds(col, 16)]
                    f = fbuf[par, r, pl.ds(col, 16)]
                    labx = lab16 * 16 + lane
                    plsc.addupdate_scatter(acc_s, [jbase + labx], f)
                    plsc.addupdate_scatter(acc_qc, [labx], f * f)
                return 0
            lax.fori_loop(0, _CROWS, _rows, 0)

        @pl.when(c0 == 0)
        def _():
            def _crows(r, _):
                @plsc.parallel_loop(0, 384, 16, unroll=8)
                def _col(col):
                    lab16 = lab_v[r, pl.ds(col, 16)]
                    plsc.addupdate_scatter(
                        acc_qc, [256 + lab16 * 16 + lane], ones16)
                return 0
            lax.fori_loop(0, _CROWS, _crows, 0)
        return 0

    lax.fori_loop(0, nchunks, _chunk, 0)

    lane16 = lane * 16
    for j in range(_PLANES_PER_W):
        v = plsc.load_gather(acc_s, [j * 256 + lane16])
        for l in range(1, 16):
            v = v + plsc.load_gather(acc_s, [j * 256 + lane16 + l])
        fold_s[pl.ds(j * 16, 16)] = v
    for r in range(2):
        v = plsc.load_gather(acc_qc, [r * 256 + lane16])
        for l in range(1, 16):
            v = v + plsc.load_gather(acc_qc, [r * 256 + lane16 + l])
        fold_qc[pl.ds(r * 16, 16)] = v

    pltpu.sync_copy(fold_s, sums_out.at[wid])
    pltpu.sync_copy(fold_qc, s2cnt_out.at[wid])


def _sc_stats(features, labels):
    mesh = plsc.VectorSubcoreMesh(core_axis_name="c", subcore_axis_name="s")
    kern = functools.partial(
        pl.kernel,
        mesh=mesh,
        compiler_params=pltpu.CompilerParams(
            needs_layout_passes=False, use_tc_tiling_on_sc=True),
        out_type=[
            jax.ShapeDtypeStruct((_NW, _PLANES_PER_W * 16), jnp.float32),
            jax.ShapeDtypeStruct((_NW, 32), jnp.float32),
        ],
        scratch_types=[
            pltpu.VMEM((_CROWS, 384), jnp.int32),
            pltpu.VMEM((2, _CROWS, 384), jnp.float32),
            pltpu.VMEM((_PLANES_PER_W * 256,), jnp.float32),
            pltpu.VMEM((512,), jnp.float32),
            pltpu.VMEM((_PLANES_PER_W * 16,), jnp.float32),
            pltpu.VMEM((32,), jnp.float32),
            pltpu.SemaphoreType.DMA,
            pltpu.SemaphoreType.DMA,
        ],
    )(_sc_stats_body)
    return kern(features, labels)



def _stats_kernel(feat_ref, lab_ref, out_ref):
    h = pl.program_id(1)
    P = _HBLK * 384
    F = feat_ref[0]
    lab = lab_ref[0]

    classes = jax.lax.broadcasted_iota(jnp.int32, (_HBLK, 384, _K), 2)
    O = (lab[:, :, None] == classes).astype(jnp.float32)
    O2 = O.reshape(P, _K)

    f2 = jnp.sum(F * F, axis=0, keepdims=True)
    ones = jnp.ones((1, _HBLK, 384), dtype=jnp.float32)
    G = jnp.concatenate([F, f2, ones], axis=0)
    G2 = G.reshape(98, P)

    stats = jax.lax.dot_general(
        G2, O2, (((1,), (0,)), ((), ())),
        preferred_element_type=jnp.float32)

    @pl.when(h == 0)
    def _():
        out_ref[...] = jnp.zeros_like(out_ref)

    out_ref[0, 0:98, 0:_K] += stats


def _loss_kernel(stats_ref, scs_ref, scq_ref, out_ref):
    iia = jax.lax.broadcasted_iota(jnp.int32, (_K, _K), 0)
    jja = jax.lax.broadcasted_iota(jnp.int32, (_K, _K), 1)
    eye = (iia == jja).astype(jnp.float32)
    total = 0.0
    for b in range(4):
        st = stats_ref[b]
        scq = scq_ref[b]
        sums = st[0:96, 0:_K] + scs_ref[b]
        s2 = st[96:97, 0:_K] + jnp.sum(scq[:, 0:1, :], axis=0)
        cnt = st[97:98, 0:_K] + jnp.sum(scq[:, 1:2, :], axis=0)
        cnt_mat = jnp.broadcast_to(cnt, (_K, _K))
        cnt_t = jax.lax.dot_general(
            eye, cnt_mat, (((1,), (1,)), ((), ())),
            preferred_element_type=jnp.float32)

        present = cnt > 0.0
        cnt_safe = jnp.maximum(cnt, 1.0)
        means = sums / cnt_safe
        m2 = jnp.sum(means * means, axis=0, keepdims=True)
        var_per = (s2 - cnt * m2) / cnt_safe
        var_loss = jnp.sum(jnp.where(present, var_per, 0.0))
        num_clusters = jnp.sum(present.astype(jnp.float32))

        diff = means[:, :, None] - means[:, None, :]
        d2 = jnp.sum(diff * diff, axis=0)
        ii = jax.lax.broadcasted_iota(jnp.int32, (_K, _K), 0)
        jj = jax.lax.broadcasted_iota(jnp.int32, (_K, _K), 1)
        pres_row = cnt_t > 0.0
        pres_col = jnp.broadcast_to(present, (_K, _K))
        pair_mask = (ii < jj) & pres_row & pres_col
        dist = jnp.sqrt(jnp.where(pair_mask, d2, 1.0))
        denom = jnp.maximum(num_clusters - 1.0, 1.0)
        pen = jnp.where(pair_mask & (dist < 2.0 * _DD),
                        (2.0 * _DD - dist) ** 2 / denom, 0.0)
        dist_loss = jnp.where(num_clusters > 1.0, jnp.sum(pen), 0.0)

        mnorm = jnp.sqrt(jnp.where(present, m2, 1.0))
        reg_loss = jnp.sum(jnp.where(present, mnorm, 0.0))

        total = total + (var_loss + dist_loss + _GAMMA * reg_loss) / num_clusters

    out_ref[...] = jnp.broadcast_to(total / 5.0, (1, 1))


def kernel(features_batch, labels_batch):
    B, C, H, W = features_batch.shape
    sc_sums_raw, sc_s2cnt = _sc_stats(features_batch, labels_batch)
    sc_sums = sc_sums_raw.reshape(B, C, 16)

    if _R0 > 0:
        stats = pl.pallas_call(
            _stats_kernel,
            grid=(B, _R0 // _HBLK),
            in_specs=[
                pl.BlockSpec((1, C, _HBLK, W), lambda b, h: (b, 0, h, 0)),
                pl.BlockSpec((1, _HBLK, W), lambda b, h: (b, h, 0)),
            ],
            out_specs=pl.BlockSpec((1, 104, 128), lambda b, h: (b, 0, 0)),
            out_shape=jax.ShapeDtypeStruct((B, 104, 128), jnp.float32),
        )(features_batch, labels_batch)
    else:
        stats = jnp.zeros((B, 104, 128), jnp.float32)

    scq = sc_s2cnt.reshape(B, 8, 2, 16)

    loss = pl.pallas_call(
        _loss_kernel,
        out_shape=jax.ShapeDtypeStruct((1, 1), jnp.float32),
    )(stats, sc_sums, scq)
    return loss[0, 0]

# --- scband reference (transcript-rebuilt; emitter-appended) ---
"""Pipeline reference for scband-contrasive-loss-80977313398968 (READ-ONLY COPY).

The authoritative reference and input builder live on the scoring server;
editing this copy changes nothing except your own understanding.
"""

import jax, jax.numpy as jnp
import numpy as np

DD = 2.5
GAMMA = 0.005
K = 16

def setup_inputs(seed: int = 0):
    key = jax.random.key(seed)
    k1, k2 = jax.random.split(key)
    features_batch = jax.random.normal(k1, (4, 96, 384, 384), dtype=jnp.float32)
    labels_batch = jax.random.randint(k2, (4, 384, 384), 0, K, dtype=jnp.int32)
    return {"features_batch": features_batch, "labels_batch": labels_batch}

def _single_loss(features, label):
    C, H, W = features.shape
    lab = label.reshape(-1)
    feats = jnp.transpose(features, (1, 2, 0)).reshape(H * W, C)
    counts = jnp.bincount(lab, length=K).astype(feats.dtype)
    present = counts > 0
    counts_safe = jnp.maximum(counts, 1.0)
    sums = jax.ops.segment_sum(feats, lab, num_segments=K)
    means = sums / counts_safe[:, None]
    d = feats - means[lab]
    dist2mean = jnp.sum(d * d, axis=1)
    var_per = jax.ops.segment_sum(dist2mean, lab, num_segments=K) / counts_safe
    var_loss = jnp.sum(jnp.where(present, var_per, 0.0))
    num_clusters = jnp.sum(present.astype(feats.dtype))
    diff = means[:, None, :] - means[None, :, :]
    d2 = jnp.sum(diff * diff, axis=-1)
    ii, jj = jnp.meshgrid(jnp.arange(K), jnp.arange(K), indexing="ij")
    pair_mask = (ii < jj) & present[:, None] & present[None, :]
    dist = jnp.sqrt(jnp.where(pair_mask, d2, 1.0))
    denom = jnp.maximum(num_clusters - 1.0, 1.0)
    pen = jnp.where(pair_mask & (dist < 2.0 * DD), (2.0 * DD - dist) ** 2 / denom, 0.0)
    dist_loss = jnp.where(num_clusters > 1.0, jnp.sum(pen), 0.0)
    m2 = jnp.sum(means * means, axis=1)
    mnorm = jnp.sqrt(jnp.where(present, m2, 1.0))
    reg_loss = jnp.sum(jnp.where(present, mnorm, 0.0))
    return (var_loss + dist_loss + GAMMA * reg_loss) / num_clusters

def reference(features_batch, labels_batch):
    B = features_batch.shape[0]
    running = 0.0
    for i in range(B):
        running = running + _single_loss(features_batch[i], labels_batch[i])
    return running / (B + 1)

if __name__ == "__main__":
    import jax
    _d = setup_inputs()
    print(jax.jit(kernel)(*tuple(_d.values())))

</pallas_src>

<mosaic_0001>
#map = affine_map<(d0, d1) -> (0, 0, 0, 0)>
#map1 = affine_map<(d0, d1) -> (0, 0, 0)>
#map2 = affine_map<(d0, d1) -> (0, 0)>
module attributes {stable_mosaic.version = 14 : i64} {
  func.func @_sc_stats_body(%arg0: i32, %arg1: i32, %arg2: memref<4x96x384x384xf32, #tpu.memory_space<hbm>>, %arg3: memref<4x384x384xi32, #tpu.memory_space<hbm>>, %arg4: memref<32x192xf32, #tpu.memory_space<hbm>>, %arg5: memref<32x32xf32, #tpu.memory_space<hbm>>, %arg6: memref<48x384xi32, #tpu.memory_space<vmem>>, %arg7: memref<2x48x384xf32, #tpu.memory_space<vmem>>, %arg8: memref<3072xf32, #tpu.memory_space<vmem>>, %arg9: memref<512xf32, #tpu.memory_space<vmem>>, %arg10: memref<192xf32, #tpu.memory_space<vmem>>, %arg11: memref<32xf32, #tpu.memory_space<vmem>>, %arg12: memref<!tpu.dma_semaphore, #tpu.memory_space<semaphore_mem>>, %arg13: memref<!tpu.dma_semaphore, #tpu.memory_space<semaphore_mem>>) attributes {dimension_semantics = [#tpu.dimension_semantics<core_parallel>, #tpu.dimension_semantics<subcore_parallel>], iteration_bounds = array<i64: 2, 16>, scalar_prefetch = 0 : i64, scratch_operands = 8 : i64, tpu.core_type = #tpu.core_type<sc_vector_subcore>, window_params = [{transform_indices = #map}, {transform_indices = #map1}, {transform_indices = #map2}, {transform_indices = #map2}]} {
    %mul3A = arith.constant 2 : i32
    %mul3A_0 = arith.muli %arg1, %mul3A : i32
    %add3A = arith.addi %mul3A_0, %arg0 : i32
    %jit3A = arith.constant 8 : i32
    %div3A = arith.divsi %add3A, %jit3A : i32
    %sign3A = arith.constant 0 : i32
    %sign3A_1 = arith.cmpi sgt, %add3A, %sign3A : i32
    %sign3A_2 = arith.extui %sign3A_1 : i1 to i32
    %sign3A_3 = arith.constant 0 : i32
    %sign3A_4 = arith.cmpi slt, %add3A, %sign3A_3 : i32
    %sign3A_5 = arith.extui %sign3A_4 : i1 to i32
    %sign3A_6 = arith.subi %sign3A_2, %sign3A_5 : i32
    %sign3A_7 = arith.constant 0 : i32
    %sign3A_8 = arith.cmpi sgt, %jit3A, %sign3A_7 : i32
    %sign3A_9 = arith.extui %sign3A_8 : i1 to i32
    %sign3A_10 = arith.constant 0 : i32
    %sign3A_11 = arith.cmpi slt, %jit3A, %sign3A_10 : i32
    %sign3A_12 = arith.extui %sign3A_11 : i1 to i32
    %sign3A_13 = arith.subi %sign3A_9, %sign3A_12 : i32
    %ne3A = arith.cmpi ne, %sign3A_6, %sign3A_13 : i32
    %rem3A = arith.remsi %add3A, %jit3A : i32
    %ne3A_14 = arith.constant 0 : i32
    %ne3A_15 = arith.cmpi ne, %rem3A, %ne3A_14 : i32
    %and3A = arith.andi %ne3A, %ne3A_15 : i1
    %sub3A = arith.constant 1 : i32
    %sub3A_16 = arith.subi %div3A, %sub3A : i32
    %select_n3A = arith.select %and3A, %sub3A_16, %div3A : i32
    %jit3A_17 = arith.constant 8 : i32
    %eq3A = arith.constant 0 : i32
    %eq3A_18 = arith.cmpi eq, %jit3A_17, %eq3A : i32
    %jit3A_19 = arith.constant 1 : i32
    %select_n3A_20 = arith.select %eq3A_18, %jit3A_19, %jit3A_17 : i32
    %rem3A_21 = arith.remsi %add3A, %select_n3A_20 : i32
    %ne3A_22 = arith.constant 0 : i32
    %ne3A_23 = arith.cmpi ne, %rem3A_21, %ne3A_22 : i32
    %lt3A = arith.constant 0 : i32
    %lt3A_24 = arith.cmpi slt, %rem3A_21, %lt3A : i32
    %lt3A_25 = arith.constant 0 : i32
    %lt3A_26 = arith.cmpi slt, %select_n3A_20, %lt3A_25 : i32
    %ne3A_27 = arith.xori %lt3A_24, %lt3A_26 : i1
    %and3A_28 = arith.andi %ne3A_27, %ne3A_23 : i1
    %add3A_29 = arith.addi %rem3A_21, %select_n3A_20 : i32
    %select_n3A_30 = arith.select %and3A_28, %add3A_29, %rem3A_21 : i32
    %mul3A_31 = arith.constant 12 : i32
    %mul3A_32 = arith.muli %select_n3A_30, %mul3A_31 : i32
    %broadcast_in_dim3A = arith.constant 0.000000e+00 : f32
    %broadcast_in_dim3A_33 = vector.broadcast %broadcast_in_dim3A : f32 to vector<16xf32>
    %broadcast_in_dim3A_34 = arith.constant 1.000000e+00 : f32
    %broadcast_in_dim3A_35 = vector.broadcast %broadcast_in_dim3A_34 : f32 to vector<16xf32>
    %iota3A = tpu.iota {dimensions = array<i32: 0>} : vector<16xi32>
    %scan3A = arith.constant 0 : i32
    %scan3A_36 = arith.constant 0 : i32
    %scan3A_37 = arith.constant 192 : i32
    %scan3A_38 = arith.addi %scan3A_36, %scan3A_37 : i32
    %scan3A_39 = arith.constant 1 : i32
    %scan3A_40 = scf.for %scan3A_1821 = %scan3A_36 to %scan3A_38 step %scan3A_39 iter_args(%scan3A_1822 = %scan3A) -> (i32)  : i32 {
      %mul3A_1823 = arith.constant 16 : i32
      %mul3A_1824 = arith.muli %scan3A_1821, %mul3A_1823 : i32
      %swap3A_1825 = arith.index_cast %mul3A_1824 : i32 to index
      %swap3A_1826 = tpu.vector_load %arg8[%swap3A_1825] {strides = array<i32>} : memref<3072xf32, #tpu.memory_space<vmem>>, vector<16xf32>,
      tpu.vector_store %arg8[%swap3A_1825], %broadcast_in_dim3A_33 {strides = array<i32>} : memref<3072xf32, #tpu.memory_space<vmem>>, vector<16xf32>,
      %scan3A_1827 = arith.constant 0 : i32
      scf.yield %scan3A_1827 : i32
    }
    %scan3A_41 = arith.constant 192 : i32
    %scan3A_42 = arith.constant 0 : i32
    %scan3A_43 = arith.constant 0 : i32
    %scan3A_44 = arith.constant 32 : i32
    %scan3A_45 = arith.addi %scan3A_43, %scan3A_44 : i32
    %scan3A_46 = arith.constant 1 : i32
    %scan3A_47 = scf.for %scan3A_1821 = %scan3A_43 to %scan3A_45 step %scan3A_46 iter_args(%scan3A_1822 = %scan3A_42) -> (i32)  : i32 {
      %mul3A_1823 = arith.constant 16 : i32
      %mul3A_1824 = arith.muli %scan3A_1821, %mul3A_1823 : i32
      %swap3A_1825 = arith.index_cast %mul3A_1824 : i32 to index
      %swap3A_1826 = tpu.vector_load %arg9[%swap3A_1825] {strides = array<i32>} : memref<512xf32, #tpu.memory_space<vmem>>, vector<16xf32>,
      tpu.vector_store %arg9[%swap3A_1825], %broadcast_in_dim3A_33 {strides = array<i32>} : memref<512xf32, #tpu.memory_space<vmem>>, vector<16xf32>,
      %scan3A_1827 = arith.constant 0 : i32
      scf.yield %scan3A_1827 : i32
    }
    %scan3A_48 = arith.constant 32 : i32
    %scan3A_49 = arith.constant 0 : i32
    %scan3A_50 = arith.constant 0 : i32
    %scan3A_51 = arith.constant 2 : i32
    %scan3A_52 = arith.addi %scan3A_50, %scan3A_51 : i32
    %scan3A_53 = arith.constant 1 : i32
    %scan3A_54 = scf.for %scan3A_1821 = %scan3A_50 to %scan3A_52 step %scan3A_53 iter_args(%scan3A_1822 = %scan3A_49) -> (i32)  : i32 {
      %mul3A_1823 = arith.constant 48 : i32
      %mul3A_1824 = arith.muli %scan3A_1821, %mul3A_1823 : i32
      %add3A_1825 = arith.constant 288 : i32
      %add3A_1826 = arith.addi %add3A_1825, %mul3A_1824 : i32
      "tpu.region"() ({
        %run_scoped3A = tpu.sem_alloc : memref<!tpu.dma_semaphore, #tpu.memory_space<semaphore_mem>>
        %dma_start3A_2341 = arith.constant 0 : i32
        %dma_start3A_2342 = tpu.memref_slice %arg3[%select_n3A, %add3A_1826, %dma_start3A_2341] : memref<4x384x384xi32, #tpu.memory_space<hbm>> -> memref<1x48x384xi32, #tpu.memory_space<hbm>>
        %dma_start3A_2343 = tpu.memref_squeeze %dma_start3A_2342 : memref<1x48x384xi32, #tpu.memory_space<hbm>> -> memref<48x384xi32, #tpu.memory_space<hbm>>
        %dma_start3A_2344 = arith.constant 0 : i32
        %dma_start3A_2345 = tpu.memref_slice %arg3[%select_n3A, %add3A_1826, %dma_start3A_2344] : memref<4x384x384xi32, #tpu.memory_space<hbm>> -> memref<1x48x384xi32, #tpu.memory_space<hbm>>
        %dma_start3A_2346 = tpu.memref_squeeze %dma_start3A_2345 : memref<1x48x384xi32, #tpu.memory_space<hbm>> -> memref<48x384xi32, #tpu.memory_space<hbm>>
        tpu.enqueue_dma source(%dma_start3A_2346 : memref<48x384xi32, #tpu.memory_space<hbm>>) target(%arg6 : memref<48x384xi32, #tpu.memory_space<vmem>>) target_semaphore(%run_scoped3A : memref<!tpu.dma_semaphore, #tpu.memory_space<semaphore_mem>>)
        %dma_wait3A_2347 = arith.constant 0 : i32
        %dma_wait3A_2348 = tpu.memref_slice %arg3[%select_n3A, %add3A_1826, %dma_wait3A_2347] : memref<4x384x384xi32, #tpu.memory_space<hbm>> -> memref<1x48x384xi32, #tpu.memory_space<hbm>>
        %dma_wait3A_2349 = tpu.memref_squeeze %dma_wait3A_2348 : memref<1x48x384xi32, #tpu.memory_space<hbm>> -> memref<48x384xi32, #tpu.memory_space<hbm>>
        %dma_wait3A_2350 = arith.constant 0 : i32
        %dma_wait3A_2351 = tpu.memref_slice %arg3[%select_n3A, %add3A_1826, %dma_wait3A_2350] : memref<4x384x384xi32, #tpu.memory_space<hbm>> -> memref<1x48x384xi32, #tpu.memory_space<hbm>>
        %dma_wait3A_2352 = tpu.memref_squeeze %dma_wait3A_2351 : memref<1x48x384xi32, #tpu.memory_space<hbm>> -> memref<48x384xi32, #tpu.memory_space<hbm>>
        tpu.wait_dma2 semaphore(%run_scoped3A : memref<!tpu.dma_semaphore, #tpu.memory_space<semaphore_mem>>) src(%dma_wait3A_2352 : memref<48x384xi32, #tpu.memory_space<hbm>>) dst(%arg6 : memref<48x384xi32, #tpu.memory_space<vmem>>)
        tpu.yield
      }) : () -> ()
      %add3A_1827 = arith.constant 0 : i32
      %add3A_1828 = arith.addi %mul3A_32, %add3A_1827 : i32
      %dma_start3A = arith.constant 0 : i32
      %dma_start3A_1829 = arith.constant 0 : i32
      %dma_start3A_1830 = arith.constant 0 : i32
      %dma_start3A_1831 = tpu.memref_slice %arg7[%dma_start3A, %dma_start3A_1829, %dma_start3A_1830] : memref<2x48x384xf32, #tpu.memory_space<vmem>> -> memref<1x48x384xf32, #tpu.memory_space<vmem>>
      %dma_start3A_1832 = tpu.memref_squeeze %dma_start3A_1831 : memref<1x48x384xf32, #tpu.memory_space<vmem>> -> memref<48x384xf32, #tpu.memory_space<vmem>>
      %dma_start3A_1833 = arith.constant 0 : i32
      %dma_start3A_1834 = tpu.memref_slice %arg2[%select_n3A, %add3A_1828, %add3A_1826, %dma_start3A_1833] : memref<4x96x384x384xf32, #tpu.memory_space<hbm>> -> memref<1x1x48x384xf32, #tpu.memory_space<hbm>>
      %dma_start3A_1835 = tpu.memref_squeeze %dma_start3A_1834 : memref<1x1x48x384xf32, #tpu.memory_space<hbm>> -> memref<48x384xf32, #tpu.memory_space<hbm>>
      %dma_start3A_1836 = arith.constant 0 : i32
      %dma_start3A_1837 = arith.constant 0 : i32
      %dma_start3A_1838 = tpu.memref_slice %arg7[%dma_start3A, %dma_start3A_1836, %dma_start3A_1837] : memref<2x48x384xf32, #tpu.memory_space<vmem>> -> memref<1x48x384xf32, #tpu.memory_space<vmem>>
      %dma_start3A_1839 = tpu.memref_squeeze %dma_start3A_1838 : memref<1x48x384xf32, #tpu.memory_space<vmem>> -> memref<48x384xf32, #tpu.memory_space<vmem>>
      %dma_start3A_1840 = arith.constant 0 : i32
      %dma_start3A_1841 = tpu.memref_slice %arg2[%select_n3A, %add3A_1828, %add3A_1826, %dma_start3A_1840] : memref<4x96x384x384xf32, #tpu.memory_space<hbm>> -> memref<1x1x48x384xf32, #tpu.memory_space<hbm>>
      %dma_start3A_1842 = tpu.memref_squeeze %dma_start3A_1841 : memref<1x1x48x384xf32, #tpu.memory_space<hbm>> -> memref<48x384xf32, #tpu.memory_space<hbm>>
      tpu.enqueue_dma source(%dma_start3A_1842 : memref<48x384xf32, #tpu.memory_space<hbm>>) target(%dma_start3A_1839 : memref<48x384xf32, #tpu.memory_space<vmem>>) target_semaphore(%arg12 : memref<!tpu.dma_semaphore, #tpu.memory_space<semaphore_mem>>)
      %add3A_1843 = arith.constant 0 : i32
      %add3A_1844 = arith.addi %mul3A_32, %add3A_1843 : i32
      %add3A_1845 = arith.constant 2 : i32
      %add3A_1846 = arith.addi %add3A_1844, %add3A_1845 : i32
      %sub3A_1847 = arith.constant 1 : i32
      %sub3A_1848 = arith.subi %add3A_1846, %sub3A_1847 : i32
      %dma_start3A_1849 = arith.constant 1 : i32
      %dma_start3A_1850 = arith.constant 0 : i32
      %dma_start3A_1851 = arith.constant 0 : i32
      %dma_start3A_1852 = tpu.memref_slice %arg7[%dma_start3A_1849, %dma_start3A_1850, %dma_start3A_1851] : memref<2x48x384xf32, #tpu.memory_space<vmem>> -> memref<1x48x384xf32, #tpu.memory_space<vmem>>
      %dma_start3A_1853 = tpu.memref_squeeze %dma_start3A_1852 : memref<1x48x384xf32, #tpu.memory_space<vmem>> -> memref<48x384xf32, #tpu.memory_space<vmem>>
      %dma_start3A_1854 = arith.constant 0 : i32
      %dma_start3A_1855 = tpu.memref_slice %arg2[%select_n3A, %sub3A_1848, %add3A_1826, %dma_start3A_1854] : memref<4x96x384x384xf32, #tpu.memory_space<hbm>> -> memref<1x1x48x384xf32, #tpu.memory_space<hbm>>
      %dma_start3A_1856 = tpu.memref_squeeze %dma_start3A_1855 : memref<1x1x48x384xf32, #tpu.memory_space<hbm>> -> memref<48x384xf32, #tpu.memory_space<hbm>>
      %dma_start3A_1857 = arith.constant 0 : i32
      %dma_start3A_1858 = arith.constant 0 : i32
      %dma_start3A_1859 = tpu.memref_slice %arg7[%dma_start3A_1849, %dma_start3A_1857, %dma_start3A_1858] : memref<2x48x384xf32, #tpu.memory_space<vmem>> -> memref<1x48x384xf32, #tpu.memory_space<vmem>>
      %dma_start3A_1860 = tpu.memref_squeeze %dma_start3A_1859 : memref<1x48x384xf32, #tpu.memory_space<vmem>> -> memref<48x384xf32, #tpu.memory_space<vmem>>
      %dma_start3A_1861 = arith.constant 0 : i32
      %dma_start3A_1862 = tpu.memref_slice %arg2[%select_n3A, %sub3A_1848, %add3A_1826, %dma_start3A_1861] : memref<4x96x384x384xf32, #tpu.memory_space<hbm>> -> memref<1x1x48x384xf32, #tpu.memory_space<hbm>>
      %dma_start3A_1863 = tpu.memref_squeeze %dma_start3A_1862 : memref<1x1x48x384xf32, #tpu.memory_space<hbm>> -> memref<48x384xf32, #tpu.memory_space<hbm>>
      tpu.enqueue_dma source(%dma_start3A_1863 : memref<48x384xf32, #tpu.memory_space<hbm>>) target(%dma_start3A_1860 : memref<48x384xf32, #tpu.memory_space<vmem>>) target_semaphore(%arg13 : memref<!tpu.dma_semaphore, #tpu.memory_space<semaphore_mem>>)
      %dma_wait3A = arith.constant 0 : i32
      %dma_wait3A_1864 = arith.constant 0 : i32
      %dma_wait3A_1865 = arith.constant 0 : i32
      %dma_wait3A_1866 = tpu.memref_slice %arg7[%dma_wait3A, %dma_wait3A_1864, %dma_wait3A_1865] : memref<2x48x384xf32, #tpu.memory_space<vmem>> -> memref<1x48x384xf32, #tpu.memory_space<vmem>>
      %dma_wait3A_1867 = tpu.memref_squeeze %dma_wait3A_1866 : memref<1x48x384xf32, #tpu.memory_space<vmem>> -> memref<48x384xf32, #tpu.memory_space<vmem>>
      %dma_wait3A_1868 = arith.constant 0 : i32
      %dma_wait3A_1869 = tpu.memref_slice %arg2[%select_n3A, %add3A_1828, %add3A_1826, %dma_wait3A_1868] : memref<4x96x384x384xf32, #tpu.memory_space<hbm>> -> memref<1x1x48x384xf32, #tpu.memory_space<hbm>>
      %dma_wait3A_1870 = tpu.memref_squeeze %dma_wait3A_1869 : memref<1x1x48x384xf32, #tpu.memory_space<hbm>> -> memref<48x384xf32, #tpu.memory_space<hbm>>
      %dma_wait3A_1871 = arith.constant 0 : i32
      %dma_wait3A_1872 = arith.constant 0 : i32
      %dma_wait3A_1873 = tpu.memref_slice %arg7[%dma_wait3A, %dma_wait3A_1871, %dma_wait3A_1872] : memref<2x48x384xf32, #tpu.memory_space<vmem>> -> memref<1x48x384xf32, #tpu.memory_space<vmem>>
      %dma_wait3A_1874 = tpu.memref_squeeze %dma_wait3A_1873 : memref<1x48x384xf32, #tpu.memory_space<vmem>> -> memref<48x384xf32, #tpu.memory_space<vmem>>
      %dma_wait3A_1875 = arith.constant 0 : i32
      %dma_wait3A_1876 = tpu.memref_slice %arg2[%select_n3A, %add3A_1828, %add3A_1826, %dma_wait3A_1875] : memref<4x96x384x384xf32, #tpu.memory_space<hbm>> -> memref<1x1x48x384xf32, #tpu.memory_space<hbm>>
      %dma_wait3A_1877 = tpu.memref_squeeze %dma_wait3A_1876 : memref<1x1x48x384xf32, #tpu.memory_space<hbm>> -> memref<48x384xf32, #tpu.memory_space<hbm>>
      tpu.wait_dma2 semaphore(%arg12 : memref<!tpu.dma_semaphore, #tpu.memory_space<semaphore_mem>>) src(%dma_wait3A_1877 : memref<48x384xf32, #tpu.memory_space<hbm>>) dst(%dma_wait3A_1874 : memref<48x384xf32, #tpu.memory_space<vmem>>)
      %scan3A_1878 = arith.constant 0 : i32
      %scan3A_1879 = arith.constant 0 : i32
      %scan3A_1880 = arith.constant 48 : i32
      %scan3A_1881 = arith.addi %scan3A_1879, %scan3A_1880 : i32
      %scan3A_1882 = arith.constant 1 : i32
      %scan3A_1883 = scf.for %scan3A_2341 = %scan3A_1879 to %scan3A_1881 step %scan3A_1882 iter_args(%scan3A_2342 = %scan3A_1878) -> (i32)  : i32 {
        %parallel_loop3A = arith.constant 0 : i32
        %parallel_loop3A_2343 = arith.constant 384 : i32
        %parallel_loop3A_2344 = arith.constant 16 : i32
        scf.for %parallel_loop3A_2346 = %parallel_loop3A to %parallel_loop3A_2343 step %parallel_loop3A_2344  : i32 {
          %parallel_loop3A_2347 = arith.index_cast %scan3A_2341 : i32 to index
          %parallel_loop3A_2348 = arith.index_cast %parallel_loop3A_2346 : i32 to index
          %parallel_loop3A_2349 = tpu.vector_load %arg6[%parallel_loop3A_2347, %parallel_loop3A_2348] {strides = array<i32>} : memref<48x384xi32, #tpu.memory_space<vmem>>, vector<16xi32>,
          %parallel_loop3A_2350 = arith.constant 0 : i32
          %parallel_loop3A_2351 = arith.index_cast %parallel_loop3A_2350 : i32 to index
          %parallel_loop3A_2352 = arith.index_cast %scan3A_2341 : i32 to index
          %parallel_loop3A_2353 = arith.index_cast %parallel_loop3A_2346 : i32 to index
          %parallel_loop3A_2354 = tpu.vector_load %arg7[%parallel_loop3A_2351, %parallel_loop3A_2352, %parallel_loop3A_2353] {strides = array<i32>} : memref<2x48x384xf32, #tpu.memory_space<vmem>>, vector<16xf32>,
          %parallel_loop3A_2355 = arith.constant 16 : i32
          %parallel_loop3A_2356 = vector.broadcast %parallel_loop3A_2355 : i32 to vector<16xi32>
          %parallel_loop3A_2357 = arith.muli %parallel_loop3A_2349, %parallel_loop3A_2356 : vector<16xi32>
          %parallel_loop3A_2358 = arith.addi %parallel_loop3A_2357, %iota3A : vector<16xi32>
          %parallel_loop3A_2359 = arith.constant 0 : i32
          %parallel_loop3A_2360 = vector.broadcast %parallel_loop3A_2359 : i32 to vector<16xi32>
          %parallel_loop3A_2361 = arith.addi %parallel_loop3A_2360, %parallel_loop3A_2358 : vector<16xi32>
          tpu.vector_store_idx %arg8[%parallel_loop3A_2361], %parallel_loop3A_2354 {add = true} : memref<3072xf32, #tpu.memory_space<vmem>>[vector<16xi32>], vector<16xf32>,
          %parallel_loop3A_2362 = arith.mulf %parallel_loop3A_2354, %parallel_loop3A_2354 : vector<16xf32>
          tpu.vector_store_idx %arg9[%parallel_loop3A_2358], %parallel_loop3A_2362 {add = true} : memref<512xf32, #tpu.memory_space<vmem>>[vector<16xi32>], vector<16xf32>,
        } {sc.loop_unroll_factor = 8 : i64, sc.parallel_access}
        %scan3A_2345 = arith.constant 0 : i32
        scf.yield %scan3A_2345 : i32
      }
      %scan3A_1884 = arith.constant 48 : i32
      %add3A_1885 = arith.constant 1 : i32
      %add3A_1886 = arith.addi %mul3A_32, %add3A_1885 : i32
      %add3A_1887 = arith.constant 2 : i32
      %add3A_1888 = arith.addi %add3A_1886, %add3A_1887 : i32
      %sub3A_1889 = arith.constant 1 : i32
      %sub3A_1890 = arith.subi %add3A_1888, %sub3A_1889 : i32
      %dma_start3A_1891 = arith.constant 0 : i32
      %dma_start3A_1892 = arith.constant 0 : i32
      %dma_start3A_1893 = arith.constant 0 : i32
      %dma_start3A_1894 = tpu.memref_slice %arg7[%dma_start3A_1891, %dma_start3A_1892, %dma_start3A_1893] : memref<2x48x384xf32, #tpu.memory_space<vmem>> -> memref<1x48x384xf32, #tpu.memory_space<vmem>>
      %dma_start3A_1895 = tpu.memref_squeeze %dma_start3A_1894 : memref<1x48x384xf32, #tpu.memory_space<vmem>> -> memref<48x384xf32, #tpu.memory_space<vmem>>
      %dma_start3A_1896 = arith.constant 0 : i32
      %dma_start3A_1897 = tpu.memref_slice %arg2[%select_n3A, %sub3A_1890, %add3A_1826, %dma_start3A_1896] : memref<4x96x384x384xf32, #tpu.memory_space<hbm>> -> memref<1x1x48x384xf32, #tpu.memory_space<hbm>>
      %dma_start3A_1898 = tpu.memref_squeeze %dma_start3A_1897 : memref<1x1x48x384xf32, #tpu.memory_space<hbm>> -> memref<48x384xf32, #tpu.memory_space<hbm>>
      %dma_start3A_1899 = arith.constant 0 : i32
      %dma_start3A_1900 = arith.constant 0 : i32
      %dma_start3A_1901 = tpu.memref_slice %arg7[%dma_start3A_1891, %dma_start3A_1899, %dma_start3A_1900] : memref<2x48x384xf32, #tpu.memory_space<vmem>> -> memref<1x48x384xf32, #tpu.memory_space<vmem>>
      %dma_start3A_1902 = tpu.memref_squeeze %dma_start3A_1901 : memref<1x48x384xf32, #tpu.memory_space<vmem>> -> memref<48x384xf32, #tpu.memory_space<vmem>>
      %dma_start3A_1903 = arith.constant 0 : i32
      %dma_start3A_1904 = tpu.memref_slice %arg2[%select_n3A, %sub3A_1890, %add3A_1826, %dma_start3A_1903] : memref<4x96x384x384xf32, #tpu.memory_space<hbm>> -> memref<1x1x48x384xf32, #tpu.memory_space<hbm>>
      %dma_start3A_1905 = tpu.memref_squeeze %dma_start3A_1904 : memref<1x1x48x384xf32, #tpu.memory_space<hbm>> -> memref<48x384xf32, #tpu.memory_space<hbm>>
      tpu.enqueue_dma source(%dma_start3A_1905 : memref<48x384xf32, #tpu.memory_space<hbm>>) target(%dma_start3A_1902 : memref<48x384xf32, #tpu.memory_space<vmem>>) target_semaphore(%arg12 : memref<!tpu.dma_semaphore, #tpu.memory_space<semaphore_mem>>)
      %dma_wait3A_1906 = arith.constant 1 : i32
      %dma_wait3A_1907 = arith.constant 0 : i32
      %dma_wait3A_1908 = arith.constant 0 : i32
      %dma_wait3A_1909 = tpu.memref_slice %arg7[%dma_wait3A_1906, %dma_wait3A_1907, %dma_wait3A_1908] : memref<2x48x384xf32, #tpu.memory_space<vmem>> -> memref<1x48x384xf32, #tpu.memory_space<vmem>>
      %dma_wait3A_1910 = tpu.memref_squeeze %dma_wait3A_1909 : memref<1x48x384xf32, #tpu.memory_space<vmem>> -> memref<48x384xf32, #tpu.memory_space<vmem>>
      %dma_wait3A_1911 = arith.constant 0 : i32
      %dma_wait3A_1912 = tpu.memref_slice %arg2[%select_n3A, %sub3A_1848, %add3A_1826, %dma_wait3A_1911] : memref<4x96x384x384xf32, #tpu.memory_space<hbm>> -> memref<1x1x48x384xf32, #tpu.memory_space<hbm>>
      %dma_wait3A_1913 = tpu.memref_squeeze %dma_wait3A_1912 : memref<1x1x48x384xf32, #tpu.memory_space<hbm>> -> memref<48x384xf32, #tpu.memory_space<hbm>>
      %dma_wait3A_1914 = arith.constant 0 : i32
      %dma_wait3A_1915 = arith.constant 0 : i32
      %dma_wait3A_1916 = tpu.memref_slice %arg7[%dma_wait3A_1906, %dma_wait3A_1914, %dma_wait3A_1915] : memref<2x48x384xf32, #tpu.memory_space<vmem>> -> memref<1x48x384xf32, #tpu.memory_space<vmem>>
      %dma_wait3A_1917 = tpu.memref_squeeze %dma_wait3A_1916 : memref<1x48x384xf32, #tpu.memory_space<vmem>> -> memref<48x384xf32, #tpu.memory_space<vmem>>
      %dma_wait3A_1918 = arith.constant 0 : i32
      %dma_wait3A_1919 = tpu.memref_slice %arg2[%select_n3A, %sub3A_1848, %add3A_1826, %dma_wait3A_1918] : memref<4x96x384x384xf32, #tpu.memory_space<hbm>> -> memref<1x1x48x384xf32, #tpu.memory_space<hbm>>
      %dma_wait3A_1920 = tpu.memref_squeeze %dma_wait3A_1919 : memref<1x1x48x384xf32, #tpu.memory_space<hbm>> -> memref<48x384xf32, #tpu.memory_space<hbm>>
      tpu.wait_dma2 semaphore(%arg13 : memref<!tpu.dma_semaphore, #tpu.memory_space<semaphore_mem>>) src(%dma_wait3A_1920 : memref<48x384xf32, #tpu.memory_space<hbm>>) dst(%dma_wait3A_1917 : memref<48x384xf32, #tpu.memory_space<vmem>>)
      %scan3A_1921 = arith.constant 0 : i32
      %scan3A_1922 = arith.constant 0 : i32
      %scan3A_1923 = arith.constant 48 : i32
      %scan3A_1924 = arith.addi %scan3A_1922, %scan3A_1923 : i32
      %scan3A_1925 = arith.constant 1 : i32
      %scan3A_1926 = scf.for %scan3A_2341 = %scan3A_1922 to %scan3A_1924 step %scan3A_1925 iter_args(%scan3A_2342 = %scan3A_1921) -> (i32)  : i32 {
        %parallel_loop3A = arith.constant 0 : i32
        %parallel_loop3A_2343 = arith.constant 384 : i32
        %parallel_loop3A_2344 = arith.constant 16 : i32
        scf.for %parallel_loop3A_2346 = %parallel_loop3A to %parallel_loop3A_2343 step %parallel_loop3A_2344  : i32 {
          %parallel_loop3A_2347 = arith.index_cast %scan3A_2341 : i32 to index
          %parallel_loop3A_2348 = arith.index_cast %parallel_loop3A_2346 : i32 to index
          %parallel_loop3A_2349 = tpu.vector_load %arg6[%parallel_loop3A_2347, %parallel_loop3A_2348] {strides = array<i32>} : memref<48x384xi32, #tpu.memory_space<vmem>>, vector<16xi32>,
          %parallel_loop3A_2350 = arith.constant 1 : i32
          %parallel_loop3A_2351 = arith.index_cast %parallel_loop3A_2350 : i32 to index
          %parallel_loop3A_2352 = arith.index_cast %scan3A_2341 : i32 to index
          %parallel_loop3A_2353 = arith.index_cast %parallel_loop3A_2346 : i32 to index
          %parallel_loop3A_2354 = tpu.vector_load %arg7[%parallel_loop3A_2351, %parallel_loop3A_2352, %parallel_loop3A_2353] {strides = array<i32>} : memref<2x48x384xf32, #tpu.memory_space<vmem>>, vector<16xf32>,
          %parallel_loop3A_2355 = arith.constant 16 : i32
          %parallel_loop3A_2356 = vector.broadcast %parallel_loop3A_2355 : i32 to vector<16xi32>
          %parallel_loop3A_2357 = arith.muli %parallel_loop3A_2349, %parallel_loop3A_2356 : vector<16xi32>
          %parallel_loop3A_2358 = arith.addi %parallel_loop3A_2357, %iota3A : vector<16xi32>
          %parallel_loop3A_2359 = arith.constant 256 : i32
          %parallel_loop3A_2360 = vector.broadcast %parallel_loop3A_2359 : i32 to vector<16xi32>
          %parallel_loop3A_2361 = arith.addi %parallel_loop3A_2360, %parallel_loop3A_2358 : vector<16xi32>
          tpu.vector_store_idx %arg8[%parallel_loop3A_2361], %parallel_loop3A_2354 {add = true} : memref<3072xf32, #tpu.memory_space<vmem>>[vector<16xi32>], vector<16xf32>,
          %parallel_loop3A_2362 = arith.mulf %parallel_loop3A_2354, %parallel_loop3A_2354 : vector<16xf32>
          tpu.vector_store_idx %arg9[%parallel_loop3A_2358], %parallel_loop3A_2362 {add = true} : memref<512xf32, #tpu.memory_space<vmem>>[vector<16xi32>], vector<16xf32>,
        } {sc.loop_unroll_factor = 8 : i64, sc.parallel_access}
        %scan3A_2345 = arith.constant 0 : i32
        scf.yield %scan3A_2345 : i32
      }
      %scan3A_1927 = arith.constant 48 : i32
      %add3A_1928 = arith.constant 2 : i32
      %add3A_1929 = arith.addi %mul3A_32, %add3A_1928 : i32
      %add3A_1930 = arith.constant 2 : i32
      %add3A_1931 = arith.addi %add3A_1929, %add3A_1930 : i32
      %sub3A_1932 = arith.constant 1 : i32
      %sub3A_1933 = arith.subi %add3A_1931, %sub3A_1932 : i32
      %dma_start3A_1934 = arith.constant 1 : i32
      %dma_start3A_1935 = arith.constant 0 : i32
      %dma_start3A_1936 = arith.constant 0 : i32
      %dma_start3A_1937 = tpu.memref_slice %arg7[%dma_start3A_1934, %dma_start3A_1935, %dma_start3A_1936] : memref<2x48x384xf32, #tpu.memory_space<vmem>> -> memref<1x48x384xf32, #tpu.memory_space<vmem>>
      %dma_start3A_1938 = tpu.memref_squeeze %dma_start3A_1937 : memref<1x48x384xf32, #tpu.memory_space<vmem>> -> memref<48x384xf32, #tpu.memory_space<vmem>>
      %dma_start3A_1939 = arith.constant 0 : i32
      %dma_start3A_1940 = tpu.memref_slice %arg2[%select_n3A, %sub3A_1933, %add3A_1826, %dma_start3A_1939] : memref<4x96x384x384xf32, #tpu.memory_space<hbm>> -> memref<1x1x48x384xf32, #tpu.memory_space<hbm>>
      %dma_start3A_1941 = tpu.memref_squeeze %dma_start3A_1940 : memref<1x1x48x384xf32, #tpu.memory_space<hbm>> -> memref<48x384xf32, #tpu.memory_space<hbm>>
      %dma_start3A_1942 = arith.constant 0 : i32
      %dma_start3A_1943 = arith.constant 0 : i32
      %dma_start3A_1944 = tpu.memref_slice %arg7[%dma_start3A_1934, %dma_start3A_1942, %dma_start3A_1943] : memref<2x48x384xf32, #tpu.memory_space<vmem>> -> memref<1x48x384xf32, #tpu.memory_space<vmem>>
      %dma_start3A_1945 = tpu.memref_squeeze %dma_start3A_1944 : memref<1x48x384xf32, #tpu.memory_space<vmem>> -> memref<48x384xf32, #tpu.memory_space<vmem>>
      %dma_start3A_1946 = arith.constant 0 : i32
      %dma_start3A_1947 = tpu.memref_slice %arg2[%select_n3A, %sub3A_1933, %add3A_1826, %dma_start3A_1946] : memref<4x96x384x384xf32, #tpu.memory_space<hbm>> -> memref<1x1x48x384xf32, #tpu.memory_space<hbm>>
      %dma_start3A_1948 = tpu.memref_squeeze %dma_start3A_1947 : memref<1x1x48x384xf32, #tpu.memory_space<hbm>> -> memref<48x384xf32, #tpu.memory_space<hbm>>
      tpu.enqueue_dma source(%dma_start3A_1948 : memref<48x384xf32, #tpu.memory_space<hbm>>) target(%dma_start3A_1945 : memref<48x384xf32, #tpu.memory_space<vmem>>) target_semaphore(%arg13 : memref<!tpu.dma_semaphore, #tpu.memory_space<semaphore_mem>>)
      %dma_wait3A_1949 = arith.constant 0 : i32
      %dma_wait3A_1950 = arith.constant 0 : i32
      %dma_wait3A_1951 = arith.constant 0 : i32
      %dma_wait3A_1952 = tpu.memref_slice %arg7[%dma_wait3A_1949, %dma_wait3A_1950, %dma_wait3A_1951] : memref<2x48x384xf32, #tpu.memory_space<vmem>> -> memref<1x48x384xf32, #tpu.memory_space<vmem>>
      %dma_wait3A_1953 = tpu.memref_squeeze %dma_wait3A_1952 : memref<1x48x384xf32, #tpu.memory_space<vmem>> -> memref<48x384xf32, #tpu.memory_space<vmem>>
      %dma_wait3A_1954 = arith.constant 0 : i32
      %dma_wait3A_1955 = tpu.memref_slice %arg2[%select_n3A, %sub3A_1890, %add3A_1826, %dma_wait3A_1954] : memref<4x96x384x384xf32, #tpu.memory_space<hbm>> -> memref<1x1x48x384xf32, #tpu.memory_space<hbm>>
      %dma_wait3A_1956 = tpu.memref_squeeze %dma_wait3A_1955 : memref<1x1x48x384xf32, #tpu.memory_space<hbm>> -> memref<48x384xf32, #tpu.memory_space<hbm>>
      %dma_wait3A_1957 = arith.constant 0 : i32
      %dma_wait3A_1958 = arith.constant 0 : i32
      %dma_wait3A_1959 = tpu.memref_slice %arg7[%dma_wait3A_1949, %dma_wait3A_1957, %dma_wait3A_1958] : memref<2x48x384xf32, #tpu.memory_space<vmem>> -> memref<1x48x384xf32, #tpu.memory_space<vmem>>
      %dma_wait3A_1960 = tpu.memref_squeeze %dma_wait3A_1959 : memref<1x48x384xf32, #tpu.memory_space<vmem>> -> memref<48x384xf32, #tpu.memory_space<vmem>>
      %dma_wait3A_1961 = arith.constant 0 : i32
      %dma_wait3A_1962 = tpu.memref_slice %arg2[%select_n3A, %sub3A_1890, %add3A_1826, %dma_wait3A_1961] : memref<4x96x384x384xf32, #tpu.memory_space<hbm>> -> memref<1x1x48x384xf32, #tpu.memory_space<hbm>>
      %dma_wait3A_1963 = tpu.memref_squeeze %dma_wait3A_1962 : memref<1x1x48x384xf32, #tpu.memory_space<hbm>> -> memref<48x384xf32, #tpu.memory_space<hbm>>
      tpu.wait_dma2 semaphore(%arg12 : memref<!tpu.dma_semaphore, #tpu.memory_space<semaphore_mem>>) src(%dma_wait3A_1963 : memref<48x384xf32, #tpu.memory_space<hbm>>) dst(%dma_wait3A_1960 : memref<48x384xf32, #tpu.memory_space<vmem>>)
      %scan3A_1964 = arith.constant 0 : i32
      %scan3A_1965 = arith.constant 0 : i32
      %scan3A_1966 = arith.constant 48 : i32
      %scan3A_1967 = arith.addi %scan3A_1965, %scan3A_1966 : i32
      %scan3A_1968 = arith.constant 1 : i32
      %scan3A_1969 = scf.for %scan3A_2341 = %scan3A_1965 to %scan3A_1967 step %scan3A_1968 iter_args(%scan3A_2342 = %scan3A_1964) -> (i32)  : i32 {
        %parallel_loop3A = arith.constant 0 : i32
        %parallel_loop3A_2343 = arith.constant 384 : i32
        %parallel_loop3A_2344 = arith.constant 16 : i32
        scf.for %parallel_loop3A_2346 = %parallel_loop3A to %parallel_loop3A_2343 step %parallel_loop3A_2344  : i32 {
          %parallel_loop3A_2347 = arith.index_cast %scan3A_2341 : i32 to index
          %parallel_loop3A_2348 = arith.index_cast %parallel_loop3A_2346 : i32 to index
          %parallel_loop3A_2349 = tpu.vector_load %arg6[%parallel_loop3A_2347, %parallel_loop3A_2348] {strides = array<i32>} : memref<48x384xi32, #tpu.memory_space<vmem>>, vector<16xi32>,
          %parallel_loop3A_2350 = arith.constant 0 : i32
          %parallel_loop3A_2351 = arith.index_cast %parallel_loop3A_2350 : i32 to index
          %parallel_loop3A_2352 = arith.index_cast %scan3A_2341 : i32 to index
          %parallel_loop3A_2353 = arith.index_cast %parallel_loop3A_2346 : i32 to index
          %parallel_loop3A_2354 = tpu.vector_load %arg7[%parallel_loop3A_2351, %parallel_loop3A_2352, %parallel_loop3A_2353] {strides = array<i32>} : memref<2x48x384xf32, #tpu.memory_space<vmem>>, vector<16xf32>,
          %parallel_loop3A_2355 = arith.constant 16 : i32
          %parallel_loop3A_2356 = vector.broadcast %parallel_loop3A_2355 : i32 to vector<16xi32>
          %parallel_loop3A_2357 = arith.muli %parallel_loop3A_2349, %parallel_loop3A_2356 : vector<16xi32>
          %parallel_loop3A_2358 = arith.addi %parallel_loop3A_2357, %iota3A : vector<16xi32>
          %parallel_loop3A_2359 = arith.constant 512 : i32
          %parallel_loop3A_2360 = vector.broadcast %parallel_loop3A_2359 : i32 to vector<16xi32>
          %parallel_loop3A_2361 = arith.addi %parallel_loop3A_2360, %parallel_loop3A_2358 : vector<16xi32>
          tpu.vector_store_idx %arg8[%parallel_loop3A_2361], %parallel_loop3A_2354 {add = true} : memref<3072xf32, #tpu.memory_space<vmem>>[vector<16xi32>], vector<16xf32>,
          %parallel_loop3A_2362 = arith.mulf %parallel_loop3A_2354, %parallel_loop3A_2354 : vector<16xf32>
          tpu.vector_store_idx %arg9[%parallel_loop3A_2358], %parallel_loop3A_2362 {add = true} : memref<512xf32, #tpu.memory_space<vmem>>[vector<16xi32>], vector<16xf32>,
        } {sc.loop_unroll_factor = 8 : i64, sc.parallel_access}
        %scan3A_2345 = arith.constant 0 : i32
        scf.yield %scan3A_2345 : i32
      }
      %scan3A_1970 = arith.constant 48 : i32
      %add3A_1971 = arith.constant 3 : i32
      %add3A_1972 = arith.addi %mul3A_32, %add3A_1971 : i32
      %add3A_1973 = arith.constant 2 : i32
      %add3A_1974 = arith.addi %add3A_1972, %add3A_1973 : i32
      %sub3A_1975 = arith.constant 1 : i32
      %sub3A_1976 = arith.subi %add3A_1974, %sub3A_1975 : i32
      %dma_start3A_1977 = arith.constant 0 : i32
      %dma_start3A_1978 = arith.constant 0 : i32
      %dma_start3A_1979 = arith.constant 0 : i32
      %dma_start3A_1980 = tpu.memref_slice %arg7[%dma_start3A_1977, %dma_start3A_1978, %dma_start3A_1979] : memref<2x48x384xf32, #tpu.memory_space<vmem>> -> memref<1x48x384xf32, #tpu.memory_space<vmem>>
      %dma_start3A_1981 = tpu.memref_squeeze %dma_start3A_1980 : memref<1x48x384xf32, #tpu.memory_space<vmem>> -> memref<48x384xf32, #tpu.memory_space<vmem>>
      %dma_start3A_1982 = arith.constant 0 : i32
      %dma_start3A_1983 = tpu.memref_slice %arg2[%select_n3A, %sub3A_1976, %add3A_1826, %dma_start3A_1982] : memref<4x96x384x384xf32, #tpu.memory_space<hbm>> -> memref<1x1x48x384xf32, #tpu.memory_space<hbm>>
      %dma_start3A_1984 = tpu.memref_squeeze %dma_start3A_1983 : memref<1x1x48x384xf32, #tpu.memory_space<hbm>> -> memref<48x384xf32, #tpu.memory_space<hbm>>
      %dma_start3A_1985 = arith.constant 0 : i32
      %dma_start3A_1986 = arith.constant 0 : i32
      %dma_start3A_1987 = tpu.memref_slice %arg7[%dma_start3A_1977, %dma_start3A_1985, %dma_start3A_1986] : memref<2x48x384xf32, #tpu.memory_space<vmem>> -> memref<1x48x384xf32, #tpu.memory_space<vmem>>
      %dma_start3A_1988 = tpu.memref_squeeze %dma_start3A_1987 : memref<1x48x384xf32, #tpu.memory_space<vmem>> -> memref<48x384xf32, #tpu.memory_space<vmem>>
      %dma_start3A_1989 = arith.constant 0 : i32
      %dma_start3A_1990 = tpu.memref_slice %arg2[%select_n3A, %sub3A_1976, %add3A_1826, %dma_start3A_1989] : memref<4x96x384x384xf32, #tpu.memory_space<hbm>> -> memref<1x1x48x384xf32, #tpu.memory_space<hbm>>
      %dma_start3A_1991 = tpu.memref_squeeze %dma_start3A_1990 : memref<1x1x48x384xf32, #tpu.memory_space<hbm>> -> memref<48x384xf32, #tpu.memory_space<hbm>>
      tpu.enqueue_dma source(%dma_start3A_1991 : memref<48x384xf32, #tpu.memory_space<hbm>>) target(%dma_start3A_1988 : memref<48x384xf32, #tpu.memory_space<vmem>>) target_semaphore(%arg12 : memref<!tpu.dma_semaphore, #tpu.memory_space<semaphore_mem>>)
      %dma_wait3A_1992 = arith.constant 1 : i32
      %dma_wait3A_1993 = arith.constant 0 : i32
      %dma_wait3A_1994 = arith.constant 0 : i32
      %dma_wait3A_1995 = tpu.memref_slice %arg7[%dma_wait3A_1992, %dma_wait3A_1993, %dma_wait3A_1994] : memref<2x48x384xf32, #tpu.memory_space<vmem>> -> memref<1x48x384xf32, #tpu.memory_space<vmem>>
      %dma_wait3A_1996 = tpu.memref_squeeze %dma_wait3A_1995 : memref<1x48x384xf32, #tpu.memory_space<vmem>> -> memref<48x384xf32, #tpu.memory_space<vmem>>
      %dma_wait3A_1997 = arith.constant 0 : i32
      %dma_wait3A_1998 = tpu.memref_slice %arg2[%select_n3A, %sub3A_1933, %add3A_1826, %dma_wait3A_1997] : memref<4x96x384x384xf32, #tpu.memory_space<hbm>> -> memref<1x1x48x384xf32, #tpu.memory_space<hbm>>
      %dma_wait3A_1999 = tpu.memref_squeeze %dma_wait3A_1998 : memref<1x1x48x384xf32, #tpu.memory_space<hbm>> -> memref<48x384xf32, #tpu.memory_space<hbm>>
      %dma_wait3A_2000 = arith.constant 0 : i32
      %dma_wait3A_2001 = arith.constant 0 : i32
      %dma_wait3A_2002 = tpu.memref_slice %arg7[%dma_wait3A_1992, %dma_wait3A_2000, %dma_wait3A_2001] : memref<2x48x384xf32, #tpu.memory_space<vmem>> -> memref<1x48x384xf32, #tpu.memory_space<vmem>>
      %dma_wait3A_2003 = tpu.memref_squeeze %dma_wait3A_2002 : memref<1x48x384xf32, #tpu.memory_space<vmem>> -> memref<48x384xf32, #tpu.memory_space<vmem>>
      %dma_wait3A_2004 = arith.constant 0 : i32
      %dma_wait3A_2005 = tpu.memref_slice %arg2[%select_n3A, %sub3A_1933, %add3A_1826, %dma_wait3A_2004] : memref<4x96x384x384xf32, #tpu.memory_space<hbm>> -> memref<1x1x48x384xf32, #tpu.memory_space<hbm>>
      %dma_wait3A_2006 = tpu.memref_squeeze %dma_wait3A_2005 : memref<1x1x48x384xf32, #tpu.memory_space<hbm>> -> memref<48x384xf32, #tpu.memory_space<hbm>>
      tpu.wait_dma2 semaphore(%arg13 : memref<!tpu.dma_semaphore, #tpu.memory_space<semaphore_mem>>) src(%dma_wait3A_2006 : memref<48x384xf32, #tpu.memory_space<hbm>>) dst(%dma_wait3A_2003 : memref<48x384xf32, #tpu.memory_space<vmem>>)
      %scan3A_2007 = arith.constant 0 : i32
      %scan3A_2008 = arith.constant 0 : i32
      %scan3A_2009 = arith.constant 48 : i32
      %scan3A_2010 = arith.addi %scan3A_2008, %scan3A_2009 : i32
      %scan3A_2011 = arith.constant 1 : i32
      %scan3A_2012 = scf.for %scan3A_2341 = %scan3A_2008 to %scan3A_2010 step %scan3A_2011 iter_args(%scan3A_2342 = %scan3A_2007) -> (i32)  : i32 {
        %parallel_loop3A = arith.constant 0 : i32
        %parallel_loop3A_2343 = arith.constant 384 : i32
        %parallel_loop3A_2344 = arith.constant 16 : i32
        scf.for %parallel_loop3A_2346 = %parallel_loop3A to %parallel_loop3A_2343 step %parallel_loop3A_2344  : i32 {
          %parallel_loop3A_2347 = arith.index_cast %scan3A_2341 : i32 to index
          %parallel_loop3A_2348 = arith.index_cast %parallel_loop3A_2346 : i32 to index
          %parallel_loop3A_2349 = tpu.vector_load %arg6[%parallel_loop3A_2347, %parallel_loop3A_2348] {strides = array<i32>} : memref<48x384xi32, #tpu.memory_space<vmem>>, vector<16xi32>,
          %parallel_loop3A_2350 = arith.constant 1 : i32
          %parallel_loop3A_2351 = arith.index_cast %parallel_loop3A_2350 : i32 to index
          %parallel_loop3A_2352 = arith.index_cast %scan3A_2341 : i32 to index
          %parallel_loop3A_2353 = arith.index_cast %parallel_loop3A_2346 : i32 to index
          %parallel_loop3A_2354 = tpu.vector_load %arg7[%parallel_loop3A_2351, %parallel_loop3A_2352, %parallel_loop3A_2353] {strides = array<i32>} : memref<2x48x384xf32, #tpu.memory_space<vmem>>, vector<16xf32>,
          %parallel_loop3A_2355 = arith.constant 16 : i32
          %parallel_loop3A_2356 = vector.broadcast %parallel_loop3A_2355 : i32 to vector<16xi32>
          %parallel_loop3A_2357 = arith.muli %parallel_loop3A_2349, %parallel_loop3A_2356 : vector<16xi32>
          %parallel_loop3A_2358 = arith.addi %parallel_loop3A_2357, %iota3A : vector<16xi32>
          %parallel_loop3A_2359 = arith.constant 768 : i32
          %parallel_loop3A_2360 = vector.broadcast %parallel_loop3A_2359 : i32 to vector<16xi32>
          %parallel_loop3A_2361 = arith.addi %parallel_loop3A_2360, %parallel_loop3A_2358 : vector<16xi32>
          tpu.vector_store_idx %arg8[%parallel_loop3A_2361], %parallel_loop3A_2354 {add = true} : memref<3072xf32, #tpu.memory_space<vmem>>[vector<16xi32>], vector<16xf32>,
          %parallel_loop3A_2362 = arith.mulf %parallel_loop3A_2354, %parallel_loop3A_2354 : vector<16xf32>
          tpu.vector_store_idx %arg9[%parallel_loop3A_2358], %parallel_loop3A_2362 {add = true} : memref<512xf32, #tpu.memory_space<vmem>>[vector<16xi32>], vector<16xf32>,
        } {sc.loop_unroll_factor = 8 : i64, sc.parallel_access}
        %scan3A_2345 = arith.constant 0 : i32
        scf.yield %scan3A_2345 : i32
      }
      %scan3A_2013 = arith.constant 48 : i32
      %add3A_2014 = arith.constant 4 : i32
      %add3A_2015 = arith.addi %mul3A_32, %add3A_2014 : i32
      %add3A_2016 = arith.constant 2 : i32
      %add3A_2017 = arith.addi %add3A_2015, %add3A_2016 : i32
      %sub3A_2018 = arith.constant 1 : i32
      %sub3A_2019 = arith.subi %add3A_2017, %sub3A_2018 : i32
      %dma_start3A_2020 = arith.constant 1 : i32
      %dma_start3A_2021 = arith.constant 0 : i32
      %dma_start3A_2022 = arith.constant 0 : i32
      %dma_start3A_2023 = tpu.memref_slice %arg7[%dma_start3A_2020, %dma_start3A_2021, %dma_start3A_2022] : memref<2x48x384xf32, #tpu.memory_space<vmem>> -> memref<1x48x384xf32, #tpu.memory_space<vmem>>
      %dma_start3A_2024 = tpu.memref_squeeze %dma_start3A_2023 : memref<1x48x384xf32, #tpu.memory_space<vmem>> -> memref<48x384xf32, #tpu.memory_space<vmem>>
      %dma_start3A_2025 = arith.constant 0 : i32
      %dma_start3A_2026 = tpu.memref_slice %arg2[%select_n3A, %sub3A_2019, %add3A_1826, %dma_start3A_2025] : memref<4x96x384x384xf32, #tpu.memory_space<hbm>> -> memref<1x1x48x384xf32, #tpu.memory_space<hbm>>
      %dma_start3A_2027 = tpu.memref_squeeze %dma_start3A_2026 : memref<1x1x48x384xf32, #tpu.memory_space<hbm>> -> memref<48x384xf32, #tpu.memory_space<hbm>>
      %dma_start3A_2028 = arith.constant 0 : i32
      %dma_start3A_2029 = arith.constant 0 : i32
      %dma_start3A_2030 = tpu.memref_slice %arg7[%dma_start3A_2020, %dma_start3A_2028, %dma_start3A_2029] : memref<2x48x384xf32, #tpu.memory_space<vmem>> -> memref<1x48x384xf32, #tpu.memory_space<vmem>>
      %dma_start3A_2031 = tpu.memref_squeeze %dma_start3A_2030 : memref<1x48x384xf32, #tpu.memory_space<vmem>> -> memref<48x384xf32, #tpu.memory_space<vmem>>
      %dma_start3A_2032 = arith.constant 0 : i32
      %dma_start3A_2033 = tpu.memref_slice %arg2[%select_n3A, %sub3A_2019, %add3A_1826, %dma_start3A_2032] : memref<4x96x384x384xf32, #tpu.memory_space<hbm>> -> memref<1x1x48x384xf32, #tpu.memory_space<hbm>>
      %dma_start3A_2034 = tpu.memref_squeeze %dma_start3A_2033 : memref<1x1x48x384xf32, #tpu.memory_space<hbm>> -> memref<48x384xf32, #tpu.memory_space<hbm>>
      tpu.enqueue_dma source(%dma_start3A_2034 : memref<48x384xf32, #tpu.memory_space<hbm>>) target(%dma_start3A_2031 : memref<48x384xf32, #tpu.memory_space<vmem>>) target_semaphore(%arg13 : memref<!tpu.dma_semaphore, #tpu.memory_space<semaphore_mem>>)
      %dma_wait3A_2035 = arith.constant 0 : i32
      %dma_wait3A_2036 = arith.constant 0 : i32
      %dma_wait3A_2037 = arith.constant 0 : i32
      %dma_wait3A_2038 = tpu.memref_slice %arg7[%dma_wait3A_2035, %dma_wait3A_2036, %dma_wait3A_2037] : memref<2x48x384xf32, #tpu.memory_space<vmem>> -> memref<1x48x384xf32, #tpu.memory_space<vmem>>
      %dma_wait3A_2039 = tpu.memref_squeeze %dma_wait3A_2038 : memref<1x48x384xf32, #tpu.memory_space<vmem>> -> memref<48x384xf32, #tpu.memory_space<vmem>>
      %dma_wait3A_2040 = arith.constant 0 : i32
      %dma_wait3A_2041 = tpu.memref_slice %arg2[%select_n3A, %sub3A_1976, %add3A_1826, %dma_wait3A_2040] : memref<4x96x384x384xf32, #tpu.memory_space<hbm>> -> memref<1x1x48x384xf32, #tpu.memory_space<hbm>>
      %dma_wait3A_2042 = tpu.memref_squeeze %dma_wait3A_2041 : memref<1x1x48x384xf32, #tpu.memory_space<hbm>> -> memref<48x384xf32, #tpu.memory_space<hbm>>
      %dma_wait3A_2043 = arith.constant 0 : i32
      %dma_wait3A_2044 = arith.constant 0 : i32
      %dma_wait3A_2045 = tpu.memref_slice %arg7[%dma_wait3A_2035, %dma_wait3A_2043, %dma_wait3A_2044] : memref<2x48x384xf32, #tpu.memory_space<vmem>> -> memref<1x48x384xf32, #tpu.memory_space<vmem>>
      %dma_wait3A_2046 = tpu.memref_squeeze %dma_wait3A_2045 : memref<1x48x384xf32, #tpu.memory_space<vmem>> -> memref<48x384xf32, #tpu.memory_space<vmem>>
      %dma_wait3A_2047 = arith.constant 0 : i32
      %dma_wait3A_2048 = tpu.memref_slice %arg2[%select_n3A, %sub3A_1976, %add3A_1826, %dma_wait3A_2047] : memref<4x96x384x384xf32, #tpu.memory_space<hbm>> -> memref<1x1x48x384xf32, #tpu.memory_space<hbm>>
      %dma_wait3A_2049 = tpu.memref_squeeze %dma_wait3A_2048 : memref<1x1x48x384xf32, #tpu.memory_space<hbm>> -> memref<48x384xf32, #tpu.memory_space<hbm>>
      tpu.wait_dma2 semaphore(%arg12 : memref<!tpu.dma_semaphore, #tpu.memory_space<semaphore_mem>>) src(%dma_wait3A_2049 : memref<48x384xf32, #tpu.memory_space<hbm>>) dst(%dma_wait3A_2046 : memref<48x384xf32, #tpu.memory_space<vmem>>)
      %scan3A_2050 = arith.constant 0 : i32
      %scan3A_2051 = arith.constant 0 : i32
      %scan3A_2052 = arith.constant 48 : i32
      %scan3A_2053 = arith.addi %scan3A_2051, %scan3A_2052 : i32
      %scan3A_2054 = arith.constant 1 : i32
      %scan3A_2055 = scf.for %scan3A_2341 = %scan3A_2051 to %scan3A_2053 step %scan3A_2054 iter_args(%scan3A_2342 = %scan3A_2050) -> (i32)  : i32 {
        %parallel_loop3A = arith.constant 0 : i32
        %parallel_loop3A_2343 = arith.constant 384 : i32
        %parallel_loop3A_2344 = arith.constant 16 : i32
        scf.for %parallel_loop3A_2346 = %parallel_loop3A to %parallel_loop3A_2343 step %parallel_loop3A_2344  : i32 {
          %parallel_loop3A_2347 = arith.index_cast %scan3A_2341 : i32 to index
          %parallel_loop3A_2348 = arith.index_cast %parallel_loop3A_2346 : i32 to index
          %parallel_loop3A_2349 = tpu.vector_load %arg6[%parallel_loop3A_2347, %parallel_loop3A_2348] {strides = array<i32>} : memref<48x384xi32, #tpu.memory_space<vmem>>, vector<16xi32>,
          %parallel_loop3A_2350 = arith.constant 0 : i32
          %parallel_loop3A_2351 = arith.index_cast %parallel_loop3A_2350 : i32 to index
          %parallel_loop3A_2352 = arith.index_cast %scan3A_2341 : i32 to index
          %parallel_loop3A_2353 = arith.index_cast %parallel_loop3A_2346 : i32 to index
          %parallel_loop3A_2354 = tpu.vector_load %arg7[%parallel_loop3A_2351, %parallel_loop3A_2352, %parallel_loop3A_2353] {strides = array<i32>} : memref<2x48x384xf32, #tpu.memory_space<vmem>>, vector<16xf32>,
          %parallel_loop3A_2355 = arith.constant 16 : i32
          %parallel_loop3A_2356 = vector.broadcast %parallel_loop3A_2355 : i32 to vector<16xi32>
          %parallel_loop3A_2357 = arith.muli %parallel_loop3A_2349, %parallel_loop3A_2356 : vector<16xi32>
          %parallel_loop3A_2358 = arith.addi %parallel_loop3A_2357, %iota3A : vector<16xi32>
          %parallel_loop3A_2359 = arith.constant 1024 : i32
          %parallel_loop3A_2360 = vector.broadcast %parallel_loop3A_2359 : i32 to vector<16xi32>
          %parallel_loop3A_2361 = arith.addi %parallel_loop3A_2360, %parallel_loop3A_2358 : vector<16xi32>
          tpu.vector_store_idx %arg8[%parallel_loop3A_2361], %parallel_loop3A_2354 {add = true} : memref<3072xf32, #tpu.memory_space<vmem>>[vector<16xi32>], vector<16xf32>,
          %parallel_loop3A_2362 = arith.mulf %parallel_loop3A_2354, %parallel_loop3A_2354 : vector<16xf32>
          tpu.vector_store_idx %arg9[%parallel_loop3A_2358], %parallel_loop3A_2362 {add = true} : memref<512xf32, #tpu.memory_space<vmem>>[vector<16xi32>], vector<16xf32>,
        } {sc.loop_unroll_factor = 8 : i64, sc.parallel_access}
        %scan3A_2345 = arith.constant 0 : i32
        scf.yield %scan3A_2345 : i32
      }
      %scan3A_2056 = arith.constant 48 : i32
      %add3A_2057 = arith.constant 5 : i32
      %add3A_2058 = arith.addi %mul3A_32, %add3A_2057 : i32
      %add3A_2059 = arith.constant 2 : i32
      %add3A_2060 = arith.addi %add3A_2058, %add3A_2059 : i32
      %sub3A_2061 = arith.constant 1 : i32
      %sub3A_2062 = arith.subi %add3A_2060, %sub3A_2061 : i32
      %dma_start3A_2063 = arith.constant 0 : i32
      %dma_start3A_2064 = arith.constant 0 : i32
      %dma_start3A_2065 = arith.constant 0 : i32
      %dma_start3A_2066 = tpu.memref_slice %arg7[%dma_start3A_2063, %dma_start3A_2064, %dma_start3A_2065] : memref<2x48x384xf32, #tpu.memory_space<vmem>> -> memref<1x48x384xf32, #tpu.memory_space<vmem>>
      %dma_start3A_2067 = tpu.memref_squeeze %dma_start3A_2066 : memref<1x48x384xf32, #tpu.memory_space<vmem>> -> memref<48x384xf32, #tpu.memory_space<vmem>>
      %dma_start3A_2068 = arith.constant 0 : i32
      %dma_start3A_2069 = tpu.memref_slice %arg2[%select_n3A, %sub3A_2062, %add3A_1826, %dma_start3A_2068] : memref<4x96x384x384xf32, #tpu.memory_space<hbm>> -> memref<1x1x48x384xf32, #tpu.memory_space<hbm>>
      %dma_start3A_2070 = tpu.memref_squeeze %dma_start3A_2069 : memref<1x1x48x384xf32, #tpu.memory_space<hbm>> -> memref<48x384xf32, #tpu.memory_space<hbm>>
      %dma_start3A_2071 = arith.constant 0 : i32
      %dma_start3A_2072 = arith.constant 0 : i32
      %dma_start3A_2073 = tpu.memref_slice %arg7[%dma_start3A_2063, %dma_start3A_2071, %dma_start3A_2072] : memref<2x48x384xf32, #tpu.memory_space<vmem>> -> memref<1x48x384xf32, #tpu.memory_space<vmem>>
      %dma_start3A_2074 = tpu.memref_squeeze %dma_start3A_2073 : memref<1x48x384xf32, #tpu.memory_space<vmem>> -> memref<48x384xf32, #tpu.memory_space<vmem>>
      %dma_start3A_2075 = arith.constant 0 : i32
      %dma_start3A_2076 = tpu.memref_slice %arg2[%select_n3A, %sub3A_2062, %add3A_1826, %dma_start3A_2075] : memref<4x96x384x384xf32, #tpu.memory_space<hbm>> -> memref<1x1x48x384xf32, #tpu.memory_space<hbm>>
      %dma_start3A_2077 = tpu.memref_squeeze %dma_start3A_2076 : memref<1x1x48x384xf32, #tpu.memory_space<hbm>> -> memref<48x384xf32, #tpu.memory_space<hbm>>
      tpu.enqueue_dma source(%dma_start3A_2077 : memref<48x384xf32, #tpu.memory_space<hbm>>) target(%dma_start3A_2074 : memref<48x384xf32, #tpu.memory_space<vmem>>) target_semaphore(%arg12 : memref<!tpu.dma_semaphore, #tpu.memory_space<semaphore_mem>>)
      %dma_wait3A_2078 = arith.constant 1 : i32
      %dma_wait3A_2079 = arith.constant 0 : i32
      %dma_wait3A_2080 = arith.constant 0 : i32
      %dma_wait3A_2081 = tpu.memref_slice %arg7[%dma_wait3A_2078, %dma_wait3A_2079, %dma_wait3A_2080] : memref<2x48x384xf32, #tpu.memory_space<vmem>> -> memref<1x48x384xf32, #tpu.memory_space<vmem>>
      %dma_wait3A_2082 = tpu.memref_squeeze %dma_wait3A_2081 : memref<1x48x384xf32, #tpu.memory_space<vmem>> -> memref<48x384xf32, #tpu.memory_space<vmem>>
      %dma_wait3A_2083 = arith.constant 0 : i32
      %dma_wait3A_2084 = tpu.memref_slice %arg2[%select_n3A, %sub3A_2019, %add3A_1826, %dma_wait3A_2083] : memref<4x96x384x384xf32, #tpu.memory_space<hbm>> -> memref<1x1x48x384xf32, #tpu.memory_space<hbm>>
      %dma_wait3A_2085 = tpu.memref_squeeze %dma_wait3A_2084 : memref<1x1x48x384xf32, #tpu.memory_space<hbm>> -> memref<48x384xf32, #tpu.memory_space<hbm>>
      %dma_wait3A_2086 = arith.constant 0 : i32
      %dma_wait3A_2087 = arith.constant 0 : i32
      %dma_wait3A_2088 = tpu.memref_slice %arg7[%dma_wait3A_2078, %dma_wait3A_2086, %dma_wait3A_2087] : memref<2x48x384xf32, #tpu.memory_space<vmem>> -> memref<1x48x384xf32, #tpu.memory_space<vmem>>
      %dma_wait3A_2089 = tpu.memref_squeeze %dma_wait3A_2088 : memref<1x48x384xf32, #tpu.memory_space<vmem>> -> memref<48x384xf32, #tpu.memory_space<vmem>>
      %dma_wait3A_2090 = arith.constant 0 : i32
      %dma_wait3A_2091 = tpu.memref_slice %arg2[%select_n3A, %sub3A_2019, %add3A_1826, %dma_wait3A_2090] : memref<4x96x384x384xf32, #tpu.memory_space<hbm>> -> memref<1x1x48x384xf32, #tpu.memory_space<hbm>>
      %dma_wait3A_2092 = tpu.memref_squeeze %dma_wait3A_2091 : memref<1x1x48x384xf32, #tpu.memory_space<hbm>> -> memref<48x384xf32, #tpu.memory_space<hbm>>
      tpu.wait_dma2 semaphore(%arg13 : memref<!tpu.dma_semaphore, #tpu.memory_space<semaphore_mem>>) src(%dma_wait3A_2092 : memref<48x384xf32, #tpu.memory_space<hbm>>) dst(%dma_wait3A_2089 : memref<48x384xf32, #tpu.memory_space<vmem>>)
      %scan3A_2093 = arith.constant 0 : i32
      %scan3A_2094 = arith.constant 0 : i32
      %scan3A_2095 = arith.constant 48 : i32
      %scan3A_2096 = arith.addi %scan3A_2094, %scan3A_2095 : i32
      %scan3A_2097 = arith.constant 1 : i32
      %scan3A_2098 = scf.for %scan3A_2341 = %scan3A_2094 to %scan3A_2096 step %scan3A_2097 iter_args(%scan3A_2342 = %scan3A_2093) -> (i32)  : i32 {
        %parallel_loop3A = arith.constant 0 : i32
        %parallel_loop3A_2343 = arith.constant 384 : i32
        %parallel_loop3A_2344 = arith.constant 16 : i32
        scf.for %parallel_loop3A_2346 = %parallel_loop3A to %parallel_loop3A_2343 step %parallel_loop3A_2344  : i32 {
          %parallel_loop3A_2347 = arith.index_cast %scan3A_2341 : i32 to index
          %parallel_loop3A_2348 = arith.index_cast %parallel_loop3A_2346 : i32 to index
          %parallel_loop3A_2349 = tpu.vector_load %arg6[%parallel_loop3A_2347, %parallel_loop3A_2348] {strides = array<i32>} : memref<48x384xi32, #tpu.memory_space<vmem>>, vector<16xi32>,
          %parallel_loop3A_2350 = arith.constant 1 : i32
          %parallel_loop3A_2351 = arith.index_cast %parallel_loop3A_2350 : i32 to index
          %parallel_loop3A_2352 = arith.index_cast %scan3A_2341 : i32 to index
          %parallel_loop3A_2353 = arith.index_cast %parallel_loop3A_2346 : i32 to index
          %parallel_loop3A_2354 = tpu.vector_load %arg7[%parallel_loop3A_2351, %parallel_loop3A_2352, %parallel_loop3A_2353] {strides = array<i32>} : memref<2x48x384xf32, #tpu.memory_space<vmem>>, vector<16xf32>,
          %parallel_loop3A_2355 = arith.constant 16 : i32
          %parallel_loop3A_2356 = vector.broadcast %parallel_loop3A_2355 : i32 to vector<16xi32>
          %parallel_loop3A_2357 = arith.muli %parallel_loop3A_2349, %parallel_loop3A_2356 : vector<16xi32>
          %parallel_loop3A_2358 = arith.addi %parallel_loop3A_2357, %iota3A : vector<16xi32>
          %parallel_loop3A_2359 = arith.constant 1280 : i32
          %parallel_loop3A_2360 = vector.broadcast %parallel_loop3A_2359 : i32 to vector<16xi32>
          %parallel_loop3A_2361 = arith.addi %parallel_loop3A_2360, %parallel_loop3A_2358 : vector<16xi32>
          tpu.vector_store_idx %arg8[%parallel_loop3A_2361], %parallel_loop3A_2354 {add = true} : memref<3072xf32, #tpu.memory_space<vmem>>[vector<16xi32>], vector<16xf32>,
          %parallel_loop3A_2362 = arith.mulf %parallel_loop3A_2354, %parallel_loop3A_2354 : vector<16xf32>
          tpu.vector_store_idx %arg9[%parallel_loop3A_2358], %parallel_loop3A_2362 {add = true} : memref<512xf32, #tpu.memory_space<vmem>>[vector<16xi32>], vector<16xf32>,
        } {sc.loop_unroll_factor = 8 : i64, sc.parallel_access}
        %scan3A_2345 = arith.constant 0 : i32
        scf.yield %scan3A_2345 : i32
      }
      %scan3A_2099 = arith.constant 48 : i32
      %add3A_2100 = arith.constant 6 : i32
      %add3A_2101 = arith.addi %mul3A_32, %add3A_2100 : i32
      %add3A_2102 = arith.constant 2 : i32
      %add3A_2103 = arith.addi %add3A_2101, %add3A_2102 : i32
      %sub3A_2104 = arith.constant 1 : i32
      %sub3A_2105 = arith.subi %add3A_2103, %sub3A_2104 : i32
      %dma_start3A_2106 = arith.constant 1 : i32
      %dma_start3A_2107 = arith.constant 0 : i32
      %dma_start3A_2108 = arith.constant 0 : i32
      %dma_start3A_2109 = tpu.memref_slice %arg7[%dma_start3A_2106, %dma_start3A_2107, %dma_start3A_2108] : memref<2x48x384xf32, #tpu.memory_space<vmem>> -> memref<1x48x384xf32, #tpu.memory_space<vmem>>
      %dma_start3A_2110 = tpu.memref_squeeze %dma_start3A_2109 : memref<1x48x384xf32, #tpu.memory_space<vmem>> -> memref<48x384xf32, #tpu.memory_space<vmem>>
      %dma_start3A_2111 = arith.constant 0 : i32
      %dma_start3A_2112 = tpu.memref_slice %arg2[%select_n3A, %sub3A_2105, %add3A_1826, %dma_start3A_2111] : memref<4x96x384x384xf32, #tpu.memory_space<hbm>> -> memref<1x1x48x384xf32, #tpu.memory_space<hbm>>
      %dma_start3A_2113 = tpu.memref_squeeze %dma_start3A_2112 : memref<1x1x48x384xf32, #tpu.memory_space<hbm>> -> memref<48x384xf32, #tpu.memory_space<hbm>>
      %dma_start3A_2114 = arith.constant 0 : i32
      %dma_start3A_2115 = arith.constant 0 : i32
      %dma_start3A_2116 = tpu.memref_slice %arg7[%dma_start3A_2106, %dma_start3A_2114, %dma_start3A_2115] : memref<2x48x384xf32, #tpu.memory_space<vmem>> -> memref<1x48x384xf32, #tpu.memory_space<vmem>>
      %dma_start3A_2117 = tpu.memref_squeeze %dma_start3A_2116 : memref<1x48x384xf32, #tpu.memory_space<vmem>> -> memref<48x384xf32, #tpu.memory_space<vmem>>
      %dma_start3A_2118 = arith.constant 0 : i32
      %dma_start3A_2119 = tpu.memref_slice %arg2[%select_n3A, %sub3A_2105, %add3A_1826, %dma_start3A_2118] : memref<4x96x384x384xf32, #tpu.memory_space<hbm>> -> memref<1x1x48x384xf32, #tpu.memory_space<hbm>>
      %dma_start3A_2120 = tpu.memref_squeeze %dma_start3A_2119 : memref<1x1x48x384xf32, #tpu.memory_space<hbm>> -> memref<48x384xf32, #tpu.memory_space<hbm>>
      tpu.enqueue_dma source(%dma_start3A_2120 : memref<48x384xf32, #tpu.memory_space<hbm>>) target(%dma_start3A_2117 : memref<48x384xf32, #tpu.memory_space<vmem>>) target_semaphore(%arg13 : memref<!tpu.dma_semaphore, #tpu.memory_space<semaphore_mem>>)
      %dma_wait3A_2121 = arith.constant 0 : i32
      %dma_wait3A_2122 = arith.constant 0 : i32
      %dma_wait3A_2123 = arith.constant 0 : i32
      %dma_wait3A_2124 = tpu.memref_slice %arg7[%dma_wait3A_2121, %dma_wait3A_2122, %dma_wait3A_2123] : memref<2x48x384xf32, #tpu.memory_space<vmem>> -> memref<1x48x384xf32, #tpu.memory_space<vmem>>
      %dma_wait3A_2125 = tpu.memref_squeeze %dma_wait3A_2124 : memref<1x48x384xf32, #tpu.memory_space<vmem>> -> memref<48x384xf32, #tpu.memory_space<vmem>>
      %dma_wait3A_2126 = arith.constant 0 : i32
      %dma_wait3A_2127 = tpu.memref_slice %arg2[%select_n3A, %sub3A_2062, %add3A_1826, %dma_wait3A_2126] : memref<4x96x384x384xf32, #tpu.memory_space<hbm>> -> memref<1x1x48x384xf32, #tpu.memory_space<hbm>>
      %dma_wait3A_2128 = tpu.memref_squeeze %dma_wait3A_2127 : memref<1x1x48x384xf32, #tpu.memory_space<hbm>> -> memref<48x384xf32, #tpu.memory_space<hbm>>
      %dma_wait3A_2129 = arith.constant 0 : i32
      %dma_wait3A_2130 = arith.constant 0 : i32
      %dma_wait3A_2131 = tpu.memref_slice %arg7[%dma_wait3A_2121, %dma_wait3A_2129, %dma_wait3A_2130] : memref<2x48x384xf32, #tpu.memory_space<vmem>> -> memref<1x48x384xf32, #tpu.memory_space<vmem>>
      %dma_wait3A_2132 = tpu.memref_squeeze %dma_wait3A_2131 : memref<1x48x384xf32, #tpu.memory_space<vmem>> -> memref<48x384xf32, #tpu.memory_space<vmem>>
      %dma_wait3A_2133 = arith.constant 0 : i32
      %dma_wait3A_2134 = tpu.memref_slice %arg2[%select_n3A, %sub3A_2062, %add3A_1826, %dma_wait3A_2133] : memref<4x96x384x384xf32, #tpu.memory_space<hbm>> -> memref<1x1x48x384xf32, #tpu.memory_space<hbm>>
      %dma_wait3A_2135 = tpu.memref_squeeze %dma_wait3A_2134 : memref<1x1x48x384xf32, #tpu.memory_space<hbm>> -> memref<48x384xf32, #tpu.memory_space<hbm>>
      tpu.wait_dma2 semaphore(%arg12 : memref<!tpu.dma_semaphore, #tpu.memory_space<semaphore_mem>>) src(%dma_wait3A_2135 : memref<48x384xf32, #tpu.memory_space<hbm>>) dst(%dma_wait3A_2132 : memref<48x384xf32, #tpu.memory_space<vmem>>)
      %scan3A_2136 = arith.constant 0 : i32
      %scan3A_2137 = arith.constant 0 : i32
      %scan3A_2138 = arith.constant 48 : i32
      %scan3A_2139 = arith.addi %scan3A_2137, %scan3A_2138 : i32
      %scan3A_2140 = arith.constant 1 : i32
      %scan3A_2141 = scf.for %scan3A_2341 = %scan3A_2137 to %scan3A_2139 step %scan3A_2140 iter_args(%scan3A_2342 = %scan3A_2136) -> (i32)  : i32 {
        %parallel_loop3A = arith.constant 0 : i32
        %parallel_loop3A_2343 = arith.constant 384 : i32
        %parallel_loop3A_2344 = arith.constant 16 : i32
        scf.for %parallel_loop3A_2346 = %parallel_loop3A to %parallel_loop3A_2343 step %parallel_loop3A_2344  : i32 {
          %parallel_loop3A_2347 = arith.index_cast %scan3A_2341 : i32 to index
          %parallel_loop3A_2348 = arith.index_cast %parallel_loop3A_2346 : i32 to index
          %parallel_loop3A_2349 = tpu.vector_load %arg6[%parallel_loop3A_2347, %parallel_loop3A_2348] {strides = array<i32>} : memref<48x384xi32, #tpu.memory_space<vmem>>, vector<16xi32>,
          %parallel_loop3A_2350 = arith.constant 0 : i32
          %parallel_loop3A_2351 = arith.index_cast %parallel_loop3A_2350 : i32 to index
          %parallel_loop3A_2352 = arith.index_cast %scan3A_2341 : i32 to index
          %parallel_loop3A_2353 = arith.index_cast %parallel_loop3A_2346 : i32 to index
          %parallel_loop3A_2354 = tpu.vector_load %arg7[%parallel_loop3A_2351, %parallel_loop3A_2352, %parallel_loop3A_2353] {strides = array<i32>} : memref<2x48x384xf32, #tpu.memory_space<vmem>>, vector<16xf32>,
          %parallel_loop3A_2355 = arith.constant 16 : i32
          %parallel_loop3A_2356 = vector.broadcast %parallel_loop3A_2355 : i32 to vector<16xi32>
          %parallel_loop3A_2357 = arith.muli %parallel_loop3A_2349, %parallel_loop3A_2356 : vector<16xi32>
          %parallel_loop3A_2358 = arith.addi %parallel_loop3A_2357, %iota3A : vector<16xi32>
          %parallel_loop3A_2359 = arith.constant 1536 : i32
          %parallel_loop3A_2360 = vector.broadcast %parallel_loop3A_2359 : i32 to vector<16xi32>
          %parallel_loop3A_2361 = arith.addi %parallel_loop3A_2360, %parallel_loop3A_2358 : vector<16xi32>
          tpu.vector_store_idx %arg8[%parallel_loop3A_2361], %parallel_loop3A_2354 {add = true} : memref<3072xf32, #tpu.memory_space<vmem>>[vector<16xi32>], vector<16xf32>,
          %parallel_loop3A_2362 = arith.mulf %parallel_loop3A_2354, %parallel_loop3A_2354 : vector<16xf32>
          tpu.vector_store_idx %arg9[%parallel_loop3A_2358], %parallel_loop3A_2362 {add = true} : memref<512xf32, #tpu.memory_space<vmem>>[vector<16xi32>], vector<16xf32>,
        } {sc.loop_unroll_factor = 8 : i64, sc.parallel_access}
        %scan3A_2345 = arith.constant 0 : i32
        scf.yield %scan3A_2345 : i32
      }
      %scan3A_2142 = arith.constant 48 : i32
      %add3A_2143 = arith.constant 7 : i32
      %add3A_2144 = arith.addi %mul3A_32, %add3A_2143 : i32
      %add3A_2145 = arith.constant 2 : i32
      %add3A_2146 = arith.addi %add3A_2144, %add3A_2145 : i32
      %sub3A_2147 = arith.constant 1 : i32
      %sub3A_2148 = arith.subi %add3A_2146, %sub3A_2147 : i32
      %dma_start3A_2149 = arith.constant 0 : i32
      %dma_start3A_2150 = arith.constant 0 : i32
      %dma_start3A_2151 = arith.constant 0 : i32
      %dma_start3A_2152 = tpu.memref_slice %arg7[%dma_start3A_2149, %dma_start3A_2150, %dma_start3A_2151] : memref<2x48x384xf32, #tpu.memory_space<vmem>> -> memref<1x48x384xf32, #tpu.memory_space<vmem>>
      %dma_start3A_2153 = tpu.memref_squeeze %dma_start3A_2152 : memref<1x48x384xf32, #tpu.memory_space<vmem>> -> memref<48x384xf32, #tpu.memory_space<vmem>>
      %dma_start3A_2154 = arith.constant 0 : i32
      %dma_start3A_2155 = tpu.memref_slice %arg2[%select_n3A, %sub3A_2148, %add3A_1826, %dma_start3A_2154] : memref<4x96x384x384xf32, #tpu.memory_space<hbm>> -> memref<1x1x48x384xf32, #tpu.memory_space<hbm>>
      %dma_start3A_2156 = tpu.memref_squeeze %dma_start3A_2155 : memref<1x1x48x384xf32, #tpu.memory_space<hbm>> -> memref<48x384xf32, #tpu.memory_space<hbm>>
      %dma_start3A_2157 = arith.constant 0 : i32
      %dma_start3A_2158 = arith.constant 0 : i32
      %dma_start3A_2159 = tpu.memref_slice %arg7[%dma_start3A_2149, %dma_start3A_2157, %dma_start3A_2158] : memref<2x48x384xf32, #tpu.memory_space<vmem>> -> memref<1x48x384xf32, #tpu.memory_space<vmem>>
      %dma_start3A_2160 = tpu.memref_squeeze %dma_start3A_2159 : memref<1x48x384xf32, #tpu.memory_space<vmem>> -> memref<48x384xf32, #tpu.memory_space<vmem>>
      %dma_start3A_2161 = arith.constant 0 : i32
      %dma_start3A_2162 = tpu.memref_slice %arg2[%select_n3A, %sub3A_2148, %add3A_1826, %dma_start3A_2161] : memref<4x96x384x384xf32, #tpu.memory_space<hbm>> -> memref<1x1x48x384xf32, #tpu.memory_space<hbm>>
      %dma_start3A_2163 = tpu.memref_squeeze %dma_start3A_2162 : memref<1x1x48x384xf32, #tpu.memory_space<hbm>> -> memref<48x384xf32, #tpu.memory_space<hbm>>
      tpu.enqueue_dma source(%dma_start3A_2163 : memref<48x384xf32, #tpu.memory_space<hbm>>) target(%dma_start3A_2160 : memref<48x384xf32, #tpu.memory_space<vmem>>) target_semaphore(%arg12 : memref<!tpu.dma_semaphore, #tpu.memory_space<semaphore_mem>>)
      %dma_wait3A_2164 = arith.constant 1 : i32
      %dma_wait3A_2165 = arith.constant 0 : i32
      %dma_wait3A_2166 = arith.constant 0 : i32
      %dma_wait3A_2167 = tpu.memref_slice %arg7[%dma_wait3A_2164, %dma_wait3A_2165, %dma_wait3A_2166] : memref<2x48x384xf32, #tpu.memory_space<vmem>> -> memref<1x48x384xf32, #tpu.memory_space<vmem>>
      %dma_wait3A_2168 = tpu.memref_squeeze %dma_wait3A_2167 : memref<1x48x384xf32, #tpu.memory_space<vmem>> -> memref<48x384xf32, #tpu.memory_space<vmem>>
      %dma_wait3A_2169 = arith.constant 0 : i32
      %dma_wait3A_2170 = tpu.memref_slice %arg2[%select_n3A, %sub3A_2105, %add3A_1826, %dma_wait3A_2169] : memref<4x96x384x384xf32, #tpu.memory_space<hbm>> -> memref<1x1x48x384xf32, #tpu.memory_space<hbm>>
      %dma_wait3A_2171 = tpu.memref_squeeze %dma_wait3A_2170 : memref<1x1x48x384xf32, #tpu.memory_space<hbm>> -> memref<48x384xf32, #tpu.memory_space<hbm>>
      %dma_wait3A_2172 = arith.constant 0 : i32
      %dma_wait3A_2173 = arith.constant 0 : i32
      %dma_wait3A_2174 = tpu.memref_slice %arg7[%dma_wait3A_2164, %dma_wait3A_2172, %dma_wait3A_2173] : memref<2x48x384xf32, #tpu.memory_space<vmem>> -> memref<1x48x384xf32, #tpu.memory_space<vmem>>
      %dma_wait3A_2175 = tpu.memref_squeeze %dma_wait3A_2174 : memref<1x48x384xf32, #tpu.memory_space<vmem>> -> memref<48x384xf32, #tpu.memory_space<vmem>>
      %dma_wait3A_2176 = arith.constant 0 : i32
      %dma_wait3A_2177 = tpu.memref_slice %arg2[%select_n3A, %sub3A_2105, %add3A_1826, %dma_wait3A_2176] : memref<4x96x384x384xf32, #tpu.memory_space<hbm>> -> memref<1x1x48x384xf32, #tpu.memory_space<hbm>>
      %dma_wait3A_2178 = tpu.memref_squeeze %dma_wait3A_2177 : memref<1x1x48x384xf32, #tpu.memory_space<hbm>> -> memref<48x384xf32, #tpu.memory_space<hbm>>
      tpu.wait_dma2 semaphore(%arg13 : memref<!tpu.dma_semaphore, #tpu.memory_space<semaphore_mem>>) src(%dma_wait3A_2178 : memref<48x384xf32, #tpu.memory_space<hbm>>) dst(%dma_wait3A_2175 : memref<48x384xf32, #tpu.memory_space<vmem>>)
      %scan3A_2179 = arith.constant 0 : i32
      %scan3A_2180 = arith.constant 0 : i32
      %scan3A_2181 = arith.constant 48 : i32
      %scan3A_2182 = arith.addi %scan3A_2180, %scan3A_2181 : i32
      %scan3A_2183 = arith.constant 1 : i32
      %scan3A_2184 = scf.for %scan3A_2341 = %scan3A_2180 to %scan3A_2182 step %scan3A_2183 iter_args(%scan3A_2342 = %scan3A_2179) -> (i32)  : i32 {
        %parallel_loop3A = arith.constant 0 : i32
        %parallel_loop3A_2343 = arith.constant 384 : i32
        %parallel_loop3A_2344 = arith.constant 16 : i32
        scf.for %parallel_loop3A_2346 = %parallel_loop3A to %parallel_loop3A_2343 step %parallel_loop3A_2344  : i32 {
          %parallel_loop3A_2347 = arith.index_cast %scan3A_2341 : i32 to index
          %parallel_loop3A_2348 = arith.index_cast %parallel_loop3A_2346 : i32 to index
          %parallel_loop3A_2349 = tpu.vector_load %arg6[%parallel_loop3A_2347, %parallel_loop3A_2348] {strides = array<i32>} : memref<48x384xi32, #tpu.memory_space<vmem>>, vector<16xi32>,
          %parallel_loop3A_2350 = arith.constant 1 : i32
          %parallel_loop3A_2351 = arith.index_cast %parallel_loop3A_2350 : i32 to index
          %parallel_loop3A_2352 = arith.index_cast %scan3A_2341 : i32 to index
          %parallel_loop3A_2353 = arith.index_cast %parallel_loop3A_2346 : i32 to index
          %parallel_loop3A_2354 = tpu.vector_load %arg7[%parallel_loop3A_2351, %parallel_loop3A_2352, %parallel_loop3A_2353] {strides = array<i32>} : memref<2x48x384xf32, #tpu.memory_space<vmem>>, vector<16xf32>,
          %parallel_loop3A_2355 = arith.constant 16 : i32
          %parallel_loop3A_2356 = vector.broadcast %parallel_loop3A_2355 : i32 to vector<16xi32>
          %parallel_loop3A_2357 = arith.muli %parallel_loop3A_2349, %parallel_loop3A_2356 : vector<16xi32>
          %parallel_loop3A_2358 = arith.addi %parallel_loop3A_2357, %iota3A : vector<16xi32>
          %parallel_loop3A_2359 = arith.constant 1792 : i32
          %parallel_loop3A_2360 = vector.broadcast %parallel_loop3A_2359 : i32 to vector<16xi32>
          %parallel_loop3A_2361 = arith.addi %parallel_loop3A_2360, %parallel_loop3A_2358 : vector<16xi32>
          tpu.vector_store_idx %arg8[%parallel_loop3A_2361], %parallel_loop3A_2354 {add = true} : memref<3072xf32, #tpu.memory_space<vmem>>[vector<16xi32>], vector<16xf32>,
          %parallel_loop3A_2362 = arith.mulf %parallel_loop3A_2354, %parallel_loop3A_2354 : vector<16xf32>
          tpu.vector_store_idx %arg9[%parallel_loop3A_2358], %parallel_loop3A_2362 {add = true} : memref<512xf32, #tpu.memory_space<vmem>>[vector<16xi32>], vector<16xf32>,
        } {sc.loop_unroll_factor = 8 : i64, sc.parallel_access}
        %scan3A_2345 = arith.constant 0 : i32
        scf.yield %scan3A_2345 : i32
      }
      %scan3A_2185 = arith.constant 48 : i32
      %add3A_2186 = arith.constant 8 : i32
      %add3A_2187 = arith.addi %mul3A_32, %add3A_2186 : i32
      %add3A_2188 = arith.constant 2 : i32
      %add3A_2189 = arith.addi %add3A_2187, %add3A_2188 : i32
      %sub3A_2190 = arith.constant 1 : i32
      %sub3A_2191 = arith.subi %add3A_2189, %sub3A_2190 : i32
      %dma_start3A_2192 = arith.constant 1 : i32
      %dma_start3A_2193 = arith.constant 0 : i32
      %dma_start3A_2194 = arith.constant 0 : i32
      %dma_start3A_2195 = tpu.memref_slice %arg7[%dma_start3A_2192, %dma_start3A_2193, %dma_start3A_2194] : memref<2x48x384xf32, #tpu.memory_space<vmem>> -> memref<1x48x384xf32, #tpu.memory_space<vmem>>
      %dma_start3A_2196 = tpu.memref_squeeze %dma_start3A_2195 : memref<1x48x384xf32, #tpu.memory_space<vmem>> -> memref<48x384xf32, #tpu.memory_space<vmem>>
      %dma_start3A_2197 = arith.constant 0 : i32
      %dma_start3A_2198 = tpu.memref_slice %arg2[%select_n3A, %sub3A_2191, %add3A_1826, %dma_start3A_2197] : memref<4x96x384x384xf32, #tpu.memory_space<hbm>> -> memref<1x1x48x384xf32, #tpu.memory_space<hbm>>
      %dma_start3A_2199 = tpu.memref_squeeze %dma_start3A_2198 : memref<1x1x48x384xf32, #tpu.memory_space<hbm>> -> memref<48x384xf32, #tpu.memory_space<hbm>>
      %dma_start3A_2200 = arith.constant 0 : i32
      %dma_start3A_2201 = arith.constant 0 : i32
      %dma_start3A_2202 = tpu.memref_slice %arg7[%dma_start3A_2192, %dma_start3A_2200, %dma_start3A_2201] : memref<2x48x384xf32, #tpu.memory_space<vmem>> -> memref<1x48x384xf32, #tpu.memory_space<vmem>>
      %dma_start3A_2203 = tpu.memref_squeeze %dma_start3A_2202 : memref<1x48x384xf32, #tpu.memory_space<vmem>> -> memref<48x384xf32, #tpu.memory_space<vmem>>
      %dma_start3A_2204 = arith.constant 0 : i32
      %dma_start3A_2205 = tpu.memref_slice %arg2[%select_n3A, %sub3A_2191, %add3A_1826, %dma_start3A_2204] : memref<4x96x384x384xf32, #tpu.memory_space<hbm>> -> memref<1x1x48x384xf32, #tpu.memory_space<hbm>>
      %dma_start3A_2206 = tpu.memref_squeeze %dma_start3A_2205 : memref<1x1x48x384xf32, #tpu.memory_space<hbm>> -> memref<48x384xf32, #tpu.memory_space<hbm>>
      tpu.enqueue_dma source(%dma_start3A_2206 : memref<48x384xf32, #tpu.memory_space<hbm>>) target(%dma_start3A_2203 : memref<48x384xf32, #tpu.memory_space<vmem>>) target_semaphore(%arg13 : memref<!tpu.dma_semaphore, #tpu.memory_space<semaphore_mem>>)
      %dma_wait3A_2207 = arith.constant 0 : i32
      %dma_wait3A_2208 = arith.constant 0 : i32
      %dma_wait3A_2209 = arith.constant 0 : i32
      %dma_wait3A_2210 = tpu.memref_slice %arg7[%dma_wait3A_2207, %dma_wait3A_2208, %dma_wait3A_2209] : memref<2x48x384xf32, #tpu.memory_space<vmem>> -> memref<1x48x384xf32, #tpu.memory_space<vmem>>
      %dma_wait3A_2211 = tpu.memref_squeeze %dma_wait3A_2210 : memref<1x48x384xf32, #tpu.memory_space<vmem>> -> memref<48x384xf32, #tpu.memory_space<vmem>>
      %dma_wait3A_2212 = arith.constant 0 : i32
      %dma_wait3A_2213 = tpu.memref_slice %arg2[%select_n3A, %sub3A_2148, %add3A_1826, %dma_wait3A_2212] : memref<4x96x384x384xf32, #tpu.memory_space<hbm>> -> memref<1x1x48x384xf32, #tpu.memory_space<hbm>>
      %dma_wait3A_2214 = tpu.memref_squeeze %dma_wait3A_2213 : memref<1x1x48x384xf32, #tpu.memory_space<hbm>> -> memref<48x384xf32, #tpu.memory_space<hbm>>
      %dma_wait3A_2215 = arith.constant 0 : i32
      %dma_wait3A_2216 = arith.constant 0 : i32
      %dma_wait3A_2217 = tpu.memref_slice %arg7[%dma_wait3A_2207, %dma_wait3A_2215, %dma_wait3A_2216] : memref<2x48x384xf32, #tpu.memory_space<vmem>> -> memref<1x48x384xf32, #tpu.memory_space<vmem>>
      %dma_wait3A_2218 = tpu.memref_squeeze %dma_wait3A_2217 : memref<1x48x384xf32, #tpu.memory_space<vmem>> -> memref<48x384xf32, #tpu.memory_space<vmem>>
      %dma_wait3A_2219 = arith.constant 0 : i32
      %dma_wait3A_2220 = tpu.memref_slice %arg2[%select_n3A, %sub3A_2148, %add3A_1826, %dma_wait3A_2219] : memref<4x96x384x384xf32, #tpu.memory_space<hbm>> -> memref<1x1x48x384xf32, #tpu.memory_space<hbm>>
      %dma_wait3A_2221 = tpu.memref_squeeze %dma_wait3A_2220 : memref<1x1x48x384xf32, #tpu.memory_space<hbm>> -> memref<48x384xf32, #tpu.memory_space<hbm>>
      tpu.wait_dma2 semaphore(%arg12 : memref<!tpu.dma_semaphore, #tpu.memory_space<semaphore_mem>>) src(%dma_wait3A_2221 : memref<48x384xf32, #tpu.memory_space<hbm>>) dst(%dma_wait3A_2218 : memref<48x384xf32, #tpu.memory_space<vmem>>)
      %scan3A_2222 = arith.constant 0 : i32
      %scan3A_2223 = arith.constant 0 : i32
      %scan3A_2224 = arith.constant 48 : i32
      %scan3A_2225 = arith.addi %scan3A_2223, %scan3A_2224 : i32
      %scan3A_2226 = arith.constant 1 : i32
      %scan3A_2227 = scf.for %scan3A_2341 = %scan3A_2223 to %scan3A_2225 step %scan3A_2226 iter_args(%scan3A_2342 = %scan3A_2222) -> (i32)  : i32 {
        %parallel_loop3A = arith.constant 0 : i32
        %parallel_loop3A_2343 = arith.constant 384 : i32
        %parallel_loop3A_2344 = arith.constant 16 : i32
        scf.for %parallel_loop3A_2346 = %parallel_loop3A to %parallel_loop3A_2343 step %parallel_loop3A_2344  : i32 {
          %parallel_loop3A_2347 = arith.index_cast %scan3A_2341 : i32 to index
          %parallel_loop3A_2348 = arith.index_cast %parallel_loop3A_2346 : i32 to index
          %parallel_loop3A_2349 = tpu.vector_load %arg6[%parallel_loop3A_2347, %parallel_loop3A_2348] {strides = array<i32>} : memref<48x384xi32, #tpu.memory_space<vmem>>, vector<16xi32>,
          %parallel_loop3A_2350 = arith.constant 0 : i32
          %parallel_loop3A_2351 = arith.index_cast %parallel_loop3A_2350 : i32 to index
          %parallel_loop3A_2352 = arith.index_cast %scan3A_2341 : i32 to index
          %parallel_loop3A_2353 = arith.index_cast %parallel_loop3A_2346 : i32 to index
          %parallel_loop3A_2354 = tpu.vector_load %arg7[%parallel_loop3A_2351, %parallel_loop3A_2352, %parallel_loop3A_2353] {strides = array<i32>} : memref<2x48x384xf32, #tpu.memory_space<vmem>>, vector<16xf32>,
          %parallel_loop3A_2355 = arith.constant 16 : i32
          %parallel_loop3A_2356 = vector.broadcast %parallel_loop3A_2355 : i32 to vector<16xi32>
          %parallel_loop3A_2357 = arith.muli %parallel_loop3A_2349, %parallel_loop3A_2356 : vector<16xi32>
          %parallel_loop3A_2358 = arith.addi %parallel_loop3A_2357, %iota3A : vector<16xi32>
          %parallel_loop3A_2359 = arith.constant 2048 : i32
          %parallel_loop3A_2360 = vector.broadcast %parallel_loop3A_2359 : i32 to vector<16xi32>
          %parallel_loop3A_2361 = arith.addi %parallel_loop3A_2360, %parallel_loop3A_2358 : vector<16xi32>
          tpu.vector_store_idx %arg8[%parallel_loop3A_2361], %parallel_loop3A_2354 {add = true} : memref<3072xf32, #tpu.memory_space<vmem>>[vector<16xi32>], vector<16xf32>,
          %parallel_loop3A_2362 = arith.mulf %parallel_loop3A_2354, %parallel_loop3A_2354 : vector<16xf32>
          tpu.vector_store_idx %arg9[%parallel_loop3A_2358], %parallel_loop3A_2362 {add = true} : memref<512xf32, #tpu.memory_space<vmem>>[vector<16xi32>], vector<16xf32>,
        } {sc.loop_unroll_factor = 8 : i64, sc.parallel_access}
        %scan3A_2345 = arith.constant 0 : i32
        scf.yield %scan3A_2345 : i32
      }
      %scan3A_2228 = arith.constant 48 : i32
      %add3A_2229 = arith.constant 9 : i32
      %add3A_2230 = arith.addi %mul3A_32, %add3A_2229 : i32
      %add3A_2231 = arith.constant 2 : i32
      %add3A_2232 = arith.addi %add3A_2230, %add3A_2231 : i32
      %sub3A_2233 = arith.constant 1 : i32
      %sub3A_2234 = arith.subi %add3A_2232, %sub3A_2233 : i32
      %dma_start3A_2235 = arith.constant 0 : i32
      %dma_start3A_2236 = arith.constant 0 : i32
      %dma_start3A_2237 = arith.constant 0 : i32
      %dma_start3A_2238 = tpu.memref_slice %arg7[%dma_start3A_2235, %dma_start3A_2236, %dma_start3A_2237] : memref<2x48x384xf32, #tpu.memory_space<vmem>> -> memref<1x48x384xf32, #tpu.memory_space<vmem>>
      %dma_start3A_2239 = tpu.memref_squeeze %dma_start3A_2238 : memref<1x48x384xf32, #tpu.memory_space<vmem>> -> memref<48x384xf32, #tpu.memory_space<vmem>>
      %dma_start3A_2240 = arith.constant 0 : i32
      %dma_start3A_2241 = tpu.memref_slice %arg2[%select_n3A, %sub3A_2234, %add3A_1826, %dma_start3A_2240] : memref<4x96x384x384xf32, #tpu.memory_space<hbm>> -> memref<1x1x48x384xf32, #tpu.memory_space<hbm>>
      %dma_start3A_2242 = tpu.memref_squeeze %dma_start3A_2241 : memref<1x1x48x384xf32, #tpu.memory_space<hbm>> -> memref<48x384xf32, #tpu.memory_space<hbm>>
      %dma_start3A_2243 = arith.constant 0 : i32
      %dma_start3A_2244 = arith.constant 0 : i32
      %dma_start3A_2245 = tpu.memref_slice %arg7[%dma_start3A_2235, %dma_start3A_2243, %dma_start3A_2244] : memref<2x48x384xf32, #tpu.memory_space<vmem>> -> memref<1x48x384xf32, #tpu.memory_space<vmem>>
      %dma_start3A_2246 = tpu.memref_squeeze %dma_start3A_2245 : memref<1x48x384xf32, #tpu.memory_space<vmem>> -> memref<48x384xf32, #tpu.memory_space<vmem>>
      %dma_start3A_2247 = arith.constant 0 : i32
      %dma_start3A_2248 = tpu.memref_slice %arg2[%select_n3A, %sub3A_2234, %add3A_1826, %dma_start3A_2247] : memref<4x96x384x384xf32, #tpu.memory_space<hbm>> -> memref<1x1x48x384xf32, #tpu.memory_space<hbm>>
      %dma_start3A_2249 = tpu.memref_squeeze %dma_start3A_2248 : memref<1x1x48x384xf32, #tpu.memory_space<hbm>> -> memref<48x384xf32, #tpu.memory_space<hbm>>
      tpu.enqueue_dma source(%dma_start3A_2249 : memref<48x384xf32, #tpu.memory_space<hbm>>) target(%dma_start3A_2246 : memref<48x384xf32, #tpu.memory_space<vmem>>) target_semaphore(%arg12 : memref<!tpu.dma_semaphore, #tpu.memory_space<semaphore_mem>>)
      %dma_wait3A_2250 = arith.constant 1 : i32
      %dma_wait3A_2251 = arith.constant 0 : i32
      %dma_wait3A_2252 = arith.constant 0 : i32
      %dma_wait3A_2253 = tpu.memref_slice %arg7[%dma_wait3A_2250, %dma_wait3A_2251, %dma_wait3A_2252] : memref<2x48x384xf32, #tpu.memory_space<vmem>> -> memref<1x48x384xf32, #tpu.memory_space<vmem>>
      %dma_wait3A_2254 = tpu.memref_squeeze %dma_wait3A_2253 : memref<1x48x384xf32, #tpu.memory_space<vmem>> -> memref<48x384xf32, #tpu.memory_space<vmem>>
      %dma_wait3A_2255 = arith.constant 0 : i32
      %dma_wait3A_2256 = tpu.memref_slice %arg2[%select_n3A, %sub3A_2191, %add3A_1826, %dma_wait3A_2255] : memref<4x96x384x384xf32, #tpu.memory_space<hbm>> -> memref<1x1x48x384xf32, #tpu.memory_space<hbm>>
      %dma_wait3A_2257 = tpu.memref_squeeze %dma_wait3A_2256 : memref<1x1x48x384xf32, #tpu.memory_space<hbm>> -> memref<48x384xf32, #tpu.memory_space<hbm>>
      %dma_wait3A_2258 = arith.constant 0 : i32
      %dma_wait3A_2259 = arith.constant 0 : i32
      %dma_wait3A_2260 = tpu.memref_slice %arg7[%dma_wait3A_2250, %dma_wait3A_2258, %dma_wait3A_2259] : memref<2x48x384xf32, #tpu.memory_space<vmem>> -> memref<1x48x384xf32, #tpu.memory_space<vmem>>
      %dma_wait3A_2261 = tpu.memref_squeeze %dma_wait3A_2260 : memref<1x48x384xf32, #tpu.memory_space<vmem>> -> memref<48x384xf32, #tpu.memory_space<vmem>>
      %dma_wait3A_2262 = arith.constant 0 : i32
      %dma_wait3A_2263 = tpu.memref_slice %arg2[%select_n3A, %sub3A_2191, %add3A_1826, %dma_wait3A_2262] : memref<4x96x384x384xf32, #tpu.memory_space<hbm>> -> memref<1x1x48x384xf32, #tpu.memory_space<hbm>>
      %dma_wait3A_2264 = tpu.memref_squeeze %dma_wait3A_2263 : memref<1x1x48x384xf32, #tpu.memory_space<hbm>> -> memref<48x384xf32, #tpu.memory_space<hbm>>
      tpu.wait_dma2 semaphore(%arg13 : memref<!tpu.dma_semaphore, #tpu.memory_space<semaphore_mem>>) src(%dma_wait3A_2264 : memref<48x384xf32, #tpu.memory_space<hbm>>) dst(%dma_wait3A_2261 : memref<48x384xf32, #tpu.memory_space<vmem>>)
      %scan3A_2265 = arith.constant 0 : i32
      %scan3A_2266 = arith.constant 0 : i32
      %scan3A_2267 = arith.constant 48 : i32
      %scan3A_2268 = arith.addi %scan3A_2266, %scan3A_2267 : i32
      %scan3A_2269 = arith.constant 1 : i32
      %scan3A_2270 = scf.for %scan3A_2341 = %scan3A_2266 to %scan3A_2268 step %scan3A_2269 iter_args(%scan3A_2342 = %scan3A_2265) -> (i32)  : i32 {
        %parallel_loop3A = arith.constant 0 : i32
        %parallel_loop3A_2343 = arith.constant 384 : i32
        %parallel_loop3A_2344 = arith.constant 16 : i32
        scf.for %parallel_loop3A_2346 = %parallel_loop3A to %parallel_loop3A_2343 step %parallel_loop3A_2344  : i32 {
          %parallel_loop3A_2347 = arith.index_cast %scan3A_2341 : i32 to index
          %parallel_loop3A_2348 = arith.index_cast %parallel_loop3A_2346 : i32 to index
          %parallel_loop3A_2349 = tpu.vector_load %arg6[%parallel_loop3A_2347, %parallel_loop3A_2348] {strides = array<i32>} : memref<48x384xi32, #tpu.memory_space<vmem>>, vector<16xi32>,
          %parallel_loop3A_2350 = arith.constant 1 : i32
          %parallel_loop3A_2351 = arith.index_cast %parallel_loop3A_2350 : i32 to index
          %parallel_loop3A_2352 = arith.index_cast %scan3A_2341 : i32 to index
          %parallel_loop3A_2353 = arith.index_cast %parallel_loop3A_2346 : i32 to index
          %parallel_loop3A_2354 = tpu.vector_load %arg7[%parallel_loop3A_2351, %parallel_loop3A_2352, %parallel_loop3A_2353] {strides = array<i32>} : memref<2x48x384xf32, #tpu.memory_space<vmem>>, vector<16xf32>,
          %parallel_loop3A_2355 = arith.constant 16 : i32
          %parallel_loop3A_2356 = vector.broadcast %parallel_loop3A_2355 : i32 to vector<16xi32>
          %parallel_loop3A_2357 = arith.muli %parallel_loop3A_2349, %parallel_loop3A_2356 : vector<16xi32>
          %parallel_loop3A_2358 = arith.addi %parallel_loop3A_2357, %iota3A : vector<16xi32>
          %parallel_loop3A_2359 = arith.constant 2304 : i32
          %parallel_loop3A_2360 = vector.broadcast %parallel_loop3A_2359 : i32 to vector<16xi32>
          %parallel_loop3A_2361 = arith.addi %parallel_loop3A_2360, %parallel_loop3A_2358 : vector<16xi32>
          tpu.vector_store_idx %arg8[%parallel_loop3A_2361], %parallel_loop3A_2354 {add = true} : memref<3072xf32, #tpu.memory_space<vmem>>[vector<16xi32>], vector<16xf32>,
          %parallel_loop3A_2362 = arith.mulf %parallel_loop3A_2354, %parallel_loop3A_2354 : vector<16xf32>
          tpu.vector_store_idx %arg9[%parallel_loop3A_2358], %parallel_loop3A_2362 {add = true} : memref<512xf32, #tpu.memory_space<vmem>>[vector<16xi32>], vector<16xf32>,
        } {sc.loop_unroll_factor = 8 : i64, sc.parallel_access}
        %scan3A_2345 = arith.constant 0 : i32
        scf.yield %scan3A_2345 : i32
      }
      %scan3A_2271 = arith.constant 48 : i32
      %add3A_2272 = arith.constant 10 : i32
      %add3A_2273 = arith.addi %mul3A_32, %add3A_2272 : i32
      %add3A_2274 = arith.constant 2 : i32
      %add3A_2275 = arith.addi %add3A_2273, %add3A_2274 : i32
      %sub3A_2276 = arith.constant 1 : i32
      %sub3A_2277 = arith.subi %add3A_2275, %sub3A_2276 : i32
      %dma_start3A_2278 = arith.constant 1 : i32
      %dma_start3A_2279 = arith.constant 0 : i32
      %dma_start3A_2280 = arith.constant 0 : i32
      %dma_start3A_2281 = tpu.memref_slice %arg7[%dma_start3A_2278, %dma_start3A_2279, %dma_start3A_2280] : memref<2x48x384xf32, #tpu.memory_space<vmem>> -> memref<1x48x384xf32, #tpu.memory_space<vmem>>
      %dma_start3A_2282 = tpu.memref_squeeze %dma_start3A_2281 : memref<1x48x384xf32, #tpu.memory_space<vmem>> -> memref<48x384xf32, #tpu.memory_space<vmem>>
      %dma_start3A_2283 = arith.constant 0 : i32
      %dma_start3A_2284 = tpu.memref_slice %arg2[%select_n3A, %sub3A_2277, %add3A_1826, %dma_start3A_2283] : memref<4x96x384x384xf32, #tpu.memory_space<hbm>> -> memref<1x1x48x384xf32, #tpu.memory_space<hbm>>
      %dma_start3A_2285 = tpu.memref_squeeze %dma_start3A_2284 : memref<1x1x48x384xf32, #tpu.memory_space<hbm>> -> memref<48x384xf32, #tpu.memory_space<hbm>>
      %dma_start3A_2286 = arith.constant 0 : i32
      %dma_start3A_2287 = arith.constant 0 : i32
      %dma_start3A_2288 = tpu.memref_slice %arg7[%dma_start3A_2278, %dma_start3A_2286, %dma_start3A_2287] : memref<2x48x384xf32, #tpu.memory_space<vmem>> -> memref<1x48x384xf32, #tpu.memory_space<vmem>>
      %dma_start3A_2289 = tpu.memref_squeeze %dma_start3A_2288 : memref<1x48x384xf32, #tpu.memory_space<vmem>> -> memref<48x384xf32, #tpu.memory_space<vmem>>
      %dma_start3A_2290 = arith.constant 0 : i32
      %dma_start3A_2291 = tpu.memref_slice %arg2[%select_n3A, %sub3A_2277, %add3A_1826, %dma_start3A_2290] : memref<4x96x384x384xf32, #tpu.memory_space<hbm>> -> memref<1x1x48x384xf32, #tpu.memory_space<hbm>>
      %dma_start3A_2292 = tpu.memref_squeeze %dma_start3A_2291 : memref<1x1x48x384xf32, #tpu.memory_space<hbm>> -> memref<48x384xf32, #tpu.memory_space<hbm>>
      tpu.enqueue_dma source(%dma_start3A_2292 : memref<48x384xf32, #tpu.memory_space<hbm>>) target(%dma_start3A_2289 : memref<48x384xf32, #tpu.memory_space<vmem>>) target_semaphore(%arg13 : memref<!tpu.dma_semaphore, #tpu.memory_space<semaphore_mem>>)
      %dma_wait3A_2293 = arith.constant 0 : i32
      %dma_wait3A_2294 = arith.constant 0 : i32
      %dma_wait3A_2295 = arith.constant 0 : i32
      %dma_wait3A_2296 = tpu.memref_slice %arg7[%dma_wait3A_2293, %dma_wait3A_2294, %dma_wait3A_2295] : memref<2x48x384xf32, #tpu.memory_space<vmem>> -> memref<1x48x384xf32, #tpu.memory_space<vmem>>
      %dma_wait3A_2297 = tpu.memref_squeeze %dma_wait3A_2296 : memref<1x48x384xf32, #tpu.memory_space<vmem>> -> memref<48x384xf32, #tpu.memory_space<vmem>>
      %dma_wait3A_2298 = arith.constant 0 : i32
      %dma_wait3A_2299 = tpu.memref_slice %arg2[%select_n3A, %sub3A_2234, %add3A_1826, %dma_wait3A_2298] : memref<4x96x384x384xf32, #tpu.memory_space<hbm>> -> memref<1x1x48x384xf32, #tpu.memory_space<hbm>>
      %dma_wait3A_2300 = tpu.memref_squeeze %dma_wait3A_2299 : memref<1x1x48x384xf32, #tpu.memory_space<hbm>> -> memref<48x384xf32, #tpu.memory_space<hbm>>
      %dma_wait3A_2301 = arith.constant 0 : i32
      %dma_wait3A_2302 = arith.constant 0 : i32
      %dma_wait3A_2303 = tpu.memref_slice %arg7[%dma_wait3A_2293, %dma_wait3A_2301, %dma_wait3A_2302] : memref<2x48x384xf32, #tpu.memory_space<vmem>> -> memref<1x48x384xf32, #tpu.memory_space<vmem>>
      %dma_wait3A_2304 = tpu.memref_squeeze %dma_wait3A_2303 : memref<1x48x384xf32, #tpu.memory_space<vmem>> -> memref<48x384xf32, #tpu.memory_space<vmem>>
      %dma_wait3A_2305 = arith.constant 0 : i32
      %dma_wait3A_2306 = tpu.memref_slice %arg2[%select_n3A, %sub3A_2234, %add3A_1826, %dma_wait3A_2305] : memref<4x96x384x384xf32, #tpu.memory_space<hbm>> -> memref<1x1x48x384xf32, #tpu.memory_space<hbm>>
      %dma_wait3A_2307 = tpu.memref_squeeze %dma_wait3A_2306 : memref<1x1x48x384xf32, #tpu.memory_space<hbm>> -> memref<48x384xf32, #tpu.memory_space<hbm>>
      tpu.wait_dma2 semaphore(%arg12 : memref<!tpu.dma_semaphore, #tpu.memory_space<semaphore_mem>>) src(%dma_wait3A_2307 : memref<48x384xf32, #tpu.memory_space<hbm>>) dst(%dma_wait3A_2304 : memref<48x384xf32, #tpu.memory_space<vmem>>)
      %scan3A_2308 = arith.constant 0 : i32
      %scan3A_2309 = arith.constant 0 : i32
      %scan3A_2310 = arith.constant 48 : i32
      %scan3A_2311 = arith.addi %scan3A_2309, %scan3A_2310 : i32
      %scan3A_2312 = arith.constant 1 : i32
      %scan3A_2313 = scf.for %scan3A_2341 = %scan3A_2309 to %scan3A_2311 step %scan3A_2312 iter_args(%scan3A_2342 = %scan3A_2308) -> (i32)  : i32 {
        %parallel_loop3A = arith.constant 0 : i32
        %parallel_loop3A_2343 = arith.constant 384 : i32
        %parallel_loop3A_2344 = arith.constant 16 : i32
        scf.for %parallel_loop3A_2346 = %parallel_loop3A to %parallel_loop3A_2343 step %parallel_loop3A_2344  : i32 {
          %parallel_loop3A_2347 = arith.index_cast %scan3A_2341 : i32 to index
          %parallel_loop3A_2348 = arith.index_cast %parallel_loop3A_2346 : i32 to index
          %parallel_loop3A_2349 = tpu.vector_load %arg6[%parallel_loop3A_2347, %parallel_loop3A_2348] {strides = array<i32>} : memref<48x384xi32, #tpu.memory_space<vmem>>, vector<16xi32>,
          %parallel_loop3A_2350 = arith.constant 0 : i32
          %parallel_loop3A_2351 = arith.index_cast %parallel_loop3A_2350 : i32 to index
          %parallel_loop3A_2352 = arith.index_cast %scan3A_2341 : i32 to index
          %parallel_loop3A_2353 = arith.index_cast %parallel_loop3A_2346 : i32 to index
          %parallel_loop3A_2354 = tpu.vector_load %arg7[%parallel_loop3A_2351, %parallel_loop3A_2352, %parallel_loop3A_2353] {strides = array<i32>} : memref<2x48x384xf32, #tpu.memory_space<vmem>>, vector<16xf32>,
          %parallel_loop3A_2355 = arith.constant 16 : i32
          %parallel_loop3A_2356 = vector.broadcast %parallel_loop3A_2355 : i32 to vector<16xi32>
          %parallel_loop3A_2357 = arith.muli %parallel_loop3A_2349, %parallel_loop3A_2356 : vector<16xi32>
          %parallel_loop3A_2358 = arith.addi %parallel_loop3A_2357, %iota3A : vector<16xi32>
          %parallel_loop3A_2359 = arith.constant 2560 : i32
          %parallel_loop3A_2360 = vector.broadcast %parallel_loop3A_2359 : i32 to vector<16xi32>
          %parallel_loop3A_2361 = arith.addi %parallel_loop3A_2360, %parallel_loop3A_2358 : vector<16xi32>
          tpu.vector_store_idx %arg8[%parallel_loop3A_2361], %parallel_loop3A_2354 {add = true} : memref<3072xf32, #tpu.memory_space<vmem>>[vector<16xi32>], vector<16xf32>,
          %parallel_loop3A_2362 = arith.mulf %parallel_loop3A_2354, %parallel_loop3A_2354 : vector<16xf32>
          tpu.vector_store_idx %arg9[%parallel_loop3A_2358], %parallel_loop3A_2362 {add = true} : memref<512xf32, #tpu.memory_space<vmem>>[vector<16xi32>], vector<16xf32>,
        } {sc.loop_unroll_factor = 8 : i64, sc.parallel_access}
        %scan3A_2345 = arith.constant 0 : i32
        scf.yield %scan3A_2345 : i32
      }
      %scan3A_2314 = arith.constant 48 : i32
      %dma_wait3A_2315 = arith.constant 1 : i32
      %dma_wait3A_2316 = arith.constant 0 : i32
      %dma_wait3A_2317 = arith.constant 0 : i32
      %dma_wait3A_2318 = tpu.memref_slice %arg7[%dma_wait3A_2315, %dma_wait3A_2316, %dma_wait3A_2317] : memref<2x48x384xf32, #tpu.memory_space<vmem>> -> memref<1x48x384xf32, #tpu.memory_space<vmem>>
      %dma_wait3A_2319 = tpu.memref_squeeze %dma_wait3A_2318 : memref<1x48x384xf32, #tpu.memory_space<vmem>> -> memref<48x384xf32, #tpu.memory_space<vmem>>
      %dma_wait3A_2320 = arith.constant 0 : i32
      %dma_wait3A_2321 = tpu.memref_slice %arg2[%select_n3A, %sub3A_2277, %add3A_1826, %dma_wait3A_2320] : memref<4x96x384x384xf32, #tpu.memory_space<hbm>> -> memref<1x1x48x384xf32, #tpu.memory_space<hbm>>
      %dma_wait3A_2322 = tpu.memref_squeeze %dma_wait3A_2321 : memref<1x1x48x384xf32, #tpu.memory_space<hbm>> -> memref<48x384xf32, #tpu.memory_space<hbm>>
      %dma_wait3A_2323 = arith.constant 0 : i32
      %dma_wait3A_2324 = arith.constant 0 : i32
      %dma_wait3A_2325 = tpu.memref_slice %arg7[%dma_wait3A_2315, %dma_wait3A_2323, %dma_wait3A_2324] : memref<2x48x384xf32, #tpu.memory_space<vmem>> -> memref<1x48x384xf32, #tpu.memory_space<vmem>>
      %dma_wait3A_2326 = tpu.memref_squeeze %dma_wait3A_2325 : memref<1x48x384xf32, #tpu.memory_space<vmem>> -> memref<48x384xf32, #tpu.memory_space<vmem>>
      %dma_wait3A_2327 = arith.constant 0 : i32
      %dma_wait3A_2328 = tpu.memref_slice %arg2[%select_n3A, %sub3A_2277, %add3A_1826, %dma_wait3A_2327] : memref<4x96x384x384xf32, #tpu.memory_space<hbm>> -> memref<1x1x48x384xf32, #tpu.memory_space<hbm>>
      %dma_wait3A_2329 = tpu.memref_squeeze %dma_wait3A_2328 : memref<1x1x48x384xf32, #tpu.memory_space<hbm>> -> memref<48x384xf32, #tpu.memory_space<hbm>>
      tpu.wait_dma2 semaphore(%arg13 : memref<!tpu.dma_semaphore, #tpu.memory_space<semaphore_mem>>) src(%dma_wait3A_2329 : memref<48x384xf32, #tpu.memory_space<hbm>>) dst(%dma_wait3A_2326 : memref<48x384xf32, #tpu.memory_space<vmem>>)
      %scan3A_2330 = arith.constant 0 : i32
      %scan3A_2331 = arith.constant 0 : i32
      %scan3A_2332 = arith.constant 48 : i32
      %scan3A_2333 = arith.addi %scan3A_2331, %scan3A_2332 : i32
      %scan3A_2334 = arith.constant 1 : i32
      %scan3A_2335 = scf.for %scan3A_2341 = %scan3A_2331 to %scan3A_2333 step %scan3A_2334 iter_args(%scan3A_2342 = %scan3A_2330) -> (i32)  : i32 {
        %parallel_loop3A = arith.constant 0 : i32
        %parallel_loop3A_2343 = arith.constant 384 : i32
        %parallel_loop3A_2344 = arith.constant 16 : i32
        scf.for %parallel_loop3A_2346 = %parallel_loop3A to %parallel_loop3A_2343 step %parallel_loop3A_2344  : i32 {
          %parallel_loop3A_2347 = arith.index_cast %scan3A_2341 : i32 to index
          %parallel_loop3A_2348 = arith.index_cast %parallel_loop3A_2346 : i32 to index
          %parallel_loop3A_2349 = tpu.vector_load %arg6[%parallel_loop3A_2347, %parallel_loop3A_2348] {strides = array<i32>} : memref<48x384xi32, #tpu.memory_space<vmem>>, vector<16xi32>,
          %parallel_loop3A_2350 = arith.constant 1 : i32
          %parallel_loop3A_2351 = arith.index_cast %parallel_loop3A_2350 : i32 to index
          %parallel_loop3A_2352 = arith.index_cast %scan3A_2341 : i32 to index
          %parallel_loop3A_2353 = arith.index_cast %parallel_loop3A_2346 : i32 to index
          %parallel_loop3A_2354 = tpu.vector_load %arg7[%parallel_loop3A_2351, %parallel_loop3A_2352, %parallel_loop3A_2353] {strides = array<i32>} : memref<2x48x384xf32, #tpu.memory_space<vmem>>, vector<16xf32>,
          %parallel_loop3A_2355 = arith.constant 16 : i32
          %parallel_loop3A_2356 = vector.broadcast %parallel_loop3A_2355 : i32 to vector<16xi32>
          %parallel_loop3A_2357 = arith.muli %parallel_loop3A_2349, %parallel_loop3A_2356 : vector<16xi32>
          %parallel_loop3A_2358 = arith.addi %parallel_loop3A_2357, %iota3A : vector<16xi32>
          %parallel_loop3A_2359 = arith.constant 2816 : i32
          %parallel_loop3A_2360 = vector.broadcast %parallel_loop3A_2359 : i32 to vector<16xi32>
          %parallel_loop3A_2361 = arith.addi %parallel_loop3A_2360, %parallel_loop3A_2358 : vector<16xi32>
          tpu.vector_store_idx %arg8[%parallel_loop3A_2361], %parallel_loop3A_2354 {add = true} : memref<3072xf32, #tpu.memory_space<vmem>>[vector<16xi32>], vector<16xf32>,
          %parallel_loop3A_2362 = arith.mulf %parallel_loop3A_2354, %parallel_loop3A_2354 : vector<16xf32>
          tpu.vector_store_idx %arg9[%parallel_loop3A_2358], %parallel_loop3A_2362 {add = true} : memref<512xf32, #tpu.memory_space<vmem>>[vector<16xi32>], vector<16xf32>,
        } {sc.loop_unroll_factor = 8 : i64, sc.parallel_access}
        %scan3A_2345 = arith.constant 0 : i32
        scf.yield %scan3A_2345 : i32
      }
      %scan3A_2336 = arith.constant 48 : i32
      %eq3A_2337 = arith.constant 0 : i32
      %eq3A_2338 = arith.cmpi eq, %mul3A_32, %eq3A_2337 : i32
      %convert_element_type3A = arith.extui %eq3A_2338 : i1 to i32
      %cond3A = arith.constant 0 : i32
      %cond3A_2339 = arith.cmpi ne, %convert_element_type3A, %cond3A : i32
      scf.if %cond3A_2339 {
        %scan3A_2341 = arith.constant 0 : i32
        %scan3A_2342 = arith.constant 0 : i32
        %scan3A_2343 = arith.constant 48 : i32
        %scan3A_2344 = arith.addi %scan3A_2342, %scan3A_2343 : i32
        %scan3A_2345 = arith.constant 1 : i32
        %scan3A_2346 = scf.for %scan3A_2348 = %scan3A_2342 to %scan3A_2344 step %scan3A_2345 iter_args(%scan3A_2349 = %scan3A_2341) -> (i32)  : i32 {
          %parallel_loop3A = arith.constant 0 : i32
          %parallel_loop3A_2350 = arith.constant 384 : i32
          %parallel_loop3A_2351 = arith.constant 16 : i32
          scf.for %parallel_loop3A_2353 = %parallel_loop3A to %parallel_loop3A_2350 step %parallel_loop3A_2351  : i32 {
            %parallel_loop3A_2354 = arith.index_cast %scan3A_2348 : i32 to index
            %parallel_loop3A_2355 = arith.index_cast %parallel_loop3A_2353 : i32 to index
            %parallel_loop3A_2356 = tpu.vector_load %arg6[%parallel_loop3A_2354, %parallel_loop3A_2355] {strides = array<i32>} : memref<48x384xi32, #tpu.memory_space<vmem>>, vector<16xi32>,
            %parallel_loop3A_2357 = arith.constant 16 : i32
            %parallel_loop3A_2358 = vector.broadcast %parallel_loop3A_2357 : i32 to vector<16xi32>
            %parallel_loop3A_2359 = arith.muli %parallel_loop3A_2356, %parallel_loop3A_2358 : vector<16xi32>
            %parallel_loop3A_2360 = arith.constant 256 : i32
            %parallel_loop3A_2361 = vector.broadcast %parallel_loop3A_2360 : i32 to vector<16xi32>
            %parallel_loop3A_2362 = arith.addi %parallel_loop3A_2361, %parallel_loop3A_2359 : vector<16xi32>
            %parallel_loop3A_2363 = arith.addi %parallel_loop3A_2362, %iota3A : vector<16xi32>
            tpu.vector_store_idx %arg9[%parallel_loop3A_2363], %broadcast_in_dim3A_35 {add = true} : memref<512xf32, #tpu.memory_space<vmem>>[vector<16xi32>], vector<16xf32>,
          } {sc.loop_unroll_factor = 8 : i64, sc.parallel_access}
          %scan3A_2352 = arith.constant 0 : i32
          scf.yield %scan3A_2352 : i32
        }
        %scan3A_2347 = arith.constant 48 : i32
      } else {
      }
      %scan3A_2340 = arith.constant 0 : i32
      scf.yield %scan3A_2340 : i32
    }
    %scan3A_55 = arith.constant 2 : i32
    %mul3A_56 = arith.constant 16 : i32
    %mul3A_57 = vector.broadcast %mul3A_56 : i32 to vector<16xi32>
    %mul3A_58 = arith.muli %iota3A, %mul3A_57 : vector<16xi32>
    %add3A_59 = arith.constant 0 : i32
    %add3A_60 = vector.broadcast %add3A_59 : i32 to vector<16xi32>
    %add3A_61 = arith.addi %add3A_60, %mul3A_58 : vector<16xi32>
    %gather3A = tpu.vector_load_idx %arg8[%add3A_61] : memref<3072xf32, #tpu.memory_space<vmem>>[vector<16xi32>], vector<16xf32>,
    %add3A_62 = arith.constant 0 : i32
    %add3A_63 = vector.broadcast %add3A_62 : i32 to vector<16xi32>
    %add3A_64 = arith.addi %add3A_63, %mul3A_58 : vector<16xi32>
    %add3A_65 = arith.constant 1 : i32
    %add3A_66 = vector.broadcast %add3A_65 : i32 to vector<16xi32>
    %add3A_67 = arith.addi %add3A_64, %add3A_66 : vector<16xi32>
    %gather3A_68 = tpu.vector_load_idx %arg8[%add3A_67] : memref<3072xf32, #tpu.memory_space<vmem>>[vector<16xi32>], vector<16xf32>,
    %add3A_69 = arith.addf %gather3A, %gather3A_68 : vector<16xf32>
    %add3A_70 = arith.constant 0 : i32
    %add3A_71 = vector.broadcast %add3A_70 : i32 to vector<16xi32>
    %add3A_72 = arith.addi %add3A_71, %mul3A_58 : vector<16xi32>
    %add3A_73 = arith.constant 2 : i32
    %add3A_74 = vector.broadcast %add3A_73 : i32 to vector<16xi32>
    %add3A_75 = arith.addi %add3A_72, %add3A_74 : vector<16xi32>
    %gather3A_76 = tpu.vector_load_idx %arg8[%add3A_75] : memref<3072xf32, #tpu.memory_space<vmem>>[vector<16xi32>], vector<16xf32>,
    %add3A_77 = arith.addf %add3A_69, %gather3A_76 : vector<16xf32>
    %add3A_78 = arith.constant 0 : i32
    %add3A_79 = vector.broadcast %add3A_78 : i32 to vector<16xi32>
    %add3A_80 = arith.addi %add3A_79, %mul3A_58 : vector<16xi32>
    %add3A_81 = arith.constant 3 : i32
    %add3A_82 = vector.broadcast %add3A_81 : i32 to vector<16xi32>
    %add3A_83 = arith.addi %add3A_80, %add3A_82 : vector<16xi32>
    %gather3A_84 = tpu.vector_load_idx %arg8[%add3A_83] : memref<3072xf32, #tpu.memory_space<vmem>>[vector<16xi32>], vector<16xf32>,
    %add3A_85 = arith.addf %add3A_77, %gather3A_84 : vector<16xf32>
    %add3A_86 = arith.constant 0 : i32
    %add3A_87 = vector.broadcast %add3A_86 : i32 to vector<16xi32>
    %add3A_88 = arith.addi %add3A_87, %mul3A_58 : vector<16xi32>
    %add3A_89 = arith.constant 4 : i32
    %add3A_90 = vector.broadcast %add3A_89 : i32 to vector<16xi32>
    %add3A_91 = arith.addi %add3A_88, %add3A_90 : vector<16xi32>
    %gather3A_92 = tpu.vector_load_idx %arg8[%add3A_91] : memref<3072xf32, #tpu.memory_space<vmem>>[vector<16xi32>], vector<16xf32>,
    %add3A_93 = arith.addf %add3A_85, %gather3A_92 : vector<16xf32>
    %add3A_94 = arith.constant 0 : i32
    %add3A_95 = vector.broadcast %add3A_94 : i32 to vector<16xi32>
    %add3A_96 = arith.addi %add3A_95, %mul3A_58 : vector<16xi32>
    %add3A_97 = arith.constant 5 : i32
    %add3A_98 = vector.broadcast %add3A_97 : i32 to vector<16xi32>
    %add3A_99 = arith.addi %add3A_96, %add3A_98 : vector<16xi32>
    %gather3A_100 = tpu.vector_load_idx %arg8[%add3A_99] : memref<3072xf32, #tpu.memory_space<vmem>>[vector<16xi32>], vector<16xf32>,
    %add3A_101 = arith.addf %add3A_93, %gather3A_100 : vector<16xf32>
    %add3A_102 = arith.constant 0 : i32
    %add3A_103 = vector.broadcast %add3A_102 : i32 to vector<16xi32>
    %add3A_104 = arith.addi %add3A_103, %mul3A_58 : vector<16xi32>
    %add3A_105 = arith.constant 6 : i32
    %add3A_106 = vector.broadcast %add3A_105 : i32 to vector<16xi32>
    %add3A_107 = arith.addi %add3A_104, %add3A_106 : vector<16xi32>
    %gather3A_108 = tpu.vector_load_idx %arg8[%add3A_107] : memref<3072xf32, #tpu.memory_space<vmem>>[vector<16xi32>], vector<16xf32>,
    %add3A_109 = arith.addf %add3A_101, %gather3A_108 : vector<16xf32>
    %add3A_110 = arith.constant 0 : i32
    %add3A_111 = vector.broadcast %add3A_110 : i32 to vector<16xi32>
    %add3A_112 = arith.addi %add3A_111, %mul3A_58 : vector<16xi32>
    %add3A_113 = arith.constant 7 : i32
    %add3A_114 = vector.broadcast %add3A_113 : i32 to vector<16xi32>
    %add3A_115 = arith.addi %add3A_112, %add3A_114 : vector<16xi32>
    %gather3A_116 = tpu.vector_load_idx %arg8[%add3A_115] : memref<3072xf32, #tpu.memory_space<vmem>>[vector<16xi32>], vector<16xf32>,
    %add3A_117 = arith.addf %add3A_109, %gather3A_116 : vector<16xf32>
    %add3A_118 = arith.constant 0 : i32
    %add3A_119 = vector.broadcast %add3A_118 : i32 to vector<16xi32>
    %add3A_120 = arith.addi %add3A_119, %mul3A_58 : vector<16xi32>
    %add3A_121 = arith.constant 8 : i32
    %add3A_122 = vector.broadcast %add3A_121 : i32 to vector<16xi32>
    %add3A_123 = arith.addi %add3A_120, %add3A_122 : vector<16xi32>
    %gather3A_124 = tpu.vector_load_idx %arg8[%add3A_123] : memref<3072xf32, #tpu.memory_space<vmem>>[vector<16xi32>], vector<16xf32>,
    %add3A_125 = arith.addf %add3A_117, %gather3A_124 : vector<16xf32>
    %add3A_126 = arith.constant 0 : i32
    %add3A_127 = vector.broadcast %add3A_126 : i32 to vector<16xi32>
    %add3A_128 = arith.addi %add3A_127, %mul3A_58 : vector<16xi32>
    %add3A_129 = arith.constant 9 : i32
    %add3A_130 = vector.broadcast %add3A_129 : i32 to vector<16xi32>
    %add3A_131 = arith.addi %add3A_128, %add3A_130 : vector<16xi32>
    %gather3A_132 = tpu.vector_load_idx %arg8[%add3A_131] : memref<3072xf32, #tpu.memory_space<vmem>>[vector<16xi32>], vector<16xf32>,
    %add3A_133 = arith.addf %add3A_125, %gather3A_132 : vector<16xf32>
    %add3A_134 = arith.constant 0 : i32
    %add3A_135 = vector.broadcast %add3A_134 : i32 to vector<16xi32>
    %add3A_136 = arith.addi %add3A_135, %mul3A_58 : vector<16xi32>
    %add3A_137 = arith.constant 10 : i32
    %add3A_138 = vector.broadcast %add3A_137 : i32 to vector<16xi32>
    %add3A_139 = arith.addi %add3A_136, %add3A_138 : vector<16xi32>
    %gather3A_140 = tpu.vector_load_idx %arg8[%add3A_139] : memref<3072xf32, #tpu.memory_space<vmem>>[vector<16xi32>], vector<16xf32>,
    %add3A_141 = arith.addf %add3A_133, %gather3A_140 : vector<16xf32>
    %add3A_142 = arith.constant 0 : i32
    %add3A_143 = vector.broadcast %add3A_142 : i32 to vector<16xi32>
    %add3A_144 = arith.addi %add3A_143, %mul3A_58 : vector<16xi32>
    %add3A_145 = arith.constant 11 : i32
    %add3A_146 = vector.broadcast %add3A_145 : i32 to vector<16xi32>
    %add3A_147 = arith.addi %add3A_144, %add3A_146 : vector<16xi32>
    %gather3A_148 = tpu.vector_load_idx %arg8[%add3A_147] : memref<3072xf32, #tpu.memory_space<vmem>>[vector<16xi32>], vector<16xf32>,
    %add3A_149 = arith.addf %add3A_141, %gather3A_148 : vector<16xf32>
    %add3A_150 = arith.constant 0 : i32
    %add3A_151 = vector.broadcast %add3A_150 : i32 to vector<16xi32>
    %add3A_152 = arith.addi %add3A_151, %mul3A_58 : vector<16xi32>
    %add3A_153 = arith.constant 12 : i32
    %add3A_154 = vector.broadcast %add3A_153 : i32 to vector<16xi32>
    %add3A_155 = arith.addi %add3A_152, %add3A_154 : vector<16xi32>
    %gather3A_156 = tpu.vector_load_idx %arg8[%add3A_155] : memref<3072xf32, #tpu.memory_space<vmem>>[vector<16xi32>], vector<16xf32>,
    %add3A_157 = arith.addf %add3A_149, %gather3A_156 : vector<16xf32>
    %add3A_158 = arith.constant 0 : i32
    %add3A_159 = vector.broadcast %add3A_158 : i32 to vector<16xi32>
    %add3A_160 = arith.addi %add3A_159, %mul3A_58 : vector<16xi32>
    %add3A_161 = arith.constant 13 : i32
    %add3A_162 = vector.broadcast %add3A_161 : i32 to vector<16xi32>
    %add3A_163 = arith.addi %add3A_160, %add3A_162 : vector<16xi32>
    %gather3A_164 = tpu.vector_load_idx %arg8[%add3A_163] : memref<3072xf32, #tpu.memory_space<vmem>>[vector<16xi32>], vector<16xf32>,
    %add3A_165 = arith.addf %add3A_157, %gather3A_164 : vector<16xf32>
    %add3A_166 = arith.constant 0 : i32
    %add3A_167 = vector.broadcast %add3A_166 : i32 to vector<16xi32>
    %add3A_168 = arith.addi %add3A_167, %mul3A_58 : vector<16xi32>
    %add3A_169 = arith.constant 14 : i32
    %add3A_170 = vector.broadcast %add3A_169 : i32 to vector<16xi32>
    %add3A_171 = arith.addi %add3A_168, %add3A_170 : vector<16xi32>
    %gather3A_172 = tpu.vector_load_idx %arg8[%add3A_171] : memref<3072xf32, #tpu.memory_space<vmem>>[vector<16xi32>], vector<16xf32>,
    %add3A_173 = arith.addf %add3A_165, %gather3A_172 : vector<16xf32>
    %add3A_174 = arith.constant 0 : i32
    %add3A_175 = vector.broadcast %add3A_174 : i32 to vector<16xi32>
    %add3A_176 = arith.addi %add3A_175, %mul3A_58 : vector<16xi32>
    %add3A_177 = arith.constant 15 : i32
    %add3A_178 = vector.broadcast %add3A_177 : i32 to vector<16xi32>
    %add3A_179 = arith.addi %add3A_176, %add3A_178 : vector<16xi32>
    %gather3A_180 = tpu.vector_load_idx %arg8[%add3A_179] : memref<3072xf32, #tpu.memory_space<vmem>>[vector<16xi32>], vector<16xf32>,
    %add3A_181 = arith.addf %add3A_173, %gather3A_180 : vector<16xf32>
    %swap3A = arith.constant 0 : index
    %swap3A_182 = tpu.vector_load %arg10[%swap3A] {strides = array<i32>} : memref<192xf32, #tpu.memory_space<vmem>>, vector<16xf32>,
    tpu.vector_store %arg10[%swap3A], %add3A_181 {strides = array<i32>} : memref<192xf32, #tpu.memory_space<vmem>>, vector<16xf32>,
    %add3A_183 = arith.constant 256 : i32
    %add3A_184 = vector.broadcast %add3A_183 : i32 to vector<16xi32>
    %add3A_185 = arith.addi %add3A_184, %mul3A_58 : vector<16xi32>
    %gather3A_186 = tpu.vector_load_idx %arg8[%add3A_185] : memref<3072xf32, #tpu.memory_space<vmem>>[vector<16xi32>], vector<16xf32>,
    %add3A_187 = arith.constant 256 : i32
    %add3A_188 = vector.broadcast %add3A_187 : i32 to vector<16xi32>
    %add3A_189 = arith.addi %add3A_188, %mul3A_58 : vector<16xi32>
    %add3A_190 = arith.constant 1 : i32
    %add3A_191 = vector.broadcast %add3A_190 : i32 to vector<16xi32>
    %add3A_192 = arith.addi %add3A_189, %add3A_191 : vector<16xi32>
    %gather3A_193 = tpu.vector_load_idx %arg8[%add3A_192] : memref<3072xf32, #tpu.memory_space<vmem>>[vector<16xi32>], vector<16xf32>,
    %add3A_194 = arith.addf %gather3A_186, %gather3A_193 : vector<16xf32>
    %add3A_195 = arith.constant 256 : i32
    %add3A_196 = vector.broadcast %add3A_195 : i32 to vector<16xi32>
    %add3A_197 = arith.addi %add3A_196, %mul3A_58 : vector<16xi32>
    %add3A_198 = arith.constant 2 : i32
    %add3A_199 = vector.broadcast %add3A_198 : i32 to vector<16xi32>
    %add3A_200 = arith.addi %add3A_197, %add3A_199 : vector<16xi32>
    %gather3A_201 = tpu.vector_load_idx %arg8[%add3A_200] : memref<3072xf32, #tpu.memory_space<vmem>>[vector<16xi32>], vector<16xf32>,
    %add3A_202 = arith.addf %add3A_194, %gather3A_201 : vector<16xf32>
    %add3A_203 = arith.constant 256 : i32
    %add3A_204 = vector.broadcast %add3A_203 : i32 to vector<16xi32>
    %add3A_205 = arith.addi %add3A_204, %mul3A_58 : vector<16xi32>
    %add3A_206 = arith.constant 3 : i32
    %add3A_207 = vector.broadcast %add3A_206 : i32 to vector<16xi32>
    %add3A_208 = arith.addi %add3A_205, %add3A_207 : vector<16xi32>
    %gather3A_209 = tpu.vector_load_idx %arg8[%add3A_208] : memref<3072xf32, #tpu.memory_space<vmem>>[vector<16xi32>], vector<16xf32>,
    %add3A_210 = arith.addf %add3A_202, %gather3A_209 : vector<16xf32>
    %add3A_211 = arith.constant 256 : i32
    %add3A_212 = vector.broadcast %add3A_211 : i32 to vector<16xi32>
    %add3A_213 = arith.addi %add3A_212, %mul3A_58 : vector<16xi32>
    %add3A_214 = arith.constant 4 : i32
    %add3A_215 = vector.broadcast %add3A_214 : i32 to vector<16xi32>
    %add3A_216 = arith.addi %add3A_213, %add3A_215 : vector<16xi32>
    %gather3A_217 = tpu.vector_load_idx %arg8[%add3A_216] : memref<3072xf32, #tpu.memory_space<vmem>>[vector<16xi32>], vector<16xf32>,
    %add3A_218 = arith.addf %add3A_210, %gather3A_217 : vector<16xf32>
    %add3A_219 = arith.constant 256 : i32
    %add3A_220 = vector.broadcast %add3A_219 : i32 to vector<16xi32>
    %add3A_221 = arith.addi %add3A_220, %mul3A_58 : vector<16xi32>
    %add3A_222 = arith.constant 5 : i32
    %add3A_223 = vector.broadcast %add3A_222 : i32 to vector<16xi32>
    %add3A_224 = arith.addi %add3A_221, %add3A_223 : vector<16xi32>
    %gather3A_225 = tpu.vector_load_idx %arg8[%add3A_224] : memref<3072xf32, #tpu.memory_space<vmem>>[vector<16xi32>], vector<16xf32>,
    %add3A_226 = arith.addf %add3A_218, %gather3A_225 : vector<16xf32>
    %add3A_227 = arith.constant 256 : i32
    %add3A_228 = vector.broadcast %add3A_227 : i32 to vector<16xi32>
    %add3A_229 = arith.addi %add3A_228, %mul3A_58 : vector<16xi32>
    %add3A_230 = arith.constant 6 : i32
    %add3A_231 = vector.broadcast %add3A_230 : i32 to vector<16xi32>
    %add3A_232 = arith.addi %add3A_229, %add3A_231 : vector<16xi32>
    %gather3A_233 = tpu.vector_load_idx %arg8[%add3A_232] : memref<3072xf32, #tpu.memory_space<vmem>>[vector<16xi32>], vector<16xf32>,
    %add3A_234 = arith.addf %add3A_226, %gather3A_233 : vector<16xf32>
    %add3A_235 = arith.constant 256 : i32
    %add3A_236 = vector.broadcast %add3A_235 : i32 to vector<16xi32>
    %add3A_237 = arith.addi %add3A_236, %mul3A_58 : vector<16xi32>
    %add3A_238 = arith.constant 7 : i32
    %add3A_239 = vector.broadcast %add3A_238 : i32 to vector<16xi32>
    %add3A_240 = arith.addi %add3A_237, %add3A_239 : vector<16xi32>
    %gather3A_241 = tpu.vector_load_idx %arg8[%add3A_240] : memref<3072xf32, #tpu.memory_space<vmem>>[vector<16xi32>], vector<16xf32>,
    %add3A_242 = arith.addf %add3A_234, %gather3A_241 : vector<16xf32>
    %add3A_243 = arith.constant 256 : i32
    %add3A_244 = vector.broadcast %add3A_243 : i32 to vector<16xi32>
    %add3A_245 = arith.addi %add3A_244, %mul3A_58 : vector<16xi32>
    %add3A_246 = arith.constant 8 : i32
    %add3A_247 = vector.broadcast %add3A_246 : i32 to vector<16xi32>
    %add3A_248 = arith.addi %add3A_245, %add3A_247 : vector<16xi32>
    %gather3A_249 = tpu.vector_load_idx %arg8[%add3A_248] : memref<3072xf32, #tpu.memory_space<vmem>>[vector<16xi32>], vector<16xf32>,
    %add3A_250 = arith.addf %add3A_242, %gather3A_249 : vector<16xf32>
    %add3A_251 = arith.constant 256 : i32
    %add3A_252 = vector.broadcast %add3A_251 : i32 to vector<16xi32>
    %add3A_253 = arith.addi %add3A_252, %mul3A_58 : vector<16xi32>
    %add3A_254 = arith.constant 9 : i32
    %add3A_255 = vector.broadcast %add3A_254 : i32 to vector<16xi32>
    %add3A_256 = arith.addi %add3A_253, %add3A_255 : vector<16xi32>
    %gather3A_257 = tpu.vector_load_idx %arg8[%add3A_256] : memref<3072xf32, #tpu.memory_space<vmem>>[vector<16xi32>], vector<16xf32>,
    %add3A_258 = arith.addf %add3A_250, %gather3A_257 : vector<16xf32>
    %add3A_259 = arith.constant 256 : i32
    %add3A_260 = vector.broadcast %add3A_259 : i32 to vector<16xi32>
    %add3A_261 = arith.addi %add3A_260, %mul3A_58 : vector<16xi32>
    %add3A_262 = arith.constant 10 : i32
    %add3A_263 = vector.broadcast %add3A_262 : i32 to vector<16xi32>
    %add3A_264 = arith.addi %add3A_261, %add3A_263 : vector<16xi32>
    %gather3A_265 = tpu.vector_load_idx %arg8[%add3A_264] : memref<3072xf32, #tpu.memory_space<vmem>>[vector<16xi32>], vector<16xf32>,
    %add3A_266 = arith.addf %add3A_258, %gather3A_265 : vector<16xf32>
    %add3A_267 = arith.constant 256 : i32
    %add3A_268 = vector.broadcast %add3A_267 : i32 to vector<16xi32>
    %add3A_269 = arith.addi %add3A_268, %mul3A_58 : vector<16xi32>
    %add3A_270 = arith.constant 11 : i32
    %add3A_271 = vector.broadcast %add3A_270 : i32 to vector<16xi32>
    %add3A_272 = arith.addi %add3A_269, %add3A_271 : vector<16xi32>
    %gather3A_273 = tpu.vector_load_idx %arg8[%add3A_272] : memref<3072xf32, #tpu.memory_space<vmem>>[vector<16xi32>], vector<16xf32>,
    %add3A_274 = arith.addf %add3A_266, %gather3A_273 : vector<16xf32>
    %add3A_275 = arith.constant 256 : i32
    %add3A_276 = vector.broadcast %add3A_275 : i32 to vector<16xi32>
    %add3A_277 = arith.addi %add3A_276, %mul3A_58 : vector<16xi32>
    %add3A_278 = arith.constant 12 : i32
    %add3A_279 = vector.broadcast %add3A_278 : i32 to vector<16xi32>
    %add3A_280 = arith.addi %add3A_277, %add3A_279 : vector<16xi32>
    %gather3A_281 = tpu.vector_load_idx %arg8[%add3A_280] : memref<3072xf32, #tpu.memory_space<vmem>>[vector<16xi32>], vector<16xf32>,
    %add3A_282 = arith.addf %add3A_274, %gather3A_281 : vector<16xf32>
    %add3A_283 = arith.constant 256 : i32
    %add3A_284 = vector.broadcast %add3A_283 : i32 to vector<16xi32>
    %add3A_285 = arith.addi %add3A_284, %mul3A_58 : vector<16xi32>
    %add3A_286 = arith.constant 13 : i32
    %add3A_287 = vector.broadcast %add3A_286 : i32 to vector<16xi32>
    %add3A_288 = arith.addi %add3A_285, %add3A_287 : vector<16xi32>
    %gather3A_289 = tpu.vector_load_idx %arg8[%add3A_288] : memref<3072xf32, #tpu.memory_space<vmem>>[vector<16xi32>], vector<16xf32>,
    %add3A_290 = arith.addf %add3A_282, %gather3A_289 : vector<16xf32>
    %add3A_291 = arith.constant 256 : i32
    %add3A_292 = vector.broadcast %add3A_291 : i32 to vector<16xi32>
    %add3A_293 = arith.addi %add3A_292, %mul3A_58 : vector<16xi32>
    %add3A_294 = arith.constant 14 : i32
    %add3A_295 = vector.broadcast %add3A_294 : i32 to vector<16xi32>
    %add3A_296 = arith.addi %add3A_293, %add3A_295 : vector<16xi32>
    %gather3A_297 = tpu.vector_load_idx %arg8[%add3A_296] : memref<3072xf32, #tpu.memory_space<vmem>>[vector<16xi32>], vector<16xf32>,
    %add3A_298 = arith.addf %add3A_290, %gather3A_297 : vector<16xf32>
    %add3A_299 = arith.constant 256 : i32
    %add3A_300 = vector.broadcast %add3A_299 : i32 to vector<16xi32>
    %add3A_301 = arith.addi %add3A_300, %mul3A_58 : vector<16xi32>
    %add3A_302 = arith.constant 15 : i32
    %add3A_303 = vector.broadcast %add3A_302 : i32 to vector<16xi32>
    %add3A_304 = arith.addi %add3A_301, %add3A_303 : vector<16xi32>
    %gather3A_305 = tpu.vector_load_idx %arg8[%add3A_304] : memref<3072xf32, #tpu.memory_space<vmem>>[vector<16xi32>], vector<16xf32>,
    %add3A_306 = arith.addf %add3A_298, %gather3A_305 : vector<16xf32>
    %swap3A_307 = arith.constant 16 : index
    %swap3A_308 = tpu.vector_load %arg10[%swap3A_307] {strides = array<i32>} : memref<192xf32, #tpu.memory_space<vmem>>, vector<16xf32>,
    tpu.vector_store %arg10[%swap3A_307], %add3A_306 {strides = array<i32>} : memref<192xf32, #tpu.memory_space<vmem>>, vector<16xf32>,
    %add3A_309 = arith.constant 512 : i32
    %add3A_310 = vector.broadcast %add3A_309 : i32 to vector<16xi32>
    %add3A_311 = arith.addi %add3A_310, %mul3A_58 : vector<16xi32>
    %gather3A_312 = tpu.vector_load_idx %arg8[%add3A_311] : memref<3072xf32, #tpu.memory_space<vmem>>[vector<16xi32>], vector<16xf32>,
    %add3A_313 = arith.constant 512 : i32
    %add3A_314 = vector.broadcast %add3A_313 : i32 to vector<16xi32>
    %add3A_315 = arith.addi %add3A_314, %mul3A_58 : vector<16xi32>
    %add3A_316 = arith.constant 1 : i32
    %add3A_317 = vector.broadcast %add3A_316 : i32 to vector<16xi32>
    %add3A_318 = arith.addi %add3A_315, %add3A_317 : vector<16xi32>
    %gather3A_319 = tpu.vector_load_idx %arg8[%add3A_318] : memref<3072xf32, #tpu.memory_space<vmem>>[vector<16xi32>], vector<16xf32>,
    %add3A_320 = arith.addf %gather3A_312, %gather3A_319 : vector<16xf32>
    %add3A_321 = arith.constant 512 : i32
    %add3A_322 = vector.broadcast %add3A_321 : i32 to vector<16xi32>
    %add3A_323 = arith.addi %add3A_322, %mul3A_58 : vector<16xi32>
    %add3A_324 = arith.constant 2 : i32
    %add3A_325 = vector.broadcast %add3A_324 : i32 to vector<16xi32>
    %add3A_326 = arith.addi %add3A_323, %add3A_325 : vector<16xi32>
    %gather3A_327 = tpu.vector_load_idx %arg8[%add3A_326] : memref<3072xf32, #tpu.memory_space<vmem>>[vector<16xi32>], vector<16xf32>,
    %add3A_328 = arith.addf %add3A_320, %gather3A_327 : vector<16xf32>
    %add3A_329 = arith.constant 512 : i32
    %add3A_330 = vector.broadcast %add3A_329 : i32 to vector<16xi32>
    %add3A_331 = arith.addi %add3A_330, %mul3A_58 : vector<16xi32>
    %add3A_332 = arith.constant 3 : i32
    %add3A_333 = vector.broadcast %add3A_332 : i32 to vector<16xi32>
    %add3A_334 = arith.addi %add3A_331, %add3A_333 : vector<16xi32>
    %gather3A_335 = tpu.vector_load_idx %arg8[%add3A_334] : memref<3072xf32, #tpu.memory_space<vmem>>[vector<16xi32>], vector<16xf32>,
    %add3A_336 = arith.addf %add3A_328, %gather3A_335 : vector<16xf32>
    %add3A_337 = arith.constant 512 : i32
    %add3A_338 = vector.broadcast %add3A_337 : i32 to vector<16xi32>
    %add3A_339 = arith.addi %add3A_338, %mul3A_58 : vector<16xi32>
    %add3A_340 = arith.constant 4 : i32
    %add3A_341 = vector.broadcast %add3A_340 : i32 to vector<16xi32>
    %add3A_342 = arith.addi %add3A_339, %add3A_341 : vector<16xi32>
    %gather3A_343 = tpu.vector_load_idx %arg8[%add3A_342] : memref<3072xf32, #tpu.memory_space<vmem>>[vector<16xi32>], vector<16xf32>,
    %add3A_344 = arith.addf %add3A_336, %gather3A_343 : vector<16xf32>
    %add3A_345 = arith.constant 512 : i32
    %add3A_346 = vector.broadcast %add3A_345 : i32 to vector<16xi32>
    %add3A_347 = arith.addi %add3A_346, %mul3A_58 : vector<16xi32>
    %add3A_348 = arith.constant 5 : i32
    %add3A_349 = vector.broadcast %add3A_348 : i32 to vector<16xi32>
    %add3A_350 = arith.addi %add3A_347, %add3A_349 : vector<16xi32>
    %gather3A_351 = tpu.vector_load_idx %arg8[%add3A_350] : memref<3072xf32, #tpu.memory_space<vmem>>[vector<16xi32>], vector<16xf32>,
    %add3A_352 = arith.addf %add3A_344, %gather3A_351 : vector<16xf32>
    %add3A_353 = arith.constant 512 : i32
    %add3A_354 = vector.broadcast %add3A_353 : i32 to vector<16xi32>
    %add3A_355 = arith.addi %add3A_354, %mul3A_58 : vector<16xi32>
    %add3A_356 = arith.constant 6 : i32
    %add3A_357 = vector.broadcast %add3A_356 : i32 to vector<16xi32>
    %add3A_358 = arith.addi %add3A_355, %add3A_357 : vector<16xi32>
    %gather3A_359 = tpu.vector_load_idx %arg8[%add3A_358] : memref<3072xf32, #tpu.memory_space<vmem>>[vector<16xi32>], vector<16xf32>,
    %add3A_360 = arith.addf %add3A_352, %gather3A_359 : vector<16xf32>
    %add3A_361 = arith.constant 512 : i32
    %add3A_362 = vector.broadcast %add3A_361 : i32 to vector<16xi32>
    %add3A_363 = arith.addi %add3A_362, %mul3A_58 : vector<16xi32>
    %add3A_364 = arith.constant 7 : i32
    %add3A_365 = vector.broadcast %add3A_364 : i32 to vector<16xi32>
    %add3A_366 = arith.addi %add3A_363, %add3A_365 : vector<16xi32>
    %gather3A_367 = tpu.vector_load_idx %arg8[%add3A_366] : memref<3072xf32, #tpu.memory_space<vmem>>[vector<16xi32>], vector<16xf32>,
    %add3A_368 = arith.addf %add3A_360, %gather3A_367 : vector<16xf32>
    %add3A_369 = arith.constant 512 : i32
    %add3A_370 = vector.broadcast %add3A_369 : i32 to vector<16xi32>
    %add3A_371 = arith.addi %add3A_370, %mul3A_58 : vector<16xi32>
    %add3A_372 = arith.constant 8 : i32
    %add3A_373 = vector.broadcast %add3A_372 : i32 to vector<16xi32>
    %add3A_374 = arith.addi %add3A_371, %add3A_373 : vector<16xi32>
    %gather3A_375 = tpu.vector_load_idx %arg8[%add3A_374] : memref<3072xf32, #tpu.memory_space<vmem>>[vector<16xi32>], vector<16xf32>,
    %add3A_376 = arith.addf %add3A_368, %gather3A_375 : vector<16xf32>
    %add3A_377 = arith.constant 512 : i32
    %add3A_378 = vector.broadcast %add3A_377 : i32 to vector<16xi32>
    %add3A_379 = arith.addi %add3A_378, %mul3A_58 : vector<16xi32>
    %add3A_380 = arith.constant 9 : i32
    %add3A_381 = vector.broadcast %add3A_380 : i32 to vector<16xi32>
    %add3A_382 = arith.addi %add3A_379, %add3A_381 : vector<16xi32>
    %gather3A_383 = tpu.vector_load_idx %arg8[%add3A_382] : memref<3072xf32, #tpu.memory_space<vmem>>[vector<16xi32>], vector<16xf32>,
    %add3A_384 = arith.addf %add3A_376, %gather3A_383 : vector<16xf32>
    %add3A_385 = arith.constant 512 : i32
    %add3A_386 = vector.broadcast %add3A_385 : i32 to vector<16xi32>
    %add3A_387 = arith.addi %add3A_386, %mul3A_58 : vector<16xi32>
    %add3A_388 = arith.constant 10 : i32
    %add3A_389 = vector.broadcast %add3A_388 : i32 to vector<16xi32>
    %add3A_390 = arith.addi %add3A_387, %add3A_389 : vector<16xi32>
    %gather3A_391 = tpu.vector_load_idx %arg8[%add3A_390] : memref<3072xf32, #tpu.memory_space<vmem>>[vector<16xi32>], vector<16xf32>,
    %add3A_392 = arith.addf %add3A_384, %gather3A_391 : vector<16xf32>
    %add3A_393 = arith.constant 512 : i32
    %add3A_394 = vector.broadcast %add3A_393 : i32 to vector<16xi32>
    %add3A_395 = arith.addi %add3A_394, %mul3A_58 : vector<16xi32>
    %add3A_396 = arith.constant 11 : i32
    %add3A_397 = vector.broadcast %add3A_396 : i32 to vector<16xi32>
    %add3A_398 = arith.addi %add3A_395, %add3A_397 : vector<16xi32>
    %gather3A_399 = tpu.vector_load_idx %arg8[%add3A_398] : memref<3072xf32, #tpu.memory_space<vmem>>[vector<16xi32>], vector<16xf32>,
    %add3A_400 = arith.addf %add3A_392, %gather3A_399 : vector<16xf32>
    %add3A_401 = arith.constant 512 : i32
    %add3A_402 = vector.broadcast %add3A_401 : i32 to vector<16xi32>
    %add3A_403 = arith.addi %add3A_402, %mul3A_58 : vector<16xi32>
    %add3A_404 = arith.constant 12 : i32
    %add3A_405 = vector.broadcast %add3A_404 : i32 to vector<16xi32>
    %add3A_406 = arith.addi %add3A_403, %add3A_405 : vector<16xi32>
    %gather3A_407 = tpu.vector_load_idx %arg8[%add3A_406] : memref<3072xf32, #tpu.memory_space<vmem>>[vector<16xi32>], vector<16xf32>,
    %add3A_408 = arith.addf %add3A_400, %gather3A_407 : vector<16xf32>
    %add3A_409 = arith.constant 512 : i32
    %add3A_410 = vector.broadcast %add3A_409 : i32 to vector<16xi32>
    %add3A_411 = arith.addi %add3A_410, %mul3A_58 : vector<16xi32>
    %add3A_412 = arith.constant 13 : i32
    %add3A_413 = vector.broadcast %add3A_412 : i32 to vector<16xi32>
    %add3A_414 = arith.addi %add3A_411, %add3A_413 : vector<16xi32>
    %gather3A_415 = tpu.vector_load_idx %arg8[%add3A_414] : memref<3072xf32, #tpu.memory_space<vmem>>[vector<16xi32>], vector<16xf32>,
    %add3A_416 = arith.addf %add3A_408, %gather3A_415 : vector<16xf32>
    %add3A_417 = arith.constant 512 : i32
    %add3A_418 = vector.broadcast %add3A_417 : i32 to vector<16xi32>
    %add3A_419 = arith.addi %add3A_418, %mul3A_58 : vector<16xi32>
    %add3A_420 = arith.constant 14 : i32
    %add3A_421 = vector.broadcast %add3A_420 : i32 to vector<16xi32>
    %add3A_422 = arith.addi %add3A_419, %add3A_421 : vector<16xi32>
    %gather3A_423 = tpu.vector_load_idx %arg8[%add3A_422] : memref<3072xf32, #tpu.memory_space<vmem>>[vector<16xi32>], vector<16xf32>,
    %add3A_424 = arith.addf %add3A_416, %gather3A_423 : vector<16xf32>
    %add3A_425 = arith.constant 512 : i32
    %add3A_426 = vector.broadcast %add3A_425 : i32 to vector<16xi32>
    %add3A_427 = arith.addi %add3A_426, %mul3A_58 : vector<16xi32>
    %add3A_428 = arith.constant 15 : i32
    %add3A_429 = vector.broadcast %add3A_428 : i32 to vector<16xi32>
    %add3A_430 = arith.addi %add3A_427, %add3A_429 : vector<16xi32>
    %gather3A_431 = tpu.vector_load_idx %arg8[%add3A_430] : memref<3072xf32, #tpu.memory_space<vmem>>[vector<16xi32>], vector<16xf32>,
    %add3A_432 = arith.addf %add3A_424, %gather3A_431 : vector<16xf32>
    %swap3A_433 = arith.constant 32 : index
    %swap3A_434 = tpu.vector_load %arg10[%swap3A_433] {strides = array<i32>} : memref<192xf32, #tpu.memory_space<vmem>>, vector<16xf32>,
    tpu.vector_store %arg10[%swap3A_433], %add3A_432 {strides = array<i32>} : memref<192xf32, #tpu.memory_space<vmem>>, vector<16xf32>,
    %add3A_435 = arith.constant 768 : i32
    %add3A_436 = vector.broadcast %add3A_435 : i32 to vector<16xi32>
    %add3A_437 = arith.addi %add3A_436, %mul3A_58 : vector<16xi32>
    %gather3A_438 = tpu.vector_load_idx %arg8[%add3A_437] : memref<3072xf32, #tpu.memory_space<vmem>>[vector<16xi32>], vector<16xf32>,
    %add3A_439 = arith.constant 768 : i32
    %add3A_440 = vector.broadcast %add3A_439 : i32 to vector<16xi32>
    %add3A_441 = arith.addi %add3A_440, %mul3A_58 : vector<16xi32>
    %add3A_442 = arith.constant 1 : i32
    %add3A_443 = vector.broadcast %add3A_442 : i32 to vector<16xi32>
    %add3A_444 = arith.addi %add3A_441, %add3A_443 : vector<16xi32>
    %gather3A_445 = tpu.vector_load_idx %arg8[%add3A_444] : memref<3072xf32, #tpu.memory_space<vmem>>[vector<16xi32>], vector<16xf32>,
    %add3A_446 = arith.addf %gather3A_438, %gather3A_445 : vector<16xf32>
    %add3A_447 = arith.constant 768 : i32
    %add3A_448 = vector.broadcast %add3A_447 : i32 to vector<16xi32>
    %add3A_449 = arith.addi %add3A_448, %mul3A_58 : vector<16xi32>
    %add3A_450 = arith.constant 2 : i32
    %add3A_451 = vector.broadcast %add3A_450 : i32 to vector<16xi32>
    %add3A_452 = arith.addi %add3A_449, %add3A_451 : vector<16xi32>
    %gather3A_453 = tpu.vector_load_idx %arg8[%add3A_452] : memref<3072xf32, #tpu.memory_space<vmem>>[vector<16xi32>], vector<16xf32>,
    %add3A_454 = arith.addf %add3A_446, %gather3A_453 : vector<16xf32>
    %add3A_455 = arith.constant 768 : i32
    %add3A_456 = vector.broadcast %add3A_455 : i32 to vector<16xi32>
    %add3A_457 = arith.addi %add3A_456, %mul3A_58 : vector<16xi32>
    %add3A_458 = arith.constant 3 : i32
    %add3A_459 = vector.broadcast %add3A_458 : i32 to vector<16xi32>
    %add3A_460 = arith.addi %add3A_457, %add3A_459 : vector<16xi32>
    %gather3A_461 = tpu.vector_load_idx %arg8[%add3A_460] : memref<3072xf32, #tpu.memory_space<vmem>>[vector<16xi32>], vector<16xf32>,
    %add3A_462 = arith.addf %add3A_454, %gather3A_461 : vector<16xf32>
    %add3A_463 = arith.constant 768 : i32
    %add3A_464 = vector.broadcast %add3A_463 : i32 to vector<16xi32>
    %add3A_465 = arith.addi %add3A_464, %mul3A_58 : vector<16xi32>
    %add3A_466 = arith.constant 4 : i32
    %add3A_467 = vector.broadcast %add3A_466 : i32 to vector<16xi32>
    %add3A_468 = arith.addi %add3A_465, %add3A_467 : vector<16xi32>
    %gather3A_469 = tpu.vector_load_idx %arg8[%add3A_468] : memref<3072xf32, #tpu.memory_space<vmem>>[vector<16xi32>], vector<16xf32>,
    %add3A_470 = arith.addf %add3A_462, %gather3A_469 : vector<16xf32>
    %add3A_471 = arith.constant 768 : i32
    %add3A_472 = vector.broadcast %add3A_471 : i32 to vector<16xi32>
    %add3A_473 = arith.addi %add3A_472, %mul3A_58 : vector<16xi32>
    %add3A_474 = arith.constant 5 : i32
    %add3A_475 = vector.broadcast %add3A_474 : i32 to vector<16xi32>
    %add3A_476 = arith.addi %add3A_473, %add3A_475 : vector<16xi32>
    %gather3A_477 = tpu.vector_load_idx %arg8[%add3A_476] : memref<3072xf32, #tpu.memory_space<vmem>>[vector<16xi32>], vector<16xf32>,
    %add3A_478 = arith.addf %add3A_470, %gather3A_477 : vector<16xf32>
    %add3A_479 = arith.constant 768 : i32
    %add3A_480 = vector.broadcast %add3A_479 : i32 to vector<16xi32>
    %add3A_481 = arith.addi %add3A_480, %mul3A_58 : vector<16xi32>
    %add3A_482 = arith.constant 6 : i32
    %add3A_483 = vector.broadcast %add3A_482 : i32 to vector<16xi32>
    %add3A_484 = arith.addi %add3A_481, %add3A_483 : vector<16xi32>
    %gather3A_485 = tpu.vector_load_idx %arg8[%add3A_484] : memref<3072xf32, #tpu.memory_space<vmem>>[vector<16xi32>], vector<16xf32>,
    %add3A_486 = arith.addf %add3A_478, %gather3A_485 : vector<16xf32>
    %add3A_487 = arith.constant 768 : i32
    %add3A_488 = vector.broadcast %add3A_487 : i32 to vector<16xi32>
    %add3A_489 = arith.addi %add3A_488, %mul3A_58 : vector<16xi32>
    %add3A_490 = arith.constant 7 : i32
    %add3A_491 = vector.broadcast %add3A_490 : i32 to vector<16xi32>
    %add3A_492 = arith.addi %add3A_489, %add3A_491 : vector<16xi32>
    %gather3A_493 = tpu.vector_load_idx %arg8[%add3A_492] : memref<3072xf32, #tpu.memory_space<vmem>>[vector<16xi32>], vector<16xf32>,
    %add3A_494 = arith.addf %add3A_486, %gather3A_493 : vector<16xf32>
    %add3A_495 = arith.constant 768 : i32
    %add3A_496 = vector.broadcast %add3A_495 : i32 to vector<16xi32>
    %add3A_497 = arith.addi %add3A_496, %mul3A_58 : vector<16xi32>
    %add3A_498 = arith.constant 8 : i32
    %add3A_499 = vector.broadcast %add3A_498 : i32 to vector<16xi32>
    %add3A_500 = arith.addi %add3A_497, %add3A_499 : vector<16xi32>
    %gather3A_501 = tpu.vector_load_idx %arg8[%add3A_500] : memref<3072xf32, #tpu.memory_space<vmem>>[vector<16xi32>], vector<16xf32>,
    %add3A_502 = arith.addf %add3A_494, %gather3A_501 : vector<16xf32>
    %add3A_503 = arith.constant 768 : i32
    %add3A_504 = vector.broadcast %add3A_503 : i32 to vector<16xi32>
    %add3A_505 = arith.addi %add3A_504, %mul3A_58 : vector<16xi32>
    %add3A_506 = arith.constant 9 : i32
    %add3A_507 = vector.broadcast %add3A_506 : i32 to vector<16xi32>
    %add3A_508 = arith.addi %add3A_505, %add3A_507 : vector<16xi32>
    %gather3A_509 = tpu.vector_load_idx %arg8[%add3A_508] : memref<3072xf32, #tpu.memory_space<vmem>>[vector<16xi32>], vector<16xf32>,
    %add3A_510 = arith.addf %add3A_502, %gather3A_509 : vector<16xf32>
    %add3A_511 = arith.constant 768 : i32
    %add3A_512 = vector.broadcast %add3A_511 : i32 to vector<16xi32>
    %add3A_513 = arith.addi %add3A_512, %mul3A_58 : vector<16xi32>
    %add3A_514 = arith.constant 10 : i32
    %add3A_515 = vector.broadcast %add3A_514 : i32 to vector<16xi32>
    %add3A_516 = arith.addi %add3A_513, %add3A_515 : vector<16xi32>
    %gather3A_517 = tpu.vector_load_idx %arg8[%add3A_516] : memref<3072xf32, #tpu.memory_space<vmem>>[vector<16xi32>], vector<16xf32>,
    %add3A_518 = arith.addf %add3A_510, %gather3A_517 : vector<16xf32>
    %add3A_519 = arith.constant 768 : i32
    %add3A_520 = vector.broadcast %add3A_519 : i32 to vector<16xi32>
    %add3A_521 = arith.addi %add3A_520, %mul3A_58 : vector<16xi32>
    %add3A_522 = arith.constant 11 : i32
    %add3A_523 = vector.broadcast %add3A_522 : i32 to vector<16xi32>
    %add3A_524 = arith.addi %add3A_521, %add3A_523 : vector<16xi32>
    %gather3A_525 = tpu.vector_load_idx %arg8[%add3A_524] : memref<3072xf32, #tpu.memory_space<vmem>>[vector<16xi32>], vector<16xf32>,
    %add3A_526 = arith.addf %add3A_518, %gather3A_525 : vector<16xf32>
    %add3A_527 = arith.constant 768 : i32
    %add3A_528 = vector.broadcast %add3A_527 : i32 to vector<16xi32>
    %add3A_529 = arith.addi %add3A_528, %mul3A_58 : vector<16xi32>
    %add3A_530 = arith.constant 12 : i32
    %add3A_531 = vector.broadcast %add3A_530 : i32 to vector<16xi32>
    %add3A_532 = arith.addi %add3A_529, %add3A_531 : vector<16xi32>
    %gather3A_533 = tpu.vector_load_idx %arg8[%add3A_532] : memref<3072xf32, #tpu.memory_space<vmem>>[vector<16xi32>], vector<16xf32>,
    %add3A_534 = arith.addf %add3A_526, %gather3A_533 : vector<16xf32>
    %add3A_535 = arith.constant 768 : i32
    %add3A_536 = vector.broadcast %add3A_535 : i32 to vector<16xi32>
    %add3A_537 = arith.addi %add3A_536, %mul3A_58 : vector<16xi32>
    %add3A_538 = arith.constant 13 : i32
    %add3A_539 = vector.broadcast %add3A_538 : i32 to vector<16xi32>
    %add3A_540 = arith.addi %add3A_537, %add3A_539 : vector<16xi32>
    %gather3A_541 = tpu.vector_load_idx %arg8[%add3A_540] : memref<3072xf32, #tpu.memory_space<vmem>>[vector<16xi32>], vector<16xf32>,
    %add3A_542 = arith.addf %add3A_534, %gather3A_541 : vector<16xf32>
    %add3A_543 = arith.constant 768 : i32
    %add3A_544 = vector.broadcast %add3A_543 : i32 to vector<16xi32>
    %add3A_545 = arith.addi %add3A_544, %mul3A_58 : vector<16xi32>
    %add3A_546 = arith.constant 14 : i32
    %add3A_547 = vector.broadcast %add3A_546 : i32 to vector<16xi32>
    %add3A_548 = arith.addi %add3A_545, %add3A_547 : vector<16xi32>
    %gather3A_549 = tpu.vector_load_idx %arg8[%add3A_548] : memref<3072xf32, #tpu.memory_space<vmem>>[vector<16xi32>], vector<16xf32>,
    %add3A_550 = arith.addf %add3A_542, %gather3A_549 : vector<16xf32>
    %add3A_551 = arith.constant 768 : i32
    %add3A_552 = vector.broadcast %add3A_551 : i32 to vector<16xi32>
    %add3A_553 = arith.addi %add3A_552, %mul3A_58 : vector<16xi32>
    %add3A_554 = arith.constant 15 : i32
    %add3A_555 = vector.broadcast %add3A_554 : i32 to vector<16xi32>
    %add3A_556 = arith.addi %add3A_553, %add3A_555 : vector<16xi32>
    %gather3A_557 = tpu.vector_load_idx %arg8[%add3A_556] : memref<3072xf32, #tpu.memory_space<vmem>>[vector<16xi32>], vector<16xf32>,
    %add3A_558 = arith.addf %add3A_550, %gather3A_557 : vector<16xf32>
    %swap3A_559 = arith.constant 48 : index
    %swap3A_560 = tpu.vector_load %arg10[%swap3A_559] {strides = array<i32>} : memref<192xf32, #tpu.memory_space<vmem>>, vector<16xf32>,
    tpu.vector_store %arg10[%swap3A_559], %add3A_558 {strides = array<i32>} : memref<192xf32, #tpu.memory_space<vmem>>, vector<16xf32>,
    %add3A_561 = arith.constant 1024 : i32
    %add3A_562 = vector.broadcast %add3A_561 : i32 to vector<16xi32>
    %add3A_563 = arith.addi %add3A_562, %mul3A_58 : vector<16xi32>
    %gather3A_564 = tpu.vector_load_idx %arg8[%add3A_563] : memref<3072xf32, #tpu.memory_space<vmem>>[vector<16xi32>], vector<16xf32>,
    %add3A_565 = arith.constant 1024 : i32
    %add3A_566 = vector.broadcast %add3A_565 : i32 to vector<16xi32>
    %add3A_567 = arith.addi %add3A_566, %mul3A_58 : vector<16xi32>
    %add3A_568 = arith.constant 1 : i32
    %add3A_569 = vector.broadcast %add3A_568 : i32 to vector<16xi32>
    %add3A_570 = arith.addi %add3A_567, %add3A_569 : vector<16xi32>
    %gather3A_571 = tpu.vector_load_idx %arg8[%add3A_570] : memref<3072xf32, #tpu.memory_space<vmem>>[vector<16xi32>], vector<16xf32>,
    %add3A_572 = arith.addf %gather3A_564, %gather3A_571 : vector<16xf32>
    %add3A_573 = arith.constant 1024 : i32
    %add3A_574 = vector.broadcast %add3A_573 : i32 to vector<16xi32>
    %add3A_575 = arith.addi %add3A_574, %mul3A_58 : vector<16xi32>
    %add3A_576 = arith.constant 2 : i32
    %add3A_577 = vector.broadcast %add3A_576 : i32 to vector<16xi32>
    %add3A_578 = arith.addi %add3A_575, %add3A_577 : vector<16xi32>
    %gather3A_579 = tpu.vector_load_idx %arg8[%add3A_578] : memref<3072xf32, #tpu.memory_space<vmem>>[vector<16xi32>], vector<16xf32>,
    %add3A_580 = arith.addf %add3A_572, %gather3A_579 : vector<16xf32>
    %add3A_581 = arith.constant 1024 : i32
    %add3A_582 = vector.broadcast %add3A_581 : i32 to vector<16xi32>
    %add3A_583 = arith.addi %add3A_582, %mul3A_58 : vector<16xi32>
    %add3A_584 = arith.constant 3 : i32
    %add3A_585 = vector.broadcast %add3A_584 : i32 to vector<16xi32>
    %add3A_586 = arith.addi %add3A_583, %add3A_585 : vector<16xi32>
    %gather3A_587 = tpu.vector_load_idx %arg8[%add3A_586] : memref<3072xf32, #tpu.memory_space<vmem>>[vector<16xi32>], vector<16xf32>,
    %add3A_588 = arith.addf %add3A_580, %gather3A_587 : vector<16xf32>
    %add3A_589 = arith.constant 1024 : i32
    %add3A_590 = vector.broadcast %add3A_589 : i32 to vector<16xi32>
    %add3A_591 = arith.addi %add3A_590, %mul3A_58 : vector<16xi32>
    %add3A_592 = arith.constant 4 : i32
    %add3A_593 = vector.broadcast %add3A_592 : i32 to vector<16xi32>
    %add3A_594 = arith.addi %add3A_591, %add3A_593 : vector<16xi32>
    %gather3A_595 = tpu.vector_load_idx %arg8[%add3A_594] : memref<3072xf32, #tpu.memory_space<vmem>>[vector<16xi32>], vector<16xf32>,
    %add3A_596 = arith.addf %add3A_588, %gather3A_595 : vector<16xf32>
    %add3A_597 = arith.constant 1024 : i32
    %add3A_598 = vector.broadcast %add3A_597 : i32 to vector<16xi32>
    %add3A_599 = arith.addi %add3A_598, %mul3A_58 : vector<16xi32>
    %add3A_600 = arith.constant 5 : i32
    %add3A_601 = vector.broadcast %add3A_600 : i32 to vector<16xi32>
    %add3A_602 = arith.addi %add3A_599, %add3A_601 : vector<16xi32>
    %gather3A_603 = tpu.vector_load_idx %arg8[%add3A_602] : memref<3072xf32, #tpu.memory_space<vmem>>[vector<16xi32>], vector<16xf32>,
    %add3A_604 = arith.addf %add3A_596, %gather3A_603 : vector<16xf32>
    %add3A_605 = arith.constant 1024 : i32
    %add3A_606 = vector.broadcast %add3A_605 : i32 to vector<16xi32>
    %add3A_607 = arith.addi %add3A_606, %mul3A_58 : vector<16xi32>
    %add3A_608 = arith.constant 6 : i32
    %add3A_609 = vector.broadcast %add3A_608 : i32 to vector<16xi32>
    %add3A_610 = arith.addi %add3A_607, %add3A_609 : vector<16xi32>
    %gather3A_611 = tpu.vector_load_idx %arg8[%add3A_610] : memref<3072xf32, #tpu.memory_space<vmem>>[vector<16xi32>], vector<16xf32>,
    %add3A_612 = arith.addf %add3A_604, %gather3A_611 : vector<16xf32>
    %add3A_613 = arith.constant 1024 : i32
    %add3A_614 = vector.broadcast %add3A_613 : i32 to vector<16xi32>
    %add3A_615 = arith.addi %add3A_614, %mul3A_58 : vector<16xi32>
    %add3A_616 = arith.constant 7 : i32
    %add3A_617 = vector.broadcast %add3A_616 : i32 to vector<16xi32>
    %add3A_618 = arith.addi %add3A_615, %add3A_617 : vector<16xi32>
    %gather3A_619 = tpu.vector_load_idx %arg8[%add3A_618] : memref<3072xf32, #tpu.memory_space<vmem>>[vector<16xi32>], vector<16xf32>,
    %add3A_620 = arith.addf %add3A_612, %gather3A_619 : vector<16xf32>
    %add3A_621 = arith.constant 1024 : i32
    %add3A_622 = vector.broadcast %add3A_621 : i32 to vector<16xi32>
    %add3A_623 = arith.addi %add3A_622, %mul3A_58 : vector<16xi32>
    %add3A_624 = arith.constant 8 : i32
    %add3A_625 = vector.broadcast %add3A_624 : i32 to vector<16xi32>
    %add3A_626 = arith.addi %add3A_623, %add3A_625 : vector<16xi32>
    %gather3A_627 = tpu.vector_load_idx %arg8[%add3A_626] : memref<3072xf32, #tpu.memory_space<vmem>>[vector<16xi32>], vector<16xf32>,
    %add3A_628 = arith.addf %add3A_620, %gather3A_627 : vector<16xf32>
    %add3A_629 = arith.constant 1024 : i32
    %add3A_630 = vector.broadcast %add3A_629 : i32 to vector<16xi32>
    %add3A_631 = arith.addi %add3A_630, %mul3A_58 : vector<16xi32>
    %add3A_632 = arith.constant 9 : i32
    %add3A_633 = vector.broadcast %add3A_632 : i32 to vector<16xi32>
    %add3A_634 = arith.addi %add3A_631, %add3A_633 : vector<16xi32>
    %gather3A_635 = tpu.vector_load_idx %arg8[%add3A_634] : memref<3072xf32, #tpu.memory_space<vmem>>[vector<16xi32>], vector<16xf32>,
    %add3A_636 = arith.addf %add3A_628, %gather3A_635 : vector<16xf32>
    %add3A_637 = arith.constant 1024 : i32
    %add3A_638 = vector.broadcast %add3A_637 : i32 to vector<16xi32>
    %add3A_639 = arith.addi %add3A_638, %mul3A_58 : vector<16xi32>
    %add3A_640 = arith.constant 10 : i32
    %add3A_641 = vector.broadcast %add3A_640 : i32 to vector<16xi32>
    %add3A_642 = arith.addi %add3A_639, %add3A_641 : vector<16xi32>
    %gather3A_643 = tpu.vector_load_idx %arg8[%add3A_642] : memref<3072xf32, #tpu.memory_space<vmem>>[vector<16xi32>], vector<16xf32>,
    %add3A_644 = arith.addf %add3A_636, %gather3A_643 : vector<16xf32>
    %add3A_645 = arith.constant 1024 : i32
    %add3A_646 = vector.broadcast %add3A_645 : i32 to vector<16xi32>
    %add3A_647 = arith.addi %add3A_646, %mul3A_58 : vector<16xi32>
    %add3A_648 = arith.constant 11 : i32
    %add3A_649 = vector.broadcast %add3A_648 : i32 to vector<16xi32>
    %add3A_650 = arith.addi %add3A_647, %add3A_649 : vector<16xi32>
    %gather3A_651 = tpu.vector_load_idx %arg8[%add3A_650] : memref<3072xf32, #tpu.memory_space<vmem>>[vector<16xi32>], vector<16xf32>,
    %add3A_652 = arith.addf %add3A_644, %gather3A_651 : vector<16xf32>
    %add3A_653 = arith.constant 1024 : i32
    %add3A_654 = vector.broadcast %add3A_653 : i32 to vector<16xi32>
    %add3A_655 = arith.addi %add3A_654, %mul3A_58 : vector<16xi32>
    %add3A_656 = arith.constant 12 : i32
    %add3A_657 = vector.broadcast %add3A_656 : i32 to vector<16xi32>
    %add3A_658 = arith.addi %add3A_655, %add3A_657 : vector<16xi32>
    %gather3A_659 = tpu.vector_load_idx %arg8[%add3A_658] : memref<3072xf32, #tpu.memory_space<vmem>>[vector<16xi32>], vector<16xf32>,
    %add3A_660 = arith.addf %add3A_652, %gather3A_659 : vector<16xf32>
    %add3A_661 = arith.constant 1024 : i32
    %add3A_662 = vector.broadcast %add3A_661 : i32 to vector<16xi32>
    %add3A_663 = arith.addi %add3A_662, %mul3A_58 : vector<16xi32>
    %add3A_664 = arith.constant 13 : i32
    %add3A_665 = vector.broadcast %add3A_664 : i32 to vector<16xi32>
    %add3A_666 = arith.addi %add3A_663, %add3A_665 : vector<16xi32>
    %gather3A_667 = tpu.vector_load_idx %arg8[%add3A_666] : memref<3072xf32, #tpu.memory_space<vmem>>[vector<16xi32>], vector<16xf32>,
    %add3A_668 = arith.addf %add3A_660, %gather3A_667 : vector<16xf32>
    %add3A_669 = arith.constant 1024 : i32
    %add3A_670 = vector.broadcast %add3A_669 : i32 to vector<16xi32>
    %add3A_671 = arith.addi %add3A_670, %mul3A_58 : vector<16xi32>
    %add3A_672 = arith.constant 14 : i32
    %add3A_673 = vector.broadcast %add3A_672 : i32 to vector<16xi32>
    %add3A_674 = arith.addi %add3A_671, %add3A_673 : vector<16xi32>
    %gather3A_675 = tpu.vector_load_idx %arg8[%add3A_674] : memref<3072xf32, #tpu.memory_space<vmem>>[vector<16xi32>], vector<16xf32>,
    %add3A_676 = arith.addf %add3A_668, %gather3A_675 : vector<16xf32>
    %add3A_677 = arith.constant 1024 : i32
    %add3A_678 = vector.broadcast %add3A_677 : i32 to vector<16xi32>
    %add3A_679 = arith.addi %add3A_678, %mul3A_58 : vector<16xi32>
    %add3A_680 = arith.constant 15 : i32
    %add3A_681 = vector.broadcast %add3A_680 : i32 to vector<16xi32>
    %add3A_682 = arith.addi %add3A_679, %add3A_681 : vector<16xi32>
    %gather3A_683 = tpu.vector_load_idx %arg8[%add3A_682] : memref<3072xf32, #tpu.memory_space<vmem>>[vector<16xi32>], vector<16xf32>,
    %add3A_684 = arith.addf %add3A_676, %gather3A_683 : vector<16xf32>
    %swap3A_685 = arith.constant 64 : index
    %swap3A_686 = tpu.vector_load %arg10[%swap3A_685] {strides = array<i32>} : memref<192xf32, #tpu.memory_space<vmem>>, vector<16xf32>,
    tpu.vector_store %arg10[%swap3A_685], %add3A_684 {strides = array<i32>} : memref<192xf32, #tpu.memory_space<vmem>>, vector<16xf32>,
    %add3A_687 = arith.constant 1280 : i32
    %add3A_688 = vector.broadcast %add3A_687 : i32 to vector<16xi32>
    %add3A_689 = arith.addi %add3A_688, %mul3A_58 : vector<16xi32>
    %gather3A_690 = tpu.vector_load_idx %arg8[%add3A_689] : memref<3072xf32, #tpu.memory_space<vmem>>[vector<16xi32>], vector<16xf32>,
    %add3A_691 = arith.constant 1280 : i32
    %add3A_692 = vector.broadcast %add3A_691 : i32 to vector<16xi32>
    %add3A_693 = arith.addi %add3A_692, %mul3A_58 : vector<16xi32>
    %add3A_694 = arith.constant 1 : i32
    %add3A_695 = vector.broadcast %add3A_694 : i32 to vector<16xi32>
    %add3A_696 = arith.addi %add3A_693, %add3A_695 : vector<16xi32>
    %gather3A_697 = tpu.vector_load_idx %arg8[%add3A_696] : memref<3072xf32, #tpu.memory_space<vmem>>[vector<16xi32>], vector<16xf32>,
    %add3A_698 = arith.addf %gather3A_690, %gather3A_697 : vector<16xf32>
    %add3A_699 = arith.constant 1280 : i32
    %add3A_700 = vector.broadcast %add3A_699 : i32 to vector<16xi32>
    %add3A_701 = arith.addi %add3A_700, %mul3A_58 : vector<16xi32>
    %add3A_702 = arith.constant 2 : i32
    %add3A_703 = vector.broadcast %add3A_702 : i32 to vector<16xi32>
    %add3A_704 = arith.addi %add3A_701, %add3A_703 : vector<16xi32>
    %gather3A_705 = tpu.vector_load_idx %arg8[%add3A_704] : memref<3072xf32, #tpu.memory_space<vmem>>[vector<16xi32>], vector<16xf32>,
    %add3A_706 = arith.addf %add3A_698, %gather3A_705 : vector<16xf32>
    %add3A_707 = arith.constant 1280 : i32
    %add3A_708 = vector.broadcast %add3A_707 : i32 to vector<16xi32>
    %add3A_709 = arith.addi %add3A_708, %mul3A_58 : vector<16xi32>
    %add3A_710 = arith.constant 3 : i32
    %add3A_711 = vector.broadcast %add3A_710 : i32 to vector<16xi32>
    %add3A_712 = arith.addi %add3A_709, %add3A_711 : vector<16xi32>
    %gather3A_713 = tpu.vector_load_idx %arg8[%add3A_712] : memref<3072xf32, #tpu.memory_space<vmem>>[vector<16xi32>], vector<16xf32>,
    %add3A_714 = arith.addf %add3A_706, %gather3A_713 : vector<16xf32>
    %add3A_715 = arith.constant 1280 : i32
    %add3A_716 = vector.broadcast %add3A_715 : i32 to vector<16xi32>
    %add3A_717 = arith.addi %add3A_716, %mul3A_58 : vector<16xi32>
    %add3A_718 = arith.constant 4 : i32
    %add3A_719 = vector.broadcast %add3A_718 : i32 to vector<16xi32>
    %add3A_720 = arith.addi %add3A_717, %add3A_719 : vector<16xi32>
    %gather3A_721 = tpu.vector_load_idx %arg8[%add3A_720] : memref<3072xf32, #tpu.memory_space<vmem>>[vector<16xi32>], vector<16xf32>,
    %add3A_722 = arith.addf %add3A_714, %gather3A_721 : vector<16xf32>
    %add3A_723 = arith.constant 1280 : i32
    %add3A_724 = vector.broadcast %add3A_723 : i32 to vector<16xi32>
    %add3A_725 = arith.addi %add3A_724, %mul3A_58 : vector<16xi32>
    %add3A_726 = arith.constant 5 : i32
    %add3A_727 = vector.broadcast %add3A_726 : i32 to vector<16xi32>
    %add3A_728 = arith.addi %add3A_725, %add3A_727 : vector<16xi32>
    %gather3A_729 = tpu.vector_load_idx %arg8[%add3A_728] : memref<3072xf32, #tpu.memory_space<vmem>>[vector<16xi32>], vector<16xf32>,
    %add3A_730 = arith.addf %add3A_722, %gather3A_729 : vector<16xf32>
    %add3A_731 = arith.constant 1280 : i32
    %add3A_732 = vector.broadcast %add3A_731 : i32 to vector<16xi32>
    %add3A_733 = arith.addi %add3A_732, %mul3A_58 : vector<16xi32>
    %add3A_734 = arith.constant 6 : i32
    %add3A_735 = vector.broadcast %add3A_734 : i32 to vector<16xi32>
    %add3A_736 = arith.addi %add3A_733, %add3A_735 : vector<16xi32>
    %gather3A_737 = tpu.vector_load_idx %arg8[%add3A_736] : memref<3072xf32, #tpu.memory_space<vmem>>[vector<16xi32>], vector<16xf32>,
    %add3A_738 = arith.addf %add3A_730, %gather3A_737 : vector<16xf32>
    %add3A_739 = arith.constant 1280 : i32
    %add3A_740 = vector.broadcast %add3A_739 : i32 to vector<16xi32>
    %add3A_741 = arith.addi %add3A_740, %mul3A_58 : vector<16xi32>
    %add3A_742 = arith.constant 7 : i32
    %add3A_743 = vector.broadcast %add3A_742 : i32 to vector<16xi32>
    %add3A_744 = arith.addi %add3A_741, %add3A_743 : vector<16xi32>
    %gather3A_745 = tpu.vector_load_idx %arg8[%add3A_744] : memref<3072xf32, #tpu.memory_space<vmem>>[vector<16xi32>], vector<16xf32>,
    %add3A_746 = arith.addf %add3A_738, %gather3A_745 : vector<16xf32>
    %add3A_747 = arith.constant 1280 : i32
    %add3A_748 = vector.broadcast %add3A_747 : i32 to vector<16xi32>
    %add3A_749 = arith.addi %add3A_748, %mul3A_58 : vector<16xi32>
    %add3A_750 = arith.constant 8 : i32
    %add3A_751 = vector.broadcast %add3A_750 : i32 to vector<16xi32>
    %add3A_752 = arith.addi %add3A_749, %add3A_751 : vector<16xi32>
    %gather3A_753 = tpu.vector_load_idx %arg8[%add3A_752] : memref<3072xf32, #tpu.memory_space<vmem>>[vector<16xi32>], vector<16xf32>,
    %add3A_754 = arith.addf %add3A_746, %gather3A_753 : vector<16xf32>
    %add3A_755 = arith.constant 1280 : i32
    %add3A_756 = vector.broadcast %add3A_755 : i32 to vector<16xi32>
    %add3A_757 = arith.addi %add3A_756, %mul3A_58 : vector<16xi32>
    %add3A_758 = arith.constant 9 : i32
    %add3A_759 = vector.broadcast %add3A_758 : i32 to vector<16xi32>
    %add3A_760 = arith.addi %add3A_757, %add3A_759 : vector<16xi32>
    %gather3A_761 = tpu.vector_load_idx %arg8[%add3A_760] : memref<3072xf32, #tpu.memory_space<vmem>>[vector<16xi32>], vector<16xf32>,
    %add3A_762 = arith.addf %add3A_754, %gather3A_761 : vector<16xf32>
    %add3A_763 = arith.constant 1280 : i32
    %add3A_764 = vector.broadcast %add3A_763 : i32 to vector<16xi32>
    %add3A_765 = arith.addi %add3A_764, %mul3A_58 : vector<16xi32>
    %add3A_766 = arith.constant 10 : i32
    %add3A_767 = vector.broadcast %add3A_766 : i32 to vector<16xi32>
    %add3A_768 = arith.addi %add3A_765, %add3A_767 : vector<16xi32>
    %gather3A_769 = tpu.vector_load_idx %arg8[%add3A_768] : memref<3072xf32, #tpu.memory_space<vmem>>[vector<16xi32>], vector<16xf32>,
    %add3A_770 = arith.addf %add3A_762, %gather3A_769 : vector<16xf32>
    %add3A_771 = arith.constant 1280 : i32
    %add3A_772 = vector.broadcast %add3A_771 : i32 to vector<16xi32>
    %add3A_773 = arith.addi %add3A_772, %mul3A_58 : vector<16xi32>
    %add3A_774 = arith.constant 11 : i32
    %add3A_775 = vector.broadcast %add3A_774 : i32 to vector<16xi32>
    %add3A_776 = arith.addi %add3A_773, %add3A_775 : vector<16xi32>
    %gather3A_777 = tpu.vector_load_idx %arg8[%add3A_776] : memref<3072xf32, #tpu.memory_space<vmem>>[vector<16xi32>], vector<16xf32>,
    %add3A_778 = arith.addf %add3A_770, %gather3A_777 : vector<16xf32>
    %add3A_779 = arith.constant 1280 : i32
    %add3A_780 = vector.broadcast %add3A_779 : i32 to vector<16xi32>
    %add3A_781 = arith.addi %add3A_780, %mul3A_58 : vector<16xi32>
    %add3A_782 = arith.constant 12 : i32
    %add3A_783 = vector.broadcast %add3A_782 : i32 to vector<16xi32>
    %add3A_784 = arith.addi %add3A_781, %add3A_783 : vector<16xi32>
    %gather3A_785 = tpu.vector_load_idx %arg8[%add3A_784] : memref<3072xf32, #tpu.memory_space<vmem>>[vector<16xi32>], vector<16xf32>,
    %add3A_786 = arith.addf %add3A_778, %gather3A_785 : vector<16xf32>
    %add3A_787 = arith.constant 1280 : i32
    %add3A_788 = vector.broadcast %add3A_787 : i32 to vector<16xi32>
    %add3A_789 = arith.addi %add3A_788, %mul3A_58 : vector<16xi32>
    %add3A_790 = arith.constant 13 : i32
    %add3A_791 = vector.broadcast %add3A_790 : i32 to vector<16xi32>
    %add3A_792 = arith.addi %add3A_789, %add3A_791 : vector<16xi32>
    %gather3A_793 = tpu.vector_load_idx %arg8[%add3A_792] : memref<3072xf32, #tpu.memory_space<vmem>>[vector<16xi32>], vector<16xf32>,
    %add3A_794 = arith.addf %add3A_786, %gather3A_793 : vector<16xf32>
    %add3A_795 = arith.constant 1280 : i32
    %add3A_796 = vector.broadcast %add3A_795 : i32 to vector<16xi32>
    %add3A_797 = arith.addi %add3A_796, %mul3A_58 : vector<16xi32>
    %add3A_798 = arith.constant 14 : i32
    %add3A_799 = vector.broadcast %add3A_798 : i32 to vector<16xi32>
    %add3A_800 = arith.addi %add3A_797, %add3A_799 : vector<16xi32>
    %gather3A_801 = tpu.vector_load_idx %arg8[%add3A_800] : memref<3072xf32, #tpu.memory_space<vmem>>[vector<16xi32>], vector<16xf32>,
    %add3A_802 = arith.addf %add3A_794, %gather3A_801 : vector<16xf32>
    %add3A_803 = arith.constant 1280 : i32
    %add3A_804 = vector.broadcast %add3A_803 : i32 to vector<16xi32>
    %add3A_805 = arith.addi %add3A_804, %mul3A_58 : vector<16xi32>
    %add3A_806 = arith.constant 15 : i32
    %add3A_807 = vector.broadcast %add3A_806 : i32 to vector<16xi32>
    %add3A_808 = arith.addi %add3A_805, %add3A_807 : vector<16xi32>
    %gather3A_809 = tpu.vector_load_idx %arg8[%add3A_808] : memref<3072xf32, #tpu.memory_space<vmem>>[vector<16xi32>], vector<16xf32>,
    %add3A_810 = arith.addf %add3A_802, %gather3A_809 : vector<16xf32>
    %swap3A_811 = arith.constant 80 : index
    %swap3A_812 = tpu.vector_load %arg10[%swap3A_811] {strides = array<i32>} : memref<192xf32, #tpu.memory_space<vmem>>, vector<16xf32>,
    tpu.vector_store %arg10[%swap3A_811], %add3A_810 {strides = array<i32>} : memref<192xf32, #tpu.memory_space<vmem>>, vector<16xf32>,
    %add3A_813 = arith.constant 1536 : i32
    %add3A_814 = vector.broadcast %add3A_813 : i32 to vector<16xi32>
    %add3A_815 = arith.addi %add3A_814, %mul3A_58 : vector<16xi32>
    %gather3A_816 = tpu.vector_load_idx %arg8[%add3A_815] : memref<3072xf32, #tpu.memory_space<vmem>>[vector<16xi32>], vector<16xf32>,
    %add3A_817 = arith.constant 1536 : i32
    %add3A_818 = vector.broadcast %add3A_817 : i32 to vector<16xi32>
    %add3A_819 = arith.addi %add3A_818, %mul3A_58 : vector<16xi32>
    %add3A_820 = arith.constant 1 : i32
    %add3A_821 = vector.broadcast %add3A_820 : i32 to vector<16xi32>
    %add3A_822 = arith.addi %add3A_819, %add3A_821 : vector<16xi32>
    %gather3A_823 = tpu.vector_load_idx %arg8[%add3A_822] : memref<3072xf32, #tpu.memory_space<vmem>>[vector<16xi32>], vector<16xf32>,
    %add3A_824 = arith.addf %gather3A_816, %gather3A_823 : vector<16xf32>
    %add3A_825 = arith.constant 1536 : i32
    %add3A_826 = vector.broadcast %add3A_825 : i32 to vector<16xi32>
    %add3A_827 = arith.addi %add3A_826, %mul3A_58 : vector<16xi32>
    %add3A_828 = arith.constant 2 : i32
    %add3A_829 = vector.broadcast %add3A_828 : i32 to vector<16xi32>
    %add3A_830 = arith.addi %add3A_827, %add3A_829 : vector<16xi32>
    %gather3A_831 = tpu.vector_load_idx %arg8[%add3A_830] : memref<3072xf32, #tpu.memory_space<vmem>>[vector<16xi32>], vector<16xf32>,
    %add3A_832 = arith.addf %add3A_824, %gather3A_831 : vector<16xf32>
    %add3A_833 = arith.constant 1536 : i32
    %add3A_834 = vector.broadcast %add3A_833 : i32 to vector<16xi32>
    %add3A_835 = arith.addi %add3A_834, %mul3A_58 : vector<16xi32>
    %add3A_836 = arith.constant 3 : i32
    %add3A_837 = vector.broadcast %add3A_836 : i32 to vector<16xi32>
    %add3A_838 = arith.addi %add3A_835, %add3A_837 : vector<16xi32>
    %gather3A_839 = tpu.vector_load_idx %arg8[%add3A_838] : memref<3072xf32, #tpu.memory_space<vmem>>[vector<16xi32>], vector<16xf32>,
    %add3A_840 = arith.addf %add3A_832, %gather3A_839 : vector<16xf32>
    %add3A_841 = arith.constant 1536 : i32
    %add3A_842 = vector.broadcast %add3A_841 : i32 to vector<16xi32>
    %add3A_843 = arith.addi %add3A_842, %mul3A_58 : vector<16xi32>
    %add3A_844 = arith.constant 4 : i32
    %add3A_845 = vector.broadcast %add3A_844 : i32 to vector<16xi32>
    %add3A_846 = arith.addi %add3A_843, %add3A_845 : vector<16xi32>
    %gather3A_847 = tpu.vector_load_idx %arg8[%add3A_846] : memref<3072xf32, #tpu.memory_space<vmem>>[vector<16xi32>], vector<16xf32>,
    %add3A_848 = arith.addf %add3A_840, %gather3A_847 : vector<16xf32>
    %add3A_849 = arith.constant 1536 : i32
    %add3A_850 = vector.broadcast %add3A_849 : i32 to vector<16xi32>
    %add3A_851 = arith.addi %add3A_850, %mul3A_58 : vector<16xi32>
    %add3A_852 = arith.constant 5 : i32
    %add3A_853 = vector.broadcast %add3A_852 : i32 to vector<16xi32>
    %add3A_854 = arith.addi %add3A_851, %add3A_853 : vector<16xi32>
    %gather3A_855 = tpu.vector_load_idx %arg8[%add3A_854] : memref<3072xf32, #tpu.memory_space<vmem>>[vector<16xi32>], vector<16xf32>,
    %add3A_856 = arith.addf %add3A_848, %gather3A_855 : vector<16xf32>
    %add3A_857 = arith.constant 1536 : i32
    %add3A_858 = vector.broadcast %add3A_857 : i32 to vector<16xi32>
    %add3A_859 = arith.addi %add3A_858, %mul3A_58 : vector<16xi32>
    %add3A_860 = arith.constant 6 : i32
    %add3A_861 = vector.broadcast %add3A_860 : i32 to vector<16xi32>
    %add3A_862 = arith.addi %add3A_859, %add3A_861 : vector<16xi32>
    %gather3A_863 = tpu.vector_load_idx %arg8[%add3A_862] : memref<3072xf32, #tpu.memory_space<vmem>>[vector<16xi32>], vector<16xf32>,
    %add3A_864 = arith.addf %add3A_856, %gather3A_863 : vector<16xf32>
    %add3A_865 = arith.constant 1536 : i32
    %add3A_866 = vector.broadcast %add3A_865 : i32 to vector<16xi32>
    %add3A_867 = arith.addi %add3A_866, %mul3A_58 : vector<16xi32>
    %add3A_868 = arith.constant 7 : i32
    %add3A_869 = vector.broadcast %add3A_868 : i32 to vector<16xi32>
    %add3A_870 = arith.addi %add3A_867, %add3A_869 : vector<16xi32>
    %gather3A_871 = tpu.vector_load_idx %arg8[%add3A_870] : memref<3072xf32, #tpu.memory_space<vmem>>[vector<16xi32>], vector<16xf32>,
    %add3A_872 = arith.addf %add3A_864, %gather3A_871 : vector<16xf32>
    %add3A_873 = arith.constant 1536 : i32
    %add3A_874 = vector.broadcast %add3A_873 : i32 to vector<16xi32>
    %add3A_875 = arith.addi %add3A_874, %mul3A_58 : vector<16xi32>
    %add3A_876 = arith.constant 8 : i32
    %add3A_877 = vector.broadcast %add3A_876 : i32 to vector<16xi32>
    %add3A_878 = arith.addi %add3A_875, %add3A_877 : vector<16xi32>
    %gather3A_879 = tpu.vector_load_idx %arg8[%add3A_878] : memref<3072xf32, #tpu.memory_space<vmem>>[vector<16xi32>], vector<16xf32>,
    %add3A_880 = arith.addf %add3A_872, %gather3A_879 : vector<16xf32>
    %add3A_881 = arith.constant 1536 : i32
    %add3A_882 = vector.broadcast %add3A_881 : i32 to vector<16xi32>
    %add3A_883 = arith.addi %add3A_882, %mul3A_58 : vector<16xi32>
    %add3A_884 = arith.constant 9 : i32
    %add3A_885 = vector.broadcast %add3A_884 : i32 to vector<16xi32>
    %add3A_886 = arith.addi %add3A_883, %add3A_885 : vector<16xi32>
    %gather3A_887 = tpu.vector_load_idx %arg8[%add3A_886] : memref<3072xf32, #tpu.memory_space<vmem>>[vector<16xi32>], vector<16xf32>,
    %add3A_888 = arith.addf %add3A_880, %gather3A_887 : vector<16xf32>
    %add3A_889 = arith.constant 1536 : i32
    %add3A_890 = vector.broadcast %add3A_889 : i32 to vector<16xi32>
    %add3A_891 = arith.addi %add3A_890, %mul3A_58 : vector<16xi32>
    %add3A_892 = arith.constant 10 : i32
    %add3A_893 = vector.broadcast %add3A_892 : i32 to vector<16xi32>
    %add3A_894 = arith.addi %add3A_891, %add3A_893 : vector<16xi32>
    %gather3A_895 = tpu.vector_load_idx %arg8[%add3A_894] : memref<3072xf32, #tpu.memory_space<vmem>>[vector<16xi32>], vector<16xf32>,
    %add3A_896 = arith.addf %add3A_888, %gather3A_895 : vector<16xf32>
    %add3A_897 = arith.constant 1536 : i32
    %add3A_898 = vector.broadcast %add3A_897 : i32 to vector<16xi32>
    %add3A_899 = arith.addi %add3A_898, %mul3A_58 : vector<16xi32>
    %add3A_900 = arith.constant 11 : i32
    %add3A_901 = vector.broadcast %add3A_900 : i32 to vector<16xi32>
    %add3A_902 = arith.addi %add3A_899, %add3A_901 : vector<16xi32>
    %gather3A_903 = tpu.vector_load_idx %arg8[%add3A_902] : memref<3072xf32, #tpu.memory_space<vmem>>[vector<16xi32>], vector<16xf32>,
    %add3A_904 = arith.addf %add3A_896, %gather3A_903 : vector<16xf32>
    %add3A_905 = arith.constant 1536 : i32
    %add3A_906 = vector.broadcast %add3A_905 : i32 to vector<16xi32>
    %add3A_907 = arith.addi %add3A_906, %mul3A_58 : vector<16xi32>
    %add3A_908 = arith.constant 12 : i32
    %add3A_909 = vector.broadcast %add3A_908 : i32 to vector<16xi32>
    %add3A_910 = arith.addi %add3A_907, %add3A_909 : vector<16xi32>
    %gather3A_911 = tpu.vector_load_idx %arg8[%add3A_910] : memref<3072xf32, #tpu.memory_space<vmem>>[vector<16xi32>], vector<16xf32>,
    %add3A_912 = arith.addf %add3A_904, %gather3A_911 : vector<16xf32>
    %add3A_913 = arith.constant 1536 : i32
    %add3A_914 = vector.broadcast %add3A_913 : i32 to vector<16xi32>
    %add3A_915 = arith.addi %add3A_914, %mul3A_58 : vector<16xi32>
    %add3A_916 = arith.constant 13 : i32
    %add3A_917 = vector.broadcast %add3A_916 : i32 to vector<16xi32>
    %add3A_918 = arith.addi %add3A_915, %add3A_917 : vector<16xi32>
    %gather3A_919 = tpu.vector_load_idx %arg8[%add3A_918] : memref<3072xf32, #tpu.memory_space<vmem>>[vector<16xi32>], vector<16xf32>,
    %add3A_920 = arith.addf %add3A_912, %gather3A_919 : vector<16xf32>
    %add3A_921 = arith.constant 1536 : i32
    %add3A_922 = vector.broadcast %add3A_921 : i32 to vector<16xi32>
    %add3A_923 = arith.addi %add3A_922, %mul3A_58 : vector<16xi32>
    %add3A_924 = arith.constant 14 : i32
    %add3A_925 = vector.broadcast %add3A_924 : i32 to vector<16xi32>
    %add3A_926 = arith.addi %add3A_923, %add3A_925 : vector<16xi32>
    %gather3A_927 = tpu.vector_load_idx %arg8[%add3A_926] : memref<3072xf32, #tpu.memory_space<vmem>>[vector<16xi32>], vector<16xf32>,
    %add3A_928 = arith.addf %add3A_920, %gather3A_927 : vector<16xf32>
    %add3A_929 = arith.constant 1536 : i32
    %add3A_930 = vector.broadcast %add3A_929 : i32 to vector<16xi32>
    %add3A_931 = arith.addi %add3A_930, %mul3A_58 : vector<16xi32>
    %add3A_932 = arith.constant 15 : i32
    %add3A_933 = vector.broadcast %add3A_932 : i32 to vector<16xi32>
    %add3A_934 = arith.addi %add3A_931, %add3A_933 : vector<16xi32>
    %gather3A_935 = tpu.vector_load_idx %arg8[%add3A_934] : memref<3072xf32, #tpu.memory_space<vmem>>[vector<16xi32>], vector<16xf32>,
    %add3A_936 = arith.addf %add3A_928, %gather3A_935 : vector<16xf32>
    %swap3A_937 = arith.constant 96 : index
    %swap3A_938 = tpu.vector_load %arg10[%swap3A_937] {strides = array<i32>} : memref<192xf32, #tpu.memory_space<vmem>>, vector<16xf32>,
    tpu.vector_store %arg10[%swap3A_937], %add3A_936 {strides = array<i32>} : memref<192xf32, #tpu.memory_space<vmem>>, vector<16xf32>,
    %add3A_939 = arith.constant 1792 : i32
    %add3A_940 = vector.broadcast %add3A_939 : i32 to vector<16xi32>
    %add3A_941 = arith.addi %add3A_940, %mul3A_58 : vector<16xi32>
    %gather3A_942 = tpu.vector_load_idx %arg8[%add3A_941] : memref<3072xf32, #tpu.memory_space<vmem>>[vector<16xi32>], vector<16xf32>,
    %add3A_943 = arith.constant 1792 : i32
    %add3A_944 = vector.broadcast %add3A_943 : i32 to vector<16xi32>
    %add3A_945 = arith.addi %add3A_944, %mul3A_58 : vector<16xi32>
    %add3A_946 = arith.constant 1 : i32
    %add3A_947 = vector.broadcast %add3A_946 : i32 to vector<16xi32>
    %add3A_948 = arith.addi %add3A_945, %add3A_947 : vector<16xi32>
    %gather3A_949 = tpu.vector_load_idx %arg8[%add3A_948] : memref<3072xf32, #tpu.memory_space<vmem>>[vector<16xi32>], vector<16xf32>,
    %add3A_950 = arith.addf %gather3A_942, %gather3A_949 : vector<16xf32>
    %add3A_951 = arith.constant 1792 : i32
    %add3A_952 = vector.broadcast %add3A_951 : i32 to vector<16xi32>
    %add3A_953 = arith.addi %add3A_952, %mul3A_58 : vector<16xi32>
    %add3A_954 = arith.constant 2 : i32
    %add3A_955 = vector.broadcast %add3A_954 : i32 to vector<16xi32>
    %add3A_956 = arith.addi %add3A_953, %add3A_955 : vector<16xi32>
    %gather3A_957 = tpu.vector_load_idx %arg8[%add3A_956] : memref<3072xf32, #tpu.memory_space<vmem>>[vector<16xi32>], vector<16xf32>,
    %add3A_958 = arith.addf %add3A_950, %gather3A_957 : vector<16xf32>
    %add3A_959 = arith.constant 1792 : i32
    %add3A_960 = vector.broadcast %add3A_959 : i32 to vector<16xi32>
    %add3A_961 = arith.addi %add3A_960, %mul3A_58 : vector<16xi32>
    %add3A_962 = arith.constant 3 : i32
    %add3A_963 = vector.broadcast %add3A_962 : i32 to vector<16xi32>
    %add3A_964 = arith.addi %add3A_961, %add3A_963 : vector<16xi32>
    %gather3A_965 = tpu.vector_load_idx %arg8[%add3A_964] : memref<3072xf32, #tpu.memory_space<vmem>>[vector<16xi32>], vector<16xf32>,
    %add3A_966 = arith.addf %add3A_958, %gather3A_965 : vector<16xf32>
    %add3A_967 = arith.constant 1792 : i32
    %add3A_968 = vector.broadcast %add3A_967 : i32 to vector<16xi32>
    %add3A_969 = arith.addi %add3A_968, %mul3A_58 : vector<16xi32>
    %add3A_970 = arith.constant 4 : i32
    %add3A_971 = vector.broadcast %add3A_970 : i32 to vector<16xi32>
    %add3A_972 = arith.addi %add3A_969, %add3A_971 : vector<16xi32>
    %gather3A_973 = tpu.vector_load_idx %arg8[%add3A_972] : memref<3072xf32, #tpu.memory_space<vmem>>[vector<16xi32>], vector<16xf32>,
    %add3A_974 = arith.addf %add3A_966, %gather3A_973 : vector<16xf32>
    %add3A_975 = arith.constant 1792 : i32
    %add3A_976 = vector.broadcast %add3A_975 : i32 to vector<16xi32>
    %add3A_977 = arith.addi %add3A_976, %mul3A_58 : vector<16xi32>
    %add3A_978 = arith.constant 5 : i32
    %add3A_979 = vector.broadcast %add3A_978 : i32 to vector<16xi32>
    %add3A_980 = arith.addi %add3A_977, %add3A_979 : vector<16xi32>
    %gather3A_981 = tpu.vector_load_idx %arg8[%add3A_980] : memref<3072xf32, #tpu.memory_space<vmem>>[vector<16xi32>], vector<16xf32>,
    %add3A_982 = arith.addf %add3A_974, %gather3A_981 : vector<16xf32>
    %add3A_983 = arith.constant 1792 : i32
    %add3A_984 = vector.broadcast %add3A_983 : i32 to vector<16xi32>
    %add3A_985 = arith.addi %add3A_984, %mul3A_58 : vector<16xi32>
    %add3A_986 = arith.constant 6 : i32
    %add3A_987 = vector.broadcast %add3A_986 : i32 to vector<16xi32>
    %add3A_988 = arith.addi %add3A_985, %add3A_987 : vector<16xi32>
    %gather3A_989 = tpu.vector_load_idx %arg8[%add3A_988] : memref<3072xf32, #tpu.memory_space<vmem>>[vector<16xi32>], vector<16xf32>,
    %add3A_990 = arith.addf %add3A_982, %gather3A_989 : vector<16xf32>
    %add3A_991 = arith.constant 1792 : i32
    %add3A_992 = vector.broadcast %add3A_991 : i32 to vector<16xi32>
    %add3A_993 = arith.addi %add3A_992, %mul3A_58 : vector<16xi32>
    %add3A_994 = arith.constant 7 : i32
    %add3A_995 = vector.broadcast %add3A_994 : i32 to vector<16xi32>
    %add3A_996 = arith.addi %add3A_993, %add3A_995 : vector<16xi32>
    %gather3A_997 = tpu.vector_load_idx %arg8[%add3A_996] : memref<3072xf32, #tpu.memory_space<vmem>>[vector<16xi32>], vector<16xf32>,
    %add3A_998 = arith.addf %add3A_990, %gather3A_997 : vector<16xf32>
    %add3A_999 = arith.constant 1792 : i32
    %add3A_1000 = vector.broadcast %add3A_999 : i32 to vector<16xi32>
    %add3A_1001 = arith.addi %add3A_1000, %mul3A_58 : vector<16xi32>
    %add3A_1002 = arith.constant 8 : i32
    %add3A_1003 = vector.broadcast %add3A_1002 : i32 to vector<16xi32>
    %add3A_1004 = arith.addi %add3A_1001, %add3A_1003 : vector<16xi32>
    %gather3A_1005 = tpu.vector_load_idx %arg8[%add3A_1004] : memref<3072xf32, #tpu.memory_space<vmem>>[vector<16xi32>], vector<16xf32>,
    %add3A_1006 = arith.addf %add3A_998, %gather3A_1005 : vector<16xf32>
    %add3A_1007 = arith.constant 1792 : i32
    %add3A_1008 = vector.broadcast %add3A_1007 : i32 to vector<16xi32>
    %add3A_1009 = arith.addi %add3A_1008, %mul3A_58 : vector<16xi32>
    %add3A_1010 = arith.constant 9 : i32
    %add3A_1011 = vector.broadcast %add3A_1010 : i32 to vector<16xi32>
    %add3A_1012 = arith.addi %add3A_1009, %add3A_1011 : vector<16xi32>
    %gather3A_1013 = tpu.vector_load_idx %arg8[%add3A_1012] : memref<3072xf32, #tpu.memory_space<vmem>>[vector<16xi32>], vector<16xf32>,
    %add3A_1014 = arith.addf %add3A_1006, %gather3A_1013 : vector<16xf32>
    %add3A_1015 = arith.constant 1792 : i32
    %add3A_1016 = vector.broadcast %add3A_1015 : i32 to vector<16xi32>
    %add3A_1017 = arith.addi %add3A_1016, %mul3A_58 : vector<16xi32>
    %add3A_1018 = arith.constant 10 : i32
    %add3A_1019 = vector.broadcast %add3A_1018 : i32 to vector<16xi32>
    %add3A_1020 = arith.addi %add3A_1017, %add3A_1019 : vector<16xi32>
    %gather3A_1021 = tpu.vector_load_idx %arg8[%add3A_1020] : memref<3072xf32, #tpu.memory_space<vmem>>[vector<16xi32>], vector<16xf32>,
    %add3A_1022 = arith.addf %add3A_1014, %gather3A_1021 : vector<16xf32>
    %add3A_1023 = arith.constant 1792 : i32
    %add3A_1024 = vector.broadcast %add3A_1023 : i32 to vector<16xi32>
    %add3A_1025 = arith.addi %add3A_1024, %mul3A_58 : vector<16xi32>
    %add3A_1026 = arith.constant 11 : i32
    %add3A_1027 = vector.broadcast %add3A_1026 : i32 to vector<16xi32>
    %add3A_1028 = arith.addi %add3A_1025, %add3A_1027 : vector<16xi32>
    %gather3A_1029 = tpu.vector_load_idx %arg8[%add3A_1028] : memref<3072xf32, #tpu.memory_space<vmem>>[vector<16xi32>], vector<16xf32>,
    %add3A_1030 = arith.addf %add3A_1022, %gather3A_1029 : vector<16xf32>
    %add3A_1031 = arith.constant 1792 : i32
    %add3A_1032 = vector.broadcast %add3A_1031 : i32 to vector<16xi32>
    %add3A_1033 = arith.addi %add3A_1032, %mul3A_58 : vector<16xi32>
    %add3A_1034 = arith.constant 12 : i32
    %add3A_1035 = vector.broadcast %add3A_1034 : i32 to vector<16xi32>
    %add3A_1036 = arith.addi %add3A_1033, %add3A_1035 : vector<16xi32>
    %gather3A_1037 = tpu.vector_load_idx %arg8[%add3A_1036] : memref<3072xf32, #tpu.memory_space<vmem>>[vector<16xi32>], vector<16xf32>,
    %add3A_1038 = arith.addf %add3A_1030, %gather3A_1037 : vector<16xf32>
    %add3A_1039 = arith.constant 1792 : i32
    %add3A_1040 = vector.broadcast %add3A_1039 : i32 to vector<16xi32>
    %add3A_1041 = arith.addi %add3A_1040, %mul3A_58 : vector<16xi32>
    %add3A_1042 = arith.constant 13 : i32
    %add3A_1043 = vector.broadcast %add3A_1042 : i32 to vector<16xi32>
    %add3A_1044 = arith.addi %add3A_1041, %add3A_1043 : vector<16xi32>
    %gather3A_1045 = tpu.vector_load_idx %arg8[%add3A_1044] : memref<3072xf32, #tpu.memory_space<vmem>>[vector<16xi32>], vector<16xf32>,
    %add3A_1046 = arith.addf %add3A_1038, %gather3A_1045 : vector<16xf32>
    %add3A_1047 = arith.constant 1792 : i32
    %add3A_1048 = vector.broadcast %add3A_1047 : i32 to vector<16xi32>
    %add3A_1049 = arith.addi %add3A_1048, %mul3A_58 : vector<16xi32>
    %add3A_1050 = arith.constant 14 : i32
    %add3A_1051 = vector.broadcast %add3A_1050 : i32 to vector<16xi32>
    %add3A_1052 = arith.addi %add3A_1049, %add3A_1051 : vector<16xi32>
    %gather3A_1053 = tpu.vector_load_idx %arg8[%add3A_1052] : memref<3072xf32, #tpu.memory_space<vmem>>[vector<16xi32>], vector<16xf32>,
    %add3A_1054 = arith.addf %add3A_1046, %gather3A_1053 : vector<16xf32>
    %add3A_1055 = arith.constant 1792 : i32
    %add3A_1056 = vector.broadcast %add3A_1055 : i32 to vector<16xi32>
    %add3A_1057 = arith.addi %add3A_1056, %mul3A_58 : vector<16xi32>
    %add3A_1058 = arith.constant 15 : i32
    %add3A_1059 = vector.broadcast %add3A_1058 : i32 to vector<16xi32>
    %add3A_1060 = arith.addi %add3A_1057, %add3A_1059 : vector<16xi32>
    %gather3A_1061 = tpu.vector_load_idx %arg8[%add3A_1060] : memref<3072xf32, #tpu.memory_space<vmem>>[vector<16xi32>], vector<16xf32>,
    %add3A_1062 = arith.addf %add3A_1054, %gather3A_1061 : vector<16xf32>
    %swap3A_1063 = arith.constant 112 : index
    %swap3A_1064 = tpu.vector_load %arg10[%swap3A_1063] {strides = array<i32>} : memref<192xf32, #tpu.memory_space<vmem>>, vector<16xf32>,
    tpu.vector_store %arg10[%swap3A_1063], %add3A_1062 {strides = array<i32>} : memref<192xf32, #tpu.memory_space<vmem>>, vector<16xf32>,
    %add3A_1065 = arith.constant 2048 : i32
    %add3A_1066 = vector.broadcast %add3A_1065 : i32 to vector<16xi32>
    %add3A_1067 = arith.addi %add3A_1066, %mul3A_58 : vector<16xi32>
    %gather3A_1068 = tpu.vector_load_idx %arg8[%add3A_1067] : memref<3072xf32, #tpu.memory_space<vmem>>[vector<16xi32>], vector<16xf32>,
    %add3A_1069 = arith.constant 2048 : i32
    %add3A_1070 = vector.broadcast %add3A_1069 : i32 to vector<16xi32>
    %add3A_1071 = arith.addi %add3A_1070, %mul3A_58 : vector<16xi32>
    %add3A_1072 = arith.constant 1 : i32
    %add3A_1073 = vector.broadcast %add3A_1072 : i32 to vector<16xi32>
    %add3A_1074 = arith.addi %add3A_1071, %add3A_1073 : vector<16xi32>
    %gather3A_1075 = tpu.vector_load_idx %arg8[%add3A_1074] : memref<3072xf32, #tpu.memory_space<vmem>>[vector<16xi32>], vector<16xf32>,
    %add3A_1076 = arith.addf %gather3A_1068, %gather3A_1075 : vector<16xf32>
    %add3A_1077 = arith.constant 2048 : i32
    %add3A_1078 = vector.broadcast %add3A_1077 : i32 to vector<16xi32>
    %add3A_1079 = arith.addi %add3A_1078, %mul3A_58 : vector<16xi32>
    %add3A_1080 = arith.constant 2 : i32
    %add3A_1081 = vector.broadcast %add3A_1080 : i32 to vector<16xi32>
    %add3A_1082 = arith.addi %add3A_1079, %add3A_1081 : vector<16xi32>
    %gather3A_1083 = tpu.vector_load_idx %arg8[%add3A_1082] : memref<3072xf32, #tpu.memory_space<vmem>>[vector<16xi32>], vector<16xf32>,
    %add3A_1084 = arith.addf %add3A_1076, %gather3A_1083 : vector<16xf32>
    %add3A_1085 = arith.constant 2048 : i32
    %add3A_1086 = vector.broadcast %add3A_1085 : i32 to vector<16xi32>
    %add3A_1087 = arith.addi %add3A_1086, %mul3A_58 : vector<16xi32>
    %add3A_1088 = arith.constant 3 : i32
    %add3A_1089 = vector.broadcast %add3A_1088 : i32 to vector<16xi32>
    %add3A_1090 = arith.addi %add3A_1087, %add3A_1089 : vector<16xi32>
    %gather3A_1091 = tpu.vector_load_idx %arg8[%add3A_1090] : memref<3072xf32, #tpu.memory_space<vmem>>[vector<16xi32>], vector<16xf32>,
    %add3A_1092 = arith.addf %add3A_1084, %gather3A_1091 : vector<16xf32>
    %add3A_1093 = arith.constant 2048 : i32
    %add3A_1094 = vector.broadcast %add3A_1093 : i32 to vector<16xi32>
    %add3A_1095 = arith.addi %add3A_1094, %mul3A_58 : vector<16xi32>
    %add3A_1096 = arith.constant 4 : i32
    %add3A_1097 = vector.broadcast %add3A_1096 : i32 to vector<16xi32>
    %add3A_1098 = arith.addi %add3A_1095, %add3A_1097 : vector<16xi32>
    %gather3A_1099 = tpu.vector_load_idx %arg8[%add3A_1098] : memref<3072xf32, #tpu.memory_space<vmem>>[vector<16xi32>], vector<16xf32>,
    %add3A_1100 = arith.addf %add3A_1092, %gather3A_1099 : vector<16xf32>
    %add3A_1101 = arith.constant 2048 : i32
    %add3A_1102 = vector.broadcast %add3A_1101 : i32 to vector<16xi32>
    %add3A_1103 = arith.addi %add3A_1102, %mul3A_58 : vector<16xi32>
    %add3A_1104 = arith.constant 5 : i32
    %add3A_1105 = vector.broadcast %add3A_1104 : i32 to vector<16xi32>
    %add3A_1106 = arith.addi %add3A_1103, %add3A_1105 : vector<16xi32>
    %gather3A_1107 = tpu.vector_load_idx %arg8[%add3A_1106] : memref<3072xf32, #tpu.memory_space<vmem>>[vector<16xi32>], vector<16xf32>,
    %add3A_1108 = arith.addf %add3A_1100, %gather3A_1107 : vector<16xf32>
    %add3A_1109 = arith.constant 2048 : i32
    %add3A_1110 = vector.broadcast %add3A_1109 : i32 to vector<16xi32>
    %add3A_1111 = arith.addi %add3A_1110, %mul3A_58 : vector<16xi32>
    %add3A_1112 = arith.constant 6 : i32
    %add3A_1113 = vector.broadcast %add3A_1112 : i32 to vector<16xi32>
    %add3A_1114 = arith.addi %add3A_1111, %add3A_1113 : vector<16xi32>
    %gather3A_1115 = tpu.vector_load_idx %arg8[%add3A_1114] : memref<3072xf32, #tpu.memory_space<vmem>>[vector<16xi32>], vector<16xf32>,
    %add3A_1116 = arith.addf %add3A_1108, %gather3A_1115 : vector<16xf32>
    %add3A_1117 = arith.constant 2048 : i32
    %add3A_1118 = vector.broadcast %add3A_1117 : i32 to vector<16xi32>
    %add3A_1119 = arith.addi %add3A_1118, %mul3A_58 : vector<16xi32>
    %add3A_1120 = arith.constant 7 : i32
    %add3A_1121 = vector.broadcast %add3A_1120 : i32 to vector<16xi32>
    %add3A_1122 = arith.addi %add3A_1119, %add3A_1121 : vector<16xi32>
    %gather3A_1123 = tpu.vector_load_idx %arg8[%add3A_1122] : memref<3072xf32, #tpu.memory_space<vmem>>[vector<16xi32>], vector<16xf32>,
    %add3A_1124 = arith.addf %add3A_1116, %gather3A_1123 : vector<16xf32>
    %add3A_1125 = arith.constant 2048 : i32
    %add3A_1126 = vector.broadcast %add3A_1125 : i32 to vector<16xi32>
    %add3A_1127 = arith.addi %add3A_1126, %mul3A_58 : vector<16xi32>
    %add3A_1128 = arith.constant 8 : i32
    %add3A_1129 = vector.broadcast %add3A_1128 : i32 to vector<16xi32>
    %add3A_1130 = arith.addi %add3A_1127, %add3A_1129 : vector<16xi32>
    %gather3A_1131 = tpu.vector_load_idx %arg8[%add3A_1130] : memref<3072xf32, #tpu.memory_space<vmem>>[vector<16xi32>], vector<16xf32>,
    %add3A_1132 = arith.addf %add3A_1124, %gather3A_1131 : vector<16xf32>
    %add3A_1133 = arith.constant 2048 : i32
    %add3A_1134 = vector.broadcast %add3A_1133 : i32 to vector<16xi32>
    %add3A_1135 = arith.addi %add3A_1134, %mul3A_58 : vector<16xi32>
    %add3A_1136 = arith.constant 9 : i32
    %add3A_1137 = vector.broadcast %add3A_1136 : i32 to vector<16xi32>
    %add3A_1138 = arith.addi %add3A_1135, %add3A_1137 : vector<16xi32>
    %gather3A_1139 = tpu.vector_load_idx %arg8[%add3A_1138] : memref<3072xf32, #tpu.memory_space<vmem>>[vector<16xi32>], vector<16xf32>,
    %add3A_1140 = arith.addf %add3A_1132, %gather3A_1139 : vector<16xf32>
    %add3A_1141 = arith.constant 2048 : i32
    %add3A_1142 = vector.broadcast %add3A_1141 : i32 to vector<16xi32>
    %add3A_1143 = arith.addi %add3A_1142, %mul3A_58 : vector<16xi32>
    %add3A_1144 = arith.constant 10 : i32
    %add3A_1145 = vector.broadcast %add3A_1144 : i32 to vector<16xi32>
    %add3A_1146 = arith.addi %add3A_1143, %add3A_1145 : vector<16xi32>
    %gather3A_1147 = tpu.vector_load_idx %arg8[%add3A_1146] : memref<3072xf32, #tpu.memory_space<vmem>>[vector<16xi32>], vector<16xf32>,
    %add3A_1148 = arith.addf %add3A_1140, %gather3A_1147 : vector<16xf32>
    %add3A_1149 = arith.constant 2048 : i32
    %add3A_1150 = vector.broadcast %add3A_1149 : i32 to vector<16xi32>
    %add3A_1151 = arith.addi %add3A_1150, %mul3A_58 : vector<16xi32>
    %add3A_1152 = arith.constant 11 : i32
    %add3A_1153 = vector.broadcast %add3A_1152 : i32 to vector<16xi32>
    %add3A_1154 = arith.addi %add3A_1151, %add3A_1153 : vector<16xi32>
    %gather3A_1155 = tpu.vector_load_idx %arg8[%add3A_1154] : memref<3072xf32, #tpu.memory_space<vmem>>[vector<16xi32>], vector<16xf32>,
    %add3A_1156 = arith.addf %add3A_1148, %gather3A_1155 : vector<16xf32>
    %add3A_1157 = arith.constant 2048 : i32
    %add3A_1158 = vector.broadcast %add3A_1157 : i32 to vector<16xi32>
    %add3A_1159 = arith.addi %add3A_1158, %mul3A_58 : vector<16xi32>
    %add3A_1160 = arith.constant 12 : i32
    %add3A_1161 = vector.broadcast %add3A_1160 : i32 to vector<16xi32>
    %add3A_1162 = arith.addi %add3A_1159, %add3A_1161 : vector<16xi32>
    %gather3A_1163 = tpu.vector_load_idx %arg8[%add3A_1162] : memref<3072xf32, #tpu.memory_space<vmem>>[vector<16xi32>], vector<16xf32>,
    %add3A_1164 = arith.addf %add3A_1156, %gather3A_1163 : vector<16xf32>
    %add3A_1165 = arith.constant 2048 : i32
    %add3A_1166 = vector.broadcast %add3A_1165 : i32 to vector<16xi32>
    %add3A_1167 = arith.addi %add3A_1166, %mul3A_58 : vector<16xi32>
    %add3A_1168 = arith.constant 13 : i32
    %add3A_1169 = vector.broadcast %add3A_1168 : i32 to vector<16xi32>
    %add3A_1170 = arith.addi %add3A_1167, %add3A_1169 : vector<16xi32>
    %gather3A_1171 = tpu.vector_load_idx %arg8[%add3A_1170] : memref<3072xf32, #tpu.memory_space<vmem>>[vector<16xi32>], vector<16xf32>,
    %add3A_1172 = arith.addf %add3A_1164, %gather3A_1171 : vector<16xf32>
    %add3A_1173 = arith.constant 2048 : i32
    %add3A_1174 = vector.broadcast %add3A_1173 : i32 to vector<16xi32>
    %add3A_1175 = arith.addi %add3A_1174, %mul3A_58 : vector<16xi32>
    %add3A_1176 = arith.constant 14 : i32
    %add3A_1177 = vector.broadcast %add3A_1176 : i32 to vector<16xi32>
    %add3A_1178 = arith.addi %add3A_1175, %add3A_1177 : vector<16xi32>
    %gather3A_1179 = tpu.vector_load_idx %arg8[%add3A_1178] : memref<3072xf32, #tpu.memory_space<vmem>>[vector<16xi32>], vector<16xf32>,
    %add3A_1180 = arith.addf %add3A_1172, %gather3A_1179 : vector<16xf32>
    %add3A_1181 = arith.constant 2048 : i32
    %add3A_1182 = vector.broadcast %add3A_1181 : i32 to vector<16xi32>
    %add3A_1183 = arith.addi %add3A_1182, %mul3A_58 : vector<16xi32>
    %add3A_1184 = arith.constant 15 : i32
    %add3A_1185 = vector.broadcast %add3A_1184 : i32 to vector<16xi32>
    %add3A_1186 = arith.addi %add3A_1183, %add3A_1185 : vector<16xi32>
    %gather3A_1187 = tpu.vector_load_idx %arg8[%add3A_1186] : memref<3072xf32, #tpu.memory_space<vmem>>[vector<16xi32>], vector<16xf32>,
    %add3A_1188 = arith.addf %add3A_1180, %gather3A_1187 : vector<16xf32>
    %swap3A_1189 = arith.constant 128 : index
    %swap3A_1190 = tpu.vector_load %arg10[%swap3A_1189] {strides = array<i32>} : memref<192xf32, #tpu.memory_space<vmem>>, vector<16xf32>,
    tpu.vector_store %arg10[%swap3A_1189], %add3A_1188 {strides = array<i32>} : memref<192xf32, #tpu.memory_space<vmem>>, vector<16xf32>,
    %add3A_1191 = arith.constant 2304 : i32
    %add3A_1192 = vector.broadcast %add3A_1191 : i32 to vector<16xi32>
    %add3A_1193 = arith.addi %add3A_1192, %mul3A_58 : vector<16xi32>
    %gather3A_1194 = tpu.vector_load_idx %arg8[%add3A_1193] : memref<3072xf32, #tpu.memory_space<vmem>>[vector<16xi32>], vector<16xf32>,
    %add3A_1195 = arith.constant 2304 : i32
    %add3A_1196 = vector.broadcast %add3A_1195 : i32 to vector<16xi32>
    %add3A_1197 = arith.addi %add3A_1196, %mul3A_58 : vector<16xi32>
    %add3A_1198 = arith.constant 1 : i32
    %add3A_1199 = vector.broadcast %add3A_1198 : i32 to vector<16xi32>
    %add3A_1200 = arith.addi %add3A_1197, %add3A_1199 : vector<16xi32>
    %gather3A_1201 = tpu.vector_load_idx %arg8[%add3A_1200] : memref<3072xf32, #tpu.memory_space<vmem>>[vector<16xi32>], vector<16xf32>,
    %add3A_1202 = arith.addf %gather3A_1194, %gather3A_1201 : vector<16xf32>
    %add3A_1203 = arith.constant 2304 : i32
    %add3A_1204 = vector.broadcast %add3A_1203 : i32 to vector<16xi32>
    %add3A_1205 = arith.addi %add3A_1204, %mul3A_58 : vector<16xi32>
    %add3A_1206 = arith.constant 2 : i32
    %add3A_1207 = vector.broadcast %add3A_1206 : i32 to vector<16xi32>
    %add3A_1208 = arith.addi %add3A_1205, %add3A_1207 : vector<16xi32>
    %gather3A_1209 = tpu.vector_load_idx %arg8[%add3A_1208] : memref<3072xf32, #tpu.memory_space<vmem>>[vector<16xi32>], vector<16xf32>,
    %add3A_1210 = arith.addf %add3A_1202, %gather3A_1209 : vector<16xf32>
    %add3A_1211 = arith.constant 2304 : i32
    %add3A_1212 = vector.broadcast %add3A_1211 : i32 to vector<16xi32>
    %add3A_1213 = arith.addi %add3A_1212, %mul3A_58 : vector<16xi32>
    %add3A_1214 = arith.constant 3 : i32
    %add3A_1215 = vector.broadcast %add3A_1214 : i32 to vector<16xi32>
    %add3A_1216 = arith.addi %add3A_1213, %add3A_1215 : vector<16xi32>
    %gather3A_1217 = tpu.vector_load_idx %arg8[%add3A_1216] : memref<3072xf32, #tpu.memory_space<vmem>>[vector<16xi32>], vector<16xf32>,
    %add3A_1218 = arith.addf %add3A_1210, %gather3A_1217 : vector<16xf32>
    %add3A_1219 = arith.constant 2304 : i32
    %add3A_1220 = vector.broadcast %add3A_1219 : i32 to vector<16xi32>
    %add3A_1221 = arith.addi %add3A_1220, %mul3A_58 : vector<16xi32>
    %add3A_1222 = arith.constant 4 : i32
    %add3A_1223 = vector.broadcast %add3A_1222 : i32 to vector<16xi32>
    %add3A_1224 = arith.addi %add3A_1221, %add3A_1223 : vector<16xi32>
    %gather3A_1225 = tpu.vector_load_idx %arg8[%add3A_1224] : memref<3072xf32, #tpu.memory_space<vmem>>[vector<16xi32>], vector<16xf32>,
    %add3A_1226 = arith.addf %add3A_1218, %gather3A_1225 : vector<16xf32>
    %add3A_1227 = arith.constant 2304 : i32
    %add3A_1228 = vector.broadcast %add3A_1227 : i32 to vector<16xi32>
    %add3A_1229 = arith.addi %add3A_1228, %mul3A_58 : vector<16xi32>
    %add3A_1230 = arith.constant 5 : i32
    %add3A_1231 = vector.broadcast %add3A_1230 : i32 to vector<16xi32>
    %add3A_1232 = arith.addi %add3A_1229, %add3A_1231 : vector<16xi32>
    %gather3A_1233 = tpu.vector_load_idx %arg8[%add3A_1232] : memref<3072xf32, #tpu.memory_space<vmem>>[vector<16xi32>], vector<16xf32>,
    %add3A_1234 = arith.addf %add3A_1226, %gather3A_1233 : vector<16xf32>
    %add3A_1235 = arith.constant 2304 : i32
    %add3A_1236 = vector.broadcast %add3A_1235 : i32 to vector<16xi32>
    %add3A_1237 = arith.addi %add3A_1236, %mul3A_58 : vector<16xi32>
    %add3A_1238 = arith.constant 6 : i32
    %add3A_1239 = vector.broadcast %add3A_1238 : i32 to vector<16xi32>
    %add3A_1240 = arith.addi %add3A_1237, %add3A_1239 : vector<16xi32>
    %gather3A_1241 = tpu.vector_load_idx %arg8[%add3A_1240] : memref<3072xf32, #tpu.memory_space<vmem>>[vector<16xi32>], vector<16xf32>,
    %add3A_1242 = arith.addf %add3A_1234, %gather3A_1241 : vector<16xf32>
    %add3A_1243 = arith.constant 2304 : i32
    %add3A_1244 = vector.broadcast %add3A_1243 : i32 to vector<16xi32>
    %add3A_1245 = arith.addi %add3A_1244, %mul3A_58 : vector<16xi32>
    %add3A_1246 = arith.constant 7 : i32
    %add3A_1247 = vector.broadcast %add3A_1246 : i32 to vector<16xi32>
    %add3A_1248 = arith.addi %add3A_1245, %add3A_1247 : vector<16xi32>
    %gather3A_1249 = tpu.vector_load_idx %arg8[%add3A_1248] : memref<3072xf32, #tpu.memory_space<vmem>>[vector<16xi32>], vector<16xf32>,
    %add3A_1250 = arith.addf %add3A_1242, %gather3A_1249 : vector<16xf32>
    %add3A_1251 = arith.constant 2304 : i32
    %add3A_1252 = vector.broadcast %add3A_1251 : i32 to vector<16xi32>
    %add3A_1253 = arith.addi %add3A_1252, %mul3A_58 : vector<16xi32>
    %add3A_1254 = arith.constant 8 : i32
    %add3A_1255 = vector.broadcast %add3A_1254 : i32 to vector<16xi32>
    %add3A_1256 = arith.addi %add3A_1253, %add3A_1255 : vector<16xi32>
    %gather3A_1257 = tpu.vector_load_idx %arg8[%add3A_1256] : memref<3072xf32, #tpu.memory_space<vmem>>[vector<16xi32>], vector<16xf32>,
    %add3A_1258 = arith.addf %add3A_1250, %gather3A_1257 : vector<16xf32>
    %add3A_1259 = arith.constant 2304 : i32
    %add3A_1260 = vector.broadcast %add3A_1259 : i32 to vector<16xi32>
    %add3A_1261 = arith.addi %add3A_1260, %mul3A_58 : vector<16xi32>
    %add3A_1262 = arith.constant 9 : i32
    %add3A_1263 = vector.broadcast %add3A_1262 : i32 to vector<16xi32>
    %add3A_1264 = arith.addi %add3A_1261, %add3A_1263 : vector<16xi32>
    %gather3A_1265 = tpu.vector_load_idx %arg8[%add3A_1264] : memref<3072xf32, #tpu.memory_space<vmem>>[vector<16xi32>], vector<16xf32>,
    %add3A_1266 = arith.addf %add3A_1258, %gather3A_1265 : vector<16xf32>
    %add3A_1267 = arith.constant 2304 : i32
    %add3A_1268 = vector.broadcast %add3A_1267 : i32 to vector<16xi32>
    %add3A_1269 = arith.addi %add3A_1268, %mul3A_58 : vector<16xi32>
    %add3A_1270 = arith.constant 10 : i32
    %add3A_1271 = vector.broadcast %add3A_1270 : i32 to vector<16xi32>
    %add3A_1272 = arith.addi %add3A_1269, %add3A_1271 : vector<16xi32>
    %gather3A_1273 = tpu.vector_load_idx %arg8[%add3A_1272] : memref<3072xf32, #tpu.memory_space<vmem>>[vector<16xi32>], vector<16xf32>,
    %add3A_1274 = arith.addf %add3A_1266, %gather3A_1273 : vector<16xf32>
    %add3A_1275 = arith.constant 2304 : i32
    %add3A_1276 = vector.broadcast %add3A_1275 : i32 to vector<16xi32>
    %add3A_1277 = arith.addi %add3A_1276, %mul3A_58 : vector<16xi32>
    %add3A_1278 = arith.constant 11 : i32
    %add3A_1279 = vector.broadcast %add3A_1278 : i32 to vector<16xi32>
    %add3A_1280 = arith.addi %add3A_1277, %add3A_1279 : vector<16xi32>
    %gather3A_1281 = tpu.vector_load_idx %arg8[%add3A_1280] : memref<3072xf32, #tpu.memory_space<vmem>>[vector<16xi32>], vector<16xf32>,
    %add3A_1282 = arith.addf %add3A_1274, %gather3A_1281 : vector<16xf32>
    %add3A_1283 = arith.constant 2304 : i32
    %add3A_1284 = vector.broadcast %add3A_1283 : i32 to vector<16xi32>
    %add3A_1285 = arith.addi %add3A_1284, %mul3A_58 : vector<16xi32>
    %add3A_1286 = arith.constant 12 : i32
    %add3A_1287 = vector.broadcast %add3A_1286 : i32 to vector<16xi32>
    %add3A_1288 = arith.addi %add3A_1285, %add3A_1287 : vector<16xi32>
    %gather3A_1289 = tpu.vector_load_idx %arg8[%add3A_1288] : memref<3072xf32, #tpu.memory_space<vmem>>[vector<16xi32>], vector<16xf32>,
    %add3A_1290 = arith.addf %add3A_1282, %gather3A_1289 : vector<16xf32>
    %add3A_1291 = arith.constant 2304 : i32
    %add3A_1292 = vector.broadcast %add3A_1291 : i32 to vector<16xi32>
    %add3A_1293 = arith.addi %add3A_1292, %mul3A_58 : vector<16xi32>
    %add3A_1294 = arith.constant 13 : i32
    %add3A_1295 = vector.broadcast %add3A_1294 : i32 to vector<16xi32>
    %add3A_1296 = arith.addi %add3A_1293, %add3A_1295 : vector<16xi32>
    %gather3A_1297 = tpu.vector_load_idx %arg8[%add3A_1296] : memref<3072xf32, #tpu.memory_space<vmem>>[vector<16xi32>], vector<16xf32>,
    %add3A_1298 = arith.addf %add3A_1290, %gather3A_1297 : vector<16xf32>
    %add3A_1299 = arith.constant 2304 : i32
    %add3A_1300 = vector.broadcast %add3A_1299 : i32 to vector<16xi32>
    %add3A_1301 = arith.addi %add3A_1300, %mul3A_58 : vector<16xi32>
    %add3A_1302 = arith.constant 14 : i32
    %add3A_1303 = vector.broadcast %add3A_1302 : i32 to vector<16xi32>
    %add3A_1304 = arith.addi %add3A_1301, %add3A_1303 : vector<16xi32>
    %gather3A_1305 = tpu.vector_load_idx %arg8[%add3A_1304] : memref<3072xf32, #tpu.memory_space<vmem>>[vector<16xi32>], vector<16xf32>,
    %add3A_1306 = arith.addf %add3A_1298, %gather3A_1305 : vector<16xf32>
    %add3A_1307 = arith.constant 2304 : i32
    %add3A_1308 = vector.broadcast %add3A_1307 : i32 to vector<16xi32>
    %add3A_1309 = arith.addi %add3A_1308, %mul3A_58 : vector<16xi32>
    %add3A_1310 = arith.constant 15 : i32
    %add3A_1311 = vector.broadcast %add3A_1310 : i32 to vector<16xi32>
    %add3A_1312 = arith.addi %add3A_1309, %add3A_1311 : vector<16xi32>
    %gather3A_1313 = tpu.vector_load_idx %arg8[%add3A_1312] : memref<3072xf32, #tpu.memory_space<vmem>>[vector<16xi32>], vector<16xf32>,
    %add3A_1314 = arith.addf %add3A_1306, %gather3A_1313 : vector<16xf32>
    %swap3A_1315 = arith.constant 144 : index
    %swap3A_1316 = tpu.vector_load %arg10[%swap3A_1315] {strides = array<i32>} : memref<192xf32, #tpu.memory_space<vmem>>, vector<16xf32>,
    tpu.vector_store %arg10[%swap3A_1315], %add3A_1314 {strides = array<i32>} : memref<192xf32, #tpu.memory_space<vmem>>, vector<16xf32>,
    %add3A_1317 = arith.constant 2560 : i32
    %add3A_1318 = vector.broadcast %add3A_1317 : i32 to vector<16xi32>
    %add3A_1319 = arith.addi %add3A_1318, %mul3A_58 : vector<16xi32>
    %gather3A_1320 = tpu.vector_load_idx %arg8[%add3A_1319] : memref<3072xf32, #tpu.memory_space<vmem>>[vector<16xi32>], vector<16xf32>,
    %add3A_1321 = arith.constant 2560 : i32
    %add3A_1322 = vector.broadcast %add3A_1321 : i32 to vector<16xi32>
    %add3A_1323 = arith.addi %add3A_1322, %mul3A_58 : vector<16xi32>
    %add3A_1324 = arith.constant 1 : i32
    %add3A_1325 = vector.broadcast %add3A_1324 : i32 to vector<16xi32>
    %add3A_1326 = arith.addi %add3A_1323, %add3A_1325 : vector<16xi32>
    %gather3A_1327 = tpu.vector_load_idx %arg8[%add3A_1326] : memref<3072xf32, #tpu.memory_space<vmem>>[vector<16xi32>], vector<16xf32>,
    %add3A_1328 = arith.addf %gather3A_1320, %gather3A_1327 : vector<16xf32>
    %add3A_1329 = arith.constant 2560 : i32
    %add3A_1330 = vector.broadcast %add3A_1329 : i32 to vector<16xi32>
    %add3A_1331 = arith.addi %add3A_1330, %mul3A_58 : vector<16xi32>
    %add3A_1332 = arith.constant 2 : i32
    %add3A_1333 = vector.broadcast %add3A_1332 : i32 to vector<16xi32>
    %add3A_1334 = arith.addi %add3A_1331, %add3A_1333 : vector<16xi32>
    %gather3A_1335 = tpu.vector_load_idx %arg8[%add3A_1334] : memref<3072xf32, #tpu.memory_space<vmem>>[vector<16xi32>], vector<16xf32>,
    %add3A_1336 = arith.addf %add3A_1328, %gather3A_1335 : vector<16xf32>
    %add3A_1337 = arith.constant 2560 : i32
    %add3A_1338 = vector.broadcast %add3A_1337 : i32 to vector<16xi32>
    %add3A_1339 = arith.addi %add3A_1338, %mul3A_58 : vector<16xi32>
    %add3A_1340 = arith.constant 3 : i32
    %add3A_1341 = vector.broadcast %add3A_1340 : i32 to vector<16xi32>
    %add3A_1342 = arith.addi %add3A_1339, %add3A_1341 : vector<16xi32>
    %gather3A_1343 = tpu.vector_load_idx %arg8[%add3A_1342] : memref<3072xf32, #tpu.memory_space<vmem>>[vector<16xi32>], vector<16xf32>,
    %add3A_1344 = arith.addf %add3A_1336, %gather3A_1343 : vector<16xf32>
    %add3A_1345 = arith.constant 2560 : i32
    %add3A_1346 = vector.broadcast %add3A_1345 : i32 to vector<16xi32>
    %add3A_1347 = arith.addi %add3A_1346, %mul3A_58 : vector<16xi32>
    %add3A_1348 = arith.constant 4 : i32
    %add3A_1349 = vector.broadcast %add3A_1348 : i32 to vector<16xi32>
    %add3A_1350 = arith.addi %add3A_1347, %add3A_1349 : vector<16xi32>
    %gather3A_1351 = tpu.vector_load_idx %arg8[%add3A_1350] : memref<3072xf32, #tpu.memory_space<vmem>>[vector<16xi32>], vector<16xf32>,
    %add3A_1352 = arith.addf %add3A_1344, %gather3A_1351 : vector<16xf32>
    %add3A_1353 = arith.constant 2560 : i32
    %add3A_1354 = vector.broadcast %add3A_1353 : i32 to vector<16xi32>
    %add3A_1355 = arith.addi %add3A_1354, %mul3A_58 : vector<16xi32>
    %add3A_1356 = arith.constant 5 : i32
    %add3A_1357 = vector.broadcast %add3A_1356 : i32 to vector<16xi32>
    %add3A_1358 = arith.addi %add3A_1355, %add3A_1357 : vector<16xi32>
    %gather3A_1359 = tpu.vector_load_idx %arg8[%add3A_1358] : memref<3072xf32, #tpu.memory_space<vmem>>[vector<16xi32>], vector<16xf32>,
    %add3A_1360 = arith.addf %add3A_1352, %gather3A_1359 : vector<16xf32>
    %add3A_1361 = arith.constant 2560 : i32
    %add3A_1362 = vector.broadcast %add3A_1361 : i32 to vector<16xi32>
    %add3A_1363 = arith.addi %add3A_1362, %mul3A_58 : vector<16xi32>
    %add3A_1364 = arith.constant 6 : i32
    %add3A_1365 = vector.broadcast %add3A_1364 : i32 to vector<16xi32>
    %add3A_1366 = arith.addi %add3A_1363, %add3A_1365 : vector<16xi32>
    %gather3A_1367 = tpu.vector_load_idx %arg8[%add3A_1366] : memref<3072xf32, #tpu.memory_space<vmem>>[vector<16xi32>], vector<16xf32>,
    %add3A_1368 = arith.addf %add3A_1360, %gather3A_1367 : vector<16xf32>
    %add3A_1369 = arith.constant 2560 : i32
    %add3A_1370 = vector.broadcast %add3A_1369 : i32 to vector<16xi32>
    %add3A_1371 = arith.addi %add3A_1370, %mul3A_58 : vector<16xi32>
    %add3A_1372 = arith.constant 7 : i32
    %add3A_1373 = vector.broadcast %add3A_1372 : i32 to vector<16xi32>
    %add3A_1374 = arith.addi %add3A_1371, %add3A_1373 : vector<16xi32>
    %gather3A_1375 = tpu.vector_load_idx %arg8[%add3A_1374] : memref<3072xf32, #tpu.memory_space<vmem>>[vector<16xi32>], vector<16xf32>,
    %add3A_1376 = arith.addf %add3A_1368, %gather3A_1375 : vector<16xf32>
    %add3A_1377 = arith.constant 2560 : i32
    %add3A_1378 = vector.broadcast %add3A_1377 : i32 to vector<16xi32>
    %add3A_1379 = arith.addi %add3A_1378, %mul3A_58 : vector<16xi32>
    %add3A_1380 = arith.constant 8 : i32
    %add3A_1381 = vector.broadcast %add3A_1380 : i32 to vector<16xi32>
    %add3A_1382 = arith.addi %add3A_1379, %add3A_1381 : vector<16xi32>
    %gather3A_1383 = tpu.vector_load_idx %arg8[%add3A_1382] : memref<3072xf32, #tpu.memory_space<vmem>>[vector<16xi32>], vector<16xf32>,
    %add3A_1384 = arith.addf %add3A_1376, %gather3A_1383 : vector<16xf32>
    %add3A_1385 = arith.constant 2560 : i32
    %add3A_1386 = vector.broadcast %add3A_1385 : i32 to vector<16xi32>
    %add3A_1387 = arith.addi %add3A_1386, %mul3A_58 : vector<16xi32>
    %add3A_1388 = arith.constant 9 : i32
    %add3A_1389 = vector.broadcast %add3A_1388 : i32 to vector<16xi32>
    %add3A_1390 = arith.addi %add3A_1387, %add3A_1389 : vector<16xi32>
    %gather3A_1391 = tpu.vector_load_idx %arg8[%add3A_1390] : memref<3072xf32, #tpu.memory_space<vmem>>[vector<16xi32>], vector<16xf32>,
    %add3A_1392 = arith.addf %add3A_1384, %gather3A_1391 : vector<16xf32>
    %add3A_1393 = arith.constant 2560 : i32
    %add3A_1394 = vector.broadcast %add3A_1393 : i32 to vector<16xi32>
    %add3A_1395 = arith.addi %add3A_1394, %mul3A_58 : vector<16xi32>
    %add3A_1396 = arith.constant 10 : i32
    %add3A_1397 = vector.broadcast %add3A_1396 : i32 to vector<16xi32>
    %add3A_1398 = arith.addi %add3A_1395, %add3A_1397 : vector<16xi32>
    %gather3A_1399 = tpu.vector_load_idx %arg8[%add3A_1398] : memref<3072xf32, #tpu.memory_space<vmem>>[vector<16xi32>], vector<16xf32>,
    %add3A_1400 = arith.addf %add3A_1392, %gather3A_1399 : vector<16xf32>
    %add3A_1401 = arith.constant 2560 : i32
    %add3A_1402 = vector.broadcast %add3A_1401 : i32 to vector<16xi32>
    %add3A_1403 = arith.addi %add3A_1402, %mul3A_58 : vector<16xi32>
    %add3A_1404 = arith.constant 11 : i32
    %add3A_1405 = vector.broadcast %add3A_1404 : i32 to vector<16xi32>
    %add3A_1406 = arith.addi %add3A_1403, %add3A_1405 : vector<16xi32>
    %gather3A_1407 = tpu.vector_load_idx %arg8[%add3A_1406] : memref<3072xf32, #tpu.memory_space<vmem>>[vector<16xi32>], vector<16xf32>,
    %add3A_1408 = arith.addf %add3A_1400, %gather3A_1407 : vector<16xf32>
    %add3A_1409 = arith.constant 2560 : i32
    %add3A_1410 = vector.broadcast %add3A_1409 : i32 to vector<16xi32>
    %add3A_1411 = arith.addi %add3A_1410, %mul3A_58 : vector<16xi32>
    %add3A_1412 = arith.constant 12 : i32
    %add3A_1413 = vector.broadcast %add3A_1412 : i32 to vector<16xi32>
    %add3A_1414 = arith.addi %add3A_1411, %add3A_1413 : vector<16xi32>
    %gather3A_1415 = tpu.vector_load_idx %arg8[%add3A_1414] : memref<3072xf32, #tpu.memory_space<vmem>>[vector<16xi32>], vector<16xf32>,
    %add3A_1416 = arith.addf %add3A_1408, %gather3A_1415 : vector<16xf32>
    %add3A_1417 = arith.constant 2560 : i32
    %add3A_1418 = vector.broadcast %add3A_1417 : i32 to vector<16xi32>
    %add3A_1419 = arith.addi %add3A_1418, %mul3A_58 : vector<16xi32>
    %add3A_1420 = arith.constant 13 : i32
    %add3A_1421 = vector.broadcast %add3A_1420 : i32 to vector<16xi32>
    %add3A_1422 = arith.addi %add3A_1419, %add3A_1421 : vector<16xi32>
    %gather3A_1423 = tpu.vector_load_idx %arg8[%add3A_1422] : memref<3072xf32, #tpu.memory_space<vmem>>[vector<16xi32>], vector<16xf32>,
    %add3A_1424 = arith.addf %add3A_1416, %gather3A_1423 : vector<16xf32>
    %add3A_1425 = arith.constant 2560 : i32
    %add3A_1426 = vector.broadcast %add3A_1425 : i32 to vector<16xi32>
    %add3A_1427 = arith.addi %add3A_1426, %mul3A_58 : vector<16xi32>
    %add3A_1428 = arith.constant 14 : i32
    %add3A_1429 = vector.broadcast %add3A_1428 : i32 to vector<16xi32>
    %add3A_1430 = arith.addi %add3A_1427, %add3A_1429 : vector<16xi32>
    %gather3A_1431 = tpu.vector_load_idx %arg8[%add3A_1430] : memref<3072xf32, #tpu.memory_space<vmem>>[vector<16xi32>], vector<16xf32>,
    %add3A_1432 = arith.addf %add3A_1424, %gather3A_1431 : vector<16xf32>
    %add3A_1433 = arith.constant 2560 : i32
    %add3A_1434 = vector.broadcast %add3A_1433 : i32 to vector<16xi32>
    %add3A_1435 = arith.addi %add3A_1434, %mul3A_58 : vector<16xi32>
    %add3A_1436 = arith.constant 15 : i32
    %add3A_1437 = vector.broadcast %add3A_1436 : i32 to vector<16xi32>
    %add3A_1438 = arith.addi %add3A_1435, %add3A_1437 : vector<16xi32>
    %gather3A_1439 = tpu.vector_load_idx %arg8[%add3A_1438] : memref<3072xf32, #tpu.memory_space<vmem>>[vector<16xi32>], vector<16xf32>,
    %add3A_1440 = arith.addf %add3A_1432, %gather3A_1439 : vector<16xf32>
    %swap3A_1441 = arith.constant 160 : index
    %swap3A_1442 = tpu.vector_load %arg10[%swap3A_1441] {strides = array<i32>} : memref<192xf32, #tpu.memory_space<vmem>>, vector<16xf32>,
    tpu.vector_store %arg10[%swap3A_1441], %add3A_1440 {strides = array<i32>} : memref<192xf32, #tpu.memory_space<vmem>>, vector<16xf32>,
    %add3A_1443 = arith.constant 2816 : i32
    %add3A_1444 = vector.broadcast %add3A_1443 : i32 to vector<16xi32>
    %add3A_1445 = arith.addi %add3A_1444, %mul3A_58 : vector<16xi32>
    %gather3A_1446 = tpu.vector_load_idx %arg8[%add3A_1445] : memref<3072xf32, #tpu.memory_space<vmem>>[vector<16xi32>], vector<16xf32>,
    %add3A_1447 = arith.constant 2816 : i32
    %add3A_1448 = vector.broadcast %add3A_1447 : i32 to vector<16xi32>
    %add3A_1449 = arith.addi %add3A_1448, %mul3A_58 : vector<16xi32>
    %add3A_1450 = arith.constant 1 : i32
    %add3A_1451 = vector.broadcast %add3A_1450 : i32 to vector<16xi32>
    %add3A_1452 = arith.addi %add3A_1449, %add3A_1451 : vector<16xi32>
    %gather3A_1453 = tpu.vector_load_idx %arg8[%add3A_1452] : memref<3072xf32, #tpu.memory_space<vmem>>[vector<16xi32>], vector<16xf32>,
    %add3A_1454 = arith.addf %gather3A_1446, %gather3A_1453 : vector<16xf32>
    %add3A_1455 = arith.constant 2816 : i32
    %add3A_1456 = vector.broadcast %add3A_1455 : i32 to vector<16xi32>
    %add3A_1457 = arith.addi %add3A_1456, %mul3A_58 : vector<16xi32>
    %add3A_1458 = arith.constant 2 : i32
    %add3A_1459 = vector.broadcast %add3A_1458 : i32 to vector<16xi32>
    %add3A_1460 = arith.addi %add3A_1457, %add3A_1459 : vector<16xi32>
    %gather3A_1461 = tpu.vector_load_idx %arg8[%add3A_1460] : memref<3072xf32, #tpu.memory_space<vmem>>[vector<16xi32>], vector<16xf32>,
    %add3A_1462 = arith.addf %add3A_1454, %gather3A_1461 : vector<16xf32>
    %add3A_1463 = arith.constant 2816 : i32
    %add3A_1464 = vector.broadcast %add3A_1463 : i32 to vector<16xi32>
    %add3A_1465 = arith.addi %add3A_1464, %mul3A_58 : vector<16xi32>
    %add3A_1466 = arith.constant 3 : i32
    %add3A_1467 = vector.broadcast %add3A_1466 : i32 to vector<16xi32>
    %add3A_1468 = arith.addi %add3A_1465, %add3A_1467 : vector<16xi32>
    %gather3A_1469 = tpu.vector_load_idx %arg8[%add3A_1468] : memref<3072xf32, #tpu.memory_space<vmem>>[vector<16xi32>], vector<16xf32>,
    %add3A_1470 = arith.addf %add3A_1462, %gather3A_1469 : vector<16xf32>
    %add3A_1471 = arith.constant 2816 : i32
    %add3A_1472 = vector.broadcast %add3A_1471 : i32 to vector<16xi32>
    %add3A_1473 = arith.addi %add3A_1472, %mul3A_58 : vector<16xi32>
    %add3A_1474 = arith.constant 4 : i32
    %add3A_1475 = vector.broadcast %add3A_1474 : i32 to vector<16xi32>
    %add3A_1476 = arith.addi %add3A_1473, %add3A_1475 : vector<16xi32>
    %gather3A_1477 = tpu.vector_load_idx %arg8[%add3A_1476] : memref<3072xf32, #tpu.memory_space<vmem>>[vector<16xi32>], vector<16xf32>,
    %add3A_1478 = arith.addf %add3A_1470, %gather3A_1477 : vector<16xf32>
    %add3A_1479 = arith.constant 2816 : i32
    %add3A_1480 = vector.broadcast %add3A_1479 : i32 to vector<16xi32>
    %add3A_1481 = arith.addi %add3A_1480, %mul3A_58 : vector<16xi32>
    %add3A_1482 = arith.constant 5 : i32
    %add3A_1483 = vector.broadcast %add3A_1482 : i32 to vector<16xi32>
    %add3A_1484 = arith.addi %add3A_1481, %add3A_1483 : vector<16xi32>
    %gather3A_1485 = tpu.vector_load_idx %arg8[%add3A_1484] : memref<3072xf32, #tpu.memory_space<vmem>>[vector<16xi32>], vector<16xf32>,
    %add3A_1486 = arith.addf %add3A_1478, %gather3A_1485 : vector<16xf32>
    %add3A_1487 = arith.constant 2816 : i32
    %add3A_1488 = vector.broadcast %add3A_1487 : i32 to vector<16xi32>
    %add3A_1489 = arith.addi %add3A_1488, %mul3A_58 : vector<16xi32>
    %add3A_1490 = arith.constant 6 : i32
    %add3A_1491 = vector.broadcast %add3A_1490 : i32 to vector<16xi32>
    %add3A_1492 = arith.addi %add3A_1489, %add3A_1491 : vector<16xi32>
    %gather3A_1493 = tpu.vector_load_idx %arg8[%add3A_1492] : memref<3072xf32, #tpu.memory_space<vmem>>[vector<16xi32>], vector<16xf32>,
    %add3A_1494 = arith.addf %add3A_1486, %gather3A_1493 : vector<16xf32>
    %add3A_1495 = arith.constant 2816 : i32
    %add3A_1496 = vector.broadcast %add3A_1495 : i32 to vector<16xi32>
    %add3A_1497 = arith.addi %add3A_1496, %mul3A_58 : vector<16xi32>
    %add3A_1498 = arith.constant 7 : i32
    %add3A_1499 = vector.broadcast %add3A_1498 : i32 to vector<16xi32>
    %add3A_1500 = arith.addi %add3A_1497, %add3A_1499 : vector<16xi32>
    %gather3A_1501 = tpu.vector_load_idx %arg8[%add3A_1500] : memref<3072xf32, #tpu.memory_space<vmem>>[vector<16xi32>], vector<16xf32>,
    %add3A_1502 = arith.addf %add3A_1494, %gather3A_1501 : vector<16xf32>
    %add3A_1503 = arith.constant 2816 : i32
    %add3A_1504 = vector.broadcast %add3A_1503 : i32 to vector<16xi32>
    %add3A_1505 = arith.addi %add3A_1504, %mul3A_58 : vector<16xi32>
    %add3A_1506 = arith.constant 8 : i32
    %add3A_1507 = vector.broadcast %add3A_1506 : i32 to vector<16xi32>
    %add3A_1508 = arith.addi %add3A_1505, %add3A_1507 : vector<16xi32>
    %gather3A_1509 = tpu.vector_load_idx %arg8[%add3A_1508] : memref<3072xf32, #tpu.memory_space<vmem>>[vector<16xi32>], vector<16xf32>,
    %add3A_1510 = arith.addf %add3A_1502, %gather3A_1509 : vector<16xf32>
    %add3A_1511 = arith.constant 2816 : i32
    %add3A_1512 = vector.broadcast %add3A_1511 : i32 to vector<16xi32>
    %add3A_1513 = arith.addi %add3A_1512, %mul3A_58 : vector<16xi32>
    %add3A_1514 = arith.constant 9 : i32
    %add3A_1515 = vector.broadcast %add3A_1514 : i32 to vector<16xi32>
    %add3A_1516 = arith.addi %add3A_1513, %add3A_1515 : vector<16xi32>
    %gather3A_1517 = tpu.vector_load_idx %arg8[%add3A_1516] : memref<3072xf32, #tpu.memory_space<vmem>>[vector<16xi32>], vector<16xf32>,
    %add3A_1518 = arith.addf %add3A_1510, %gather3A_1517 : vector<16xf32>
    %add3A_1519 = arith.constant 2816 : i32
    %add3A_1520 = vector.broadcast %add3A_1519 : i32 to vector<16xi32>
    %add3A_1521 = arith.addi %add3A_1520, %mul3A_58 : vector<16xi32>
    %add3A_1522 = arith.constant 10 : i32
    %add3A_1523 = vector.broadcast %add3A_1522 : i32 to vector<16xi32>
    %add3A_1524 = arith.addi %add3A_1521, %add3A_1523 : vector<16xi32>
    %gather3A_1525 = tpu.vector_load_idx %arg8[%add3A_1524] : memref<3072xf32, #tpu.memory_space<vmem>>[vector<16xi32>], vector<16xf32>,
    %add3A_1526 = arith.addf %add3A_1518, %gather3A_1525 : vector<16xf32>
    %add3A_1527 = arith.constant 2816 : i32
    %add3A_1528 = vector.broadcast %add3A_1527 : i32 to vector<16xi32>
    %add3A_1529 = arith.addi %add3A_1528, %mul3A_58 : vector<16xi32>
    %add3A_1530 = arith.constant 11 : i32
    %add3A_1531 = vector.broadcast %add3A_1530 : i32 to vector<16xi32>
    %add3A_1532 = arith.addi %add3A_1529, %add3A_1531 : vector<16xi32>
    %gather3A_1533 = tpu.vector_load_idx %arg8[%add3A_1532] : memref<3072xf32, #tpu.memory_space<vmem>>[vector<16xi32>], vector<16xf32>,
    %add3A_1534 = arith.addf %add3A_1526, %gather3A_1533 : vector<16xf32>
    %add3A_1535 = arith.constant 2816 : i32
    %add3A_1536 = vector.broadcast %add3A_1535 : i32 to vector<16xi32>
    %add3A_1537 = arith.addi %add3A_1536, %mul3A_58 : vector<16xi32>
    %add3A_1538 = arith.constant 12 : i32
    %add3A_1539 = vector.broadcast %add3A_1538 : i32 to vector<16xi32>
    %add3A_1540 = arith.addi %add3A_1537, %add3A_1539 : vector<16xi32>
    %gather3A_1541 = tpu.vector_load_idx %arg8[%add3A_1540] : memref<3072xf32, #tpu.memory_space<vmem>>[vector<16xi32>], vector<16xf32>,
    %add3A_1542 = arith.addf %add3A_1534, %gather3A_1541 : vector<16xf32>
    %add3A_1543 = arith.constant 2816 : i32
    %add3A_1544 = vector.broadcast %add3A_1543 : i32 to vector<16xi32>
    %add3A_1545 = arith.addi %add3A_1544, %mul3A_58 : vector<16xi32>
    %add3A_1546 = arith.constant 13 : i32
    %add3A_1547 = vector.broadcast %add3A_1546 : i32 to vector<16xi32>
    %add3A_1548 = arith.addi %add3A_1545, %add3A_1547 : vector<16xi32>
    %gather3A_1549 = tpu.vector_load_idx %arg8[%add3A_1548] : memref<3072xf32, #tpu.memory_space<vmem>>[vector<16xi32>], vector<16xf32>,
    %add3A_1550 = arith.addf %add3A_1542, %gather3A_1549 : vector<16xf32>
    %add3A_1551 = arith.constant 2816 : i32
    %add3A_1552 = vector.broadcast %add3A_1551 : i32 to vector<16xi32>
    %add3A_1553 = arith.addi %add3A_1552, %mul3A_58 : vector<16xi32>
    %add3A_1554 = arith.constant 14 : i32
    %add3A_1555 = vector.broadcast %add3A_1554 : i32 to vector<16xi32>
    %add3A_1556 = arith.addi %add3A_1553, %add3A_1555 : vector<16xi32>
    %gather3A_1557 = tpu.vector_load_idx %arg8[%add3A_1556] : memref<3072xf32, #tpu.memory_space<vmem>>[vector<16xi32>], vector<16xf32>,
    %add3A_1558 = arith.addf %add3A_1550, %gather3A_1557 : vector<16xf32>
    %add3A_1559 = arith.constant 2816 : i32
    %add3A_1560 = vector.broadcast %add3A_1559 : i32 to vector<16xi32>
    %add3A_1561 = arith.addi %add3A_1560, %mul3A_58 : vector<16xi32>
    %add3A_1562 = arith.constant 15 : i32
    %add3A_1563 = vector.broadcast %add3A_1562 : i32 to vector<16xi32>
    %add3A_1564 = arith.addi %add3A_1561, %add3A_1563 : vector<16xi32>
    %gather3A_1565 = tpu.vector_load_idx %arg8[%add3A_1564] : memref<3072xf32, #tpu.memory_space<vmem>>[vector<16xi32>], vector<16xf32>,
    %add3A_1566 = arith.addf %add3A_1558, %gather3A_1565 : vector<16xf32>
    %swap3A_1567 = arith.constant 176 : index
    %swap3A_1568 = tpu.vector_load %arg10[%swap3A_1567] {strides = array<i32>} : memref<192xf32, #tpu.memory_space<vmem>>, vector<16xf32>,
    tpu.vector_store %arg10[%swap3A_1567], %add3A_1566 {strides = array<i32>} : memref<192xf32, #tpu.memory_space<vmem>>, vector<16xf32>,
    %add3A_1569 = arith.constant 0 : i32
    %add3A_1570 = vector.broadcast %add3A_1569 : i32 to vector<16xi32>
    %add3A_1571 = arith.addi %add3A_1570, %mul3A_58 : vector<16xi32>
    %gather3A_1572 = tpu.vector_load_idx %arg9[%add3A_1571] : memref<512xf32, #tpu.memory_space<vmem>>[vector<16xi32>], vector<16xf32>,
    %add3A_1573 = arith.constant 0 : i32
    %add3A_1574 = vector.broadcast %add3A_1573 : i32 to vector<16xi32>
    %add3A_1575 = arith.addi %add3A_1574, %mul3A_58 : vector<16xi32>
    %add3A_1576 = arith.constant 1 : i32
    %add3A_1577 = vector.broadcast %add3A_1576 : i32 to vector<16xi32>
    %add3A_1578 = arith.addi %add3A_1575, %add3A_1577 : vector<16xi32>
    %gather3A_1579 = tpu.vector_load_idx %arg9[%add3A_1578] : memref<512xf32, #tpu.memory_space<vmem>>[vector<16xi32>], vector<16xf32>,
    %add3A_1580 = arith.addf %gather3A_1572, %gather3A_1579 : vector<16xf32>
    %add3A_1581 = arith.constant 0 : i32
    %add3A_1582 = vector.broadcast %add3A_1581 : i32 to vector<16xi32>
    %add3A_1583 = arith.addi %add3A_1582, %mul3A_58 : vector<16xi32>
    %add3A_1584 = arith.constant 2 : i32
    %add3A_1585 = vector.broadcast %add3A_1584 : i32 to vector<16xi32>
    %add3A_1586 = arith.addi %add3A_1583, %add3A_1585 : vector<16xi32>
    %gather3A_1587 = tpu.vector_load_idx %arg9[%add3A_1586] : memref<512xf32, #tpu.memory_space<vmem>>[vector<16xi32>], vector<16xf32>,
    %add3A_1588 = arith.addf %add3A_1580, %gather3A_1587 : vector<16xf32>
    %add3A_1589 = arith.constant 0 : i32
    %add3A_1590 = vector.broadcast %add3A_1589 : i32 to vector<16xi32>
    %add3A_1591 = arith.addi %add3A_1590, %mul3A_58 : vector<16xi32>
    %add3A_1592 = arith.constant 3 : i32
    %add3A_1593 = vector.broadcast %add3A_1592 : i32 to vector<16xi32>
    %add3A_1594 = arith.addi %add3A_1591, %add3A_1593 : vector<16xi32>
    %gather3A_1595 = tpu.vector_load_idx %arg9[%add3A_1594] : memref<512xf32, #tpu.memory_space<vmem>>[vector<16xi32>], vector<16xf32>,
    %add3A_1596 = arith.addf %add3A_1588, %gather3A_1595 : vector<16xf32>
    %add3A_1597 = arith.constant 0 : i32
    %add3A_1598 = vector.broadcast %add3A_1597 : i32 to vector<16xi32>
    %add3A_1599 = arith.addi %add3A_1598, %mul3A_58 : vector<16xi32>
    %add3A_1600 = arith.constant 4 : i32
    %add3A_1601 = vector.broadcast %add3A_1600 : i32 to vector<16xi32>
    %add3A_1602 = arith.addi %add3A_1599, %add3A_1601 : vector<16xi32>
    %gather3A_1603 = tpu.vector_load_idx %arg9[%add3A_1602] : memref<512xf32, #tpu.memory_space<vmem>>[vector<16xi32>], vector<16xf32>,
    %add3A_1604 = arith.addf %add3A_1596, %gather3A_1603 : vector<16xf32>
    %add3A_1605 = arith.constant 0 : i32
    %add3A_1606 = vector.broadcast %add3A_1605 : i32 to vector<16xi32>
    %add3A_1607 = arith.addi %add3A_1606, %mul3A_58 : vector<16xi32>
    %add3A_1608 = arith.constant 5 : i32
    %add3A_1609 = vector.broadcast %add3A_1608 : i32 to vector<16xi32>
    %add3A_1610 = arith.addi %add3A_1607, %add3A_1609 : vector<16xi32>
    %gather3A_1611 = tpu.vector_load_idx %arg9[%add3A_1610] : memref<512xf32, #tpu.memory_space<vmem>>[vector<16xi32>], vector<16xf32>,
    %add3A_1612 = arith.addf %add3A_1604, %gather3A_1611 : vector<16xf32>
    %add3A_1613 = arith.constant 0 : i32
    %add3A_1614 = vector.broadcast %add3A_1613 : i32 to vector<16xi32>
    %add3A_1615 = arith.addi %add3A_1614, %mul3A_58 : vector<16xi32>
    %add3A_1616 = arith.constant 6 : i32
    %add3A_1617 = vector.broadcast %add3A_1616 : i32 to vector<16xi32>
    %add3A_1618 = arith.addi %add3A_1615, %add3A_1617 : vector<16xi32>
    %gather3A_1619 = tpu.vector_load_idx %arg9[%add3A_1618] : memref<512xf32, #tpu.memory_space<vmem>>[vector<16xi32>], vector<16xf32>,
    %add3A_1620 = arith.addf %add3A_1612, %gather3A_1619 : vector<16xf32>
    %add3A_1621 = arith.constant 0 : i32
    %add3A_1622 = vector.broadcast %add3A_1621 : i32 to vector<16xi32>
    %add3A_1623 = arith.addi %add3A_1622, %mul3A_58 : vector<16xi32>
    %add3A_1624 = arith.constant 7 : i32
    %add3A_1625 = vector.broadcast %add3A_1624 : i32 to vector<16xi32>
    %add3A_1626 = arith.addi %add3A_1623, %add3A_1625 : vector<16xi32>
    %gather3A_1627 = tpu.vector_load_idx %arg9[%add3A_1626] : memref<512xf32, #tpu.memory_space<vmem>>[vector<16xi32>], vector<16xf32>,
    %add3A_1628 = arith.addf %add3A_1620, %gather3A_1627 : vector<16xf32>
    %add3A_1629 = arith.constant 0 : i32
    %add3A_1630 = vector.broadcast %add3A_1629 : i32 to vector<16xi32>
    %add3A_1631 = arith.addi %add3A_1630, %mul3A_58 : vector<16xi32>
    %add3A_1632 = arith.constant 8 : i32
    %add3A_1633 = vector.broadcast %add3A_1632 : i32 to vector<16xi32>
    %add3A_1634 = arith.addi %add3A_1631, %add3A_1633 : vector<16xi32>
    %gather3A_1635 = tpu.vector_load_idx %arg9[%add3A_1634] : memref<512xf32, #tpu.memory_space<vmem>>[vector<16xi32>], vector<16xf32>,
    %add3A_1636 = arith.addf %add3A_1628, %gather3A_1635 : vector<16xf32>
    %add3A_1637 = arith.constant 0 : i32
    %add3A_1638 = vector.broadcast %add3A_1637 : i32 to vector<16xi32>
    %add3A_1639 = arith.addi %add3A_1638, %mul3A_58 : vector<16xi32>
    %add3A_1640 = arith.constant 9 : i32
    %add3A_1641 = vector.broadcast %add3A_1640 : i32 to vector<16xi32>
    %add3A_1642 = arith.addi %add3A_1639, %add3A_1641 : vector<16xi32>
    %gather3A_1643 = tpu.vector_load_idx %arg9[%add3A_1642] : memref<512xf32, #tpu.memory_space<vmem>>[vector<16xi32>], vector<16xf32>,
    %add3A_1644 = arith.addf %add3A_1636, %gather3A_1643 : vector<16xf32>
    %add3A_1645 = arith.constant 0 : i32
    %add3A_1646 = vector.broadcast %add3A_1645 : i32 to vector<16xi32>
    %add3A_1647 = arith.addi %add3A_1646, %mul3A_58 : vector<16xi32>
    %add3A_1648 = arith.constant 10 : i32
    %add3A_1649 = vector.broadcast %add3A_1648 : i32 to vector<16xi32>
    %add3A_1650 = arith.addi %add3A_1647, %add3A_1649 : vector<16xi32>
    %gather3A_1651 = tpu.vector_load_idx %arg9[%add3A_1650] : memref<512xf32, #tpu.memory_space<vmem>>[vector<16xi32>], vector<16xf32>,
    %add3A_1652 = arith.addf %add3A_1644, %gather3A_1651 : vector<16xf32>
    %add3A_1653 = arith.constant 0 : i32
    %add3A_1654 = vector.broadcast %add3A_1653 : i32 to vector<16xi32>
    %add3A_1655 = arith.addi %add3A_1654, %mul3A_58 : vector<16xi32>
    %add3A_1656 = arith.constant 11 : i32
    %add3A_1657 = vector.broadcast %add3A_1656 : i32 to vector<16xi32>
    %add3A_1658 = arith.addi %add3A_1655, %add3A_1657 : vector<16xi32>
    %gather3A_1659 = tpu.vector_load_idx %arg9[%add3A_1658] : memref<512xf32, #tpu.memory_space<vmem>>[vector<16xi32>], vector<16xf32>,
    %add3A_1660 = arith.addf %add3A_1652, %gather3A_1659 : vector<16xf32>
    %add3A_1661 = arith.constant 0 : i32
    %add3A_1662 = vector.broadcast %add3A_1661 : i32 to vector<16xi32>
    %add3A_1663 = arith.addi %add3A_1662, %mul3A_58 : vector<16xi32>
    %add3A_1664 = arith.constant 12 : i32
    %add3A_1665 = vector.broadcast %add3A_1664 : i32 to vector<16xi32>
    %add3A_1666 = arith.addi %add3A_1663, %add3A_1665 : vector<16xi32>
    %gather3A_1667 = tpu.vector_load_idx %arg9[%add3A_1666] : memref<512xf32, #tpu.memory_space<vmem>>[vector<16xi32>], vector<16xf32>,
    %add3A_1668 = arith.addf %add3A_1660, %gather3A_1667 : vector<16xf32>
    %add3A_1669 = arith.constant 0 : i32
    %add3A_1670 = vector.broadcast %add3A_1669 : i32 to vector<16xi32>
    %add3A_1671 = arith.addi %add3A_1670, %mul3A_58 : vector<16xi32>
    %add3A_1672 = arith.constant 13 : i32
    %add3A_1673 = vector.broadcast %add3A_1672 : i32 to vector<16xi32>
    %add3A_1674 = arith.addi %add3A_1671, %add3A_1673 : vector<16xi32>
    %gather3A_1675 = tpu.vector_load_idx %arg9[%add3A_1674] : memref<512xf32, #tpu.memory_space<vmem>>[vector<16xi32>], vector<16xf32>,
    %add3A_1676 = arith.addf %add3A_1668, %gather3A_1675 : vector<16xf32>
    %add3A_1677 = arith.constant 0 : i32
    %add3A_1678 = vector.broadcast %add3A_1677 : i32 to vector<16xi32>
    %add3A_1679 = arith.addi %add3A_1678, %mul3A_58 : vector<16xi32>
    %add3A_1680 = arith.constant 14 : i32
    %add3A_1681 = vector.broadcast %add3A_1680 : i32 to vector<16xi32>
    %add3A_1682 = arith.addi %add3A_1679, %add3A_1681 : vector<16xi32>
    %gather3A_1683 = tpu.vector_load_idx %arg9[%add3A_1682] : memref<512xf32, #tpu.memory_space<vmem>>[vector<16xi32>], vector<16xf32>,
    %add3A_1684 = arith.addf %add3A_1676, %gather3A_1683 : vector<16xf32>
    %add3A_1685 = arith.constant 0 : i32
    %add3A_1686 = vector.broadcast %add3A_1685 : i32 to vector<16xi32>
    %add3A_1687 = arith.addi %add3A_1686, %mul3A_58 : vector<16xi32>
    %add3A_1688 = arith.constant 15 : i32
    %add3A_1689 = vector.broadcast %add3A_1688 : i32 to vector<16xi32>
    %add3A_1690 = arith.addi %add3A_1687, %add3A_1689 : vector<16xi32>
    %gather3A_1691 = tpu.vector_load_idx %arg9[%add3A_1690] : memref<512xf32, #tpu.memory_space<vmem>>[vector<16xi32>], vector<16xf32>,
    %add3A_1692 = arith.addf %add3A_1684, %gather3A_1691 : vector<16xf32>
    %swap3A_1693 = arith.constant 0 : index
    %swap3A_1694 = tpu.vector_load %arg11[%swap3A_1693] {strides = array<i32>} : memref<32xf32, #tpu.memory_space<vmem>>, vector<16xf32>,
    tpu.vector_store %arg11[%swap3A_1693], %add3A_1692 {strides = array<i32>} : memref<32xf32, #tpu.memory_space<vmem>>, vector<16xf32>,
    %add3A_1695 = arith.constant 256 : i32
    %add3A_1696 = vector.broadcast %add3A_1695 : i32 to vector<16xi32>
    %add3A_1697 = arith.addi %add3A_1696, %mul3A_58 : vector<16xi32>
    %gather3A_1698 = tpu.vector_load_idx %arg9[%add3A_1697] : memref<512xf32, #tpu.memory_space<vmem>>[vector<16xi32>], vector<16xf32>,
    %add3A_1699 = arith.constant 256 : i32
    %add3A_1700 = vector.broadcast %add3A_1699 : i32 to vector<16xi32>
    %add3A_1701 = arith.addi %add3A_1700, %mul3A_58 : vector<16xi32>
    %add3A_1702 = arith.constant 1 : i32
    %add3A_1703 = vector.broadcast %add3A_1702 : i32 to vector<16xi32>
    %add3A_1704 = arith.addi %add3A_1701, %add3A_1703 : vector<16xi32>
    %gather3A_1705 = tpu.vector_load_idx %arg9[%add3A_1704] : memref<512xf32, #tpu.memory_space<vmem>>[vector<16xi32>], vector<16xf32>,
    %add3A_1706 = arith.addf %gather3A_1698, %gather3A_1705 : vector<16xf32>
    %add3A_1707 = arith.constant 256 : i32
    %add3A_1708 = vector.broadcast %add3A_1707 : i32 to vector<16xi32>
    %add3A_1709 = arith.addi %add3A_1708, %mul3A_58 : vector<16xi32>
    %add3A_1710 = arith.constant 2 : i32
    %add3A_1711 = vector.broadcast %add3A_1710 : i32 to vector<16xi32>
    %add3A_1712 = arith.addi %add3A_1709, %add3A_1711 : vector<16xi32>
    %gather3A_1713 = tpu.vector_load_idx %arg9[%add3A_1712] : memref<512xf32, #tpu.memory_space<vmem>>[vector<16xi32>], vector<16xf32>,
    %add3A_1714 = arith.addf %add3A_1706, %gather3A_1713 : vector<16xf32>
    %add3A_1715 = arith.constant 256 : i32
    %add3A_1716 = vector.broadcast %add3A_1715 : i32 to vector<16xi32>
    %add3A_1717 = arith.addi %add3A_1716, %mul3A_58 : vector<16xi32>
    %add3A_1718 = arith.constant 3 : i32
    %add3A_1719 = vector.broadcast %add3A_1718 : i32 to vector<16xi32>
    %add3A_1720 = arith.addi %add3A_1717, %add3A_1719 : vector<16xi32>
    %gather3A_1721 = tpu.vector_load_idx %arg9[%add3A_1720] : memref<512xf32, #tpu.memory_space<vmem>>[vector<16xi32>], vector<16xf32>,
    %add3A_1722 = arith.addf %add3A_1714, %gather3A_1721 : vector<16xf32>
    %add3A_1723 = arith.constant 256 : i32
    %add3A_1724 = vector.broadcast %add3A_1723 : i32 to vector<16xi32>
    %add3A_1725 = arith.addi %add3A_1724, %mul3A_58 : vector<16xi32>
    %add3A_1726 = arith.constant 4 : i32
    %add3A_1727 = vector.broadcast %add3A_1726 : i32 to vector<16xi32>
    %add3A_1728 = arith.addi %add3A_1725, %add3A_1727 : vector<16xi32>
    %gather3A_1729 = tpu.vector_load_idx %arg9[%add3A_1728] : memref<512xf32, #tpu.memory_space<vmem>>[vector<16xi32>], vector<16xf32>,
    %add3A_1730 = arith.addf %add3A_1722, %gather3A_1729 : vector<16xf32>
    %add3A_1731 = arith.constant 256 : i32
    %add3A_1732 = vector.broadcast %add3A_1731 : i32 to vector<16xi32>
    %add3A_1733 = arith.addi %add3A_1732, %mul3A_58 : vector<16xi32>
    %add3A_1734 = arith.constant 5 : i32
    %add3A_1735 = vector.broadcast %add3A_1734 : i32 to vector<16xi32>
    %add3A_1736 = arith.addi %add3A_1733, %add3A_1735 : vector<16xi32>
    %gather3A_1737 = tpu.vector_load_idx %arg9[%add3A_1736] : memref<512xf32, #tpu.memory_space<vmem>>[vector<16xi32>], vector<16xf32>,
    %add3A_1738 = arith.addf %add3A_1730, %gather3A_1737 : vector<16xf32>
    %add3A_1739 = arith.constant 256 : i32
    %add3A_1740 = vector.broadcast %add3A_1739 : i32 to vector<16xi32>
    %add3A_1741 = arith.addi %add3A_1740, %mul3A_58 : vector<16xi32>
    %add3A_1742 = arith.constant 6 : i32
    %add3A_1743 = vector.broadcast %add3A_1742 : i32 to vector<16xi32>
    %add3A_1744 = arith.addi %add3A_1741, %add3A_1743 : vector<16xi32>
    %gather3A_1745 = tpu.vector_load_idx %arg9[%add3A_1744] : memref<512xf32, #tpu.memory_space<vmem>>[vector<16xi32>], vector<16xf32>,
    %add3A_1746 = arith.addf %add3A_1738, %gather3A_1745 : vector<16xf32>
    %add3A_1747 = arith.constant 256 : i32
    %add3A_1748 = vector.broadcast %add3A_1747 : i32 to vector<16xi32>
    %add3A_1749 = arith.addi %add3A_1748, %mul3A_58 : vector<16xi32>
    %add3A_1750 = arith.constant 7 : i32
    %add3A_1751 = vector.broadcast %add3A_1750 : i32 to vector<16xi32>
    %add3A_1752 = arith.addi %add3A_1749, %add3A_1751 : vector<16xi32>
    %gather3A_1753 = tpu.vector_load_idx %arg9[%add3A_1752] : memref<512xf32, #tpu.memory_space<vmem>>[vector<16xi32>], vector<16xf32>,
    %add3A_1754 = arith.addf %add3A_1746, %gather3A_1753 : vector<16xf32>
    %add3A_1755 = arith.constant 256 : i32
    %add3A_1756 = vector.broadcast %add3A_1755 : i32 to vector<16xi32>
    %add3A_1757 = arith.addi %add3A_1756, %mul3A_58 : vector<16xi32>
    %add3A_1758 = arith.constant 8 : i32
    %add3A_1759 = vector.broadcast %add3A_1758 : i32 to vector<16xi32>
    %add3A_1760 = arith.addi %add3A_1757, %add3A_1759 : vector<16xi32>
    %gather3A_1761 = tpu.vector_load_idx %arg9[%add3A_1760] : memref<512xf32, #tpu.memory_space<vmem>>[vector<16xi32>], vector<16xf32>,
    %add3A_1762 = arith.addf %add3A_1754, %gather3A_1761 : vector<16xf32>
    %add3A_1763 = arith.constant 256 : i32
    %add3A_1764 = vector.broadcast %add3A_1763 : i32 to vector<16xi32>
    %add3A_1765 = arith.addi %add3A_1764, %mul3A_58 : vector<16xi32>
    %add3A_1766 = arith.constant 9 : i32
    %add3A_1767 = vector.broadcast %add3A_1766 : i32 to vector<16xi32>
    %add3A_1768 = arith.addi %add3A_1765, %add3A_1767 : vector<16xi32>
    %gather3A_1769 = tpu.vector_load_idx %arg9[%add3A_1768] : memref<512xf32, #tpu.memory_space<vmem>>[vector<16xi32>], vector<16xf32>,
    %add3A_1770 = arith.addf %add3A_1762, %gather3A_1769 : vector<16xf32>
    %add3A_1771 = arith.constant 256 : i32
    %add3A_1772 = vector.broadcast %add3A_1771 : i32 to vector<16xi32>
    %add3A_1773 = arith.addi %add3A_1772, %mul3A_58 : vector<16xi32>
    %add3A_1774 = arith.constant 10 : i32
    %add3A_1775 = vector.broadcast %add3A_1774 : i32 to vector<16xi32>
    %add3A_1776 = arith.addi %add3A_1773, %add3A_1775 : vector<16xi32>
    %gather3A_1777 = tpu.vector_load_idx %arg9[%add3A_1776] : memref<512xf32, #tpu.memory_space<vmem>>[vector<16xi32>], vector<16xf32>,
    %add3A_1778 = arith.addf %add3A_1770, %gather3A_1777 : vector<16xf32>
    %add3A_1779 = arith.constant 256 : i32
    %add3A_1780 = vector.broadcast %add3A_1779 : i32 to vector<16xi32>
    %add3A_1781 = arith.addi %add3A_1780, %mul3A_58 : vector<16xi32>
    %add3A_1782 = arith.constant 11 : i32
    %add3A_1783 = vector.broadcast %add3A_1782 : i32 to vector<16xi32>
    %add3A_1784 = arith.addi %add3A_1781, %add3A_1783 : vector<16xi32>
    %gather3A_1785 = tpu.vector_load_idx %arg9[%add3A_1784] : memref<512xf32, #tpu.memory_space<vmem>>[vector<16xi32>], vector<16xf32>,
    %add3A_1786 = arith.addf %add3A_1778, %gather3A_1785 : vector<16xf32>
    %add3A_1787 = arith.constant 256 : i32
    %add3A_1788 = vector.broadcast %add3A_1787 : i32 to vector<16xi32>
    %add3A_1789 = arith.addi %add3A_1788, %mul3A_58 : vector<16xi32>
    %add3A_1790 = arith.constant 12 : i32
    %add3A_1791 = vector.broadcast %add3A_1790 : i32 to vector<16xi32>
    %add3A_1792 = arith.addi %add3A_1789, %add3A_1791 : vector<16xi32>
    %gather3A_1793 = tpu.vector_load_idx %arg9[%add3A_1792] : memref<512xf32, #tpu.memory_space<vmem>>[vector<16xi32>], vector<16xf32>,
    %add3A_1794 = arith.addf %add3A_1786, %gather3A_1793 : vector<16xf32>
    %add3A_1795 = arith.constant 256 : i32
    %add3A_1796 = vector.broadcast %add3A_1795 : i32 to vector<16xi32>
    %add3A_1797 = arith.addi %add3A_1796, %mul3A_58 : vector<16xi32>
    %add3A_1798 = arith.constant 13 : i32
    %add3A_1799 = vector.broadcast %add3A_1798 : i32 to vector<16xi32>
    %add3A_1800 = arith.addi %add3A_1797, %add3A_1799 : vector<16xi32>
    %gather3A_1801 = tpu.vector_load_idx %arg9[%add3A_1800] : memref<512xf32, #tpu.memory_space<vmem>>[vector<16xi32>], vector<16xf32>,
    %add3A_1802 = arith.addf %add3A_1794, %gather3A_1801 : vector<16xf32>
    %add3A_1803 = arith.constant 256 : i32
    %add3A_1804 = vector.broadcast %add3A_1803 : i32 to vector<16xi32>
    %add3A_1805 = arith.addi %add3A_1804, %mul3A_58 : vector<16xi32>
    %add3A_1806 = arith.constant 14 : i32
    %add3A_1807 = vector.broadcast %add3A_1806 : i32 to vector<16xi32>
    %add3A_1808 = arith.addi %add3A_1805, %add3A_1807 : vector<16xi32>
    %gather3A_1809 = tpu.vector_load_idx %arg9[%add3A_1808] : memref<512xf32, #tpu.memory_space<vmem>>[vector<16xi32>], vector<16xf32>,
    %add3A_1810 = arith.addf %add3A_1802, %gather3A_1809 : vector<16xf32>
    %add3A_1811 = arith.constant 256 : i32
    %add3A_1812 = vector.broadcast %add3A_1811 : i32 to vector<16xi32>
    %add3A_1813 = arith.addi %add3A_1812, %mul3A_58 : vector<16xi32>
    %add3A_1814 = arith.constant 15 : i32
    %add3A_1815 = vector.broadcast %add3A_1814 : i32 to vector<16xi32>
    %add3A_1816 = arith.addi %add3A_1813, %add3A_1815 : vector<16xi32>
    %gather3A_1817 = tpu.vector_load_idx %arg9[%add3A_1816] : memref<512xf32, #tpu.memory_space<vmem>>[vector<16xi32>], vector<16xf32>,
    %add3A_1818 = arith.addf %add3A_1810, %gather3A_1817 : vector<16xf32>
    %swap3A_1819 = arith.constant 16 : index
    %swap3A_1820 = tpu.vector_load %arg11[%swap3A_1819] {strides = array<i32>} : memref<32xf32, #tpu.memory_space<vmem>>, vector<16xf32>,
    tpu.vector_store %arg11[%swap3A_1819], %add3A_1818 {strides = array<i32>} : memref<32xf32, #tpu.memory_space<vmem>>, vector<16xf32>,
    "tpu.region"() ({
      %run_scoped3A = tpu.sem_alloc : memref<!tpu.dma_semaphore, #tpu.memory_space<semaphore_mem>>
      %dma_start3A = arith.constant 0 : i32
      %dma_start3A_1821 = tpu.memref_slice %arg4[%add3A, %dma_start3A] : memref<32x192xf32, #tpu.memory_space<hbm>> -> memref<1x192xf32, #tpu.memory_space<hbm>>
      %dma_start3A_1822 = tpu.memref_squeeze %dma_start3A_1821 : memref<1x192xf32, #tpu.memory_space<hbm>> -> memref<192xf32, #tpu.memory_space<hbm>>
      %dma_start3A_1823 = arith.constant 0 : i32
      %dma_start3A_1824 = tpu.memref_slice %arg4[%add3A, %dma_start3A_1823] : memref<32x192xf32, #tpu.memory_space<hbm>> -> memref<1x192xf32, #tpu.memory_space<hbm>>
      %dma_start3A_1825 = tpu.memref_squeeze %dma_start3A_1824 : memref<1x192xf32, #tpu.memory_space<hbm>> -> memref<192xf32, #tpu.memory_space<hbm>>
      tpu.enqueue_dma source(%arg10 : memref<192xf32, #tpu.memory_space<vmem>>) target(%dma_start3A_1825 : memref<192xf32, #tpu.memory_space<hbm>>) target_semaphore(%run_scoped3A : memref<!tpu.dma_semaphore, #tpu.memory_space<semaphore_mem>>)
      %dma_wait3A = arith.constant 0 : i32
      %dma_wait3A_1826 = tpu.memref_slice %arg4[%add3A, %dma_wait3A] : memref<32x192xf32, #tpu.memory_space<hbm>> -> memref<1x192xf32, #tpu.memory_space<hbm>>
      %dma_wait3A_1827 = tpu.memref_squeeze %dma_wait3A_1826 : memref<1x192xf32, #tpu.memory_space<hbm>> -> memref<192xf32, #tpu.memory_space<hbm>>
      %dma_wait3A_1828 = arith.constant 0 : i32
      %dma_wait3A_1829 = tpu.memref_slice %arg4[%add3A, %dma_wait3A_1828] : memref<32x192xf32, #tpu.memory_space<hbm>> -> memref<1x192xf32, #tpu.memory_space<hbm>>
      %dma_wait3A_1830 = tpu.memref_squeeze %dma_wait3A_1829 : memref<1x192xf32, #tpu.memory_space<hbm>> -> memref<192xf32, #tpu.memory_space<hbm>>
      tpu.wait_dma2 semaphore(%run_scoped3A : memref<!tpu.dma_semaphore, #tpu.memory_space<semaphore_mem>>) src(%arg10 : memref<192xf32, #tpu.memory_space<vmem>>) dst(%dma_wait3A_1830 : memref<192xf32, #tpu.memory_space<hbm>>)
      tpu.yield
    }) : () -> ()
    "tpu.region"() ({
      %run_scoped3A = tpu.sem_alloc : memref<!tpu.dma_semaphore, #tpu.memory_space<semaphore_mem>>
      %dma_start3A = arith.constant 0 : i32
      %dma_start3A_1821 = tpu.memref_slice %arg5[%add3A, %dma_start3A] : memref<32x32xf32, #tpu.memory_space<hbm>> -> memref<1x32xf32, #tpu.memory_space<hbm>>
      %dma_start3A_1822 = tpu.memref_squeeze %dma_start3A_1821 : memref<1x32xf32, #tpu.memory_space<hbm>> -> memref<32xf32, #tpu.memory_space<hbm>>
      %dma_start3A_1823 = arith.constant 0 : i32
      %dma_start3A_1824 = tpu.memref_slice %arg5[%add3A, %dma_start3A_1823] : memref<32x32xf32, #tpu.memory_space<hbm>> -> memref<1x32xf32, #tpu.memory_space<hbm>>
      %dma_start3A_1825 = tpu.memref_squeeze %dma_start3A_1824 : memref<1x32xf32, #tpu.memory_space<hbm>> -> memref<32xf32, #tpu.memory_space<hbm>>
      tpu.enqueue_dma source(%arg11 : memref<32xf32, #tpu.memory_space<vmem>>) target(%dma_start3A_1825 : memref<32xf32, #tpu.memory_space<hbm>>) target_semaphore(%run_scoped3A : memref<!tpu.dma_semaphore, #tpu.memory_space<semaphore_mem>>)
      %dma_wait3A = arith.constant 0 : i32
      %dma_wait3A_1826 = tpu.memref_slice %arg5[%add3A, %dma_wait3A] : memref<32x32xf32, #tpu.memory_space<hbm>> -> memref<1x32xf32, #tpu.memory_space<hbm>>
      %dma_wait3A_1827 = tpu.memref_squeeze %dma_wait3A_1826 : memref<1x32xf32, #tpu.memory_space<hbm>> -> memref<32xf32, #tpu.memory_space<hbm>>
      %dma_wait3A_1828 = arith.constant 0 : i32
      %dma_wait3A_1829 = tpu.memref_slice %arg5[%add3A, %dma_wait3A_1828] : memref<32x32xf32, #tpu.memory_space<hbm>> -> memref<1x32xf32, #tpu.memory_space<hbm>>
      %dma_wait3A_1830 = tpu.memref_squeeze %dma_wait3A_1829 : memref<1x32xf32, #tpu.memory_space<hbm>> -> memref<32xf32, #tpu.memory_space<hbm>>
      tpu.wait_dma2 semaphore(%run_scoped3A : memref<!tpu.dma_semaphore, #tpu.memory_space<semaphore_mem>>) src(%arg11 : memref<32xf32, #tpu.memory_space<vmem>>) dst(%dma_wait3A_1830 : memref<32xf32, #tpu.memory_space<hbm>>)
      tpu.yield
    }) : () -> ()
    return
  }
}

module attributes {stable_mosaic.version = 14 : i64} {
  func.func @_loss_kernel(%arg0: memref<4x104x128xf32, #tpu.memory_space<vmem>>, %arg1: memref<4x96x16xf32, #tpu.memory_space<vmem>>, %arg2: memref<4x8x2x16xf32, #tpu.memory_space<vmem>>, %arg3: memref<1x1xf32, #tpu.memory_space<vmem>>) attributes {dimension_semantics = [], scalar_prefetch = 0 : i64, scratch_operands = 0 : i64, tpu.core_type = #tpu.core_type<tc>} {
    %iota3A = tpu.iota {dimensions = array<i32: 0>} : vector<16x16xi32>
    %iota3A_0 = tpu.iota {dimensions = array<i32: 1>} : vector<16x16xi32>
    %eq3A = arith.cmpi eq, %iota3A, %iota3A_0 : vector<16x16xi32>
    %convert_element_type3A = arith.extui %eq3A : vector<16x16xi1> to vector<16x16xi32>
    %convert_element_type3A_1 = arith.sitofp %convert_element_type3A : vector<16x16xi32> to vector<16x16xf32>
    %get3A = arith.constant 0 : index
    %get3A_2 = arith.constant 0 : index
    %get3A_3 = arith.constant 0 : index
    %get3A_4 = vector.load %arg0[%get3A, %get3A_2, %get3A_3] : memref<4x104x128xf32, #tpu.memory_space<vmem>>, vector<1x104x128xf32>
    %get3A_5 = vector.shape_cast %get3A_4 : vector<1x104x128xf32> to vector<104x128xf32>
    %get3A_6 = arith.constant 0 : index
    %get3A_7 = arith.constant 0 : index
    %get3A_8 = arith.constant 0 : index
    %get3A_9 = arith.constant 0 : index
    %get3A_10 = vector.load %arg2[%get3A_6, %get3A_7, %get3A_8, %get3A_9] : memref<4x8x2x16xf32, #tpu.memory_space<vmem>>, vector<1x8x2x16xf32>
    %get3A_11 = vector.shape_cast %get3A_10 : vector<1x8x2x16xf32> to vector<8x2x16xf32>
    %slice3A = vector.extract_strided_slice %get3A_5 {offsets = [0, 0], sizes = [96, 16], strides = [1, 1]} : vector<104x128xf32> to vector<96x16xf32>
    %get3A_12 = arith.constant 0 : index
    %get3A_13 = arith.constant 0 : index
    %get3A_14 = arith.constant 0 : index
    %get3A_15 = vector.load %arg1[%get3A_12, %get3A_13, %get3A_14] : memref<4x96x16xf32, #tpu.memory_space<vmem>>, vector<1x96x16xf32>
    %get3A_16 = vector.shape_cast %get3A_15 : vector<1x96x16xf32> to vector<96x16xf32>
    %add3A = arith.addf %slice3A, %get3A_16 : vector<96x16xf32>
    %slice3A_17 = vector.extract_strided_slice %get3A_5 {offsets = [96, 0], sizes = [1, 16], strides = [1, 1]} : vector<104x128xf32> to vector<1x16xf32>
    %slice3A_18 = vector.extract_strided_slice %get3A_11 {offsets = [0, 0, 0], sizes = [8, 1, 16], strides = [1, 1, 1]} : vector<8x2x16xf32> to vector<8x1x16xf32>
    %reduce_sum3A = arith.constant dense<0.000000e+00> : vector<1x16xf32>
    %reduce_sum3A_19 = vector.multi_reduction <add>, %slice3A_18, %reduce_sum3A [0] : vector<8x1x16xf32> to vector<1x16xf32>
    %add3A_20 = arith.addf %slice3A_17, %reduce_sum3A_19 : vector<1x16xf32>
    %slice3A_21 = vector.extract_strided_slice %get3A_5 {offsets = [97, 0], sizes = [1, 16], strides = [1, 1]} : vector<104x128xf32> to vector<1x16xf32>
    %slice3A_22 = vector.extract_strided_slice %get3A_11 {offsets = [0, 1, 0], sizes = [8, 1, 16], strides = [1, 1, 1]} : vector<8x2x16xf32> to vector<8x1x16xf32>
    %reduce_sum3A_23 = arith.constant dense<0.000000e+00> : vector<1x16xf32>
    %reduce_sum3A_24 = vector.multi_reduction <add>, %slice3A_22, %reduce_sum3A_23 [0] : vector<8x1x16xf32> to vector<1x16xf32>
    %add3A_25 = arith.addf %slice3A_21, %reduce_sum3A_24 : vector<1x16xf32>
    %broadcast_in_dim3A = vector.shape_cast %add3A_25 : vector<1x16xf32> to vector<1x16xf32>
    %broadcast_in_dim3A_26 = vector.broadcast %broadcast_in_dim3A : vector<1x16xf32> to vector<16x16xf32>
    %dot_general3A = arith.constant dense<0.000000e+00> : vector<16x16xf32>
    %dot_general3A_27 = tpu.matmul %convert_element_type3A_1, %broadcast_in_dim3A_26, %dot_general3A {dimension_numbers = #tpu.dot_dimension_numbers<[1], [1], [0], [0], [0, 0, 1, 0], [], []>, transpose_lhs_hint = false} : vector<16x16xf32>, vector<16x16xf32>, vector<16x16xf32> -> vector<16x16xf32>
    %gt3A = arith.constant 0.000000e+00 : f32
    %gt3A_28 = vector.broadcast %gt3A : f32 to vector<1x16xf32>
    %gt3A_29 = arith.cmpf ogt, %add3A_25, %gt3A_28 : vector<1x16xf32>
    %max3A = arith.constant 1.000000e+00 : f32
    %max3A_30 = vector.broadcast %max3A : f32 to vector<1x16xf32>
    %max3A_31 = arith.maximumf %add3A_25, %max3A_30 : vector<1x16xf32>
    %div3A = vector.broadcast %max3A_31 : vector<1x16xf32> to vector<96x16xf32>
    %div3A_32 = arith.divf %add3A, %div3A : vector<96x16xf32>
    %mul3A = arith.mulf %div3A_32, %div3A_32 : vector<96x16xf32>
    %reduce_sum3A_33 = arith.constant dense<0.000000e+00> : vector<16xf32>
    %reduce_sum3A_34 = vector.multi_reduction <add>, %mul3A, %reduce_sum3A_33 [0] : vector<96x16xf32> to vector<16xf32>
    %broadcast_in_dim3A_35 = vector.shape_cast %reduce_sum3A_34 : vector<16xf32> to vector<1x16xf32>
    %mul3A_36 = arith.mulf %add3A_25, %broadcast_in_dim3A_35 : vector<1x16xf32>
    %sub3A = arith.subf %add3A_20, %mul3A_36 : vector<1x16xf32>
    %div3A_37 = arith.divf %sub3A, %max3A_31 : vector<1x16xf32>
    %jit3A = arith.constant 0.000000e+00 : f32
    %broadcast_in_dim3A_38 = vector.broadcast %jit3A : f32 to vector<1x16xf32>
    %select_n3A = arith.select %gt3A_29, %div3A_37, %broadcast_in_dim3A_38 : vector<1x16xi1>, vector<1x16xf32>
    %reduce_sum3A_39 = vector.shape_cast %select_n3A : vector<1x16xf32> to vector<1x1x16xf32>
    %reduce_sum3A_40 = arith.constant dense<0.000000e+00> : vector<1xf32>
    %reduce_sum3A_41 = vector.multi_reduction <add>, %reduce_sum3A_39, %reduce_sum3A_40 [1, 2] : vector<1x1x16xf32> to vector<1xf32>
    %reduce_sum3A_42 = vector.shape_cast %reduce_sum3A_41 : vector<1xf32> to vector<1x1x1xf32>
    %reduce_sum3A_43 = vector.extract %reduce_sum3A_42[0, 0, 0] : f32 from vector<1x1x1xf32>
    %convert_element_type3A_44 = arith.extui %gt3A_29 : vector<1x16xi1> to vector<1x16xi32>
    %convert_element_type3A_45 = arith.sitofp %convert_element_type3A_44 : vector<1x16xi32> to vector<1x16xf32>
    %reduce_sum3A_46 = vector.shape_cast %convert_element_type3A_45 : vector<1x16xf32> to vector<1x1x16xf32>
    %reduce_sum3A_47 = arith.constant dense<0.000000e+00> : vector<1xf32>
    %reduce_sum3A_48 = vector.multi_reduction <add>, %reduce_sum3A_46, %reduce_sum3A_47 [1, 2] : vector<1x1x16xf32> to vector<1xf32>
    %reduce_sum3A_49 = vector.shape_cast %reduce_sum3A_48 : vector<1xf32> to vector<1x1x1xf32>
    %reduce_sum3A_50 = vector.extract %reduce_sum3A_49[0, 0, 0] : f32 from vector<1x1x1xf32>
    %broadcast_in_dim3A_51 = vector.shape_cast %div3A_32 : vector<96x16xf32> to vector<96x16x1xf32>
    %broadcast_in_dim3A_52 = vector.shape_cast %div3A_32 : vector<96x16xf32> to vector<96x1x16xf32>
    %sub3A_53 = vector.broadcast %broadcast_in_dim3A_51 : vector<96x16x1xf32> to vector<96x16x16xf32>
    %sub3A_54 = vector.broadcast %broadcast_in_dim3A_52 : vector<96x1x16xf32> to vector<96x16x16xf32>
    %sub3A_55 = arith.subf %sub3A_53, %sub3A_54 : vector<96x16x16xf32>
    %mul3A_56 = arith.mulf %sub3A_55, %sub3A_55 : vector<96x16x16xf32>
    %reduce_sum3A_57 = arith.constant dense<0.000000e+00> : vector<16x16xf32>
    %reduce_sum3A_58 = vector.multi_reduction <add>, %mul3A_56, %reduce_sum3A_57 [0] : vector<96x16x16xf32> to vector<16x16xf32>
    %iota3A_59 = tpu.iota {dimensions = array<i32: 0>} : vector<16x16xi32>
    %iota3A_60 = tpu.iota {dimensions = array<i32: 1>} : vector<16x16xi32>
    %gt3A_61 = arith.constant 0.000000e+00 : f32
    %gt3A_62 = vector.broadcast %gt3A_61 : f32 to vector<16x16xf32>
    %gt3A_63 = arith.cmpf ogt, %dot_general3A_27, %gt3A_62 : vector<16x16xf32>
    %broadcast_in_dim3A_64 = vector.shape_cast %gt3A_29 : vector<1x16xi1> to vector<1x16xi1>
    %broadcast_in_dim3A_65 = vector.broadcast %broadcast_in_dim3A_64 : vector<1x16xi1> to vector<16x16xi1>
    %lt3A = arith.cmpi slt, %iota3A_59, %iota3A_60 : vector<16x16xi32>
    %and3A = arith.andi %lt3A, %gt3A_63 : vector<16x16xi1>
    %and3A_66 = arith.andi %and3A, %broadcast_in_dim3A_65 : vector<16x16xi1>
    %jit3A_67 = arith.constant 1.000000e+00 : f32
    %broadcast_in_dim3A_68 = vector.broadcast %jit3A_67 : f32 to vector<16x16xf32>
    %select_n3A_69 = arith.select %and3A_66, %reduce_sum3A_58, %broadcast_in_dim3A_68 : vector<16x16xi1>, vector<16x16xf32>
    %sqrt3A = math.sqrt %select_n3A_69 : vector<16x16xf32>
    %sub3A_70 = arith.constant 1.000000e+00 : f32
    %sub3A_71 = arith.subf %reduce_sum3A_50, %sub3A_70 : f32
    %max3A_72 = arith.constant 1.000000e+00 : f32
    %max3A_73 = arith.maximumf %sub3A_71, %max3A_72 : f32
    %lt3A_74 = arith.constant 5.000000e+00 : f32
    %lt3A_75 = vector.broadcast %lt3A_74 : f32 to vector<16x16xf32>
    %lt3A_76 = arith.cmpf olt, %sqrt3A, %lt3A_75 : vector<16x16xf32>
    %and3A_77 = arith.andi %and3A_66, %lt3A_76 : vector<16x16xi1>
    %sub3A_78 = arith.constant 5.000000e+00 : f32
    %sub3A_79 = vector.broadcast %sub3A_78 : f32 to vector<16x16xf32>
    %sub3A_80 = arith.subf %sub3A_79, %sqrt3A : vector<16x16xf32>
    %integer_pow3A = arith.mulf %sub3A_80, %sub3A_80 : vector<16x16xf32>
    %div3A_81 = vector.broadcast %max3A_73 : f32 to vector<16x16xf32>
    %div3A_82 = arith.divf %integer_pow3A, %div3A_81 : vector<16x16xf32>
    %jit3A_83 = arith.constant 0.000000e+00 : f32
    %broadcast_in_dim3A_84 = vector.broadcast %jit3A_83 : f32 to vector<16x16xf32>
    %select_n3A_85 = arith.select %and3A_77, %div3A_82, %broadcast_in_dim3A_84 : vector<16x16xi1>, vector<16x16xf32>
    %gt3A_86 = arith.constant 1.000000e+00 : f32
    %gt3A_87 = arith.cmpf ogt, %reduce_sum3A_50, %gt3A_86 : f32
    %reduce_sum3A_88 = vector.shape_cast %select_n3A_85 : vector<16x16xf32> to vector<1x16x16xf32>
    %reduce_sum3A_89 = arith.constant dense<0.000000e+00> : vector<1xf32>
    %reduce_sum3A_90 = vector.multi_reduction <add>, %reduce_sum3A_88, %reduce_sum3A_89 [1, 2] : vector<1x16x16xf32> to vector<1xf32>
    %reduce_sum3A_91 = vector.shape_cast %reduce_sum3A_90 : vector<1xf32> to vector<1x1x1xf32>
    %reduce_sum3A_92 = vector.extract %reduce_sum3A_91[0, 0, 0] : f32 from vector<1x1x1xf32>
    %jit3A_93 = arith.constant 0.000000e+00 : f32
    %select_n3A_94 = arith.select %gt3A_87, %reduce_sum3A_92, %jit3A_93 : f32
    %jit3A_95 = arith.constant 1.000000e+00 : f32
    %broadcast_in_dim3A_96 = vector.broadcast %jit3A_95 : f32 to vector<1x16xf32>
    %select_n3A_97 = arith.select %gt3A_29, %broadcast_in_dim3A_35, %broadcast_in_dim3A_96 : vector<1x16xi1>, vector<1x16xf32>
    %sqrt3A_98 = math.sqrt %select_n3A_97 : vector<1x16xf32>
    %jit3A_99 = arith.constant 0.000000e+00 : f32
    %broadcast_in_dim3A_100 = vector.broadcast %jit3A_99 : f32 to vector<1x16xf32>
    %select_n3A_101 = arith.select %gt3A_29, %sqrt3A_98, %broadcast_in_dim3A_100 : vector<1x16xi1>, vector<1x16xf32>
    %reduce_sum3A_102 = vector.shape_cast %select_n3A_101 : vector<1x16xf32> to vector<1x1x16xf32>
    %reduce_sum3A_103 = arith.constant dense<0.000000e+00> : vector<1xf32>
    %reduce_sum3A_104 = vector.multi_reduction <add>, %reduce_sum3A_102, %reduce_sum3A_103 [1, 2] : vector<1x1x16xf32> to vector<1xf32>
    %reduce_sum3A_105 = vector.shape_cast %reduce_sum3A_104 : vector<1xf32> to vector<1x1x1xf32>
    %reduce_sum3A_106 = vector.extract %reduce_sum3A_105[0, 0, 0] : f32 from vector<1x1x1xf32>
    %add3A_107 = arith.addf %reduce_sum3A_43, %select_n3A_94 : f32
    %mul3A_108 = arith.constant 5.000000e-03 : f32
    %mul3A_109 = arith.mulf %mul3A_108, %reduce_sum3A_106 : f32
    %add3A_110 = arith.addf %add3A_107, %mul3A_109 : f32
    %div3A_111 = arith.divf %add3A_110, %reduce_sum3A_50 : f32
    %add3A_112 = arith.constant 0.000000e+00 : f32
    %add3A_113 = arith.addf %add3A_112, %div3A_111 : f32
    %get3A_114 = arith.constant 1 : index
    %get3A_115 = arith.constant 0 : index
    %get3A_116 = arith.constant 0 : index
    %get3A_117 = vector.load %arg0[%get3A_114, %get3A_115, %get3A_116] : memref<4x104x128xf32, #tpu.memory_space<vmem>>, vector<1x104x128xf32>
    %get3A_118 = vector.shape_cast %get3A_117 : vector<1x104x128xf32> to vector<104x128xf32>
    %get3A_119 = arith.constant 1 : index
    %get3A_120 = arith.constant 0 : index
    %get3A_121 = arith.constant 0 : index
    %get3A_122 = arith.constant 0 : index
    %get3A_123 = vector.load %arg2[%get3A_119, %get3A_120, %get3A_121, %get3A_122] : memref<4x8x2x16xf32, #tpu.memory_space<vmem>>, vector<1x8x2x16xf32>
    %get3A_124 = vector.shape_cast %get3A_123 : vector<1x8x2x16xf32> to vector<8x2x16xf32>
    %slice3A_125 = vector.extract_strided_slice %get3A_118 {offsets = [0, 0], sizes = [96, 16], strides = [1, 1]} : vector<104x128xf32> to vector<96x16xf32>
    %get3A_126 = arith.constant 1 : index
    %get3A_127 = arith.constant 0 : index
    %get3A_128 = arith.constant 0 : index
    %get3A_129 = vector.load %arg1[%get3A_126, %get3A_127, %get3A_128] : memref<4x96x16xf32, #tpu.memory_space<vmem>>, vector<1x96x16xf32>
    %get3A_130 = vector.shape_cast %get3A_129 : vector<1x96x16xf32> to vector<96x16xf32>
    %add3A_131 = arith.addf %slice3A_125, %get3A_130 : vector<96x16xf32>
    %slice3A_132 = vector.extract_strided_slice %get3A_118 {offsets = [96, 0], sizes = [1, 16], strides = [1, 1]} : vector<104x128xf32> to vector<1x16xf32>
    %slice3A_133 = vector.extract_strided_slice %get3A_124 {offsets = [0, 0, 0], sizes = [8, 1, 16], strides = [1, 1, 1]} : vector<8x2x16xf32> to vector<8x1x16xf32>
    %reduce_sum3A_134 = arith.constant dense<0.000000e+00> : vector<1x16xf32>
    %reduce_sum3A_135 = vector.multi_reduction <add>, %slice3A_133, %reduce_sum3A_134 [0] : vector<8x1x16xf32> to vector<1x16xf32>
    %add3A_136 = arith.addf %slice3A_132, %reduce_sum3A_135 : vector<1x16xf32>
    %slice3A_137 = vector.extract_strided_slice %get3A_118 {offsets = [97, 0], sizes = [1, 16], strides = [1, 1]} : vector<104x128xf32> to vector<1x16xf32>
    %slice3A_138 = vector.extract_strided_slice %get3A_124 {offsets = [0, 1, 0], sizes = [8, 1, 16], strides = [1, 1, 1]} : vector<8x2x16xf32> to vector<8x1x16xf32>
    %reduce_sum3A_139 = arith.constant dense<0.000000e+00> : vector<1x16xf32>
    %reduce_sum3A_140 = vector.multi_reduction <add>, %slice3A_138, %reduce_sum3A_139 [0] : vector<8x1x16xf32> to vector<1x16xf32>
    %add3A_141 = arith.addf %slice3A_137, %reduce_sum3A_140 : vector<1x16xf32>
    %broadcast_in_dim3A_142 = vector.shape_cast %add3A_141 : vector<1x16xf32> to vector<1x16xf32>
    %broadcast_in_dim3A_143 = vector.broadcast %broadcast_in_dim3A_142 : vector<1x16xf32> to vector<16x16xf32>
    %dot_general3A_144 = arith.constant dense<0.000000e+00> : vector<16x16xf32>
    %dot_general3A_145 = tpu.matmul %convert_element_type3A_1, %broadcast_in_dim3A_143, %dot_general3A_144 {dimension_numbers = #tpu.dot_dimension_numbers<[1], [1], [0], [0], [0, 0, 1, 0], [], []>, transpose_lhs_hint = false} : vector<16x16xf32>, vector<16x16xf32>, vector<16x16xf32> -> vector<16x16xf32>
    %gt3A_146 = arith.constant 0.000000e+00 : f32
    %gt3A_147 = vector.broadcast %gt3A_146 : f32 to vector<1x16xf32>
    %gt3A_148 = arith.cmpf ogt, %add3A_141, %gt3A_147 : vector<1x16xf32>
    %max3A_149 = arith.constant 1.000000e+00 : f32
    %max3A_150 = vector.broadcast %max3A_149 : f32 to vector<1x16xf32>
    %max3A_151 = arith.maximumf %add3A_141, %max3A_150 : vector<1x16xf32>
    %div3A_152 = vector.broadcast %max3A_151 : vector<1x16xf32> to vector<96x16xf32>
    %div3A_153 = arith.divf %add3A_131, %div3A_152 : vector<96x16xf32>
    %mul3A_154 = arith.mulf %div3A_153, %div3A_153 : vector<96x16xf32>
    %reduce_sum3A_155 = arith.constant dense<0.000000e+00> : vector<16xf32>
    %reduce_sum3A_156 = vector.multi_reduction <add>, %mul3A_154, %reduce_sum3A_155 [0] : vector<96x16xf32> to vector<16xf32>
    %broadcast_in_dim3A_157 = vector.shape_cast %reduce_sum3A_156 : vector<16xf32> to vector<1x16xf32>
    %mul3A_158 = arith.mulf %add3A_141, %broadcast_in_dim3A_157 : vector<1x16xf32>
    %sub3A_159 = arith.subf %add3A_136, %mul3A_158 : vector<1x16xf32>
    %div3A_160 = arith.divf %sub3A_159, %max3A_151 : vector<1x16xf32>
    %jit3A_161 = arith.constant 0.000000e+00 : f32
    %broadcast_in_dim3A_162 = vector.broadcast %jit3A_161 : f32 to vector<1x16xf32>
    %select_n3A_163 = arith.select %gt3A_148, %div3A_160, %broadcast_in_dim3A_162 : vector<1x16xi1>, vector<1x16xf32>
    %reduce_sum3A_164 = vector.shape_cast %select_n3A_163 : vector<1x16xf32> to vector<1x1x16xf32>
    %reduce_sum3A_165 = arith.constant dense<0.000000e+00> : vector<1xf32>
    %reduce_sum3A_166 = vector.multi_reduction <add>, %reduce_sum3A_164, %reduce_sum3A_165 [1, 2] : vector<1x1x16xf32> to vector<1xf32>
    %reduce_sum3A_167 = vector.shape_cast %reduce_sum3A_166 : vector<1xf32> to vector<1x1x1xf32>
    %reduce_sum3A_168 = vector.extract %reduce_sum3A_167[0, 0, 0] : f32 from vector<1x1x1xf32>
    %convert_element_type3A_169 = arith.extui %gt3A_148 : vector<1x16xi1> to vector<1x16xi32>
    %convert_element_type3A_170 = arith.sitofp %convert_element_type3A_169 : vector<1x16xi32> to vector<1x16xf32>
    %reduce_sum3A_171 = vector.shape_cast %convert_element_type3A_170 : vector<1x16xf32> to vector<1x1x16xf32>
    %reduce_sum3A_172 = arith.constant dense<0.000000e+00> : vector<1xf32>
    %reduce_sum3A_173 = vector.multi_reduction <add>, %reduce_sum3A_171, %reduce_sum3A_172 [1, 2] : vector<1x1x16xf32> to vector<1xf32>
    %reduce_sum3A_174 = vector.shape_cast %reduce_sum3A_173 : vector<1xf32> to vector<1x1x1xf32>
    %reduce_sum3A_175 = vector.extract %reduce_sum3A_174[0, 0, 0] : f32 from vector<1x1x1xf32>
    %broadcast_in_dim3A_176 = vector.shape_cast %div3A_153 : vector<96x16xf32> to vector<96x16x1xf32>
    %broadcast_in_dim3A_177 = vector.shape_cast %div3A_153 : vector<96x16xf32> to vector<96x1x16xf32>
    %sub3A_178 = vector.broadcast %broadcast_in_dim3A_176 : vector<96x16x1xf32> to vector<96x16x16xf32>
    %sub3A_179 = vector.broadcast %broadcast_in_dim3A_177 : vector<96x1x16xf32> to vector<96x16x16xf32>
    %sub3A_180 = arith.subf %sub3A_178, %sub3A_179 : vector<96x16x16xf32>
    %mul3A_181 = arith.mulf %sub3A_180, %sub3A_180 : vector<96x16x16xf32>
    %reduce_sum3A_182 = arith.constant dense<0.000000e+00> : vector<16x16xf32>
    %reduce_sum3A_183 = vector.multi_reduction <add>, %mul3A_181, %reduce_sum3A_182 [0] : vector<96x16x16xf32> to vector<16x16xf32>
    %iota3A_184 = tpu.iota {dimensions = array<i32: 0>} : vector<16x16xi32>
    %iota3A_185 = tpu.iota {dimensions = array<i32: 1>} : vector<16x16xi32>
    %gt3A_186 = arith.constant 0.000000e+00 : f32
    %gt3A_187 = vector.broadcast %gt3A_186 : f32 to vector<16x16xf32>
    %gt3A_188 = arith.cmpf ogt, %dot_general3A_145, %gt3A_187 : vector<16x16xf32>
    %broadcast_in_dim3A_189 = vector.shape_cast %gt3A_148 : vector<1x16xi1> to vector<1x16xi1>
    %broadcast_in_dim3A_190 = vector.broadcast %broadcast_in_dim3A_189 : vector<1x16xi1> to vector<16x16xi1>
    %lt3A_191 = arith.cmpi slt, %iota3A_184, %iota3A_185 : vector<16x16xi32>
    %and3A_192 = arith.andi %lt3A_191, %gt3A_188 : vector<16x16xi1>
    %and3A_193 = arith.andi %and3A_192, %broadcast_in_dim3A_190 : vector<16x16xi1>
    %jit3A_194 = arith.constant 1.000000e+00 : f32
    %broadcast_in_dim3A_195 = vector.broadcast %jit3A_194 : f32 to vector<16x16xf32>
    %select_n3A_196 = arith.select %and3A_193, %reduce_sum3A_183, %broadcast_in_dim3A_195 : vector<16x16xi1>, vector<16x16xf32>
    %sqrt3A_197 = math.sqrt %select_n3A_196 : vector<16x16xf32>
    %sub3A_198 = arith.constant 1.000000e+00 : f32
    %sub3A_199 = arith.subf %reduce_sum3A_175, %sub3A_198 : f32
    %max3A_200 = arith.constant 1.000000e+00 : f32
    %max3A_201 = arith.maximumf %sub3A_199, %max3A_200 : f32
    %lt3A_202 = arith.constant 5.000000e+00 : f32
    %lt3A_203 = vector.broadcast %lt3A_202 : f32 to vector<16x16xf32>
    %lt3A_204 = arith.cmpf olt, %sqrt3A_197, %lt3A_203 : vector<16x16xf32>
    %and3A_205 = arith.andi %and3A_193, %lt3A_204 : vector<16x16xi1>
    %sub3A_206 = arith.constant 5.000000e+00 : f32
    %sub3A_207 = vector.broadcast %sub3A_206 : f32 to vector<16x16xf32>
    %sub3A_208 = arith.subf %sub3A_207, %sqrt3A_197 : vector<16x16xf32>
    %integer_pow3A_209 = arith.mulf %sub3A_208, %sub3A_208 : vector<16x16xf32>
    %div3A_210 = vector.broadcast %max3A_201 : f32 to vector<16x16xf32>
    %div3A_211 = arith.divf %integer_pow3A_209, %div3A_210 : vector<16x16xf32>
    %jit3A_212 = arith.constant 0.000000e+00 : f32
    %broadcast_in_dim3A_213 = vector.broadcast %jit3A_212 : f32 to vector<16x16xf32>
    %select_n3A_214 = arith.select %and3A_205, %div3A_211, %broadcast_in_dim3A_213 : vector<16x16xi1>, vector<16x16xf32>
    %gt3A_215 = arith.constant 1.000000e+00 : f32
    %gt3A_216 = arith.cmpf ogt, %reduce_sum3A_175, %gt3A_215 : f32
    %reduce_sum3A_217 = vector.shape_cast %select_n3A_214 : vector<16x16xf32> to vector<1x16x16xf32>
    %reduce_sum3A_218 = arith.constant dense<0.000000e+00> : vector<1xf32>
    %reduce_sum3A_219 = vector.multi_reduction <add>, %reduce_sum3A_217, %reduce_sum3A_218 [1, 2] : vector<1x16x16xf32> to vector<1xf32>
    %reduce_sum3A_220 = vector.shape_cast %reduce_sum3A_219 : vector<1xf32> to vector<1x1x1xf32>
    %reduce_sum3A_221 = vector.extract %reduce_sum3A_220[0, 0, 0] : f32 from vector<1x1x1xf32>
    %jit3A_222 = arith.constant 0.000000e+00 : f32
    %select_n3A_223 = arith.select %gt3A_216, %reduce_sum3A_221, %jit3A_222 : f32
    %jit3A_224 = arith.constant 1.000000e+00 : f32
    %broadcast_in_dim3A_225 = vector.broadcast %jit3A_224 : f32 to vector<1x16xf32>
    %select_n3A_226 = arith.select %gt3A_148, %broadcast_in_dim3A_157, %broadcast_in_dim3A_225 : vector<1x16xi1>, vector<1x16xf32>
    %sqrt3A_227 = math.sqrt %select_n3A_226 : vector<1x16xf32>
    %jit3A_228 = arith.constant 0.000000e+00 : f32
    %broadcast_in_dim3A_229 = vector.broadcast %jit3A_228 : f32 to vector<1x16xf32>
    %select_n3A_230 = arith.select %gt3A_148, %sqrt3A_227, %broadcast_in_dim3A_229 : vector<1x16xi1>, vector<1x16xf32>
    %reduce_sum3A_231 = vector.shape_cast %select_n3A_230 : vector<1x16xf32> to vector<1x1x16xf32>
    %reduce_sum3A_232 = arith.constant dense<0.000000e+00> : vector<1xf32>
    %reduce_sum3A_233 = vector.multi_reduction <add>, %reduce_sum3A_231, %reduce_sum3A_232 [1, 2] : vector<1x1x16xf32> to vector<1xf32>
    %reduce_sum3A_234 = vector.shape_cast %reduce_sum3A_233 : vector<1xf32> to vector<1x1x1xf32>
    %reduce_sum3A_235 = vector.extract %reduce_sum3A_234[0, 0, 0] : f32 from vector<1x1x1xf32>
    %add3A_236 = arith.addf %reduce_sum3A_168, %select_n3A_223 : f32
    %mul3A_237 = arith.constant 5.000000e-03 : f32
    %mul3A_238 = arith.mulf %mul3A_237, %reduce_sum3A_235 : f32
    %add3A_239 = arith.addf %add3A_236, %mul3A_238 : f32
    %div3A_240 = arith.divf %add3A_239, %reduce_sum3A_175 : f32
    %add3A_241 = arith.addf %add3A_113, %div3A_240 : f32
    %get3A_242 = arith.constant 2 : index
    %get3A_243 = arith.constant 0 : index
    %get3A_244 = arith.constant 0 : index
    %get3A_245 = vector.load %arg0[%get3A_242, %get3A_243, %get3A_244] : memref<4x104x128xf32, #tpu.memory_space<vmem>>, vector<1x104x128xf32>
    %get3A_246 = vector.shape_cast %get3A_245 : vector<1x104x128xf32> to vector<104x128xf32>
    %get3A_247 = arith.constant 2 : index
    %get3A_248 = arith.constant 0 : index
    %get3A_249 = arith.constant 0 : index
    %get3A_250 = arith.constant 0 : index
    %get3A_251 = vector.load %arg2[%get3A_247, %get3A_248, %get3A_249, %get3A_250] : memref<4x8x2x16xf32, #tpu.memory_space<vmem>>, vector<1x8x2x16xf32>
    %get3A_252 = vector.shape_cast %get3A_251 : vector<1x8x2x16xf32> to vector<8x2x16xf32>
    %slice3A_253 = vector.extract_strided_slice %get3A_246 {offsets = [0, 0], sizes = [96, 16], strides = [1, 1]} : vector<104x128xf32> to vector<96x16xf32>
    %get3A_254 = arith.constant 2 : index
    %get3A_255 = arith.constant 0 : index
    %get3A_256 = arith.constant 0 : index
    %get3A_257 = vector.load %arg1[%get3A_254, %get3A_255, %get3A_256] : memref<4x96x16xf32, #tpu.memory_space<vmem>>, vector<1x96x16xf32>
    %get3A_258 = vector.shape_cast %get3A_257 : vector<1x96x16xf32> to vector<96x16xf32>
    %add3A_259 = arith.addf %slice3A_253, %get3A_258 : vector<96x16xf32>
    %slice3A_260 = vector.extract_strided_slice %get3A_246 {offsets = [96, 0], sizes = [1, 16], strides = [1, 1]} : vector<104x128xf32> to vector<1x16xf32>
    %slice3A_261 = vector.extract_strided_slice %get3A_252 {offsets = [0, 0, 0], sizes = [8, 1, 16], strides = [1, 1, 1]} : vector<8x2x16xf32> to vector<8x1x16xf32>
    %reduce_sum3A_262 = arith.constant dense<0.000000e+00> : vector<1x16xf32>
    %reduce_sum3A_263 = vector.multi_reduction <add>, %slice3A_261, %reduce_sum3A_262 [0] : vector<8x1x16xf32> to vector<1x16xf32>
    %add3A_264 = arith.addf %slice3A_260, %reduce_sum3A_263 : vector<1x16xf32>
    %slice3A_265 = vector.extract_strided_slice %get3A_246 {offsets = [97, 0], sizes = [1, 16], strides = [1, 1]} : vector<104x128xf32> to vector<1x16xf32>
    %slice3A_266 = vector.extract_strided_slice %get3A_252 {offsets = [0, 1, 0], sizes = [8, 1, 16], strides = [1, 1, 1]} : vector<8x2x16xf32> to vector<8x1x16xf32>
    %reduce_sum3A_267 = arith.constant dense<0.000000e+00> : vector<1x16xf32>
    %reduce_sum3A_268 = vector.multi_reduction <add>, %slice3A_266, %reduce_sum3A_267 [0] : vector<8x1x16xf32> to vector<1x16xf32>
    %add3A_269 = arith.addf %slice3A_265, %reduce_sum3A_268 : vector<1x16xf32>
    %broadcast_in_dim3A_270 = vector.shape_cast %add3A_269 : vector<1x16xf32> to vector<1x16xf32>
    %broadcast_in_dim3A_271 = vector.broadcast %broadcast_in_dim3A_270 : vector<1x16xf32> to vector<16x16xf32>
    %dot_general3A_272 = arith.constant dense<0.000000e+00> : vector<16x16xf32>
    %dot_general3A_273 = tpu.matmul %convert_element_type3A_1, %broadcast_in_dim3A_271, %dot_general3A_272 {dimension_numbers = #tpu.dot_dimension_numbers<[1], [1], [0], [0], [0, 0, 1, 0], [], []>, transpose_lhs_hint = false} : vector<16x16xf32>, vector<16x16xf32>, vector<16x16xf32> -> vector<16x16xf32>
    %gt3A_274 = arith.constant 0.000000e+00 : f32
    %gt3A_275 = vector.broadcast %gt3A_274 : f32 to vector<1x16xf32>
    %gt3A_276 = arith.cmpf ogt, %add3A_269, %gt3A_275 : vector<1x16xf32>
    %max3A_277 = arith.constant 1.000000e+00 : f32
    %max3A_278 = vector.broadcast %max3A_277 : f32 to vector<1x16xf32>
    %max3A_279 = arith.maximumf %add3A_269, %max3A_278 : vector<1x16xf32>
    %div3A_280 = vector.broadcast %max3A_279 : vector<1x16xf32> to vector<96x16xf32>
    %div3A_281 = arith.divf %add3A_259, %div3A_280 : vector<96x16xf32>
    %mul3A_282 = arith.mulf %div3A_281, %div3A_281 : vector<96x16xf32>
    %reduce_sum3A_283 = arith.constant dense<0.000000e+00> : vector<16xf32>
    %reduce_sum3A_284 = vector.multi_reduction <add>, %mul3A_282, %reduce_sum3A_283 [0] : vector<96x16xf32> to vector<16xf32>
    %broadcast_in_dim3A_285 = vector.shape_cast %reduce_sum3A_284 : vector<16xf32> to vector<1x16xf32>
    %mul3A_286 = arith.mulf %add3A_269, %broadcast_in_dim3A_285 : vector<1x16xf32>
    %sub3A_287 = arith.subf %add3A_264, %mul3A_286 : vector<1x16xf32>
    %div3A_288 = arith.divf %sub3A_287, %max3A_279 : vector<1x16xf32>
    %jit3A_289 = arith.constant 0.000000e+00 : f32
    %broadcast_in_dim3A_290 = vector.broadcast %jit3A_289 : f32 to vector<1x16xf32>
    %select_n3A_291 = arith.select %gt3A_276, %div3A_288, %broadcast_in_dim3A_290 : vector<1x16xi1>, vector<1x16xf32>
    %reduce_sum3A_292 = vector.shape_cast %select_n3A_291 : vector<1x16xf32> to vector<1x1x16xf32>
    %reduce_sum3A_293 = arith.constant dense<0.000000e+00> : vector<1xf32>
    %reduce_sum3A_294 = vector.multi_reduction <add>, %reduce_sum3A_292, %reduce_sum3A_293 [1, 2] : vector<1x1x16xf32> to vector<1xf32>
    %reduce_sum3A_295 = vector.shape_cast %reduce_sum3A_294 : vector<1xf32> to vector<1x1x1xf32>
    %reduce_sum3A_296 = vector.extract %reduce_sum3A_295[0, 0, 0] : f32 from vector<1x1x1xf32>
    %convert_element_type3A_297 = arith.extui %gt3A_276 : vector<1x16xi1> to vector<1x16xi32>
    %convert_element_type3A_298 = arith.sitofp %convert_element_type3A_297 : vector<1x16xi32> to vector<1x16xf32>
    %reduce_sum3A_299 = vector.shape_cast %convert_element_type3A_298 : vector<1x16xf32> to vector<1x1x16xf32>
    %reduce_sum3A_300 = arith.constant dense<0.000000e+00> : vector<1xf32>
    %reduce_sum3A_301 = vector.multi_reduction <add>, %reduce_sum3A_299, %reduce_sum3A_300 [1, 2] : vector<1x1x16xf32> to vector<1xf32>
    %reduce_sum3A_302 = vector.shape_cast %reduce_sum3A_301 : vector<1xf32> to vector<1x1x1xf32>
    %reduce_sum3A_303 = vector.extract %reduce_sum3A_302[0, 0, 0] : f32 from vector<1x1x1xf32>
    %broadcast_in_dim3A_304 = vector.shape_cast %div3A_281 : vector<96x16xf32> to vector<96x16x1xf32>
    %broadcast_in_dim3A_305 = vector.shape_cast %div3A_281 : vector<96x16xf32> to vector<96x1x16xf32>
    %sub3A_306 = vector.broadcast %broadcast_in_dim3A_304 : vector<96x16x1xf32> to vector<96x16x16xf32>
    %sub3A_307 = vector.broadcast %broadcast_in_dim3A_305 : vector<96x1x16xf32> to vector<96x16x16xf32>
    %sub3A_308 = arith.subf %sub3A_306, %sub3A_307 : vector<96x16x16xf32>
    %mul3A_309 = arith.mulf %sub3A_308, %sub3A_308 : vector<96x16x16xf32>
    %reduce_sum3A_310 = arith.constant dense<0.000000e+00> : vector<16x16xf32>
    %reduce_sum3A_311 = vector.multi_reduction <add>, %mul3A_309, %reduce_sum3A_310 [0] : vector<96x16x16xf32> to vector<16x16xf32>
    %iota3A_312 = tpu.iota {dimensions = array<i32: 0>} : vector<16x16xi32>
    %iota3A_313 = tpu.iota {dimensions = array<i32: 1>} : vector<16x16xi32>
    %gt3A_314 = arith.constant 0.000000e+00 : f32
    %gt3A_315 = vector.broadcast %gt3A_314 : f32 to vector<16x16xf32>
    %gt3A_316 = arith.cmpf ogt, %dot_general3A_273, %gt3A_315 : vector<16x16xf32>
    %broadcast_in_dim3A_317 = vector.shape_cast %gt3A_276 : vector<1x16xi1> to vector<1x16xi1>
    %broadcast_in_dim3A_318 = vector.broadcast %broadcast_in_dim3A_317 : vector<1x16xi1> to vector<16x16xi1>
    %lt3A_319 = arith.cmpi slt, %iota3A_312, %iota3A_313 : vector<16x16xi32>
    %and3A_320 = arith.andi %lt3A_319, %gt3A_316 : vector<16x16xi1>
    %and3A_321 = arith.andi %and3A_320, %broadcast_in_dim3A_318 : vector<16x16xi1>
    %jit3A_322 = arith.constant 1.000000e+00 : f32
    %broadcast_in_dim3A_323 = vector.broadcast %jit3A_322 : f32 to vector<16x16xf32>
    %select_n3A_324 = arith.select %and3A_321, %reduce_sum3A_311, %broadcast_in_dim3A_323 : vector<16x16xi1>, vector<16x16xf32>
    %sqrt3A_325 = math.sqrt %select_n3A_324 : vector<16x16xf32>
    %sub3A_326 = arith.constant 1.000000e+00 : f32
    %sub3A_327 = arith.subf %reduce_sum3A_303, %sub3A_326 : f32
    %max3A_328 = arith.constant 1.000000e+00 : f32
    %max3A_329 = arith.maximumf %sub3A_327, %max3A_328 : f32
    %lt3A_330 = arith.constant 5.000000e+00 : f32
    %lt3A_331 = vector.broadcast %lt3A_330 : f32 to vector<16x16xf32>
    %lt3A_332 = arith.cmpf olt, %sqrt3A_325, %lt3A_331 : vector<16x16xf32>
    %and3A_333 = arith.andi %and3A_321, %lt3A_332 : vector<16x16xi1>
    %sub3A_334 = arith.constant 5.000000e+00 : f32
    %sub3A_335 = vector.broadcast %sub3A_334 : f32 to vector<16x16xf32>
    %sub3A_336 = arith.subf %sub3A_335, %sqrt3A_325 : vector<16x16xf32>
    %integer_pow3A_337 = arith.mulf %sub3A_336, %sub3A_336 : vector<16x16xf32>
    %div3A_338 = vector.broadcast %max3A_329 : f32 to vector<16x16xf32>
    %div3A_339 = arith.divf %integer_pow3A_337, %div3A_338 : vector<16x16xf32>
    %jit3A_340 = arith.constant 0.000000e+00 : f32
    %broadcast_in_dim3A_341 = vector.broadcast %jit3A_340 : f32 to vector<16x16xf32>
    %select_n3A_342 = arith.select %and3A_333, %div3A_339, %broadcast_in_dim3A_341 : vector<16x16xi1>, vector<16x16xf32>
    %gt3A_343 = arith.constant 1.000000e+00 : f32
    %gt3A_344 = arith.cmpf ogt, %reduce_sum3A_303, %gt3A_343 : f32
    %reduce_sum3A_345 = vector.shape_cast %select_n3A_342 : vector<16x16xf32> to vector<1x16x16xf32>
    %reduce_sum3A_346 = arith.constant dense<0.000000e+00> : vector<1xf32>
    %reduce_sum3A_347 = vector.multi_reduction <add>, %reduce_sum3A_345, %reduce_sum3A_346 [1, 2] : vector<1x16x16xf32> to vector<1xf32>
    %reduce_sum3A_348 = vector.shape_cast %reduce_sum3A_347 : vector<1xf32> to vector<1x1x1xf32>
    %reduce_sum3A_349 = vector.extract %reduce_sum3A_348[0, 0, 0] : f32 from vector<1x1x1xf32>
    %jit3A_350 = arith.constant 0.000000e+00 : f32
    %select_n3A_351 = arith.select %gt3A_344, %reduce_sum3A_349, %jit3A_350 : f32
    %jit3A_352 = arith.constant 1.000000e+00 : f32
    %broadcast_in_dim3A_353 = vector.broadcast %jit3A_352 : f32 to vector<1x16xf32>
    %select_n3A_354 = arith.select %gt3A_276, %broadcast_in_dim3A_285, %broadcast_in_dim3A_353 : vector<1x16xi1>, vector<1x16xf32>
    %sqrt3A_355 = math.sqrt %select_n3A_354 : vector<1x16xf32>
    %jit3A_356 = arith.constant 0.000000e+00 : f32
    %broadcast_in_dim3A_357 = vector.broadcast %jit3A_356 : f32 to vector<1x16xf32>
    %select_n3A_358 = arith.select %gt3A_276, %sqrt3A_355, %broadcast_in_dim3A_357 : vector<1x16xi1>, vector<1x16xf32>
    %reduce_sum3A_359 = vector.shape_cast %select_n3A_358 : vector<1x16xf32> to vector<1x1x16xf32>
    %reduce_sum3A_360 = arith.constant dense<0.000000e+00> : vector<1xf32>
    %reduce_sum3A_361 = vector.multi_reduction <add>, %reduce_sum3A_359, %reduce_sum3A_360 [1, 2] : vector<1x1x16xf32> to vector<1xf32>
    %reduce_sum3A_362 = vector.shape_cast %reduce_sum3A_361 : vector<1xf32> to vector<1x1x1xf32>
    %reduce_sum3A_363 = vector.extract %reduce_sum3A_362[0, 0, 0] : f32 from vector<1x1x1xf32>
    %add3A_364 = arith.addf %reduce_sum3A_296, %select_n3A_351 : f32
    %mul3A_365 = arith.constant 5.000000e-03 : f32
    %mul3A_366 = arith.mulf %mul3A_365, %reduce_sum3A_363 : f32
    %add3A_367 = arith.addf %add3A_364, %mul3A_366 : f32
    %div3A_368 = arith.divf %add3A_367, %reduce_sum3A_303 : f32
    %add3A_369 = arith.addf %add3A_241, %div3A_368 : f32
    %get3A_370 = arith.constant 3 : index
    %get3A_371 = arith.constant 0 : index
    %get3A_372 = arith.constant 0 : index
    %get3A_373 = vector.load %arg0[%get3A_370, %get3A_371, %get3A_372] : memref<4x104x128xf32, #tpu.memory_space<vmem>>, vector<1x104x128xf32>
    %get3A_374 = vector.shape_cast %get3A_373 : vector<1x104x128xf32> to vector<104x128xf32>
    %get3A_375 = arith.constant 3 : index
    %get3A_376 = arith.constant 0 : index
    %get3A_377 = arith.constant 0 : index
    %get3A_378 = arith.constant 0 : index
    %get3A_379 = vector.load %arg2[%get3A_375, %get3A_376, %get3A_377, %get3A_378] : memref<4x8x2x16xf32, #tpu.memory_space<vmem>>, vector<1x8x2x16xf32>
    %get3A_380 = vector.shape_cast %get3A_379 : vector<1x8x2x16xf32> to vector<8x2x16xf32>
    %slice3A_381 = vector.extract_strided_slice %get3A_374 {offsets = [0, 0], sizes = [96, 16], strides = [1, 1]} : vector<104x128xf32> to vector<96x16xf32>
    %get3A_382 = arith.constant 3 : index
    %get3A_383 = arith.constant 0 : index
    %get3A_384 = arith.constant 0 : index
    %get3A_385 = vector.load %arg1[%get3A_382, %get3A_383, %get3A_384] : memref<4x96x16xf32, #tpu.memory_space<vmem>>, vector<1x96x16xf32>
    %get3A_386 = vector.shape_cast %get3A_385 : vector<1x96x16xf32> to vector<96x16xf32>
    %add3A_387 = arith.addf %slice3A_381, %get3A_386 : vector<96x16xf32>
    %slice3A_388 = vector.extract_strided_slice %get3A_374 {offsets = [96, 0], sizes = [1, 16], strides = [1, 1]} : vector<104x128xf32> to vector<1x16xf32>
    %slice3A_389 = vector.extract_strided_slice %get3A_380 {offsets = [0, 0, 0], sizes = [8, 1, 16], strides = [1, 1, 1]} : vector<8x2x16xf32> to vector<8x1x16xf32>
    %reduce_sum3A_390 = arith.constant dense<0.000000e+00> : vector<1x16xf32>
    %reduce_sum3A_391 = vector.multi_reduction <add>, %slice3A_389, %reduce_sum3A_390 [0] : vector<8x1x16xf32> to vector<1x16xf32>
    %add3A_392 = arith.addf %slice3A_388, %reduce_sum3A_391 : vector<1x16xf32>
    %slice3A_393 = vector.extract_strided_slice %get3A_374 {offsets = [97, 0], sizes = [1, 16], strides = [1, 1]} : vector<104x128xf32> to vector<1x16xf32>
    %slice3A_394 = vector.extract_strided_slice %get3A_380 {offsets = [0, 1, 0], sizes = [8, 1, 16], strides = [1, 1, 1]} : vector<8x2x16xf32> to vector<8x1x16xf32>
    %reduce_sum3A_395 = arith.constant dense<0.000000e+00> : vector<1x16xf32>
    %reduce_sum3A_396 = vector.multi_reduction <add>, %slice3A_394, %reduce_sum3A_395 [0] : vector<8x1x16xf32> to vector<1x16xf32>
    %add3A_397 = arith.addf %slice3A_393, %reduce_sum3A_396 : vector<1x16xf32>
    %broadcast_in_dim3A_398 = vector.shape_cast %add3A_397 : vector<1x16xf32> to vector<1x16xf32>
    %broadcast_in_dim3A_399 = vector.broadcast %broadcast_in_dim3A_398 : vector<1x16xf32> to vector<16x16xf32>
    %dot_general3A_400 = arith.constant dense<0.000000e+00> : vector<16x16xf32>
    %dot_general3A_401 = tpu.matmul %convert_element_type3A_1, %broadcast_in_dim3A_399, %dot_general3A_400 {dimension_numbers = #tpu.dot_dimension_numbers<[1], [1], [0], [0], [0, 0, 1, 0], [], []>, transpose_lhs_hint = false} : vector<16x16xf32>, vector<16x16xf32>, vector<16x16xf32> -> vector<16x16xf32>
    %gt3A_402 = arith.constant 0.000000e+00 : f32
    %gt3A_403 = vector.broadcast %gt3A_402 : f32 to vector<1x16xf32>
    %gt3A_404 = arith.cmpf ogt, %add3A_397, %gt3A_403 : vector<1x16xf32>
    %max3A_405 = arith.constant 1.000000e+00 : f32
    %max3A_406 = vector.broadcast %max3A_405 : f32 to vector<1x16xf32>
    %max3A_407 = arith.maximumf %add3A_397, %max3A_406 : vector<1x16xf32>
    %div3A_408 = vector.broadcast %max3A_407 : vector<1x16xf32> to vector<96x16xf32>
    %div3A_409 = arith.divf %add3A_387, %div3A_408 : vector<96x16xf32>
    %mul3A_410 = arith.mulf %div3A_409, %div3A_409 : vector<96x16xf32>
    %reduce_sum3A_411 = arith.constant dense<0.000000e+00> : vector<16xf32>
    %reduce_sum3A_412 = vector.multi_reduction <add>, %mul3A_410, %reduce_sum3A_411 [0] : vector<96x16xf32> to vector<16xf32>
    %broadcast_in_dim3A_413 = vector.shape_cast %reduce_sum3A_412 : vector<16xf32> to vector<1x16xf32>
    %mul3A_414 = arith.mulf %add3A_397, %broadcast_in_dim3A_413 : vector<1x16xf32>
    %sub3A_415 = arith.subf %add3A_392, %mul3A_414 : vector<1x16xf32>
    %div3A_416 = arith.divf %sub3A_415, %max3A_407 : vector<1x16xf32>
    %jit3A_417 = arith.constant 0.000000e+00 : f32
    %broadcast_in_dim3A_418 = vector.broadcast %jit3A_417 : f32 to vector<1x16xf32>
    %select_n3A_419 = arith.select %gt3A_404, %div3A_416, %broadcast_in_dim3A_418 : vector<1x16xi1>, vector<1x16xf32>
    %reduce_sum3A_420 = vector.shape_cast %select_n3A_419 : vector<1x16xf32> to vector<1x1x16xf32>
    %reduce_sum3A_421 = arith.constant dense<0.000000e+00> : vector<1xf32>
    %reduce_sum3A_422 = vector.multi_reduction <add>, %reduce_sum3A_420, %reduce_sum3A_421 [1, 2] : vector<1x1x16xf32> to vector<1xf32>
    %reduce_sum3A_423 = vector.shape_cast %reduce_sum3A_422 : vector<1xf32> to vector<1x1x1xf32>
    %reduce_sum3A_424 = vector.extract %reduce_sum3A_423[0, 0, 0] : f32 from vector<1x1x1xf32>
    %convert_element_type3A_425 = arith.extui %gt3A_404 : vector<1x16xi1> to vector<1x16xi32>
    %convert_element_type3A_426 = arith.sitofp %convert_element_type3A_425 : vector<1x16xi32> to vector<1x16xf32>
    %reduce_sum3A_427 = vector.shape_cast %convert_element_type3A_426 : vector<1x16xf32> to vector<1x1x16xf32>
    %reduce_sum3A_428 = arith.constant dense<0.000000e+00> : vector<1xf32>
    %reduce_sum3A_429 = vector.multi_reduction <add>, %reduce_sum3A_427, %reduce_sum3A_428 [1, 2] : vector<1x1x16xf32> to vector<1xf32>
    %reduce_sum3A_430 = vector.shape_cast %reduce_sum3A_429 : vector<1xf32> to vector<1x1x1xf32>
    %reduce_sum3A_431 = vector.extract %reduce_sum3A_430[0, 0, 0] : f32 from vector<1x1x1xf32>
    %broadcast_in_dim3A_432 = vector.shape_cast %div3A_409 : vector<96x16xf32> to vector<96x16x1xf32>
    %broadcast_in_dim3A_433 = vector.shape_cast %div3A_409 : vector<96x16xf32> to vector<96x1x16xf32>
    %sub3A_434 = vector.broadcast %broadcast_in_dim3A_432 : vector<96x16x1xf32> to vector<96x16x16xf32>
    %sub3A_435 = vector.broadcast %broadcast_in_dim3A_433 : vector<96x1x16xf32> to vector<96x16x16xf32>
    %sub3A_436 = arith.subf %sub3A_434, %sub3A_435 : vector<96x16x16xf32>
    %mul3A_437 = arith.mulf %sub3A_436, %sub3A_436 : vector<96x16x16xf32>
    %reduce_sum3A_438 = arith.constant dense<0.000000e+00> : vector<16x16xf32>
    %reduce_sum3A_439 = vector.multi_reduction <add>, %mul3A_437, %reduce_sum3A_438 [0] : vector<96x16x16xf32> to vector<16x16xf32>
    %iota3A_440 = tpu.iota {dimensions = array<i32: 0>} : vector<16x16xi32>
    %iota3A_441 = tpu.iota {dimensions = array<i32: 1>} : vector<16x16xi32>
    %gt3A_442 = arith.constant 0.000000e+00 : f32
    %gt3A_443 = vector.broadcast %gt3A_442 : f32 to vector<16x16xf32>
    %gt3A_444 = arith.cmpf ogt, %dot_general3A_401, %gt3A_443 : vector<16x16xf32>
    %broadcast_in_dim3A_445 = vector.shape_cast %gt3A_404 : vector<1x16xi1> to vector<1x16xi1>
    %broadcast_in_dim3A_446 = vector.broadcast %broadcast_in_dim3A_445 : vector<1x16xi1> to vector<16x16xi1>
    %lt3A_447 = arith.cmpi slt, %iota3A_440, %iota3A_441 : vector<16x16xi32>
    %and3A_448 = arith.andi %lt3A_447, %gt3A_444 : vector<16x16xi1>
    %and3A_449 = arith.andi %and3A_448, %broadcast_in_dim3A_446 : vector<16x16xi1>
    %jit3A_450 = arith.constant 1.000000e+00 : f32
    %broadcast_in_dim3A_451 = vector.broadcast %jit3A_450 : f32 to vector<16x16xf32>
    %select_n3A_452 = arith.select %and3A_449, %reduce_sum3A_439, %broadcast_in_dim3A_451 : vector<16x16xi1>, vector<16x16xf32>
    %sqrt3A_453 = math.sqrt %select_n3A_452 : vector<16x16xf32>
    %sub3A_454 = arith.constant 1.000000e+00 : f32
    %sub3A_455 = arith.subf %reduce_sum3A_431, %sub3A_454 : f32
    %max3A_456 = arith.constant 1.000000e+00 : f32
    %max3A_457 = arith.maximumf %sub3A_455, %max3A_456 : f32
    %lt3A_458 = arith.constant 5.000000e+00 : f32
    %lt3A_459 = vector.broadcast %lt3A_458 : f32 to vector<16x16xf32>
    %lt3A_460 = arith.cmpf olt, %sqrt3A_453, %lt3A_459 : vector<16x16xf32>
    %and3A_461 = arith.andi %and3A_449, %lt3A_460 : vector<16x16xi1>
    %sub3A_462 = arith.constant 5.000000e+00 : f32
    %sub3A_463 = vector.broadcast %sub3A_462 : f32 to vector<16x16xf32>
    %sub3A_464 = arith.subf %sub3A_463, %sqrt3A_453 : vector<16x16xf32>
    %integer_pow3A_465 = arith.mulf %sub3A_464, %sub3A_464 : vector<16x16xf32>
    %div3A_466 = vector.broadcast %max3A_457 : f32 to vector<16x16xf32>
    %div3A_467 = arith.divf %integer_pow3A_465, %div3A_466 : vector<16x16xf32>
    %jit3A_468 = arith.constant 0.000000e+00 : f32
    %broadcast_in_dim3A_469 = vector.broadcast %jit3A_468 : f32 to vector<16x16xf32>
    %select_n3A_470 = arith.select %and3A_461, %div3A_467, %broadcast_in_dim3A_469 : vector<16x16xi1>, vector<16x16xf32>
    %gt3A_471 = arith.constant 1.000000e+00 : f32
    %gt3A_472 = arith.cmpf ogt, %reduce_sum3A_431, %gt3A_471 : f32
    %reduce_sum3A_473 = vector.shape_cast %select_n3A_470 : vector<16x16xf32> to vector<1x16x16xf32>
    %reduce_sum3A_474 = arith.constant dense<0.000000e+00> : vector<1xf32>
    %reduce_sum3A_475 = vector.multi_reduction <add>, %reduce_sum3A_473, %reduce_sum3A_474 [1, 2] : vector<1x16x16xf32> to vector<1xf32>
    %reduce_sum3A_476 = vector.shape_cast %reduce_sum3A_475 : vector<1xf32> to vector<1x1x1xf32>
    %reduce_sum3A_477 = vector.extract %reduce_sum3A_476[0, 0, 0] : f32 from vector<1x1x1xf32>
    %jit3A_478 = arith.constant 0.000000e+00 : f32
    %select_n3A_479 = arith.select %gt3A_472, %reduce_sum3A_477, %jit3A_478 : f32
    %jit3A_480 = arith.constant 1.000000e+00 : f32
    %broadcast_in_dim3A_481 = vector.broadcast %jit3A_480 : f32 to vector<1x16xf32>
    %select_n3A_482 = arith.select %gt3A_404, %broadcast_in_dim3A_413, %broadcast_in_dim3A_481 : vector<1x16xi1>, vector<1x16xf32>
    %sqrt3A_483 = math.sqrt %select_n3A_482 : vector<1x16xf32>
    %jit3A_484 = arith.constant 0.000000e+00 : f32
    %broadcast_in_dim3A_485 = vector.broadcast %jit3A_484 : f32 to vector<1x16xf32>
    %select_n3A_486 = arith.select %gt3A_404, %sqrt3A_483, %broadcast_in_dim3A_485 : vector<1x16xi1>, vector<1x16xf32>
    %reduce_sum3A_487 = vector.shape_cast %select_n3A_486 : vector<1x16xf32> to vector<1x1x16xf32>
    %reduce_sum3A_488 = arith.constant dense<0.000000e+00> : vector<1xf32>
    %reduce_sum3A_489 = vector.multi_reduction <add>, %reduce_sum3A_487, %reduce_sum3A_488 [1, 2] : vector<1x1x16xf32> to vector<1xf32>
    %reduce_sum3A_490 = vector.shape_cast %reduce_sum3A_489 : vector<1xf32> to vector<1x1x1xf32>
    %reduce_sum3A_491 = vector.extract %reduce_sum3A_490[0, 0, 0] : f32 from vector<1x1x1xf32>
    %add3A_492 = arith.addf %reduce_sum3A_424, %select_n3A_479 : f32
    %mul3A_493 = arith.constant 5.000000e-03 : f32
    %mul3A_494 = arith.mulf %mul3A_493, %reduce_sum3A_491 : f32
    %add3A_495 = arith.addf %add3A_492, %mul3A_494 : f32
    %div3A_496 = arith.divf %add3A_495, %reduce_sum3A_431 : f32
    %add3A_497 = arith.addf %add3A_369, %div3A_496 : f32
    %div3A_498 = arith.constant 5.000000e+00 : f32
    %div3A_499 = arith.divf %add3A_497, %div3A_498 : f32
    %broadcast_in_dim3A_500 = vector.broadcast %div3A_499 : f32 to vector<1x1xf32>
    %swap3A = arith.constant 0 : index
    %swap3A_501 = arith.constant 0 : index
    %swap3A_502 = vector.load %arg3[%swap3A, %swap3A_501] : memref<1x1xf32, #tpu.memory_space<vmem>>, vector<1x1xf32>
    tpu.vector_store %arg3[%swap3A, %swap3A_501], %broadcast_in_dim3A_500 {strides = array<i32>} : memref<1x1xf32, #tpu.memory_space<vmem>>, vector<1x1xf32>,
    return
  }
}

module attributes {stable_mosaic.version = 14 : i64} {
  func.func @_stats_kernel(%arg0: i32, %arg1: i32, %arg2: memref<1x96x48x384xf32, #tpu.memory_space<vmem>>, %arg3: memref<1x48x384xi32, #tpu.memory_space<vmem>>, %arg4: memref<1x104x128xf32, #tpu.memory_space<vmem>>) attributes {dimension_semantics = [#tpu.dimension_semantics<arbitrary>, #tpu.dimension_semantics<arbitrary>], iteration_bounds = array<i64: 4, 6>, scalar_prefetch = 0 : i64, scratch_operands = 0 : i64, tpu.core_type = #tpu.core_type<tc>, window_params = [{transform_indices = @transform_0, window_bounds = array<i64: 1, 96, 48, 384>}, {transform_indices = @transform_1, window_bounds = array<i64: 1, 48, 384>}, {transform_indices = @transform_2, window_bounds = array<i64: 1, 104, 128>}]} {
    %get3A = arith.constant 0 : index
    %get3A_0 = arith.constant 0 : index
    %get3A_1 = arith.constant 0 : index
    %get3A_2 = arith.constant 0 : index
    %get3A_3 = vector.load %arg2[%get3A, %get3A_0, %get3A_1, %get3A_2] : memref<1x96x48x384xf32, #tpu.memory_space<vmem>>, vector<1x96x48x384xf32>
    %get3A_4 = vector.shape_cast %get3A_3 : vector<1x96x48x384xf32> to vector<96x48x384xf32>
    %get3A_5 = arith.constant 0 : index
    %get3A_6 = arith.constant 0 : index
    %get3A_7 = arith.constant 0 : index
    %get3A_8 = vector.load %arg3[%get3A_5, %get3A_6, %get3A_7] : memref<1x48x384xi32, #tpu.memory_space<vmem>>, vector<1x48x384xi32>
    %get3A_9 = vector.shape_cast %get3A_8 : vector<1x48x384xi32> to vector<48x384xi32>
    %iota3A = tpu.iota {dimensions = array<i32: 2>} : vector<48x384x16xi32>
    %broadcast_in_dim3A = vector.shape_cast %get3A_9 : vector<48x384xi32> to vector<48x384x1xi32>
    %eq3A = vector.broadcast %broadcast_in_dim3A : vector<48x384x1xi32> to vector<48x384x16xi32>
    %eq3A_10 = arith.cmpi eq, %eq3A, %iota3A : vector<48x384x16xi32>
    %convert_element_type3A = arith.extui %eq3A_10 : vector<48x384x16xi1> to vector<48x384x16xi32>
    %convert_element_type3A_11 = arith.sitofp %convert_element_type3A : vector<48x384x16xi32> to vector<48x384x16xf32>
    %reshape3A = vector.shape_cast %convert_element_type3A_11 : vector<48x384x16xf32> to vector<18432x16xf32>
    %mul3A = arith.mulf %get3A_4, %get3A_4 : vector<96x48x384xf32>
    %reduce_sum3A = arith.constant dense<0.000000e+00> : vector<48x384xf32>
    %reduce_sum3A_12 = vector.multi_reduction <add>, %mul3A, %reduce_sum3A [0] : vector<96x48x384xf32> to vector<48x384xf32>
    %broadcast_in_dim3A_13 = vector.shape_cast %reduce_sum3A_12 : vector<48x384xf32> to vector<1x48x384xf32>
    %broadcast_in_dim3A_14 = arith.constant 1.000000e+00 : f32
    %broadcast_in_dim3A_15 = vector.broadcast %broadcast_in_dim3A_14 : f32 to vector<1x48x384xf32>
    %concatenate3A = tpu.concatenate %get3A_4, %broadcast_in_dim3A_13, %broadcast_in_dim3A_15 in 0 : vector<96x48x384xf32>, vector<1x48x384xf32>, vector<1x48x384xf32> -> vector<98x48x384xf32>
    %reshape3A_16 = vector.shape_cast %concatenate3A : vector<98x48x384xf32> to vector<98x18432xf32>
    %dot_general3A = arith.constant dense<0.000000e+00> : vector<98x16xf32>
    %dot_general3A_17 = tpu.matmul %reshape3A_16, %reshape3A, %dot_general3A {dimension_numbers = #tpu.dot_dimension_numbers<[1], [0], [0], [1], [0, 0, 1, 1], [], []>, transpose_lhs_hint = false} : vector<98x18432xf32>, vector<18432x16xf32>, vector<98x16xf32> -> vector<98x16xf32>
    %eq3A_18 = arith.constant 0 : i32
    %eq3A_19 = arith.cmpi eq, %arg1, %eq3A_18 : i32
    %convert_element_type3A_20 = arith.extui %eq3A_19 : i1 to i32
    %cond3A = arith.constant 0 : i32
    %cond3A_21 = arith.cmpi ne, %convert_element_type3A_20, %cond3A : i32
    scf.if %cond3A_21 {
      %broadcast_in_dim3A_32 = arith.constant 0.000000e+00 : f32
      %broadcast_in_dim3A_33 = vector.broadcast %broadcast_in_dim3A_32 : f32 to vector<1x104x128xf32>
      %swap3A_34 = arith.constant 0 : index
      %swap3A_35 = arith.constant 0 : index
      %swap3A_36 = arith.constant 0 : index
      %swap3A_37 = vector.load %arg4[%swap3A_34, %swap3A_35, %swap3A_36] : memref<1x104x128xf32, #tpu.memory_space<vmem>>, vector<1x104x128xf32>
      tpu.vector_store %arg4[%swap3A_34, %swap3A_35, %swap3A_36], %broadcast_in_dim3A_33 {strides = array<i32>} : memref<1x104x128xf32, #tpu.memory_space<vmem>>, vector<1x104x128xf32>,
    } else {
    }
    %get3A_22 = arith.constant 0 : index
    %get3A_23 = arith.constant 0 : index
    %get3A_24 = arith.constant 0 : index
    %get3A_25 = vector.load %arg4[%get3A_22, %get3A_23, %get3A_24] : memref<1x104x128xf32, #tpu.memory_space<vmem>>, vector<1x98x16xf32>
    %get3A_26 = vector.shape_cast %get3A_25 : vector<1x98x16xf32> to vector<98x16xf32>
    %add3A = arith.addf %get3A_26, %dot_general3A_17 : vector<98x16xf32>
    %swap3A = arith.constant 0 : index
    %swap3A_27 = arith.constant 0 : index
    %swap3A_28 = arith.constant 0 : index
    %swap3A_29 = vector.load %arg4[%swap3A, %swap3A_27, %swap3A_28] : memref<1x104x128xf32, #tpu.memory_space<vmem>>, vector<1x98x16xf32>
    %swap3A_30 = vector.shape_cast %swap3A_29 : vector<1x98x16xf32> to vector<98x16xf32>
    %swap3A_31 = vector.shape_cast %add3A : vector<98x16xf32> to vector<1x98x16xf32>
    tpu.vector_store %arg4[%swap3A, %swap3A_27, %swap3A_28], %swap3A_31 {strides = array<i32>} : memref<1x104x128xf32, #tpu.memory_space<vmem>>, vector<1x98x16xf32>,
    return
  }
  func.func @transform_0(%arg0: i32, %arg1: i32) -> (i32, i32, i32, i32) {
    %c0_i32 = arith.constant 0 : i32
    %c0_i32_0 = arith.constant 0 : i32
    %c0_i32_1 = arith.constant 0 : i32
    return %arg0, %c0_i32, %arg1, %c0_i32_0 : i32, i32, i32, i32
  }
  func.func @transform_1(%arg0: i32, %arg1: i32) -> (i32, i32, i32) {
    %c0_i32 = arith.constant 0 : i32
    %c0_i32_0 = arith.constant 0 : i32
    return %arg0, %arg1, %c0_i32 : i32, i32, i32
  }
  func.func @transform_2(%arg0: i32, %arg1: i32) -> (i32, i32, i32) {
    %c0_i32 = arith.constant 0 : i32
    %c0_i32_0 = arith.constant 0 : i32
    %c0_i32_1 = arith.constant 0 : i32
    return %arg0, %c0_i32, %c0_i32_0 : i32, i32, i32
  }
}

</mosaic_0001>

<sc_bundles>
// kernel: kernel.5.cloned.1.call-start
scs
__scs_entry_jumppad:
0x0: {  	(pc) =	sbr.rel $0x88, $3  }
0x1: {  	(tag) =	ssettag $0x0;
	lr =	simm.s32 $0x1  }
0x2: {  	[smem:$0x3F9F] =	sst lr;
	_ =	strace $0xD0000000  }
0x3: {  	_ = 	snop  }
0x4: {  	_ = 	snop  }
0x5: {  	_ = 	snop  }
0x6: {  	_ = 	snop  }
0x7: {  	_ = 	snop  }
__scs_overlays_trampoline_lowered:
0x8: {  	[smem:$0x3FAE] =	sst s0  }
0x9: {  	[smem:$0x3FAF] =	sst s1  }
0xa: {  	[smem:$0x3FB0] =	sst s2  }
0xb: {  	[smem:$0x3FB1] =	sst s3  }
0xc: {  	[smem:$0x3FB2] =	sst s4  }
0xd: {  	[smem:$0x3FB3] =	sst s5  }
0xe: {  	[smem:$0x3FB4] =	sst s6  }
0xf: {  	[smem:$0x3FB5] =	sst s7  }
0x10: {  	[smem:$0x3FB6] =	sst s8  }
0x11: {  	[smem:$0x3FB7] =	sst s9;
	s0 =	simm.s32 @!p0 $0x0  }
0x12: {  	s1 =	sld [smem:$0x3F9D];
	s0 =	simm.s32 @p0 $0x1  }
0x13: {  	[smem:$0x3FB8] =	sst s0;
	s0 =	simm.s32 @!p1 $0x0  }
0x14: {  	s2 =	sld [smem:$0x3F9C];
	s0 =	simm.s32 @p1 $0x1  }
0x15: {  	[smem:$0x3FB9] =	sst s0;
	s0 =	simm.s32 @!p2 $0x0  }
0x16: {  	s3 =	sld [smem:$0x3FDB];
	s0 =	simm.s32 @p2 $0x1  }
0x17: {  	s4 =	simm.s32 $0x1BF5;
	[smem:$0x3FBB] =	sst s0  }
0x18: {  	s0 =	sld [smem:$0x3F9E];
	_ =	swait.ge [sflag:s4], $0x0  }
0x19: {  	s7 =	sld [smem:$0x3F9F]  }
0x1a: {  	s8 =	sadd.s32 $0xFFFFE003, lr  }
0x1b: {  	s9 =	sadd.s32 $0xFFFFFEF7, lr;
	s5 =	simm.s32 $0xFFFFFFFF;
	p2 =	slt.u32 s8, $0xFFFFF086  }
0x1c: {  	p1 =	slt.u32 s9, $0xF7A;
	s5 =	simm.s32 @!p2 $0x0  }
0x1d: {  	s5 =	simm.s32 @p1 $0x1;
	p0 =	seq.s32 s7, s2  }
0x1e: {  	s7 =	smul.u32 @!p0 $0xF7A, s2;
	p2 =	seq.s32 @!p0 s5, $0x0  }
0x1f: {  	s9 =	smul.u32 $0xF7A, s1;
	s8 =	simm.s32 @!p0 $0x1BF5;
	p2 =	por !p2, p0  }
0x20: {  	[sflag:s8] =	ssyncset.s32 @!p0 $0xFFFFF086;
	s6 =	sadd.s32 @!p0 s3, s7;
	s7 =	simm.s32 @!p0 $0x108  }
0x21: {  	s3 =	sadd.s32 s3, s9;
	s6 =	sadd.s32 @!p0 $0x88, s6;
	s7 =	simm.s32 @p2 $0x1082  }
0x22: {  	[simem:s7], [sflag:s8] =	dma.local @!p0 [hbm:s6], $0xF7A  }
0x23: {  	s9 =	sor.u32 $0xD0000000, s2;
	s6 =	simm.s32 $0x108;
	_ =	swait.ge @!p0 [sflag:s8], $0x0  }
0x24: {  	s3 =	sadd.s32 $0x88, s3;
	s6 =	simm.s32 @!p1 $0x1082;
	[sflag:s4] =	ssyncset.s32 $0xFFFFF086  }
0x25: {  	[simem:s6], [sflag:s4] =	dma.local [hbm:s3], $0xF7A  }
0x26: {  	[smem:$0x3F9F] =	sst s1;
	(tag) =	ssettag s2;
	_ =	strace s9  }
0x27: {  	s1 =	sld [smem:$0x3FAF]  }
0x28: {  	s2 =	sld [smem:$0x3FB0]  }
0x29: {  	s4 =	sld [smem:$0x3FB2]  }
0x2a: {  	p0 =	seq.s32 s5, $0x0;
	s5 =	sld [smem:$0x3FB3]  }
0x2b: {  	s6 =	sld [smem:$0x3FB4]  }
0x2c: {  	s7 =	sld [smem:$0x3FB5]  }
0x2d: {  	s3 =	simm.s32 $0x108;
	s8 =	sld [smem:$0x3FB6]  }
0x2e: {  	s3 =	simm.s32 @!p0 $0x1082;
	s9 =	sld [smem:$0x3FB7]  }
0x2f: {  	lr =	sadd.s32 s0, s3;
	s0 =	sld [smem:$0x3FAE]  }
0x30: {  	s3 =	sld [smem:$0x3FB1]  }
0x31: {  	[smem:$0x3FBA] =	sst s10  }
0x32: {  	s10 =	sld [smem:$0x3FB8];
	_ =	sdelay $0x3  }
0x33: {  	p0 =	seq.s32 s10, $0x1;
	s10 =	sld [smem:$0x3FBA];
	_ =	sdelay $0x3  }
0x34: {  	[smem:$0x3FBA] =	sst s10  }
0x35: {  	s10 =	sld [smem:$0x3FB9];
	_ =	sdelay $0x3  }
0x36: {  	p1 =	seq.s32 s10, $0x1;
	s10 =	sld [smem:$0x3FBA];
	_ =	sdelay $0x3  }
0x37: {  	[smem:$0x3FBA] =	sst s10  }
0x38: {  	s10 =	sld [smem:$0x3FBB]  }
0x39: {  	_ = 	snop;
	(pc) =	sbr.ind lr, $3  }
0x3a: {  	_ = 	snop  }
0x3b: {  	_ = 	snop  }
0x3c: {  	p2 =	seq.s32 s10, $0x1;
	s10 =	sld [smem:$0x3FBA]  }
0x3d: {  	_ =	shalt  }
0x3e: {  	_ =	shalt  }
0x3f: {  	_ =	shalt  }
0x40: {  	_ =	shalt  }
0x41: {  	_ =	shalt  }
0x42: {  	_ =	shalt  }
0x43: {  	_ =	shalt  }
0x44: {  	_ =	shalt  }
0x45: {  	_ =	shalt  }
0x46: {  	_ =	shalt  }
0x47: {  	_ =	shalt  }
0x48: {  	_ =	shalt  }
0x49: {  	_ =	shalt  }
0x4a: {  	_ =	shalt  }
0x4b: {  	_ =	shalt  }
0x4c: {  	_ =	shalt  }
0x4d: {  	_ =	shalt  }
0x4e: {  	_ =	shalt  }
0x4f: {  	_ =	shalt  }
0x50: {  	_ =	shalt  }
0x51: {  	_ =	shalt  }
0x52: {  	_ =	shalt  }
0x53: {  	_ =	shalt  }
0x54: {  	_ =	shalt  }
0x55: {  	_ =	shalt  }
0x56: {  	_ =	shalt  }
0x57: {  	_ =	shalt  }
0x58: {  	_ =	shalt  }
0x59: {  	_ =	shalt  }
0x5a: {  	_ =	shalt  }
0x5b: {  	_ =	shalt  }
0x5c: {  	_ =	shalt  }
0x5d: {  	_ =	shalt  }
0x5e: {  	_ =	shalt  }
0x5f: {  	_ =	shalt  }
0x60: {  	_ =	shalt  }
0x61: {  	_ =	shalt  }
0x62: {  	_ =	shalt  }
0x63: {  	_ =	shalt  }
0x64: {  	_ =	shalt  }
0x65: {  	_ =	shalt  }
0x66: {  	_ =	shalt  }
0x67: {  	_ =	shalt  }
0x68: {  	_ =	shalt  }
0x69: {  	_ =	shalt  }
0x6a: {  	_ =	shalt  }
0x6b: {  	_ =	shalt  }
0x6c: {  	_ =	shalt  }
0x6d: {  	_ =	shalt  }
0x6e: {  	_ =	shalt  }
0x6f: {  	_ =	shalt  }
0x70: {  	_ =	shalt  }
0x71: {  	_ =	shalt  }
0x72: {  	_ =	shalt  }
0x73: {  	_ =	shalt  }
0x74: {  	_ =	shalt  }
0x75: {  	_ =	shalt  }
0x76: {  	_ =	shalt  }
0x77: {  	_ =	shalt  }
0x78: {  	_ =	shalt  }
0x79: {  	_ =	shalt  }
0x7a: {  	_ =	shalt  }
0x7b: {  	_ =	shalt  }
0x7c: {  	_ =	shalt  }
0x7d: {  	_ =	shalt  }
0x7e: {  	_ =	shalt  }
0x7f: {  	_ =	shalt  }
0x80: {  	_ =	shalt  }
0x81: {  	_ =	shalt  }
0x82: {  	_ =	shalt  }
0x83: {  	_ =	shalt  }
0x84: {  	_ =	shalt  }
0x85: {  	_ =	shalt  }
0x86: {  	_ =	shalt  }
0x87: {  	_ =	shalt  }
.Lfunc_end0:
.L_simem_size_0:
called_computation_lowered:
.L_overlay_start_0:
0x88: {  	s2 =	sld [smem:$0x3FD9]  }
0x89: {  	s3 =	sld [smem:$0x3FFE];
	_ =	sdelay $0x1  }
0x8a: {  	s1 =	srdreg.scid  }
0x8b: {  	s0 =	sand.u32 $0x1, s1  }
0x8c: {  	s17 =	sshll.u32 s0, $0xA;
	s2 =	sadd.s32 s3, s2  }
0x8d: {  	s2 =	sadd.s32 s2, s17  }
0x8e: {  	[smem:$0x3FC6] =	sst s2  }
0x8f: {  	_ = 	snop  }
0x90: {  	s2 =	sld [smem:$0x3FC9]  }
0x91: {  	s18 =	sld [smem:$0x3FC8];
	(tm) =	ssettm $0x1  }
0x92: {  	s4 =	sld [smem:$0x3FFB];
	_ =	sdelay $0x3  }
0x93: {  	_ =	strace s4  }
0x94: {  	s4 =	sld [smem:$0x3FFC];
	_ =	sdelay $0x3  }
0x95: {  	_ =	strace s4  }
0x96: {  	s4 =	sld [smem:$0x3FFD];
	_ =	sdelay $0x3  }
0x97: {  	_ =	strace s4  }
0x98: {  	_ =	strace $0x8FFFFFFF  }
0x99: {  	s19 =	sld [smem:$0x3FDB];
	_ =	sdelay $0x1  }
0x9a: {  	s5 =	simm.s32 $_scs_section_size  }
0x9b: {  	s6 =	simm.s32 $_size__tile_overlayer_lowered;
	s7 =	simm.s32 $_tile_overlayer_lowered  }
0x9c: {  	s22 =	simm.s32 $0x1BFF;
	s21 =	sshll.u32 s7, $0x1;
	s4 =	sadd.s32 s5, s19  }
0x9d: {  	s8 =	simm.s32 $0x0;
	s20 =	sshll.u32 s6, $0x1;
	s6 =	sadd.s32 s21, s4  }
0x9e: {  	[timem:s8], [sflag:s22] =	dma.local [hbm:s6], s20  }
0x9f: {  	_ =	swait.ge [sflag:s22], s20  }
0xa0: {  	s5 =	ssub.s32 $0x0, s20;
	[sflag:s22] =	ssyncset.done $0x0  }
0xa1: {  	[sflag:s22] =	ssyncadd.s32 s5;
	_ =	sdelay $0x1  }
0xa2: {  	s23 =	simm.s32 $0x1B8B  }
0xa3: {  	_ =	swait.ge [sflag:s23], $0x1  }
0xa4: {  	[sflag:s23] =	ssyncset.done $0x0  }
0xa5: {  	s25 =	simm.s32 $0x1B8E;
	s24 =	sld [smem:$0x3FFE];
	[sflag:s23] =	ssyncadd.s32 $0xFFFFFFFF  }
0xa6: {  	s26 =	simm.s32 $execute0_lowered;
	[smem:$0x3FD2] =	sst s25  }
0xa7: {  	s6 =	sshll.u32 s26, $0x1;
	_ =	strace $0x80000046;
	[dreg:$0x1] =	wrdreg $0xFFFFFFFF  }
0xa8: {  	s28 =	simm.s32 $_size_execute0_lowered;
	s4 =	sadd.s32 s4, s6;
	[dreg:$0x0] =	wrdreg $0x0  }
0xa9: {  	s6 =	sshll.u32 s28, $0x1;
	[dreg:$0x2] =	wrdreg s4  }
0xaa: {  	[dreg:$0x3] =	wrdreg s6  }
0xab: {  	[dreg:$0x4] =	wrdreg $0xC0  }
0xac: {  	_ =	task [dreg:s8], $0x5FFFF  }
0xad: {  	[dreg:$0x1] =	wrdreg $0xFFFFFFFF  }
0xae: {  	[dreg:$0x0] =	wrdreg $0x60  }
0xaf: {  	[dreg:$0x2] =	wrdreg s2  }
0xb0: {  	[dreg:$0x3] =	wrdreg s18  }
0xb1: {  	[dreg:$0x4] =	wrdreg s24  }
0xb2: {  	[dreg:$0x5] =	wrdreg $0x9  }
0xb3: {  	_ =	task.clear_ibuf [dreg:s8], $0x6FFFF;
	_ =	strace $0x90000046  }
0xb4: {  	s29 =	simm.s32 $0x9;
	_ =	strace $0x80000048  }
0xb5: {  	_ =	swait.ge [sflag:s29], $0x1  }
0xb6: {  	[sflag:s29] =	ssyncadd.s32 $0xFFFFFFFF  }
0xb7: {  	_ =	strace $0x90000048  }
0xb8: {  	_ =	sfence  }
0xb9: {  	s30 =	sld [smem:$0x0];
	_ =	sdelay $0x2  }
0xba: {  	s31 =	sshll.u32 s1, $0xD;
	s1 =	sshrl.u32 s1, $0x2  }
0xbb: {  	s3 =	sand.u32 $0x4000, s31;
	s1 =	sadd.s32 s1, s30  }
0xbc: {  	s0 =	sor.u32 s3, s0;
	s1 =	sshll.u32 s1, $0x11  }
0xbd: {  	s0 =	sor.u32 s1, s0  }
0xbe: {  	s0 =	sadd.s32 $0x8F2B, s0  }
0xbf: {  	[sflag:s0] =	ssyncadd.remote.s32 $0x1  }
0xc0: {  	_ =	sfence.sel $0xFFFF  }
0xc1: {  	[dreg:$0x0] =	wrdreg $0xFFFFFFFF;
	(pc) =	sbr.abs _section_cstart, $3  }
0xc2: {  	[dreg:$0x1] =	wrdreg $0xFFFFFFFF  }
0xc3: {  	_ =	task.clear_ibuf [dreg:s8], $0x2FFFF;
	_ =	strace $0x9FFFFFFF  }
0xc4: {  	(tm) =	ssettm $0x7FFFFFFF  }
0xc5: {  	_ =	shalt  }
tec
execute0_lowered:
.L_overlay_start_1:
0x0: {  	(tag) =	ssettag $0x1  }
0x1: {  	s1 =	rddreg [dreg:$0x0];
	s0 =	srdreg.scid  }
0x2: {  	s5 =	stileid.u32;
	s3 =	rddreg [dreg:$0x1]  }
0x3: {  	s4 =	rddreg [dreg:$0x2];
	s8 =	simm.s32 $0x0;
	s21 =	simm.s32 $0x3  }
0x4: {  	s22 =	simm.s32 $0x4800;
	s23 =	simm.s32 $0x9000;
	s24 =	simm.s32 $0x1  }
0x5: {  	s25 =	simm.s32 $0xD800;
	s26 =	simm.s32 $0xE400;
	s28 =	simm.s32 $0x2  }
0x6: {  	s0 =	sand.u32 $0x1, s0;
	s2 =	sshll.u32 s5, $0x1;
	s5 =	sshrl.u32 s5, $0x2  }
0x7: {  	[smem:$0x7FF] =	sst s8;
	s2 =	sor.u32 s0, s2;
	s7 =	sshll.u32 s5, $0xB  }
0x8: {  	_ =	strace $0x80000047;
	s29 =	sshll.u32 s5, $0xA;
	s30 =	smul.u32 $0xD80000, s5  }
0x9: {  	s0 =	ssub.s32 $0x2, s0;
	s5 =	smul.u32 $0x24000, s5;
	s6 =	sshll.u32 s2, $0x7  }
0xa: {  	s2 =	sand.u32 $0x7, s2;
	s31 =	sshrl.u32 s0, $0x1;
	s6 =	sand.u32 $0x380, s6  }
0xb: {  	s9 =	smul.u32 $0x1B0000, s2;
	s0 =	ssub.s32 s0, s31;
	p0 =	sne.s32 s2, $0x0  }
0xc: {  	s7 =	sor.u32 s7, s6;
	s6 =	sor.u32 s29, s6;
	s20 =	smax.u32 s0, $0x1  }
0xd: {  	s0 =	simm.s32 $0x0;
	s7 =	sshrl.u32 s7, $0x3;
	s6 =	sshrl.u32 s6, $0x3  }
0xe: {  	s18 =	sadd.s32 s7, s4;
	s4 =	sadd.s32 s6, s4;
	s6 =	sadd.s32 s30, s9  }
.Ltmp0:
0xf: {  	s7 =	sadd.s32 $0x24000, s6;
	s8 =	sadd.s32 $0x48000, s6;
	(pc) =	sbr.rel .LBB2_1-.Ltmp0, $4  }
0x10: {  	s9 =	sadd.s32 $0x6C000, s6;
	s10 =	sadd.s32 $0x90000, s6;
	s11 =	sadd.s32 $0xB4000, s6  }
0x11: {  	s12 =	sadd.s32 $0xD8000, s6;
	s13 =	sadd.s32 $0xFC000, s6;
	s14 =	sadd.s32 $0x120000, s6  }
0x12: {  	v0 =	vlaneseq.u32;
	v1 =	vimm.f32 $0.0e+00;
	v5 =	vimm.f32 $1.000000000e+00;
	s15 =	sadd.s32 $0x144000, s6;
	s16 =	sadd.s32 $0x168000, s6;
	s18 =	sadd.s32 $0xC00, s18  }
0x13: {  	v2 =	vor.u32 $0x100, v0;
	v3 =	vor.u32 $0x200, v0;
	v4 =	vor.u32 $0x300, v0;
	s17 =	sadd.s32 $0x18C000, s6;
	s19 =	sadd.s32 $0xA00, s4;
	[dreg:$0x4] =	wrdreg s18  }
.LBB2_58:
0x14: {  	v6 =	vmul.u32 $0x10, v0;
	_ =	sdelay $0x1  }
0x15: {  	v7 =	vor.u32 $0x1, v6;
	_ =	sdelay $0x1  }
0x16: {  	v8 =	vor.u32 $0x2, v6;
	_ =	sdelay $0x1  }
0x17: {  	v9 =	vor.u32 $0x3, v6;
	v12 =	vld.idx.msk [tilespmem:v6+s25+$0x0], $0xffff  }
0x18: {  	v13 =	vld.idx.msk [tilespmem:v7+s25+$0x0], $0xffff  }
0x19: {  	v10 =	vor.u32 $0x4, v6  }
0x1a: {  	v14 =	vld.idx.msk [tilespmem:v8+s25+$0x0], $0xffff  }
0x1b: {  	v11 =	vor.u32 $0x5, v6  }
0x1c: {  	v15 =	vld.idx.msk [tilespmem:v9+s25+$0x0], $0xffff  }
0x1d: {  	v13 =	vadd.f32 v13, v12;
	v12 =	vor.u32 $0x6, v6  }
0x1e: {  	v16 =	vld.idx.msk [tilespmem:v10+s25+$0x0], $0xffff  }
0x1f: {  	v14 =	vadd.f32 v14, v13;
	v13 =	vor.u32 $0x7, v6  }
0x20: {  	v17 =	vld.idx.msk [tilespmem:v11+s25+$0x0], $0xffff  }
0x21: {  	v15 =	vadd.f32 v15, v14;
	v14 =	vor.u32 $0x8, v6  }
0x22: {  	v18 =	vld.idx.msk [tilespmem:v12+s25+$0x0], $0xffff  }
0x23: {  	v16 =	vadd.f32 v16, v15;
	v15 =	vor.u32 $0x9, v6  }
0x24: {  	v19 =	vld.idx.msk [tilespmem:v13+s25+$0x0], $0xffff  }
0x25: {  	v17 =	vadd.f32 v17, v16;
	v16 =	vor.u32 $0xA, v6  }
0x26: {  	v20 =	vld.idx.msk [tilespmem:v14+s25+$0x0], $0xffff  }
0x27: {  	v18 =	vadd.f32 v18, v17;
	v17 =	vor.u32 $0xB, v6  }
0x28: {  	v21 =	vld.idx.msk [tilespmem:v15+s25+$0x0], $0xffff  }
0x29: {  	v19 =	vadd.f32 v19, v18;
	v18 =	vor.u32 $0xC, v6  }
0x2a: {  	v22 =	vld.idx.msk [tilespmem:v16+s25+$0x0], $0xffff  }
0x2b: {  	v20 =	vadd.f32 v20, v19;
	v19 =	vor.u32 $0xD, v6  }
0x2c: {  	v23 =	vld.idx.msk [tilespmem:v17+s25+$0x0], $0xffff  }
0x2d: {  	v21 =	vadd.f32 v21, v20;
	v20 =	vor.u32 $0xE, v6  }
0x2e: {  	v24 =	vld.idx.msk [tilespmem:v18+s25+$0x0], $0xffff  }
0x2f: {  	v22 =	vadd.f32 v22, v21;
	v21 =	vor.u32 $0xF, v6  }
0x30: {  	v25 =	vld.idx.msk [tilespmem:v19+s25+$0x0], $0xffff  }
0x31: {  	v22 =	vadd.f32 v23, v22  }
0x32: {  	v55 =	vld.idx.msk [tilespmem:v20+s25+$0x0], $0xffff  }
0x33: {  	v22 =	vadd.f32 v24, v22  }
0x34: {  	v56 =	vld.idx.msk [tilespmem:v21+s25+$0x0], $0xffff  }
0x35: {  	v22 =	vadd.f32 v25, v22;
	_ =	sdelay $0x1  }
0x36: {  	v25 =	vadd.f32 v55, v22;
	v22 =	vor.u32 $0x100, v6  }
0x37: {  	v23 =	vor.u32 $0x101, v6  }
0x38: {  	v25 =	vadd.f32 v56, v25  }
0x39: {  	v24 =	vor.u32 $0x102, v6  }
0x3a: {  	[tilespmem:$0xE600] =	vst v25  }
0x3b: {  	v25 =	vor.u32 $0x103, v6;
	v28 =	vld.idx.msk [tilespmem:v22+s25+$0x0], $0xffff  }
0x3c: {  	v29 =	vld.idx.msk [tilespmem:v23+s25+$0x0], $0xffff  }
0x3d: {  	v26 =	vor.u32 $0x104, v6  }
0x3e: {  	v30 =	vld.idx.msk [tilespmem:v24+s25+$0x0], $0xffff  }
0x3f: {  	v27 =	vor.u32 $0x105, v6  }
0x40: {  	v31 =	vld.idx.msk [tilespmem:v25+s25+$0x0], $0xffff  }
0x41: {  	v29 =	vadd.f32 v29, v28;
	v28 =	vor.u32 $0x106, v6  }
0x42: {  	v32 =	vld.idx.msk [tilespmem:v26+s25+$0x0], $0xffff  }
0x43: {  	v30 =	vadd.f32 v30, v29;
	v29 =	vor.u32 $0x107, v6  }
0x44: {  	v33 =	vld.idx.msk [tilespmem:v27+s25+$0x0], $0xffff  }
0x45: {  	v31 =	vadd.f32 v31, v30;
	v30 =	vor.u32 $0x108, v6  }
0x46: {  	v34 =	vld.idx.msk [tilespmem:v28+s25+$0x0], $0xffff  }
0x47: {  	v32 =	vadd.f32 v32, v31;
	v31 =	vor.u32 $0x109, v6  }
0x48: {  	v35 =	vld.idx.msk [tilespmem:v29+s25+$0x0], $0xffff  }
0x49: {  	v33 =	vadd.f32 v33, v32;
	v32 =	vor.u32 $0x10A, v6  }
0x4a: {  	v36 =	vld.idx.msk [tilespmem:v30+s25+$0x0], $0xffff  }
0x4b: {  	v34 =	vadd.f32 v34, v33;
	v33 =	vor.u32 $0x10B, v6  }
0x4c: {  	v37 =	vld.idx.msk [tilespmem:v31+s25+$0x0], $0xffff  }
0x4d: {  	v35 =	vadd.f32 v35, v34;
	v34 =	vor.u32 $0x10C, v6  }
0x4e: {  	v38 =	vld.idx.msk [tilespmem:v32+s25+$0x0], $0xffff  }
0x4f: {  	v36 =	vadd.f32 v36, v35;
	v35 =	vor.u32 $0x10D, v6  }
0x50: {  	v39 =	vld.idx.msk [tilespmem:v33+s25+$0x0], $0xffff  }
0x51: {  	v37 =	vadd.f32 v37, v36;
	v36 =	vor.u32 $0x10E, v6  }
0x52: {  	v40 =	vld.idx.msk [tilespmem:v34+s25+$0x0], $0xffff  }
0x53: {  	v38 =	vadd.f32 v38, v37;
	v37 =	vor.u32 $0x10F, v6  }
0x54: {  	v41 =	vld.idx.msk [tilespmem:v35+s25+$0x0], $0xffff  }
0x55: {  	v38 =	vadd.f32 v39, v38  }
0x56: {  	v57 =	vld.idx.msk [tilespmem:v36+s25+$0x0], $0xffff  }
0x57: {  	v38 =	vadd.f32 v40, v38  }
0x58: {  	v58 =	vld.idx.msk [tilespmem:v37+s25+$0x0], $0xffff  }
0x59: {  	v38 =	vadd.f32 v41, v38;
	_ =	sdelay $0x1  }
0x5a: {  	v59 =	vor.u32 $0x200, v6;
	v38 =	vadd.f32 v57, v38  }
0x5b: {  	v60 =	vor.u32 $0x201, v6  }
0x5c: {  	v38 =	vadd.f32 v58, v38  }
0x5d: {  	v61 =	vor.u32 $0x202, v6  }
0x5e: {  	[tilespmem:$0xE610] =	vst v38  }
0x5f: {  	v62 =	vor.u32 $0x203, v6;
	v38 =	vld.idx.msk [tilespmem:v59+s25+$0x0], $0xffff  }
0x60: {  	v41 =	vld.idx.msk [tilespmem:v60+s25+$0x0], $0xffff  }
0x61: {  	v42 =	vor.u32 $0x204, v6  }
0x62: {  	v40 =	vld.idx.msk [tilespmem:v61+s25+$0x0], $0xffff  }
0x63: {  	v43 =	vor.u32 $0x205, v6  }
0x64: {  	v39 =	vld.idx.msk [tilespmem:v62+s25+$0x0], $0xffff  }
0x65: {  	v63 =	vor.u32 $0x206, v6;
	v38 =	vadd.f32 v41, v38  }
0x66: {  	v42 =	vld.idx.msk [tilespmem:v42+s25+$0x0], $0xffff  }
0x67: {  	v45 =	vor.u32 $0x207, v6;
	v38 =	vadd.f32 v40, v38  }
0x68: {  	v43 =	vld.idx.msk [tilespmem:v43+s25+$0x0], $0xffff  }
0x69: {  	v46 =	vor.u32 $0x208, v6;
	v38 =	vadd.f32 v39, v38  }
0x6a: {  	v41 =	vld.idx.msk [tilespmem:v63+s25+$0x0], $0xffff  }
0x6b: {  	v47 =	vor.u32 $0x209, v6;
	v38 =	vadd.f32 v42, v38  }
0x6c: {  	v40 =	vld.idx.msk [tilespmem:v45+s25+$0x0], $0xffff  }
0x6d: {  	v48 =	vor.u32 $0x20A, v6;
	v38 =	vadd.f32 v43, v38  }
0x6e: {  	v39 =	vld.idx.msk [tilespmem:v46+s25+$0x0], $0xffff  }
0x6f: {  	v49 =	vor.u32 $0x20B, v6;
	v38 =	vadd.f32 v41, v38  }
0x70: {  	v42 =	vld.idx.msk [tilespmem:v47+s25+$0x0], $0xffff  }
0x71: {  	v50 =	vor.u32 $0x20C, v6;
	v38 =	vadd.f32 v40, v38  }
0x72: {  	v43 =	vld.idx.msk [tilespmem:v48+s25+$0x0], $0xffff  }
0x73: {  	v51 =	vor.u32 $0x20D, v6;
	v38 =	vadd.f32 v39, v38  }
0x74: {  	v41 =	vld.idx.msk [tilespmem:v49+s25+$0x0], $0xffff  }
0x75: {  	v52 =	vor.u32 $0x20E, v6;
	v38 =	vadd.f32 v42, v38  }
0x76: {  	v40 =	vld.idx.msk [tilespmem:v50+s25+$0x0], $0xffff  }
0x77: {  	v53 =	vor.u32 $0x20F, v6;
	v38 =	vadd.f32 v43, v38  }
0x78: {  	v39 =	vld.idx.msk [tilespmem:v51+s25+$0x0], $0xffff  }
0x79: {  	v38 =	vadd.f32 v41, v38  }
0x7a: {  	v54 =	vld.idx.msk [tilespmem:v52+s25+$0x0], $0xffff  }
0x7b: {  	v38 =	vadd.f32 v40, v38  }
0x7c: {  	v55 =	vld.idx.msk [tilespmem:v53+s25+$0x0], $0xffff  }
0x7d: {  	v38 =	vadd.f32 v39, v38;
	_ =	sdelay $0x1  }
0x7e: {  	v56 =	vor.u32 $0x300, v6;
	v38 =	vadd.f32 v54, v38  }
0x7f: {  	v57 =	vor.u32 $0x301, v6  }
0x80: {  	v38 =	vadd.f32 v55, v38  }
0x81: {  	v58 =	vor.u32 $0x302, v6  }
0x82: {  	[tilespmem:$0xE620] =	vst v38  }
0x83: {  	v59 =	vor.u32 $0x303, v6;
	v38 =	vld.idx.msk [tilespmem:v56+s25+$0x0], $0xffff  }
0x84: {  	v41 =	vld.idx.msk [tilespmem:v57+s25+$0x0], $0xffff  }
0x85: {  	v60 =	vor.u32 $0x304, v6  }
0x86: {  	v40 =	vld.idx.msk [tilespmem:v58+s25+$0x0], $0xffff  }
0x87: {  	v61 =	vor.u32 $0x305, v6  }
0x88: {  	v39 =	vld.idx.msk [tilespmem:v59+s25+$0x0], $0xffff  }
0x89: {  	v62 =	vor.u32 $0x306, v6;
	v38 =	vadd.f32 v41, v38  }
0x8a: {  	v42 =	vld.idx.msk [tilespmem:v60+s25+$0x0], $0xffff  }
0x8b: {  	v63 =	vor.u32 $0x307, v6;
	v38 =	vadd.f32 v40, v38  }
0x8c: {  	v43 =	vld.idx.msk [tilespmem:v61+s25+$0x0], $0xffff  }
0x8d: {  	v45 =	vor.u32 $0x308, v6;
	v38 =	vadd.f32 v39, v38  }
0x8e: {  	v41 =	vld.idx.msk [tilespmem:v62+s25+$0x0], $0xffff  }
0x8f: {  	v46 =	vor.u32 $0x309, v6;
	v38 =	vadd.f32 v42, v38  }
0x90: {  	v40 =	vld.idx.msk [tilespmem:v63+s25+$0x0], $0xffff  }
0x91: {  	v47 =	vor.u32 $0x30A, v6;
	v38 =	vadd.f32 v43, v38  }
0x92: {  	v39 =	vld.idx.msk [tilespmem:v45+s25+$0x0], $0xffff  }
0x93: {  	v48 =	vor.u32 $0x30B, v6;
	v38 =	vadd.f32 v41, v38  }
0x94: {  	v42 =	vld.idx.msk [tilespmem:v46+s25+$0x0], $0xffff  }
0x95: {  	v49 =	vor.u32 $0x30C, v6;
	v38 =	vadd.f32 v40, v38  }
0x96: {  	v43 =	vld.idx.msk [tilespmem:v47+s25+$0x0], $0xffff  }
0x97: {  	v50 =	vor.u32 $0x30D, v6;
	v38 =	vadd.f32 v39, v38  }
0x98: {  	v41 =	vld.idx.msk [tilespmem:v48+s25+$0x0], $0xffff  }
0x99: {  	v51 =	vor.u32 $0x30E, v6;
	v38 =	vadd.f32 v42, v38  }
0x9a: {  	v40 =	vld.idx.msk [tilespmem:v49+s25+$0x0], $0xffff  }
0x9b: {  	v52 =	vor.u32 $0x30F, v6;
	v38 =	vadd.f32 v43, v38  }
0x9c: {  	v39 =	vld.idx.msk [tilespmem:v50+s25+$0x0], $0xffff  }
0x9d: {  	v38 =	vadd.f32 v41, v38  }
0x9e: {  	v53 =	vld.idx.msk [tilespmem:v51+s25+$0x0], $0xffff  }
0x9f: {  	v38 =	vadd.f32 v40, v38  }
0xa0: {  	v54 =	vld.idx.msk [tilespmem:v52+s25+$0x0], $0xffff  }
0xa1: {  	v38 =	vadd.f32 v39, v38;
	_ =	sdelay $0x1  }
0xa2: {  	v55 =	vor.u32 $0x400, v6;
	v38 =	vadd.f32 v53, v38  }
0xa3: {  	v56 =	vor.u32 $0x401, v6  }
0xa4: {  	v38 =	vadd.f32 v54, v38  }
0xa5: {  	v57 =	vor.u32 $0x402, v6  }
0xa6: {  	[tilespmem:$0xE630] =	vst v38  }
0xa7: {  	v58 =	vor.u32 $0x403, v6;
	v38 =	vld.idx.msk [tilespmem:v55+s25+$0x0], $0xffff  }
0xa8: {  	v41 =	vld.idx.msk [tilespmem:v56+s25+$0x0], $0xffff  }
0xa9: {  	v59 =	vor.u32 $0x404, v6  }
0xaa: {  	v40 =	vld.idx.msk [tilespmem:v57+s25+$0x0], $0xffff  }
0xab: {  	v60 =	vor.u32 $0x405, v6  }
0xac: {  	v39 =	vld.idx.msk [tilespmem:v58+s25+$0x0], $0xffff  }
0xad: {  	v61 =	vor.u32 $0x406, v6;
	v38 =	vadd.f32 v41, v38  }
0xae: {  	v42 =	vld.idx.msk [tilespmem:v59+s25+$0x0], $0xffff  }
0xaf: {  	v62 =	vor.u32 $0x407, v6;
	v38 =	vadd.f32 v40, v38  }
0xb0: {  	v43 =	vld.idx.msk [tilespmem:v60+s25+$0x0], $0xffff  }
0xb1: {  	v63 =	vor.u32 $0x408, v6;
	v38 =	vadd.f32 v39, v38  }
0xb2: {  	v41 =	vld.idx.msk [tilespmem:v61+s25+$0x0], $0xffff  }
0xb3: {  	v45 =	vor.u32 $0x409, v6;
	v38 =	vadd.f32 v42, v38  }
0xb4: {  	v40 =	vld.idx.msk [tilespmem:v62+s25+$0x0], $0xffff  }
0xb5: {  	v46 =	vor.u32 $0x40A, v6;
	v38 =	vadd.f32 v43, v38  }
0xb6: {  	v39 =	vld.idx.msk [tilespmem:v63+s25+$0x0], $0xffff  }
0xb7: {  	v47 =	vor.u32 $0x40B, v6;
	v38 =	vadd.f32 v41, v38  }
0xb8: {  	v42 =	vld.idx.msk [tilespmem:v45+s25+$0x0], $0xffff  }
0xb9: {  	v48 =	vor.u32 $0x40C, v6;
	v38 =	vadd.f32 v40, v38  }
0xba: {  	v43 =	vld.idx.msk [tilespmem:v46+s25+$0x0], $0xffff  }
0xbb: {  	v49 =	vor.u32 $0x40D, v6;
	v38 =	vadd.f32 v39, v38  }
0xbc: {  	v41 =	vld.idx.msk [tilespmem:v47+s25+$0x0], $0xffff  }
0xbd: {  	v50 =	vor.u32 $0x40E, v6;
	v38 =	vadd.f32 v42, v38  }
0xbe: {  	v40 =	vld.idx.msk [tilespmem:v48+s25+$0x0], $0xffff  }
0xbf: {  	v51 =	vor.u32 $0x40F, v6;
	v38 =	vadd.f32 v43, v38  }
0xc0: {  	v39 =	vld.idx.msk [tilespmem:v49+s25+$0x0], $0xffff  }
0xc1: {  	v38 =	vadd.f32 v41, v38  }
0xc2: {  	v52 =	vld.idx.msk [tilespmem:v50+s25+$0x0], $0xffff  }
0xc3: {  	v38 =	vadd.f32 v40, v38  }
0xc4: {  	v53 =	vld.idx.msk [tilespmem:v51+s25+$0x0], $0xffff  }
0xc5: {  	v38 =	vadd.f32 v39, v38;
	_ =	sdelay $0x1  }
0xc6: {  	v54 =	vor.u32 $0x500, v6;
	v38 =	vadd.f32 v52, v38  }
0xc7: {  	v55 =	vor.u32 $0x501, v6  }
0xc8: {  	v38 =	vadd.f32 v53, v38  }
0xc9: {  	v56 =	vor.u32 $0x502, v6  }
0xca: {  	[tilespmem:$0xE640] =	vst v38  }
0xcb: {  	v57 =	vor.u32 $0x503, v6;
	v38 =	vld.idx.msk [tilespmem:v54+s25+$0x0], $0xffff  }
0xcc: {  	v41 =	vld.idx.msk [tilespmem:v55+s25+$0x0], $0xffff  }
0xcd: {  	v58 =	vor.u32 $0x504, v6  }
0xce: {  	v40 =	vld.idx.msk [tilespmem:v56+s25+$0x0], $0xffff  }
0xcf: {  	v59 =	vor.u32 $0x505, v6  }
0xd0: {  	v39 =	vld.idx.msk [tilespmem:v57+s25+$0x0], $0xffff  }
0xd1: {  	v60 =	vor.u32 $0x506, v6;
	v38 =	vadd.f32 v41, v38  }
0xd2: {  	v42 =	vld.idx.msk [tilespmem:v58+s25+$0x0], $0xffff  }
0xd3: {  	v61 =	vor.u32 $0x507, v6;
	v38 =	vadd.f32 v40, v38  }
0xd4: {  	v43 =	vld.idx.msk [tilespmem:v59+s25+$0x0], $0xffff  }
0xd5: {  	v62 =	vor.u32 $0x508, v6;
	v38 =	vadd.f32 v39, v38  }
0xd6: {  	v41 =	vld.idx.msk [tilespmem:v60+s25+$0x0], $0xffff  }
0xd7: {  	v63 =	vor.u32 $0x509, v6;
	v38 =	vadd.f32 v42, v38  }
0xd8: {  	v40 =	vld.idx.msk [tilespmem:v61+s25+$0x0], $0xffff  }
0xd9: {  	v45 =	vor.u32 $0x50A, v6;
	v38 =	vadd.f32 v43, v38  }
0xda: {  	v39 =	vld.idx.msk [tilespmem:v62+s25+$0x0], $0xffff  }
0xdb: {  	v46 =	vor.u32 $0x50B, v6;
	v38 =	vadd.f32 v41, v38  }
0xdc: {  	v42 =	vld.idx.msk [tilespmem:v63+s25+$0x0], $0xffff  }
0xdd: {  	v47 =	vor.u32 $0x50C, v6;
	v38 =	vadd.f32 v40, v38  }
0xde: {  	v43 =	vld.idx.msk [tilespmem:v45+s25+$0x0], $0xffff  }
0xdf: {  	v48 =	vor.u32 $0x50D, v6;
	v38 =	vadd.f32 v39, v38  }
0xe0: {  	v41 =	vld.idx.msk [tilespmem:v46+s25+$0x0], $0xffff  }
0xe1: {  	v49 =	vor.u32 $0x50E, v6;
	v38 =	vadd.f32 v42, v38  }
0xe2: {  	v40 =	vld.idx.msk [tilespmem:v47+s25+$0x0], $0xffff  }
0xe3: {  	v50 =	vor.u32 $0x50F, v6;
	v38 =	vadd.f32 v43, v38  }
0xe4: {  	v39 =	vld.idx.msk [tilespmem:v48+s25+$0x0], $0xffff  }
0xe5: {  	v38 =	vadd.f32 v41, v38  }
0xe6: {  	v51 =	vld.idx.msk [tilespmem:v49+s25+$0x0], $0xffff  }
0xe7: {  	v38 =	vadd.f32 v40, v38  }
0xe8: {  	v52 =	vld.idx.msk [tilespmem:v50+s25+$0x0], $0xffff  }
0xe9: {  	v38 =	vadd.f32 v39, v38;
	_ =	sdelay $0x1  }
0xea: {  	v53 =	vor.u32 $0x600, v6;
	v38 =	vadd.f32 v51, v38  }
0xeb: {  	v54 =	vor.u32 $0x601, v6  }
0xec: {  	v38 =	vadd.f32 v52, v38  }
0xed: {  	v55 =	vor.u32 $0x602, v6  }
0xee: {  	[tilespmem:$0xE650] =	vst v38  }
0xef: {  	v56 =	vor.u32 $0x603, v6;
	v38 =	vld.idx.msk [tilespmem:v53+s25+$0x0], $0xffff  }
0xf0: {  	v41 =	vld.idx.msk [tilespmem:v54+s25+$0x0], $0xffff  }
0xf1: {  	v57 =	vor.u32 $0x604, v6  }
0xf2: {  	v40 =	vld.idx.msk [tilespmem:v55+s25+$0x0], $0xffff  }
0xf3: {  	v58 =	vor.u32 $0x605, v6  }
0xf4: {  	v39 =	vld.idx.msk [tilespmem:v56+s25+$0x0], $0xffff  }
0xf5: {  	v59 =	vor.u32 $0x606, v6;
	v38 =	vadd.f32 v41, v38  }
0xf6: {  	v42 =	vld.idx.msk [tilespmem:v57+s25+$0x0], $0xffff  }
0xf7: {  	v60 =	vor.u32 $0x607, v6;
	v38 =	vadd.f32 v40, v38  }
0xf8: {  	v43 =	vld.idx.msk [tilespmem:v58+s25+$0x0], $0xffff  }
0xf9: {  	v61 =	vor.u32 $0x608, v6;
	v38 =	vadd.f32 v39, v38  }
0xfa: {  	v41 =	vld.idx.msk [tilespmem:v59+s25+$0x0], $0xffff  }
0xfb: {  	v62 =	vor.u32 $0x609, v6;
	v38 =	vadd.f32 v42, v38  }
0xfc: {  	v40 =	vld.idx.msk [tilespmem:v60+s25+$0x0], $0xffff  }
0xfd: {  	v63 =	vor.u32 $0x60A, v6;
	v38 =	vadd.f32 v43, v38  }
0xfe: {  	v39 =	vld.idx.msk [tilespmem:v61+s25+$0x0], $0xffff  }
0xff: {  	v45 =	vor.u32 $0x60B, v6;
	v38 =	vadd.f32 v41, v38  }
0x100: {  	v42 =	vld.idx.msk [tilespmem:v62+s25+$0x0], $0xffff  }
0x101: {  	v46 =	vor.u32 $0x60C, v6;
	v38 =	vadd.f32 v40, v38  }
0x102: {  	v43 =	vld.idx.msk [tilespmem:v63+s25+$0x0], $0xffff  }
0x103: {  	v47 =	vor.u32 $0x60D, v6;
	v38 =	vadd.f32 v39, v38  }
0x104: {  	v41 =	vld.idx.msk [tilespmem:v45+s25+$0x0], $0xffff  }
0x105: {  	v48 =	vor.u32 $0x60E, v6;
	v38 =	vadd.f32 v42, v38  }
0x106: {  	v40 =	vld.idx.msk [tilespmem:v46+s25+$0x0], $0xffff  }
0x107: {  	v49 =	vor.u32 $0x60F, v6;
	v38 =	vadd.f32 v43, v38  }
0x108: {  	v39 =	vld.idx.msk [tilespmem:v47+s25+$0x0], $0xffff  }
0x109: {  	v38 =	vadd.f32 v41, v38  }
0x10a: {  	v50 =	vld.idx.msk [tilespmem:v48+s25+$0x0], $0xffff  }
0x10b: {  	v38 =	vadd.f32 v40, v38  }
0x10c: {  	v51 =	vld.idx.msk [tilespmem:v49+s25+$0x0], $0xffff  }
0x10d: {  	v38 =	vadd.f32 v39, v38;
	_ =	sdelay $0x1  }
0x10e: {  	v52 =	vor.u32 $0x700, v6;
	v38 =	vadd.f32 v50, v38  }
0x10f: {  	v53 =	vor.u32 $0x701, v6  }
0x110: {  	v38 =	vadd.f32 v51, v38  }
0x111: {  	v54 =	vor.u32 $0x702, v6  }
0x112: {  	[tilespmem:$0xE660] =	vst v38  }
0x113: {  	v55 =	vor.u32 $0x703, v6;
	v38 =	vld.idx.msk [tilespmem:v52+s25+$0x0], $0xffff  }
0x114: {  	v41 =	vld.idx.msk [tilespmem:v53+s25+$0x0], $0xffff  }
0x115: {  	v56 =	vor.u32 $0x704, v6  }
0x116: {  	v40 =	vld.idx.msk [tilespmem:v54+s25+$0x0], $0xffff  }
0x117: {  	v57 =	vor.u32 $0x705, v6  }
0x118: {  	v39 =	vld.idx.msk [tilespmem:v55+s25+$0x0], $0xffff  }
0x119: {  	v58 =	vor.u32 $0x706, v6;
	v38 =	vadd.f32 v41, v38  }
0x11a: {  	v42 =	vld.idx.msk [tilespmem:v56+s25+$0x0], $0xffff  }
0x11b: {  	v59 =	vor.u32 $0x707, v6;
	v38 =	vadd.f32 v40, v38  }
0x11c: {  	v43 =	vld.idx.msk [tilespmem:v57+s25+$0x0], $0xffff  }
0x11d: {  	v60 =	vor.u32 $0x708, v6;
	v38 =	vadd.f32 v39, v38  }
0x11e: {  	v41 =	vld.idx.msk [tilespmem:v58+s25+$0x0], $0xffff  }
0x11f: {  	v61 =	vor.u32 $0x709, v6;
	v38 =	vadd.f32 v42, v38  }
0x120: {  	v40 =	vld.idx.msk [tilespmem:v59+s25+$0x0], $0xffff  }
0x121: {  	v62 =	vor.u32 $0x70A, v6;
	v38 =	vadd.f32 v43, v38  }
0x122: {  	v39 =	vld.idx.msk [tilespmem:v60+s25+$0x0], $0xffff  }
0x123: {  	v63 =	vor.u32 $0x70B, v6;
	v38 =	vadd.f32 v41, v38  }
0x124: {  	v42 =	vld.idx.msk [tilespmem:v61+s25+$0x0], $0xffff  }
0x125: {  	v45 =	vor.u32 $0x70C, v6;
	v38 =	vadd.f32 v40, v38  }
0x126: {  	v43 =	vld.idx.msk [tilespmem:v62+s25+$0x0], $0xffff  }
0x127: {  	v46 =	vor.u32 $0x70D, v6;
	v38 =	vadd.f32 v39, v38  }
0x128: {  	v41 =	vld.idx.msk [tilespmem:v63+s25+$0x0], $0xffff  }
0x129: {  	v47 =	vor.u32 $0x70E, v6;
	v38 =	vadd.f32 v42, v38  }
0x12a: {  	v40 =	vld.idx.msk [tilespmem:v45+s25+$0x0], $0xffff  }
0x12b: {  	v48 =	vor.u32 $0x70F, v6;
	v38 =	vadd.f32 v43, v38  }
0x12c: {  	v39 =	vld.idx.msk [tilespmem:v46+s25+$0x0], $0xffff  }
0x12d: {  	v38 =	vadd.f32 v41, v38  }
0x12e: {  	v49 =	vld.idx.msk [tilespmem:v47+s25+$0x0], $0xffff  }
0x12f: {  	v38 =	vadd.f32 v40, v38  }
0x130: {  	v50 =	vld.idx.msk [tilespmem:v48+s25+$0x0], $0xffff  }
0x131: {  	v38 =	vadd.f32 v39, v38;
	_ =	sdelay $0x1  }
0x132: {  	v51 =	vor.u32 $0x800, v6;
	v38 =	vadd.f32 v49, v38  }
0x133: {  	v52 =	vor.u32 $0x801, v6  }
0x134: {  	v38 =	vadd.f32 v50, v38  }
0x135: {  	v53 =	vor.u32 $0x802, v6  }
0x136: {  	[tilespmem:$0xE670] =	vst v38  }
0x137: {  	v54 =	vor.u32 $0x803, v6;
	v38 =	vld.idx.msk [tilespmem:v51+s25+$0x0], $0xffff  }
0x138: {  	v41 =	vld.idx.msk [tilespmem:v52+s25+$0x0], $0xffff  }
0x139: {  	v55 =	vor.u32 $0x804, v6  }
0x13a: {  	v40 =	vld.idx.msk [tilespmem:v53+s25+$0x0], $0xffff  }
0x13b: {  	v56 =	vor.u32 $0x805, v6  }
0x13c: {  	v39 =	vld.idx.msk [tilespmem:v54+s25+$0x0], $0xffff  }
0x13d: {  	v57 =	vor.u32 $0x806, v6;
	v38 =	vadd.f32 v41, v38  }
0x13e: {  	v42 =	vld.idx.msk [tilespmem:v55+s25+$0x0], $0xffff  }
0x13f: {  	v58 =	vor.u32 $0x807, v6;
	v38 =	vadd.f32 v40, v38  }
0x140: {  	v43 =	vld.idx.msk [tilespmem:v56+s25+$0x0], $0xffff  }
0x141: {  	v59 =	vor.u32 $0x808, v6;
	v38 =	vadd.f32 v39, v38  }
0x142: {  	v41 =	vld.idx.msk [tilespmem:v57+s25+$0x0], $0xffff  }
0x143: {  	v60 =	vor.u32 $0x809, v6;
	v38 =	vadd.f32 v42, v38  }
0x144: {  	v40 =	vld.idx.msk [tilespmem:v58+s25+$0x0], $0xffff  }
0x145: {  	v61 =	vor.u32 $0x80A, v6;
	v38 =	vadd.f32 v43, v38  }
0x146: {  	v39 =	vld.idx.msk [tilespmem:v59+s25+$0x0], $0xffff  }
0x147: {  	v62 =	vor.u32 $0x80B, v6;
	v38 =	vadd.f32 v41, v38  }
0x148: {  	v42 =	vld.idx.msk [tilespmem:v60+s25+$0x0], $0xffff  }
0x149: {  	v63 =	vor.u32 $0x80C, v6;
	v38 =	vadd.f32 v40, v38  }
0x14a: {  	v43 =	vld.idx.msk [tilespmem:v61+s25+$0x0], $0xffff  }
0x14b: {  	v45 =	vor.u32 $0x80D, v6;
	v38 =	vadd.f32 v39, v38  }
0x14c: {  	v41 =	vld.idx.msk [tilespmem:v62+s25+$0x0], $0xffff  }
0x14d: {  	v46 =	vor.u32 $0x80E, v6;
	v38 =	vadd.f32 v42, v38  }
0x14e: {  	v40 =	vld.idx.msk [tilespmem:v63+s25+$0x0], $0xffff  }
0x14f: {  	v47 =	vor.u32 $0x80F, v6;
	v38 =	vadd.f32 v43, v38  }
0x150: {  	v39 =	vld.idx.msk [tilespmem:v45+s25+$0x0], $0xffff  }
0x151: {  	v38 =	vadd.f32 v41, v38  }
0x152: {  	v48 =	vld.idx.msk [tilespmem:v46+s25+$0x0], $0xffff  }
0x153: {  	v38 =	vadd.f32 v40, v38  }
0x154: {  	v49 =	vld.idx.msk [tilespmem:v47+s25+$0x0], $0xffff  }
0x155: {  	v38 =	vadd.f32 v39, v38;
	_ =	sdelay $0x1  }
0x156: {  	v50 =	vor.u32 $0x900, v6;
	v38 =	vadd.f32 v48, v38  }
0x157: {  	v51 =	vor.u32 $0x901, v6  }
0x158: {  	v38 =	vadd.f32 v49, v38  }
0x159: {  	v52 =	vor.u32 $0x902, v6  }
0x15a: {  	[tilespmem:$0xE680] =	vst v38  }
0x15b: {  	v53 =	vor.u32 $0x903, v6;
	v38 =	vld.idx.msk [tilespmem:v50+s25+$0x0], $0xffff  }
0x15c: {  	v41 =	vld.idx.msk [tilespmem:v51+s25+$0x0], $0xffff  }
0x15d: {  	v54 =	vor.u32 $0x904, v6  }
0x15e: {  	v40 =	vld.idx.msk [tilespmem:v52+s25+$0x0], $0xffff  }
0x15f: {  	v55 =	vor.u32 $0x905, v6  }
0x160: {  	v39 =	vld.idx.msk [tilespmem:v53+s25+$0x0], $0xffff  }
0x161: {  	v56 =	vor.u32 $0x906, v6;
	v38 =	vadd.f32 v41, v38  }
0x162: {  	v42 =	vld.idx.msk [tilespmem:v54+s25+$0x0], $0xffff  }
0x163: {  	v57 =	vor.u32 $0x907, v6;
	v38 =	vadd.f32 v40, v38  }
0x164: {  	v43 =	vld.idx.msk [tilespmem:v55+s25+$0x0], $0xffff  }
0x165: {  	v58 =	vor.u32 $0x908, v6;
	v38 =	vadd.f32 v39, v38  }
0x166: {  	v41 =	vld.idx.msk [tilespmem:v56+s25+$0x0], $0xffff  }
0x167: {  	v59 =	vor.u32 $0x909, v6;
	v38 =	vadd.f32 v42, v38  }
0x168: {  	v40 =	vld.idx.msk [tilespmem:v57+s25+$0x0], $0xffff  }
0x169: {  	v60 =	vor.u32 $0x90A, v6;
	v38 =	vadd.f32 v43, v38  }
0x16a: {  	v39 =	vld.idx.msk [tilespmem:v58+s25+$0x0], $0xffff  }
0x16b: {  	v61 =	vor.u32 $0x90B, v6;
	v38 =	vadd.f32 v41, v38  }
0x16c: {  	v42 =	vld.idx.msk [tilespmem:v59+s25+$0x0], $0xffff  }
0x16d: {  	v62 =	vor.u32 $0x90C, v6;
	v38 =	vadd.f32 v40, v38  }
0x16e: {  	v43 =	vld.idx.msk [tilespmem:v60+s25+$0x0], $0xffff  }
0x16f: {  	v63 =	vor.u32 $0x90D, v6;
	v38 =	vadd.f32 v39, v38  }
0x170: {  	v41 =	vld.idx.msk [tilespmem:v61+s25+$0x0], $0xffff  }
0x171: {  	v45 =	vor.u32 $0x90E, v6;
	v38 =	vadd.f32 v42, v38  }
0x172: {  	v40 =	vld.idx.msk [tilespmem:v62+s25+$0x0], $0xffff  }
0x173: {  	v46 =	vor.u32 $0x90F, v6;
	v38 =	vadd.f32 v43, v38  }
0x174: {  	v39 =	vld.idx.msk [tilespmem:v63+s25+$0x0], $0xffff  }
0x175: {  	v38 =	vadd.f32 v41, v38  }
0x176: {  	v47 =	vld.idx.msk [tilespmem:v45+s25+$0x0], $0xffff  }
0x177: {  	v38 =	vadd.f32 v40, v38  }
0x178: {  	v48 =	vld.idx.msk [tilespmem:v46+s25+$0x0], $0xffff  }
0x179: {  	v38 =	vadd.f32 v39, v38;
	_ =	sdelay $0x1  }
0x17a: {  	v49 =	vor.u32 $0xA00, v6;
	v38 =	vadd.f32 v47, v38  }
0x17b: {  	v50 =	vor.u32 $0xA01, v6  }
0x17c: {  	v38 =	vadd.f32 v48, v38  }
0x17d: {  	v51 =	vor.u32 $0xA02, v6  }
0x17e: {  	[tilespmem:$0xE690] =	vst v38  }
0x17f: {  	v52 =	vor.u32 $0xA03, v6;
	v38 =	vld.idx.msk [tilespmem:v49+s25+$0x0], $0xffff  }
0x180: {  	v41 =	vld.idx.msk [tilespmem:v50+s25+$0x0], $0xffff  }
0x181: {  	v53 =	vor.u32 $0xA04, v6  }
0x182: {  	v40 =	vld.idx.msk [tilespmem:v51+s25+$0x0], $0xffff  }
0x183: {  	v54 =	vor.u32 $0xA05, v6  }
0x184: {  	v39 =	vld.idx.msk [tilespmem:v52+s25+$0x0], $0xffff  }
0x185: {  	v55 =	vor.u32 $0xA06, v6;
	v38 =	vadd.f32 v41, v38  }
0x186: {  	v42 =	vld.idx.msk [tilespmem:v53+s25+$0x0], $0xffff  }
0x187: {  	v56 =	vor.u32 $0xA07, v6;
	v38 =	vadd.f32 v40, v38  }
0x188: {  	v43 =	vld.idx.msk [tilespmem:v54+s25+$0x0], $0xffff  }
0x189: {  	v57 =	vor.u32 $0xA08, v6;
	v38 =	vadd.f32 v39, v38  }
0x18a: {  	v41 =	vld.idx.msk [tilespmem:v55+s25+$0x0], $0xffff  }
0x18b: {  	v58 =	vor.u32 $0xA09, v6;
	v38 =	vadd.f32 v42, v38  }
0x18c: {  	v40 =	vld.idx.msk [tilespmem:v56+s25+$0x0], $0xffff  }
0x18d: {  	v59 =	vor.u32 $0xA0A, v6;
	v38 =	vadd.f32 v43, v38  }
0x18e: {  	v39 =	vld.idx.msk [tilespmem:v57+s25+$0x0], $0xffff  }
0x18f: {  	v60 =	vor.u32 $0xA0B, v6;
	v38 =	vadd.f32 v41, v38  }
0x190: {  	v42 =	vld.idx.msk [tilespmem:v58+s25+$0x0], $0xffff  }
0x191: {  	v61 =	vor.u32 $0xA0C, v6;
	v38 =	vadd.f32 v40, v38  }
0x192: {  	v43 =	vld.idx.msk [tilespmem:v59+s25+$0x0], $0xffff  }
0x193: {  	v62 =	vor.u32 $0xA0D, v6;
	v38 =	vadd.f32 v39, v38  }
0x194: {  	v41 =	vld.idx.msk [tilespmem:v60+s25+$0x0], $0xffff  }
0x195: {  	v63 =	vor.u32 $0xA0E, v6;
	v38 =	vadd.f32 v42, v38  }
0x196: {  	v40 =	vld.idx.msk [tilespmem:v61+s25+$0x0], $0xffff  }
0x197: {  	v45 =	vor.u32 $0xA0F, v6;
	v38 =	vadd.f32 v43, v38  }
0x198: {  	v39 =	vld.idx.msk [tilespmem:v62+s25+$0x0], $0xffff  }
0x199: {  	v38 =	vadd.f32 v41, v38  }
0x19a: {  	v46 =	vld.idx.msk [tilespmem:v63+s25+$0x0], $0xffff  }
0x19b: {  	v38 =	vadd.f32 v40, v38  }
0x19c: {  	v47 =	vld.idx.msk [tilespmem:v45+s25+$0x0], $0xffff  }
0x19d: {  	v38 =	vadd.f32 v39, v38;
	_ =	sdelay $0x1  }
0x19e: {  	v48 =	vor.u32 $0xB00, v6;
	v38 =	vadd.f32 v46, v38  }
0x19f: {  	v49 =	vor.u32 $0xB01, v6  }
0x1a0: {  	v38 =	vadd.f32 v47, v38  }
0x1a1: {  	v50 =	vor.u32 $0xB02, v6  }
0x1a2: {  	[tilespmem:$0xE6A0] =	vst v38  }
0x1a3: {  	v51 =	vor.u32 $0xB03, v6;
	v38 =	vld.idx.msk [tilespmem:v48+s25+$0x0], $0xffff  }
0x1a4: {  	v41 =	vld.idx.msk [tilespmem:v49+s25+$0x0], $0xffff  }
0x1a5: {  	v52 =	vor.u32 $0xB04, v6  }
0x1a6: {  	v40 =	vld.idx.msk [tilespmem:v50+s25+$0x0], $0xffff  }
0x1a7: {  	v53 =	vor.u32 $0xB05, v6  }
0x1a8: {  	v39 =	vld.idx.msk [tilespmem:v51+s25+$0x0], $0xffff  }
0x1a9: {  	v54 =	vor.u32 $0xB06, v6;
	v38 =	vadd.f32 v41, v38  }
0x1aa: {  	v42 =	vld.idx.msk [tilespmem:v52+s25+$0x0], $0xffff  }
0x1ab: {  	v55 =	vor.u32 $0xB07, v6;
	v38 =	vadd.f32 v40, v38  }
0x1ac: {  	v43 =	vld.idx.msk [tilespmem:v53+s25+$0x0], $0xffff  }
0x1ad: {  	v56 =	vor.u32 $0xB08, v6;
	v38 =	vadd.f32 v39, v38  }
0x1ae: {  	v41 =	vld.idx.msk [tilespmem:v54+s25+$0x0], $0xffff  }
0x1af: {  	v57 =	vor.u32 $0xB09, v6;
	v38 =	vadd.f32 v42, v38  }
0x1b0: {  	v40 =	vld.idx.msk [tilespmem:v55+s25+$0x0], $0xffff  }
0x1b1: {  	v58 =	vor.u32 $0xB0A, v6;
	v38 =	vadd.f32 v43, v38  }
0x1b2: {  	v39 =	vld.idx.msk [tilespmem:v56+s25+$0x0], $0xffff  }
0x1b3: {  	v59 =	vor.u32 $0xB0B, v6;
	v38 =	vadd.f32 v41, v38  }
0x1b4: {  	v42 =	vld.idx.msk [tilespmem:v57+s25+$0x0], $0xffff  }
0x1b5: {  	v60 =	vor.u32 $0xB0C, v6;
	v38 =	vadd.f32 v40, v38  }
0x1b6: {  	v43 =	vld.idx.msk [tilespmem:v58+s25+$0x0], $0xffff  }
0x1b7: {  	v61 =	vor.u32 $0xB0D, v6;
	v38 =	vadd.f32 v39, v38  }
0x1b8: {  	v41 =	vld.idx.msk [tilespmem:v59+s25+$0x0], $0xffff  }
0x1b9: {  	v62 =	vor.u32 $0xB0E, v6;
	v38 =	vadd.f32 v42, v38  }
0x1ba: {  	v40 =	vld.idx.msk [tilespmem:v60+s25+$0x0], $0xffff  }
0x1bb: {  	v63 =	vor.u32 $0xB0F, v6;
	v38 =	vadd.f32 v43, v38  }
0x1bc: {  	v39 =	vld.idx.msk [tilespmem:v61+s25+$0x0], $0xffff  }
0x1bd: {  	v38 =	vadd.f32 v41, v38  }
0x1be: {  	v44 =	vld.idx.msk [tilespmem:v62+s25+$0x0], $0xffff  }
0x1bf: {  	v38 =	vadd.f32 v40, v38  }
0x1c0: {  	v45 =	vld.idx.msk [tilespmem:v63+s25+$0x0], $0xffff  }
0x1c1: {  	v38 =	vadd.f32 v39, v38;
	_ =	sdelay $0x1  }
0x1c2: {  	v38 =	vadd.f32 v44, v38;
	_ =	sdelay $0x1  }
0x1c3: {  	v38 =	vadd.f32 v45, v38;
	_ =	sdelay $0x1  }
0x1c4: {  	[tilespmem:$0xE6B0] =	vst v38  }
0x1c5: {  	v6 =	vld.idx.msk [tilespmem:v6+s26+$0x0], $0xffff  }
0x1c6: {  	v7 =	vld.idx.msk [tilespmem:v7+s26+$0x0], $0xffff;
	_ =	sdelay $0x1  }
0x1c7: {  	v8 =	vld.idx.msk [tilespmem:v8+s26+$0x0], $0xffff;
	_ =	sdelay $0x1  }
0x1c8: {  	v9 =	vld.idx.msk [tilespmem:v9+s26+$0x0], $0xffff  }
0x1c9: {  	v6 =	vadd.f32 v7, v6  }
0x1ca: {  	v7 =	vld.idx.msk [tilespmem:v10+s26+$0x0], $0xffff  }
0x1cb: {  	v6 =	vadd.f32 v8, v6  }
0x1cc: {  	v46 =	vld.idx.msk [tilespmem:v11+s26+$0x0], $0xffff  }
0x1cd: {  	v6 =	vadd.f32 v9, v6  }
0x1ce: {  	v47 =	vld.idx.msk [tilespmem:v12+s26+$0x0], $0xffff  }
0x1cf: {  	v6 =	vadd.f32 v7, v6  }
0x1d0: {  	v7 =	vld.idx.msk [tilespmem:v13+s26+$0x0], $0xffff  }
0x1d1: {  	v6 =	vadd.f32 v46, v6  }
0x1d2: {  	v48 =	vld.idx.msk [tilespmem:v14+s26+$0x0], $0xffff  }
0x1d3: {  	v6 =	vadd.f32 v47, v6  }
0x1d4: {  	v49 =	vld.idx.msk [tilespmem:v15+s26+$0x0], $0xffff  }
0x1d5: {  	v6 =	vadd.f32 v7, v6  }
0x1d6: {  	v7 =	vld.idx.msk [tilespmem:v16+s26+$0x0], $0xffff  }
0x1d7: {  	v6 =	vadd.f32 v48, v6  }
0x1d8: {  	v50 =	vld.idx.msk [tilespmem:v17+s26+$0x0], $0xffff  }
0x1d9: {  	v6 =	vadd.f32 v49, v6  }
0x1da: {  	v51 =	vld.idx.msk [tilespmem:v18+s26+$0x0], $0xffff  }
0x1db: {  	v6 =	vadd.f32 v7, v6  }
0x1dc: {  	v7 =	vld.idx.msk [tilespmem:v19+s26+$0x0], $0xffff  }
0x1dd: {  	v6 =	vadd.f32 v50, v6  }
0x1de: {  	v52 =	vld.idx.msk [tilespmem:v20+s26+$0x0], $0xffff  }
0x1df: {  	v6 =	vadd.f32 v51, v6  }
0x1e0: {  	v53 =	vld.idx.msk [tilespmem:v21+s26+$0x0], $0xffff  }
0x1e1: {  	v6 =	vadd.f32 v7, v6;
	_ =	sdelay $0x1  }
0x1e2: {  	v6 =	vadd.f32 v52, v6;
	_ =	sdelay $0x1  }
0x1e3: {  	v6 =	vadd.f32 v53, v6;
	_ =	sdelay $0x1  }
0x1e4: {  	[tilespmem:$0xE700] =	vst v6  }
0x1e5: {  	v6 =	vld.idx.msk [tilespmem:v22+s26+$0x0], $0xffff  }
0x1e6: {  	v7 =	vld.idx.msk [tilespmem:v23+s26+$0x0], $0xffff;
	_ =	sdelay $0x1  }
0x1e7: {  	v54 =	vld.idx.msk [tilespmem:v24+s26+$0x0], $0xffff;
	_ =	sdelay $0x1  }
0x1e8: {  	v55 =	vld.idx.msk [tilespmem:v25+s26+$0x0], $0xffff  }
0x1e9: {  	v6 =	vadd.f32 v7, v6  }
0x1ea: {  	v7 =	vld.idx.msk [tilespmem:v26+s26+$0x0], $0xffff  }
0x1eb: {  	v6 =	vadd.f32 v54, v6  }
0x1ec: {  	v56 =	vld.idx.msk [tilespmem:v27+s26+$0x0], $0xffff  }
0x1ed: {  	v6 =	vadd.f32 v55, v6  }
0x1ee: {  	v57 =	vld.idx.msk [tilespmem:v28+s26+$0x0], $0xffff  }
0x1ef: {  	v6 =	vadd.f32 v7, v6  }
0x1f0: {  	v7 =	vld.idx.msk [tilespmem:v29+s26+$0x0], $0xffff  }
0x1f1: {  	v6 =	vadd.f32 v56, v6  }
0x1f2: {  	v58 =	vld.idx.msk [tilespmem:v30+s26+$0x0], $0xffff  }
0x1f3: {  	v6 =	vadd.f32 v57, v6  }
0x1f4: {  	v59 =	vld.idx.msk [tilespmem:v31+s26+$0x0], $0xffff  }
0x1f5: {  	v6 =	vadd.f32 v7, v6  }
0x1f6: {  	v7 =	vld.idx.msk [tilespmem:v32+s26+$0x0], $0xffff  }
0x1f7: {  	v6 =	vadd.f32 v58, v6  }
0x1f8: {  	v60 =	vld.idx.msk [tilespmem:v33+s26+$0x0], $0xffff  }
0x1f9: {  	v6 =	vadd.f32 v59, v6  }
0x1fa: {  	v61 =	vld.idx.msk [tilespmem:v34+s26+$0x0], $0xffff  }
0x1fb: {  	v6 =	vadd.f32 v7, v6  }
0x1fc: {  	v7 =	vld.idx.msk [tilespmem:v35+s26+$0x0], $0xffff  }
0x1fd: {  	v6 =	vadd.f32 v60, v6  }
0x1fe: {  	v62 =	vld.idx.msk [tilespmem:v36+s26+$0x0], $0xffff  }
0x1ff: {  	v6 =	vadd.f32 v61, v6  }
0x200: {  	v63 =	vld.idx.msk [tilespmem:v37+s26+$0x0], $0xffff  }
0x201: {  	v6 =	vadd.f32 v7, v6;
	_ =	sdelay $0x1  }
0x202: {  	v6 =	vadd.f32 v62, v6;
	_ =	sdelay $0x1  }
0x203: {  	v6 =	vadd.f32 v63, v6  }
0x204: {  	s2 =	rddreg [dreg:$0x4]  }
0x205: {  	s4 =	simm.s32 $0x80;
	s18 =	simm.s32 $0x400;
	s29 =	simm.s32 $0xE600;
	[tilespmem:$0xE710] =	vst v6  }
0x206: {  	[hbm4b:s2+s4] =	stream.strided.scatter [tilespmem:s29], [sflag:$0x3], $0x100, s18, s4, $0x38;
	[tilespmem:$0xE780] =	vst v63  }
0x207: {  	s0 =	sadd.s32 $0x1, s0;
	_ =	swait.ge [sflag:s21], $0x100  }
0x208: {  	s30 =	simm.s32 $0x0;
	p1 =	sne.s32 s0, s20;
	[sflag:s21] =	ssyncset.done $0x0  }
.Ltmp1:
0x209: {  	s31 =	simm.s32 $0xE700;
	[sflag:s21] =	ssyncadd.s32 $0xFFFFFF00;
	(pc) =	sbr.rel @!p1 .LBB2_59-.Ltmp1, $4  }
0x20a: {  	[hbm4b:s19+s30] =	stream.linear.scatter [tilespmem:s31], [sflag:$0x3], $0x80, $0x38;
	[tilespmem:$0xE780] =	vst v63  }
0x20b: {  	_ =	swait.ge [sflag:s21], $0x80  }
0x20c: {  	[sflag:s21] =	ssyncset.done $0x0  }
0x20d: {  	[sflag:s21] =	ssyncadd.s32 $0xFFFFFF80  }
.LBB2_1:
0x20e: {  	s2 =	simm.s32 $0x40;
	s4 =	simm.s32 $0x0  }
.LBB2_2:
0x20f: {  	p1 =	sne.s32 s2, $0x2FC0;
	[tilespmem:s4+$0xD800] =	vst v1;
	s4 =	smov.u32 s2;
	s2 =	sadd.s32 $0x40, s2  }
.Ltmp2:
0x210: {  	(pc) =	sbr.rel @p1 .LBB2_2-.Ltmp2, $2  }
0x211: {  	_ =	sdelay $0x2  }
0x212: {  	s4 =	sshra.s32 s4, $0x2  }
0x213: {  	[tilespmem:s4+$0xD800] =	vst v1  }
0x214: {  	[tilespmem:$0xE400] =	vst v1  }
0x215: {  	[tilespmem:$0xE410] =	vst v1  }
0x216: {  	[tilespmem:$0xE420] =	vst v1  }
0x217: {  	[tilespmem:$0xE430] =	vst v1  }
0x218: {  	[tilespmem:$0xE440] =	vst v1  }
0x219: {  	[tilespmem:$0xE450] =	vst v1  }
0x21a: {  	[tilespmem:$0xE460] =	vst v1  }
0x21b: {  	[tilespmem:$0xE470] =	vst v1  }
0x21c: {  	[tilespmem:$0xE480] =	vst v1  }
0x21d: {  	[tilespmem:$0xE490] =	vst v1  }
0x21e: {  	[tilespmem:$0xE4A0] =	vst v1  }
0x21f: {  	[tilespmem:$0xE4B0] =	vst v1  }
0x220: {  	[tilespmem:$0xE4C0] =	vst v1  }
0x221: {  	[tilespmem:$0xE4D0] =	vst v1  }
0x222: {  	[tilespmem:$0xE4E0] =	vst v1  }
0x223: {  	[tilespmem:$0xE4F0] =	vst v1  }
0x224: {  	[tilespmem:$0xE500] =	vst v1  }
0x225: {  	[tilespmem:$0xE510] =	vst v1  }
0x226: {  	[tilespmem:$0xE520] =	vst v1  }
0x227: {  	[tilespmem:$0xE530] =	vst v1  }
0x228: {  	[tilespmem:$0xE540] =	vst v1  }
0x229: {  	[tilespmem:$0xE550] =	vst v1  }
0x22a: {  	[tilespmem:$0xE560] =	vst v1  }
0x22b: {  	[tilespmem:$0xE570] =	vst v1  }
0x22c: {  	[tilespmem:$0xE580] =	vst v1  }
0x22d: {  	[tilespmem:$0xE590] =	vst v1  }
0x22e: {  	[tilespmem:$0xE5A0] =	vst v1  }
.Ltmp3:
0x22f: {  	[tilespmem:$0xE5B0] =	vst v1;
	(pc) =	sbr.rel .LBB2_4-.Ltmp3, $4  }
0x230: {  	[tilespmem:$0xE5C0] =	vst v1  }
0x231: {  	[tilespmem:$0xE5D0] =	vst v1  }
0x232: {  	[tilespmem:$0xE5E0] =	vst v1  }
0x233: {  	s29 =	simm.s32 $0x1B000;
	p2 =	por $0x1, $0x1;
	[tilespmem:$0xE5F0] =	vst v1  }
.LBB2_57:
.Ltmp4:
0x234: {  	(pc) =	sbr.rel @!p1 .LBB2_58-.Ltmp4, $2  }
0x235: {  	_ =	sdelay $0x2  }
0x236: {  	s29 =	simm.s32 $0x1F800;
	p2 =	por $0x0, $0x0  }
.LBB2_4:
0x237: {  	s2 =	sadd.s32 s5, s29  }
0x238: {  	s2 =	sshrl.u32 s2, $0x3  }
0x239: {  	s30 =	simm.s32 $0x0;
	s2 =	sadd.s32 s3, s2  }
0x23a: {  	[tilespmem:s30], [sflag:$0x3] =	stream.linear.gather [hbm4b:s2+s30], $0x4800, $0x38;
	[tilespmem:$0xE780] =	vst v63  }
0x23b: {  	s4 =	sadd.s32 s29, s6;
	_ =	swait.ge [sflag:s21], $0x4800  }
0x23c: {  	s2 =	sshrl.u32 s4, $0x3;
	[sflag:s21] =	ssyncset.done $0x0  }
0x23d: {  	s18 =	sadd.s32 s29, s7;
	s2 =	sadd.s32 s1, s2;
	[sflag:s21] =	ssyncadd.s32 $0xFFFFB800  }
0x23e: {  	[tilespmem:s22], [sflag:$0x1] =	stream.linear.gather [hbm4b:s2+s30], $0x4800, $0x38;
	[tilespmem:$0xE780] =	vst v63  }
0x23f: {  	s2 =	sshrl.u32 s18, $0x3  }
0x240: {  	s2 =	sadd.s32 s1, s2  }
0x241: {  	[tilespmem:s23], [sflag:$0x2] =	stream.linear.gather [hbm4b:s2+s30], $0x4800, $0x38;
	[tilespmem:$0xE780] =	vst v63  }
0x242: {  	_ =	swait.ge [sflag:s24], $0x4800  }
0x243: {  	[sflag:s24] =	ssyncset.done $0x0  }
0x244: {  	p1 =	por p2, p2;
	s31 =	simm.s32 $0x0;
	[sflag:s24] =	ssyncadd.s32 $0xFFFFB800  }
.LBB2_5:
0x245: {  	s2 =	sshrl.u32 s31, $0x3  }
0x246: {  	s4 =	sand.u32 $0x7, s30;
	s2 =	smul.u32 $0x3000, s2  }
0x247: {  	s4 =	sshll.u32 s4, $0x9  }
0x248: {  	s2 =	sor.u32 s4, s2  }
0x249: {  	s2 =	sshra.s32 s2, $0x2  }
0x24a: {  	s18 =	sor.u32 $0x40, s2  }
0x24b: {  	v6 =	vld [tilespmem:s18+$0x30]  }
0x24c: {  	v7 =	vld [tilespmem:s18+$0xFFFFFFD0]  }
0x24d: {  	v8 =	vld [tilespmem:s18+$0xFFFFFFE0]  }
0x24e: {  	v9 =	vld [tilespmem:s18+$0xFFFFFFF0]  }
0x24f: {  	s2 =	sadd.s32 $0x4840, s2;
	v10 =	vld [tilespmem:s18+$0x0]  }
0x250: {  	v11 =	vld [tilespmem:s2+$0x30]  }
0x251: {  	v12 =	vld [tilespmem:s18+$0x10]  }
0x252: {  	v13 =	vld [tilespmem:s18+$0x20]  }
0x253: {  	v14 =	vld [tilespmem:s18+$0xFFFFFFC0];
	v6 =	vshll.u32 v6, $0x4  }
0x254: {  	v15 =	vld [tilespmem:s2+$0xFFFFFFC0];
	v6 =	vor.u32 v0, v6  }
0x255: {  	v16 =	vld [tilespmem:s2+$0xFFFFFFD0]  }
0x256: {  	v56 =	vld [tilespmem:s2+$0xFFFFFFE0]  }
0x257: {  	v57 =	vld [tilespmem:s2+$0xFFFFFFF0];
	v8 =	vshll.u32 v8, $0x4  }
0x258: {  	v58 =	vld [tilespmem:s2+$0x0];
	v17 =	vmul.f32 v11, v11;
	v8 =	vor.u32 v0, v8  }
0x259: {  	v7 =	vshll.u32 v7, $0x4;
	[tilespmem:v6+s25+$0x0] =	vst.idx.add.f32.msk $0xffff, v11  }
0x25a: {  	[tilespmem:v6+s26+$0x0] =	vst.idx.add.f32.msk $0xffff, v17;
	v6 =	vor.u32 v0, v7;
	v7 =	vshll.u32 v14, $0x4  }
0x25b: {  	v18 =	vld [tilespmem:s2+$0x10];
	v7 =	vor.u32 v0, v7  }
0x25c: {  	v19 =	vld [tilespmem:s2+$0x20];
	v59 =	vmul.f32 v56, v56  }
0x25d: {  	v9 =	vshll.u32 v9, $0x4;
	[tilespmem:v8+s25+$0x0] =	vst.idx.add.f32.msk $0xffff, v56  }
0x25e: {  	v9 =	vor.u32 v0, v9;
	[tilespmem:v8+s26+$0x0] =	vst.idx.add.f32.msk $0xffff, v59  }
0x25f: {  	v20 =	vmul.f32 v15, v15;
	v61 =	vshll.u32 v13, $0x4;
	[tilespmem:v6+s25+$0x0] =	vst.idx.add.f32.msk $0xffff, v16  }
0x260: {  	v10 =	vshll.u32 v10, $0x4;
	v8 =	vor.u32 v0, v61;
	v16 =	vmul.f32 v16, v16;
	[tilespmem:v7+s25+$0x0] =	vst.idx.add.f32.msk $0xffff, v15  }
0x261: {  	[tilespmem:v7+s26+$0x0] =	vst.idx.add.f32.msk $0xffff, v20;
	v7 =	vor.u32 v0, v10  }
0x262: {  	v60 =	vmul.f32 v57, v57;
	[tilespmem:v6+s26+$0x0] =	vst.idx.add.f32.msk $0xffff, v16;
	v6 =	vshll.u32 v12, $0x4  }
0x263: {  	[tilespmem:v9+s25+$0x0] =	vst.idx.add.f32.msk $0xffff, v57;
	v6 =	vor.u32 v0, v6  }
0x264: {  	[tilespmem:v9+s26+$0x0] =	vst.idx.add.f32.msk $0xffff, v60  }
0x265: {  	v62 =	vmul.f32 v58, v58;
	[tilespmem:v8+s25+$0x0] =	vst.idx.add.f32.msk $0xffff, v19  }
0x266: {  	[tilespmem:v7+s25+$0x0] =	vst.idx.add.f32.msk $0xffff, v58  }
0x267: {  	v63 =	vmul.f32 v18, v18;
	[tilespmem:v7+s26+$0x0] =	vst.idx.add.f32.msk $0xffff, v62  }
0x268: {  	[tilespmem:v6+s25+$0x0] =	vst.idx.add.f32.msk $0xffff, v18;
	v7 =	vmul.f32 v19, v19  }
0x269: {  	[tilespmem:v6+s26+$0x0] =	vst.idx.add.f32.msk $0xffff, v63  }
0x26a: {  	s4 =	simm.s32 $0x0;
	s18 =	sadd.s32 $0x400, s18;
	[tilespmem:v8+s26+$0x0] =	vst.idx.add.f32.msk $0xffff, v7  }
.LBB2_6:
0x26b: {  	v6 =	vld [tilespmem:s18+$0x30]  }
0x26c: {  	s4 =	sadd.s32 $0x80, s4;
	v7 =	vld [tilespmem:s18+$0xFFFFFFD0]  }
0x26d: {  	p2 =	slt.u32 s4, $0x100;
	v8 =	vld [tilespmem:s18+$0xFFFFFFE0]  }
0x26e: {  	v9 =	vld [tilespmem:s18+$0xFFFFFFF0]  }
0x26f: {  	s2 =	sadd.s32 $0x400, s2;
	v10 =	vld [tilespmem:s18+$0x0]  }
0x270: {  	v11 =	vld [tilespmem:s2+$0x30];
	v6 =	vshll.u32 v6, $0x4  }
0x271: {  	v7 =	vshll.u32 v7, $0x4;
	v12 =	vld [tilespmem:s18+$0x10];
	v6 =	vor.u32 v0, v6  }
0x272: {  	v7 =	vor.u32 v0, v7;
	v8 =	vshll.u32 v8, $0x4;
	v13 =	vld [tilespmem:s18+$0x20]  }
0x273: {  	v14 =	vld [tilespmem:s18+$0xFFFFFFC0];
	v8 =	vor.u32 v0, v8;
	v9 =	vshll.u32 v9, $0x4  }
0x274: {  	v15 =	vld [tilespmem:s2+$0xFFFFFFC0];
	v9 =	vor.u32 v0, v9;
	v10 =	vshll.u32 v10, $0x4  }
0x275: {  	v16 =	vld [tilespmem:s2+$0xFFFFFFD0];
	v10 =	vor.u32 v0, v10;
	v17 =	vmul.f32 v11, v11  }
0x276: {  	v12 =	vshll.u32 v12, $0x4;
	[tilespmem:v6+s25+$0x0] =	vst.idx.add.f32.msk $0xffff, v11  }
0x277: {  	v11 =	vor.u32 v0, v12;
	v12 =	vshll.u32 v13, $0x4;
	[tilespmem:v6+s26+$0x0] =	vst.idx.add.f32.msk $0xffff, v17  }
0x278: {  	v6 =	vshll.u32 v14, $0x4;
	v13 =	vld [tilespmem:s2+$0xFFFFFFE0];
	v12 =	vor.u32 v0, v12  }
0x279: {  	v6 =	vor.u32 v0, v6;
	v14 =	vmul.f32 v15, v15;
	v17 =	vld [tilespmem:s2+$0xFFFFFFF0]  }
0x27a: {  	v18 =	vmul.f32 v16, v16;
	v19 =	vld [tilespmem:s2+$0x0]  }
0x27b: {  	v20 =	vld [tilespmem:s2+$0x10]  }
0x27c: {  	v21 =	vld [tilespmem:s2+$0x20]  }
0x27d: {  	[tilespmem:v7+s25+$0x0] =	vst.idx.add.f32.msk $0xffff, v16;
	v16 =	vmul.f32 v13, v13  }
0x27e: {  	[tilespmem:v6+s25+$0x0] =	vst.idx.add.f32.msk $0xffff, v15;
	v15 =	vmul.f32 v17, v17  }
0x27f: {  	[tilespmem:v6+s26+$0x0] =	vst.idx.add.f32.msk $0xffff, v14;
	v6 =	vmul.f32 v19, v19  }
0x280: {  	[tilespmem:v7+s26+$0x0] =	vst.idx.add.f32.msk $0xffff, v18;
	v7 =	vmul.f32 v20, v20  }
0x281: {  	[tilespmem:v8+s25+$0x0] =	vst.idx.add.f32.msk $0xffff, v13;
	v13 =	vmul.f32 v21, v21  }
0x282: {  	[tilespmem:v8+s26+$0x0] =	vst.idx.add.f32.msk $0xffff, v16  }
0x283: {  	[tilespmem:v9+s25+$0x0] =	vst.idx.add.f32.msk $0xffff, v17  }
0x284: {  	[tilespmem:v9+s26+$0x0] =	vst.idx.add.f32.msk $0xffff, v15  }
0x285: {  	[tilespmem:v10+s25+$0x0] =	vst.idx.add.f32.msk $0xffff, v19  }
.Ltmp5:
0x286: {  	[tilespmem:v10+s26+$0x0] =	vst.idx.add.f32.msk $0xffff, v6;
	(pc) =	sbr.rel @p2 .LBB2_6-.Ltmp5, $4  }
0x287: {  	[tilespmem:v11+s25+$0x0] =	vst.idx.add.f32.msk $0xffff, v20  }
0x288: {  	[tilespmem:v11+s26+$0x0] =	vst.idx.add.f32.msk $0xffff, v7  }
0x289: {  	[tilespmem:v12+s25+$0x0] =	vst.idx.add.f32.msk $0xffff, v21  }
0x28a: {  	s18 =	sadd.s32 $0x400, s18;
	[tilespmem:v12+s26+$0x0] =	vst.idx.add.f32.msk $0xffff, v13  }
0x28b: {  	s31 =	sadd.s32 $0x1, s31  }
0x28c: {  	p2 =	sne.s32 s31, $0x30  }
.Ltmp6:
0x28d: {  	_ = 	snop;
	(pc) =	sbr.rel @p2 .LBB2_5-.Ltmp6, $2  }
0x28e: {  	_ =	sdelay $0x2  }
0x28f: {  	s30 =	sadd.s32 $0x1, s30  }
0x290: {  	s2 =	sadd.s32 s29, s8  }
0x291: {  	s2 =	sshrl.u32 s2, $0x3  }
0x292: {  	s30 =	simm.s32 $0x0;
	s2 =	sadd.s32 s1, s2  }
0x293: {  	[tilespmem:s22], [sflag:$0x1] =	stream.linear.gather [hbm4b:s2+s30], $0x4800, $0x38;
	[tilespmem:$0xE780] =	vst v63  }
0x294: {  	_ =	swait.ge [sflag:s28], $0x4800  }
0x295: {  	[sflag:s28] =	ssyncset.done $0x0  }
0x296: {  	s31 =	simm.s32 $0x0;
	[sflag:s28] =	ssyncadd.s32 $0xFFFFB800  }
.LBB2_9:
0x297: {  	s2 =	sand.u32 $0x7, s30  }
0x298: {  	s2 =	sshll.u32 s2, $0x9  }
0x299: {  	s2 =	sshrl.u32 s2, $0x2  }
0x29a: {  	s4 =	sshrl.u32 s31, $0x3;
	v6 =	vmov s2  }
0x29b: {  	s18 =	smul.u32 $0x3000, s4;
	_ =	sdelay $0x1  }
0x29c: {  	s2 =	sshra.s32 s18, $0x2  }
0x29d: {  	s18 =	sor.u32 $0x40, s2  }
0x29e: {  	v7 =	vld.idx.msk [tilespmem:v6+s18+$0x30 ss:$0x1], $0xffff  }
0x29f: {  	v8 =	vld.idx.msk [tilespmem:v6+s18+$0xFFFFFFD0 ss:$0x1], $0xffff  }
0x2a0: {  	v9 =	vld.idx.msk [tilespmem:v6+s18+$0xFFFFFFE0 ss:$0x1], $0xffff  }
0x2a1: {  	v10 =	vld.idx.msk [tilespmem:v6+s18+$0xFFFFFFF0 ss:$0x1], $0xffff  }
0x2a2: {  	s2 =	sadd.s32 $0x4800, s2;
	v11 =	vld.idx.msk [tilespmem:v6+s18+$0x0 ss:$0x1], $0xffff  }
0x2a3: {  	v12 =	vld.idx.msk [tilespmem:v6+s2+$0x4870 ss:$0x1], $0xffff  }
0x2a4: {  	v13 =	vld.idx.msk [tilespmem:v6+s18+$0x10 ss:$0x1], $0xffff  }
0x2a5: {  	v14 =	vld.idx.msk [tilespmem:v6+s18+$0x20 ss:$0x1], $0xffff  }
0x2a6: {  	v16 =	vld.idx.msk [tilespmem:v6+s18+$0xFFFFFFC0 ss:$0x1], $0xffff  }
0x2a7: {  	v17 =	vld.idx.msk [tilespmem:v6+s2+$0x4800 ss:$0x1], $0xffff;
	v7 =	vshll.u32 v7, $0x4  }
0x2a8: {  	v18 =	vld.idx.msk [tilespmem:v6+s2+$0x4810 ss:$0x1], $0xffff;
	v15 =	vadd.s32 v2, v7  }
0x2a9: {  	v19 =	vld.idx.msk [tilespmem:v6+s2+$0x4820 ss:$0x1], $0xffff;
	v7 =	vor.u32 v0, v7  }
0x2aa: {  	v54 =	vld.idx.msk [tilespmem:v6+s2+$0x4830 ss:$0x1], $0xffff;
	v8 =	vshll.u32 v8, $0x4  }
0x2ab: {  	v55 =	vld.idx.msk [tilespmem:v6+s2+$0x4840 ss:$0x1], $0xffff;
	v9 =	vshll.u32 v9, $0x4;
	v53 =	vadd.s32 v2, v8  }
0x2ac: {  	v21 =	vld.idx.msk [tilespmem:v6+s2+$0x4850 ss:$0x1], $0xffff;
	v20 =	vmul.f32 v12, v12;
	v10 =	vshll.u32 v10, $0x4;
	v22 =	vadd.s32 v2, v9  }
0x2ad: {  	v56 =	vadd.s32 v2, v10;
	[tilespmem:v15+s25+$0x0] =	vst.idx.add.f32.msk $0xffff, v12  }
0x2ae: {  	[tilespmem:v7+s26+$0x0] =	vst.idx.add.f32.msk $0xffff, v20;
	v7 =	vor.u32 v0, v8;
	v8 =	vshll.u32 v16, $0x4  }
0x2af: {  	v24 =	vld.idx.msk [tilespmem:v6+s2+$0x4860 ss:$0x1], $0xffff;
	v16 =	vadd.s32 v2, v8  }
0x2b0: {  	v60 =	vshll.u32 v14, $0x4;
	[tilespmem:v53+s25+$0x0] =	vst.idx.add.f32.msk $0xffff, v18;
	v8 =	vor.u32 v0, v8  }
0x2b1: {  	v23 =	vmul.f32 v18, v18;
	v61 =	vadd.s32 v2, v60;
	[tilespmem:v22+s25+$0x0] =	vst.idx.add.f32.msk $0xffff, v19  }
0x2b2: {  	v9 =	vor.u32 v0, v9;
	[tilespmem:v56+s25+$0x0] =	vst.idx.add.f32.msk $0xffff, v54  }
0x2b3: {  	v57 =	vmul.f32 v17, v17;
	v10 =	vor.u32 v0, v10;
	[tilespmem:v7+s26+$0x0] =	vst.idx.add.f32.msk $0xffff, v23;
	v7 =	vshll.u32 v11, $0x4  }
0x2b4: {  	[tilespmem:v16+s25+$0x0] =	vst.idx.add.f32.msk $0xffff, v17;
	v11 =	vadd.s32 v2, v7  }
0x2b5: {  	v58 =	vmul.f32 v19, v19;
	v7 =	vor.u32 v0, v7;
	[tilespmem:v8+s26+$0x0] =	vst.idx.add.f32.msk $0xffff, v57;
	v8 =	vshll.u32 v13, $0x4  }
0x2b6: {  	v59 =	vmul.f32 v54, v54;
	[tilespmem:v61+s25+$0x0] =	vst.idx.add.f32.msk $0xffff, v24;
	v13 =	vadd.s32 v2, v8  }
0x2b7: {  	[tilespmem:v9+s26+$0x0] =	vst.idx.add.f32.msk $0xffff, v58;
	v8 =	vor.u32 v0, v8  }
0x2b8: {  	v62 =	vmul.f32 v55, v55;
	[tilespmem:v10+s26+$0x0] =	vst.idx.add.f32.msk $0xffff, v59;
	v9 =	vor.u32 v0, v60  }
0x2b9: {  	[tilespmem:v11+s25+$0x0] =	vst.idx.add.f32.msk $0xffff, v55  }
0x2ba: {  	v63 =	vmul.f32 v21, v21;
	[tilespmem:v7+s26+$0x0] =	vst.idx.add.f32.msk $0xffff, v62  }
0x2bb: {  	v7 =	vmul.f32 v24, v24;
	[tilespmem:v13+s25+$0x0] =	vst.idx.add.f32.msk $0xffff, v21  }
0x2bc: {  	[tilespmem:v8+s26+$0x0] =	vst.idx.add.f32.msk $0xffff, v63  }
0x2bd: {  	s4 =	simm.s32 $0x0;
	s18 =	sadd.s32 $0x400, s18;
	[tilespmem:v9+s26+$0x0] =	vst.idx.add.f32.msk $0xffff, v7  }
.LBB2_10:
0x2be: {  	v7 =	vld.idx.msk [tilespmem:v6+s18+$0x30 ss:$0x1], $0xffff  }
0x2bf: {  	s4 =	sadd.s32 $0x80, s4;
	v8 =	vld.idx.msk [tilespmem:v6+s18+$0xFFFFFFD0 ss:$0x1], $0xffff  }
0x2c0: {  	p2 =	slt.u32 s4, $0x100;
	v9 =	vld.idx.msk [tilespmem:v6+s18+$0xFFFFFFE0 ss:$0x1], $0xffff  }
0x2c1: {  	v10 =	vld.idx.msk [tilespmem:v6+s18+$0xFFFFFFF0 ss:$0x1], $0xffff  }
0x2c2: {  	s2 =	sadd.s32 $0x400, s2;
	v11 =	vld.idx.msk [tilespmem:v6+s18+$0x0 ss:$0x1], $0xffff  }
0x2c3: {  	v12 =	vld.idx.msk [tilespmem:v6+s2+$0x4870 ss:$0x1], $0xffff  }
0x2c4: {  	v7 =	vshll.u32 v7, $0x4;
	v13 =	vld.idx.msk [tilespmem:v6+s18+$0x10 ss:$0x1], $0xffff  }
0x2c5: {  	v8 =	vshll.u32 v8, $0x4;
	v15 =	vadd.s32 v2, v7;
	v14 =	vld.idx.msk [tilespmem:v6+s18+$0x20 ss:$0x1], $0xffff  }
0x2c6: {  	v7 =	vor.u32 v0, v7;
	v17 =	vadd.s32 v2, v8;
	v9 =	vshll.u32 v9, $0x4;
	v16 =	vld.idx.msk [tilespmem:v6+s18+$0xFFFFFFC0 ss:$0x1], $0xffff  }
0x2c7: {  	v8 =	vor.u32 v0, v8;
	v19 =	vadd.s32 v2, v9;
	v10 =	vshll.u32 v10, $0x4;
	v18 =	vld.idx.msk [tilespmem:v6+s2+$0x4800 ss:$0x1], $0xffff  }
0x2c8: {  	v9 =	vor.u32 v0, v9;
	v21 =	vadd.s32 v2, v10;
	v11 =	vshll.u32 v11, $0x4;
	v20 =	vld.idx.msk [tilespmem:v6+s2+$0x4810 ss:$0x1], $0xffff  }
0x2c9: {  	v10 =	vor.u32 v0, v10;
	v23 =	vadd.s32 v2, v11;
	v24 =	vmul.f32 v12, v12;
	v22 =	vld.idx.msk [tilespmem:v6+s2+$0x4820 ss:$0x1], $0xffff  }
0x2ca: {  	v11 =	vor.u32 v0, v11;
	v13 =	vshll.u32 v13, $0x4;
	[tilespmem:v15+s25+$0x0] =	vst.idx.add.f32.msk $0xffff, v12  }
0x2cb: {  	v12 =	vadd.s32 v2, v13;
	v13 =	vor.u32 v0, v13;
	v14 =	vshll.u32 v14, $0x4;
	[tilespmem:v7+s26+$0x0] =	vst.idx.add.f32.msk $0xffff, v24  }
0x2cc: {  	v7 =	vshll.u32 v16, $0x4;
	v16 =	vadd.s32 v2, v14;
	v14 =	vor.u32 v0, v14;
	v15 =	vld.idx.msk [tilespmem:v6+s2+$0x4830 ss:$0x1], $0xffff  }
0x2cd: {  	v24 =	vadd.s32 v2, v7;
	v25 =	vmul.f32 v18, v18;
	v7 =	vor.u32 v0, v7;
	v26 =	vld.idx.msk [tilespmem:v6+s2+$0x4840 ss:$0x1], $0xffff  }
0x2ce: {  	v27 =	vmul.f32 v20, v20;
	v28 =	vld.idx.msk [tilespmem:v6+s2+$0x4850 ss:$0x1], $0xffff  }
0x2cf: {  	v29 =	vmul.f32 v22, v22;
	v30 =	vld.idx.msk [tilespmem:v6+s2+$0x4860 ss:$0x1], $0xffff  }
0x2d0: {  	[tilespmem:v17+s25+$0x0] =	vst.idx.add.f32.msk $0xffff, v20  }
0x2d1: {  	[tilespmem:v8+s26+$0x0] =	vst.idx.add.f32.msk $0xffff, v27  }
0x2d2: {  	v8 =	vmul.f32 v15, v15;
	[tilespmem:v24+s25+$0x0] =	vst.idx.add.f32.msk $0xffff, v18  }
0x2d3: {  	[tilespmem:v7+s26+$0x0] =	vst.idx.add.f32.msk $0xffff, v25;
	v7 =	vmul.f32 v26, v26  }
0x2d4: {  	v17 =	vmul.f32 v28, v28;
	[tilespmem:v19+s25+$0x0] =	vst.idx.add.f32.msk $0xffff, v22  }
0x2d5: {  	[tilespmem:v9+s26+$0x0] =	vst.idx.add.f32.msk $0xffff, v29;
	v9 =	vmul.f32 v30, v30  }
0x2d6: {  	[tilespmem:v21+s25+$0x0] =	vst.idx.add.f32.msk $0xffff, v15  }
0x2d7: {  	[tilespmem:v10+s26+$0x0] =	vst.idx.add.f32.msk $0xffff, v8  }
0x2d8: {  	[tilespmem:v23+s25+$0x0] =	vst.idx.add.f32.msk $0xffff, v26  }
.Ltmp7:
0x2d9: {  	[tilespmem:v11+s26+$0x0] =	vst.idx.add.f32.msk $0xffff, v7;
	(pc) =	sbr.rel @p2 .LBB2_10-.Ltmp7, $4  }
0x2da: {  	[tilespmem:v12+s25+$0x0] =	vst.idx.add.f32.msk $0xffff, v28  }
0x2db: {  	[tilespmem:v13+s26+$0x0] =	vst.idx.add.f32.msk $0xffff, v17  }
0x2dc: {  	[tilespmem:v16+s25+$0x0] =	vst.idx.add.f32.msk $0xffff, v30  }
0x2dd: {  	s18 =	sadd.s32 $0x400, s18;
	[tilespmem:v14+s26+$0x0] =	vst.idx.add.f32.msk $0xffff, v9  }
0x2de: {  	s31 =	sadd.s32 $0x1, s31  }
0x2df: {  	p2 =	sne.s32 s31, $0x30  }
.Ltmp8:
0x2e0: {  	_ = 	snop;
	(pc) =	sbr.rel @p2 .LBB2_9-.Ltmp8, $2  }
0x2e1: {  	_ =	sdelay $0x2  }
0x2e2: {  	s30 =	sadd.s32 $0x1, s30  }
0x2e3: {  	s2 =	sadd.s32 s29, s9  }
0x2e4: {  	s2 =	sshrl.u32 s2, $0x3  }
0x2e5: {  	s30 =	simm.s32 $0x0;
	s2 =	sadd.s32 s1, s2  }
0x2e6: {  	[tilespmem:s23], [sflag:$0x2] =	stream.linear.gather [hbm4b:s2+s30], $0x4800, $0x38;
	[tilespmem:$0xE780] =	vst v63  }
0x2e7: {  	_ =	swait.ge [sflag:s24], $0x4800  }
0x2e8: {  	[sflag:s24] =	ssyncset.done $0x0  }
0x2e9: {  	s31 =	simm.s32 $0x0;
	[sflag:s24] =	ssyncadd.s32 $0xFFFFB800  }
.LBB2_13:
0x2ea: {  	s2 =	sshrl.u32 s31, $0x3  }
0x2eb: {  	s4 =	sand.u32 $0x7, s30;
	s2 =	smul.u32 $0x3000, s2  }
0x2ec: {  	s4 =	sshll.u32 s4, $0x9  }
0x2ed: {  	s2 =	sor.u32 s4, s2  }
0x2ee: {  	s2 =	sshra.s32 s2, $0x2  }
0x2ef: {  	s18 =	sor.u32 $0x40, s2  }
0x2f0: {  	v6 =	vld [tilespmem:s18+$0x30]  }
0x2f1: {  	v7 =	vld [tilespmem:s18+$0xFFFFFFD0]  }
0x2f2: {  	v8 =	vld [tilespmem:s18+$0xFFFFFFE0]  }
0x2f3: {  	v9 =	vld [tilespmem:s18+$0xFFFFFFF0]  }
0x2f4: {  	s2 =	sadd.s32 $0x4840, s2;
	v10 =	vld [tilespmem:s18+$0x0]  }
0x2f5: {  	v11 =	vld [tilespmem:s2+$0x30]  }
0x2f6: {  	v12 =	vld [tilespmem:s18+$0x10]  }
0x2f7: {  	v15 =	vld [tilespmem:s18+$0xFFFFFFC0]  }
0x2f8: {  	v14 =	vld [tilespmem:s18+$0x20];
	v6 =	vshll.u32 v6, $0x4  }
0x2f9: {  	v16 =	vld [tilespmem:s2+$0xFFFFFFC0];
	v13 =	vadd.s32 v3, v6  }
0x2fa: {  	v17 =	vld [tilespmem:s2+$0xFFFFFFD0];
	v6 =	vor.u32 v0, v6  }
0x2fb: {  	v53 =	vld [tilespmem:s2+$0xFFFFFFE0]  }
0x2fc: {  	v54 =	vld [tilespmem:s2+$0xFFFFFFF0];
	v52 =	vshll.u32 v15, $0x4  }
0x2fd: {  	v19 =	vld [tilespmem:s2+$0x0];
	v18 =	vmul.f32 v11, v11;
	v8 =	vshll.u32 v8, $0x4;
	v15 =	vadd.s32 v3, v52  }
0x2fe: {  	v7 =	vshll.u32 v7, $0x4;
	v21 =	vadd.s32 v3, v8;
	[tilespmem:v13+s25+$0x0] =	vst.idx.add.f32.msk $0xffff, v11  }
0x2ff: {  	v10 =	vshll.u32 v10, $0x4;
	[tilespmem:v6+s26+$0x0] =	vst.idx.add.f32.msk $0xffff, v18;
	v6 =	vadd.s32 v3, v7  }
0x300: {  	v20 =	vld [tilespmem:s2+$0x10];
	v57 =	vshll.u32 v12, $0x4;
	v55 =	vadd.s32 v3, v10  }
0x301: {  	v22 =	vld [tilespmem:s2+$0x20];
	v12 =	vadd.s32 v3, v57  }
0x302: {  	v8 =	vor.u32 v0, v8;
	[tilespmem:v15+s25+$0x0] =	vst.idx.add.f32.msk $0xffff, v16  }
0x303: {  	v9 =	vshll.u32 v9, $0x4;
	[tilespmem:v21+s25+$0x0] =	vst.idx.add.f32.msk $0xffff, v53;
	v7 =	vor.u32 v0, v7  }
0x304: {  	[tilespmem:v6+s25+$0x0] =	vst.idx.add.f32.msk $0xffff, v17;
	v6 =	vadd.s32 v3, v9  }
0x305: {  	v56 =	vmul.f32 v53, v53;
	v59 =	vor.u32 v0, v57;
	[tilespmem:v55+s25+$0x0] =	vst.idx.add.f32.msk $0xffff, v19  }
0x306: {  	v11 =	vor.u32 v0, v52;
	[tilespmem:v12+s25+$0x0] =	vst.idx.add.f32.msk $0xffff, v20;
	v17 =	vmul.f32 v17, v17  }
0x307: {  	[tilespmem:v8+s26+$0x0] =	vst.idx.add.f32.msk $0xffff, v56;
	v9 =	vor.u32 v0, v9  }
0x308: {  	v60 =	vshll.u32 v14, $0x4;
	v63 =	vmul.f32 v20, v20;
	[tilespmem:v7+s26+$0x0] =	vst.idx.add.f32.msk $0xffff, v17;
	v7 =	vor.u32 v0, v10  }
0x309: {  	v23 =	vmul.f32 v16, v16;
	[tilespmem:v6+s25+$0x0] =	vst.idx.add.f32.msk $0xffff, v54;
	v6 =	vadd.s32 v3, v60  }
0x30a: {  	v58 =	vmul.f32 v54, v54;
	v62 =	vor.u32 v0, v60;
	[tilespmem:v59+s26+$0x0] =	vst.idx.add.f32.msk $0xffff, v63  }
0x30b: {  	v61 =	vmul.f32 v19, v19;
	[tilespmem:v11+s26+$0x0] =	vst.idx.add.f32.msk $0xffff, v23  }
0x30c: {  	[tilespmem:v9+s26+$0x0] =	vst.idx.add.f32.msk $0xffff, v58  }
0x30d: {  	[tilespmem:v7+s26+$0x0] =	vst.idx.add.f32.msk $0xffff, v61;
	v7 =	vmul.f32 v22, v22  }
0x30e: {  	[tilespmem:v6+s25+$0x0] =	vst.idx.add.f32.msk $0xffff, v22  }
0x30f: {  	s4 =	simm.s32 $0x0;
	s18 =	sadd.s32 $0x400, s18;
	[tilespmem:v62+s26+$0x0] =	vst.idx.add.f32.msk $0xffff, v7  }
.LBB2_14:
0x310: {  	v6 =	vld [tilespmem:s18+$0x30]  }
0x311: {  	s4 =	sadd.s32 $0x80, s4;
	v7 =	vld [tilespmem:s18+$0xFFFFFFD0]  }
0x312: {  	p2 =	slt.u32 s4, $0x100;
	v8 =	vld [tilespmem:s18+$0xFFFFFFE0]  }
0x313: {  	v9 =	vld [tilespmem:s18+$0xFFFFFFF0]  }
0x314: {  	s2 =	sadd.s32 $0x400, s2;
	v10 =	vld [tilespmem:s18+$0x0]  }
0x315: {  	v11 =	vld [tilespmem:s2+$0x30];
	v6 =	vshll.u32 v6, $0x4  }
0x316: {  	v7 =	vshll.u32 v7, $0x4;
	v12 =	vld [tilespmem:s18+$0x10];
	v13 =	vadd.s32 v3, v6  }
0x317: {  	v6 =	vor.u32 v0, v6;
	v14 =	vadd.s32 v3, v7;
	v8 =	vshll.u32 v8, $0x4;
	v15 =	vld [tilespmem:s18+$0x20]  }
0x318: {  	v7 =	vor.u32 v0, v7;
	v16 =	vld [tilespmem:s18+$0xFFFFFFC0];
	v17 =	vadd.s32 v3, v8;
	v9 =	vshll.u32 v9, $0x4  }
0x319: {  	v8 =	vor.u32 v0, v8;
	v18 =	vld [tilespmem:s2+$0xFFFFFFC0];
	v19 =	vadd.s32 v3, v9;
	v10 =	vshll.u32 v10, $0x4  }
0x31a: {  	v9 =	vor.u32 v0, v9;
	v20 =	vld [tilespmem:s2+$0xFFFFFFD0];
	v21 =	vadd.s32 v3, v10;
	v22 =	vmul.f32 v11, v11  }
0x31b: {  	v10 =	vor.u32 v0, v10;
	v12 =	vshll.u32 v12, $0x4;
	[tilespmem:v13+s25+$0x0] =	vst.idx.add.f32.msk $0xffff, v11  }
0x31c: {  	v11 =	vadd.s32 v3, v12;
	v12 =	vor.u32 v0, v12;
	v13 =	vshll.u32 v15, $0x4;
	[tilespmem:v6+s26+$0x0] =	vst.idx.add.f32.msk $0xffff, v22  }
0x31d: {  	v6 =	vshll.u32 v16, $0x4;
	v15 =	vld [tilespmem:s2+$0xFFFFFFE0];
	v16 =	vadd.s32 v3, v13;
	v13 =	vor.u32 v0, v13  }
0x31e: {  	v22 =	vadd.s32 v3, v6;
	v23 =	vmul.f32 v18, v18;
	v6 =	vor.u32 v0, v6;
	v24 =	vld [tilespmem:s2+$0xFFFFFFF0]  }
0x31f: {  	v25 =	vmul.f32 v20, v20;
	v26 =	vld [tilespmem:s2+$0x0]  }
0x320: {  	v27 =	vld [tilespmem:s2+$0x10]  }
0x321: {  	v28 =	vld [tilespmem:s2+$0x20]  }
0x322: {  	[tilespmem:v14+s25+$0x0] =	vst.idx.add.f32.msk $0xffff, v20;
	v14 =	vmul.f32 v15, v15  }
0x323: {  	[tilespmem:v22+s25+$0x0] =	vst.idx.add.f32.msk $0xffff, v18;
	v18 =	vmul.f32 v24, v24  }
0x324: {  	[tilespmem:v6+s26+$0x0] =	vst.idx.add.f32.msk $0xffff, v23;
	v6 =	vmul.f32 v26, v26  }
0x325: {  	[tilespmem:v7+s26+$0x0] =	vst.idx.add.f32.msk $0xffff, v25;
	v7 =	vmul.f32 v27, v27  }
0x326: {  	[tilespmem:v17+s25+$0x0] =	vst.idx.add.f32.msk $0xffff, v15;
	v15 =	vmul.f32 v28, v28  }
0x327: {  	[tilespmem:v8+s26+$0x0] =	vst.idx.add.f32.msk $0xffff, v14  }
0x328: {  	[tilespmem:v19+s25+$0x0] =	vst.idx.add.f32.msk $0xffff, v24  }
0x329: {  	[tilespmem:v9+s26+$0x0] =	vst.idx.add.f32.msk $0xffff, v18  }
0x32a: {  	[tilespmem:v21+s25+$0x0] =	vst.idx.add.f32.msk $0xffff, v26  }
.Ltmp9:
0x32b: {  	[tilespmem:v10+s26+$0x0] =	vst.idx.add.f32.msk $0xffff, v6;
	(pc) =	sbr.rel @p2 .LBB2_14-.Ltmp9, $4  }
0x32c: {  	[tilespmem:v11+s25+$0x0] =	vst.idx.add.f32.msk $0xffff, v27  }
0x32d: {  	[tilespmem:v12+s26+$0x0] =	vst.idx.add.f32.msk $0xffff, v7  }
0x32e: {  	[tilespmem:v16+s25+$0x0] =	vst.idx.add.f32.msk $0xffff, v28  }
0x32f: {  	s18 =	sadd.s32 $0x400, s18;
	[tilespmem:v13+s26+$0x0] =	vst.idx.add.f32.msk $0xffff, v15  }
0x330: {  	s31 =	sadd.s32 $0x1, s31  }
0x331: {  	p2 =	sne.s32 s31, $0x30  }
.Ltmp10:
0x332: {  	_ = 	snop;
	(pc) =	sbr.rel @p2 .LBB2_13-.Ltmp10, $2  }
0x333: {  	_ =	sdelay $0x2  }
0x334: {  	s30 =	sadd.s32 $0x1, s30  }
0x335: {  	s2 =	sadd.s32 s29, s10  }
0x336: {  	s2 =	sshrl.u32 s2, $0x3  }
0x337: {  	s30 =	simm.s32 $0x0;
	s2 =	sadd.s32 s1, s2  }
0x338: {  	[tilespmem:s22], [sflag:$0x1] =	stream.linear.gather [hbm4b:s2+s30], $0x4800, $0x38;
	[tilespmem:$0xE780] =	vst v63  }
0x339: {  	_ =	swait.ge [sflag:s28], $0x4800  }
0x33a: {  	[sflag:s28] =	ssyncset.done $0x0  }
0x33b: {  	s31 =	simm.s32 $0x0;
	[sflag:s28] =	ssyncadd.s32 $0xFFFFB800  }
.LBB2_17:
0x33c: {  	s2 =	sand.u32 $0x7, s30  }
0x33d: {  	s2 =	sshll.u32 s2, $0x9  }
0x33e: {  	s2 =	sshrl.u32 s2, $0x2  }
0x33f: {  	s4 =	sshrl.u32 s31, $0x3;
	v6 =	vmov s2  }
0x340: {  	s18 =	smul.u32 $0x3000, s4;
	_ =	sdelay $0x1  }
0x341: {  	s2 =	sshra.s32 s18, $0x2  }
0x342: {  	s18 =	sor.u32 $0x40, s2  }
0x343: {  	v7 =	vld.idx.msk [tilespmem:v6+s18+$0x30 ss:$0x1], $0xffff  }
0x344: {  	v8 =	vld.idx.msk [tilespmem:v6+s18+$0xFFFFFFD0 ss:$0x1], $0xffff  }
0x345: {  	v9 =	vld.idx.msk [tilespmem:v6+s18+$0xFFFFFFE0 ss:$0x1], $0xffff  }
0x346: {  	v10 =	vld.idx.msk [tilespmem:v6+s18+$0xFFFFFFF0 ss:$0x1], $0xffff  }
0x347: {  	s2 =	sadd.s32 $0x4800, s2;
	v11 =	vld.idx.msk [tilespmem:v6+s18+$0x0 ss:$0x1], $0xffff  }
0x348: {  	v12 =	vld.idx.msk [tilespmem:v6+s2+$0x4870 ss:$0x1], $0xffff  }
0x349: {  	v13 =	vld.idx.msk [tilespmem:v6+s18+$0x10 ss:$0x1], $0xffff  }
0x34a: {  	v14 =	vld.idx.msk [tilespmem:v6+s18+$0x20 ss:$0x1], $0xffff  }
0x34b: {  	v16 =	vld.idx.msk [tilespmem:v6+s18+$0xFFFFFFC0 ss:$0x1], $0xffff  }
0x34c: {  	v17 =	vld.idx.msk [tilespmem:v6+s2+$0x4800 ss:$0x1], $0xffff;
	v7 =	vshll.u32 v7, $0x4  }
0x34d: {  	v18 =	vld.idx.msk [tilespmem:v6+s2+$0x4810 ss:$0x1], $0xffff;
	v15 =	vadd.s32 v4, v7  }
0x34e: {  	v19 =	vld.idx.msk [tilespmem:v6+s2+$0x4820 ss:$0x1], $0xffff;
	v7 =	vor.u32 v0, v7  }
0x34f: {  	v54 =	vld.idx.msk [tilespmem:v6+s2+$0x4830 ss:$0x1], $0xffff;
	v8 =	vshll.u32 v8, $0x4  }
0x350: {  	v55 =	vld.idx.msk [tilespmem:v6+s2+$0x4840 ss:$0x1], $0xffff;
	v9 =	vshll.u32 v9, $0x4;
	v53 =	vadd.s32 v4, v8  }
0x351: {  	v21 =	vld.idx.msk [tilespmem:v6+s2+$0x4850 ss:$0x1], $0xffff;
	v20 =	vmul.f32 v12, v12;
	v10 =	vshll.u32 v10, $0x4;
	v22 =	vadd.s32 v4, v9  }
0x352: {  	v56 =	vadd.s32 v4, v10;
	[tilespmem:v15+s25+$0x0] =	vst.idx.add.f32.msk $0xffff, v12  }
0x353: {  	[tilespmem:v7+s26+$0x0] =	vst.idx.add.f32.msk $0xffff, v20;
	v7 =	vor.u32 v0, v8;
	v8 =	vshll.u32 v16, $0x4  }
0x354: {  	v24 =	vld.idx.msk [tilespmem:v6+s2+$0x4860 ss:$0x1], $0xffff;
	v16 =	vadd.s32 v4, v8  }
0x355: {  	v60 =	vshll.u32 v14, $0x4;
	[tilespmem:v53+s25+$0x0] =	vst.idx.add.f32.msk $0xffff, v18;
	v8 =	vor.u32 v0, v8  }
0x356: {  	v23 =	vmul.f32 v18, v18;
	v61 =	vadd.s32 v4, v60;
	[tilespmem:v22+s25+$0x0] =	vst.idx.add.f32.msk $0xffff, v19  }
0x357: {  	v9 =	vor.u32 v0, v9;
	[tilespmem:v56+s25+$0x0] =	vst.idx.add.f32.msk $0xffff, v54  }
0x358: {  	v57 =	vmul.f32 v17, v17;
	v10 =	vor.u32 v0, v10;
	[tilespmem:v7+s26+$0x0] =	vst.idx.add.f32.msk $0xffff, v23;
	v7 =	vshll.u32 v11, $0x4  }
0x359: {  	[tilespmem:v16+s25+$0x0] =	vst.idx.add.f32.msk $0xffff, v17;
	v11 =	vadd.s32 v4, v7  }
0x35a: {  	v58 =	vmul.f32 v19, v19;
	v7 =	vor.u32 v0, v7;
	[tilespmem:v8+s26+$0x0] =	vst.idx.add.f32.msk $0xffff, v57;
	v8 =	vshll.u32 v13, $0x4  }
0x35b: {  	v59 =	vmul.f32 v54, v54;
	[tilespmem:v61+s25+$0x0] =	vst.idx.add.f32.msk $0xffff, v24;
	v13 =	vadd.s32 v4, v8  }
0x35c: {  	[tilespmem:v9+s26+$0x0] =	vst.idx.add.f32.msk $0xffff, v58;
	v8 =	vor.u32 v0, v8  }
0x35d: {  	v62 =	vmul.f32 v55, v55;
	[tilespmem:v10+s26+$0x0] =	vst.idx.add.f32.msk $0xffff, v59;
	v9 =	vor.u32 v0, v60  }
0x35e: {  	[tilespmem:v11+s25+$0x0] =	vst.idx.add.f32.msk $0xffff, v55  }
0x35f: {  	v63 =	vmul.f32 v21, v21;
	[tilespmem:v7+s26+$0x0] =	vst.idx.add.f32.msk $0xffff, v62  }
0x360: {  	v7 =	vmul.f32 v24, v24;
	[tilespmem:v13+s25+$0x0] =	vst.idx.add.f32.msk $0xffff, v21  }
0x361: {  	[tilespmem:v8+s26+$0x0] =	vst.idx.add.f32.msk $0xffff, v63  }
0x362: {  	s4 =	simm.s32 $0x0;
	s18 =	sadd.s32 $0x400, s18;
	[tilespmem:v9+s26+$0x0] =	vst.idx.add.f32.msk $0xffff, v7  }
.LBB2_18:
0x363: {  	v7 =	vld.idx.msk [tilespmem:v6+s18+$0x30 ss:$0x1], $0xffff  }
0x364: {  	s4 =	sadd.s32 $0x80, s4;
	v8 =	vld.idx.msk [tilespmem:v6+s18+$0xFFFFFFD0 ss:$0x1], $0xffff  }
0x365: {  	p2 =	slt.u32 s4, $0x100;
	v9 =	vld.idx.msk [tilespmem:v6+s18+$0xFFFFFFE0 ss:$0x1], $0xffff  }
0x366: {  	v10 =	vld.idx.msk [tilespmem:v6+s18+$0xFFFFFFF0 ss:$0x1], $0xffff  }
0x367: {  	s2 =	sadd.s32 $0x400, s2;
	v11 =	vld.idx.msk [tilespmem:v6+s18+$0x0 ss:$0x1], $0xffff  }
0x368: {  	v12 =	vld.idx.msk [tilespmem:v6+s2+$0x4870 ss:$0x1], $0xffff  }
0x369: {  	v7 =	vshll.u32 v7, $0x4;
	v13 =	vld.idx.msk [tilespmem:v6+s18+$0x10 ss:$0x1], $0xffff  }
0x36a: {  	v8 =	vshll.u32 v8, $0x4;
	v15 =	vadd.s32 v4, v7;
	v14 =	vld.idx.msk [tilespmem:v6+s18+$0x20 ss:$0x1], $0xffff  }
0x36b: {  	v7 =	vor.u32 v0, v7;
	v17 =	vadd.s32 v4, v8;
	v9 =	vshll.u32 v9, $0x4;
	v16 =	vld.idx.msk [tilespmem:v6+s18+$0xFFFFFFC0 ss:$0x1], $0xffff  }
0x36c: {  	v8 =	vor.u32 v0, v8;
	v19 =	vadd.s32 v4, v9;
	v10 =	vshll.u32 v10, $0x4;
	v18 =	vld.idx.msk [tilespmem:v6+s2+$0x4800 ss:$0x1], $0xffff  }
0x36d: {  	v9 =	vor.u32 v0, v9;
	v21 =	vadd.s32 v4, v10;
	v11 =	vshll.u32 v11, $0x4;
	v20 =	vld.idx.msk [tilespmem:v6+s2+$0x4810 ss:$0x1], $0xffff  }
0x36e: {  	v10 =	vor.u32 v0, v10;
	v23 =	vadd.s32 v4, v11;
	v24 =	vmul.f32 v12, v12;
	v22 =	vld.idx.msk [tilespmem:v6+s2+$0x4820 ss:$0x1], $0xffff  }
0x36f: {  	v11 =	vor.u32 v0, v11;
	v13 =	vshll.u32 v13, $0x4;
	[tilespmem:v15+s25+$0x0] =	vst.idx.add.f32.msk $0xffff, v12  }
0x370: {  	v12 =	vadd.s32 v4, v13;
	v13 =	vor.u32 v0, v13;
	v14 =	vshll.u32 v14, $0x4;
	[tilespmem:v7+s26+$0x0] =	vst.idx.add.f32.msk $0xffff, v24  }
0x371: {  	v7 =	vshll.u32 v16, $0x4;
	v16 =	vadd.s32 v4, v14;
	v14 =	vor.u32 v0, v14;
	v15 =	vld.idx.msk [tilespmem:v6+s2+$0x4830 ss:$0x1], $0xffff  }
0x372: {  	v24 =	vadd.s32 v4, v7;
	v25 =	vmul.f32 v18, v18;
	v7 =	vor.u32 v0, v7;
	v26 =	vld.idx.msk [tilespmem:v6+s2+$0x4840 ss:$0x1], $0xffff  }
0x373: {  	v27 =	vmul.f32 v20, v20;
	v28 =	vld.idx.msk [tilespmem:v6+s2+$0x4850 ss:$0x1], $0xffff  }
0x374: {  	v29 =	vmul.f32 v22, v22;
	v30 =	vld.idx.msk [tilespmem:v6+s2+$0x4860 ss:$0x1], $0xffff  }
0x375: {  	[tilespmem:v17+s25+$0x0] =	vst.idx.add.f32.msk $0xffff, v20  }
0x376: {  	[tilespmem:v8+s26+$0x0] =	vst.idx.add.f32.msk $0xffff, v27  }
0x377: {  	v8 =	vmul.f32 v15, v15;
	[tilespmem:v24+s25+$0x0] =	vst.idx.add.f32.msk $0xffff, v18  }
0x378: {  	[tilespmem:v7+s26+$0x0] =	vst.idx.add.f32.msk $0xffff, v25;
	v7 =	vmul.f32 v26, v26  }
0x379: {  	v17 =	vmul.f32 v28, v28;
	[tilespmem:v19+s25+$0x0] =	vst.idx.add.f32.msk $0xffff, v22  }
0x37a: {  	[tilespmem:v9+s26+$0x0] =	vst.idx.add.f32.msk $0xffff, v29;
	v9 =	vmul.f32 v30, v30  }
0x37b: {  	[tilespmem:v21+s25+$0x0] =	vst.idx.add.f32.msk $0xffff, v15  }
0x37c: {  	[tilespmem:v10+s26+$0x0] =	vst.idx.add.f32.msk $0xffff, v8  }
0x37d: {  	[tilespmem:v23+s25+$0x0] =	vst.idx.add.f32.msk $0xffff, v26  }
.Ltmp11:
0x37e: {  	[tilespmem:v11+s26+$0x0] =	vst.idx.add.f32.msk $0xffff, v7;
	(pc) =	sbr.rel @p2 .LBB2_18-.Ltmp11, $4  }
0x37f: {  	[tilespmem:v12+s25+$0x0] =	vst.idx.add.f32.msk $0xffff, v28  }
0x380: {  	[tilespmem:v13+s26+$0x0] =	vst.idx.add.f32.msk $0xffff, v17  }
0x381: {  	[tilespmem:v16+s25+$0x0] =	vst.idx.add.f32.msk $0xffff, v30  }
0x382: {  	s18 =	sadd.s32 $0x400, s18;
	[tilespmem:v14+s26+$0x0] =	vst.idx.add.f32.msk $0xffff, v9  }
0x383: {  	s31 =	sadd.s32 $0x1, s31  }
0x384: {  	p2 =	sne.s32 s31, $0x30  }
.Ltmp12:
0x385: {  	_ = 	snop;
	(pc) =	sbr.rel @p2 .LBB2_17-.Ltmp12, $2  }
0x386: {  	_ =	sdelay $0x2  }
0x387: {  	s30 =	sadd.s32 $0x1, s30  }
0x388: {  	s2 =	sadd.s32 s29, s11  }
0x389: {  	s2 =	sshrl.u32 s2, $0x3  }
0x38a: {  	s30 =	simm.s32 $0x0;
	s2 =	sadd.s32 s1, s2  }
0x38b: {  	[tilespmem:s23], [sflag:$0x2] =	stream.linear.gather [hbm4b:s2+s30], $0x4800, $0x38;
	[tilespmem:$0xE780] =	vst v63  }
0x38c: {  	_ =	swait.ge [sflag:s24], $0x4800  }
0x38d: {  	[sflag:s24] =	ssyncset.done $0x0  }
0x38e: {  	s31 =	simm.s32 $0x0;
	[sflag:s24] =	ssyncadd.s32 $0xFFFFB800  }
.LBB2_21:
0x38f: {  	s2 =	sshrl.u32 s31, $0x3  }
0x390: {  	s4 =	sand.u32 $0x7, s30;
	s2 =	smul.u32 $0x3000, s2  }
0x391: {  	s4 =	sshll.u32 s4, $0x9  }
0x392: {  	s2 =	sor.u32 s4, s2  }
0x393: {  	s2 =	sshra.s32 s2, $0x2  }
0x394: {  	s18 =	sor.u32 $0x40, s2  }
0x395: {  	v7 =	vld [tilespmem:s18+$0x30]  }
0x396: {  	v8 =	vld [tilespmem:s18+$0xFFFFFFD0]  }
0x397: {  	v9 =	vld [tilespmem:s18+$0xFFFFFFE0]  }
0x398: {  	v10 =	vld [tilespmem:s18+$0xFFFFFFF0]  }
0x399: {  	s2 =	sadd.s32 $0x4840, s2;
	v11 =	vld [tilespmem:s18+$0x0]  }
0x39a: {  	v12 =	vld [tilespmem:s2+$0x30]  }
0x39b: {  	v13 =	vld [tilespmem:s18+$0x10]  }
0x39c: {  	v16 =	vld [tilespmem:s18+$0xFFFFFFC0]  }
0x39d: {  	v6 =	vor.u32 $0x400, v0;
	v15 =	vld [tilespmem:s18+$0x20];
	v7 =	vshll.u32 v7, $0x4  }
0x39e: {  	v17 =	vld [tilespmem:s2+$0xFFFFFFC0];
	v14 =	vadd.s32 v6, v7  }
0x39f: {  	v18 =	vld [tilespmem:s2+$0xFFFFFFD0];
	v7 =	vor.u32 v0, v7  }
0x3a0: {  	v53 =	vld [tilespmem:s2+$0xFFFFFFE0]  }
0x3a1: {  	v54 =	vld [tilespmem:s2+$0xFFFFFFF0];
	v52 =	vshll.u32 v16, $0x4  }
0x3a2: {  	v20 =	vld [tilespmem:s2+$0x0];
	v19 =	vmul.f32 v12, v12;
	v9 =	vshll.u32 v9, $0x4;
	v16 =	vadd.s32 v6, v52  }
0x3a3: {  	v8 =	vshll.u32 v8, $0x4;
	v22 =	vadd.s32 v6, v9;
	[tilespmem:v14+s25+$0x0] =	vst.idx.add.f32.msk $0xffff, v12  }
0x3a4: {  	v11 =	vshll.u32 v11, $0x4;
	[tilespmem:v7+s26+$0x0] =	vst.idx.add.f32.msk $0xffff, v19;
	v7 =	vadd.s32 v6, v8  }
0x3a5: {  	v21 =	vld [tilespmem:s2+$0x10];
	v57 =	vshll.u32 v13, $0x4;
	v55 =	vadd.s32 v6, v11  }
0x3a6: {  	v23 =	vld [tilespmem:s2+$0x20];
	v13 =	vadd.s32 v6, v57  }
0x3a7: {  	v9 =	vor.u32 v0, v9;
	[tilespmem:v16+s25+$0x0] =	vst.idx.add.f32.msk $0xffff, v17  }
0x3a8: {  	v10 =	vshll.u32 v10, $0x4;
	[tilespmem:v22+s25+$0x0] =	vst.idx.add.f32.msk $0xffff, v53;
	v8 =	vor.u32 v0, v8  }
0x3a9: {  	[tilespmem:v7+s25+$0x0] =	vst.idx.add.f32.msk $0xffff, v18;
	v7 =	vadd.s32 v6, v10  }
0x3aa: {  	v56 =	vmul.f32 v53, v53;
	v59 =	vor.u32 v0, v57;
	[tilespmem:v55+s25+$0x0] =	vst.idx.add.f32.msk $0xffff, v20  }
0x3ab: {  	v12 =	vor.u32 v0, v52;
	[tilespmem:v13+s25+$0x0] =	vst.idx.add.f32.msk $0xffff, v21;
	v18 =	vmul.f32 v18, v18  }
0x3ac: {  	[tilespmem:v9+s26+$0x0] =	vst.idx.add.f32.msk $0xffff, v56;
	v10 =	vor.u32 v0, v10  }
0x3ad: {  	v60 =	vshll.u32 v15, $0x4;
	v63 =	vmul.f32 v21, v21;
	[tilespmem:v8+s26+$0x0] =	vst.idx.add.f32.msk $0xffff, v18;
	v8 =	vor.u32 v0, v11  }
0x3ae: {  	v24 =	vmul.f32 v17, v17;
	[tilespmem:v7+s25+$0x0] =	vst.idx.add.f32.msk $0xffff, v54;
	v7 =	vadd.s32 v6, v60  }
0x3af: {  	v58 =	vmul.f32 v54, v54;
	v62 =	vor.u32 v0, v60;
	[tilespmem:v59+s26+$0x0] =	vst.idx.add.f32.msk $0xffff, v63  }
0x3b0: {  	v61 =	vmul.f32 v20, v20;
	[tilespmem:v12+s26+$0x0] =	vst.idx.add.f32.msk $0xffff, v24  }
0x3b1: {  	[tilespmem:v10+s26+$0x0] =	vst.idx.add.f32.msk $0xffff, v58  }
0x3b2: {  	[tilespmem:v8+s26+$0x0] =	vst.idx.add.f32.msk $0xffff, v61;
	v8 =	vmul.f32 v23, v23  }
0x3b3: {  	[tilespmem:v7+s25+$0x0] =	vst.idx.add.f32.msk $0xffff, v23  }
0x3b4: {  	s4 =	simm.s32 $0x0;
	s18 =	sadd.s32 $0x400, s18;
	[tilespmem:v62+s26+$0x0] =	vst.idx.add.f32.msk $0xffff, v8  }
.LBB2_22:
0x3b5: {  	v7 =	vld [tilespmem:s18+$0x30]  }
0x3b6: {  	s4 =	sadd.s32 $0x80, s4;
	v8 =	vld [tilespmem:s18+$0xFFFFFFD0]  }
0x3b7: {  	p2 =	slt.u32 s4, $0x100;
	v9 =	vld [tilespmem:s18+$0xFFFFFFE0]  }
0x3b8: {  	v10 =	vld [tilespmem:s18+$0xFFFFFFF0]  }
0x3b9: {  	s2 =	sadd.s32 $0x400, s2;
	v11 =	vld [tilespmem:s18+$0x0]  }
0x3ba: {  	v12 =	vld [tilespmem:s2+$0x30];
	v7 =	vshll.u32 v7, $0x4  }
0x3bb: {  	v8 =	vshll.u32 v8, $0x4;
	v13 =	vld [tilespmem:s18+$0x10];
	v14 =	vadd.s32 v6, v7  }
0x3bc: {  	v7 =	vor.u32 v0, v7;
	v15 =	vadd.s32 v6, v8;
	v9 =	vshll.u32 v9, $0x4;
	v16 =	vld [tilespmem:s18+$0x20]  }
0x3bd: {  	v8 =	vor.u32 v0, v8;
	v17 =	vld [tilespmem:s18+$0xFFFFFFC0];
	v18 =	vadd.s32 v6, v9;
	v10 =	vshll.u32 v10, $0x4  }
0x3be: {  	v9 =	vor.u32 v0, v9;
	v19 =	vld [tilespmem:s2+$0xFFFFFFC0];
	v20 =	vadd.s32 v6, v10;
	v11 =	vshll.u32 v11, $0x4  }
0x3bf: {  	v10 =	vor.u32 v0, v10;
	v21 =	vld [tilespmem:s2+$0xFFFFFFD0];
	v22 =	vadd.s32 v6, v11;
	v23 =	vmul.f32 v12, v12  }
0x3c0: {  	v11 =	vor.u32 v0, v11;
	v13 =	vshll.u32 v13, $0x4;
	[tilespmem:v14+s25+$0x0] =	vst.idx.add.f32.msk $0xffff, v12  }
0x3c1: {  	v12 =	vadd.s32 v6, v13;
	v13 =	vor.u32 v0, v13;
	v14 =	vshll.u32 v16, $0x4;
	[tilespmem:v7+s26+$0x0] =	vst.idx.add.f32.msk $0xffff, v23  }
0x3c2: {  	v7 =	vshll.u32 v17, $0x4;
	v16 =	vld [tilespmem:s2+$0xFFFFFFE0];
	v17 =	vadd.s32 v6, v14;
	v14 =	vor.u32 v0, v14  }
0x3c3: {  	v23 =	vadd.s32 v6, v7;
	v24 =	vmul.f32 v19, v19;
	v7 =	vor.u32 v0, v7;
	v25 =	vld [tilespmem:s2+$0xFFFFFFF0]  }
0x3c4: {  	v26 =	vmul.f32 v21, v21;
	v27 =	vld [tilespmem:s2+$0x0]  }
0x3c5: {  	v28 =	vld [tilespmem:s2+$0x10]  }
0x3c6: {  	v29 =	vld [tilespmem:s2+$0x20]  }
0x3c7: {  	[tilespmem:v15+s25+$0x0] =	vst.idx.add.f32.msk $0xffff, v21;
	v15 =	vmul.f32 v16, v16  }
0x3c8: {  	[tilespmem:v23+s25+$0x0] =	vst.idx.add.f32.msk $0xffff, v19;
	v19 =	vmul.f32 v25, v25  }
0x3c9: {  	[tilespmem:v7+s26+$0x0] =	vst.idx.add.f32.msk $0xffff, v24;
	v7 =	vmul.f32 v27, v27  }
0x3ca: {  	[tilespmem:v8+s26+$0x0] =	vst.idx.add.f32.msk $0xffff, v26;
	v8 =	vmul.f32 v28, v28  }
0x3cb: {  	[tilespmem:v18+s25+$0x0] =	vst.idx.add.f32.msk $0xffff, v16;
	v16 =	vmul.f32 v29, v29  }
0x3cc: {  	[tilespmem:v9+s26+$0x0] =	vst.idx.add.f32.msk $0xffff, v15  }
0x3cd: {  	[tilespmem:v20+s25+$0x0] =	vst.idx.add.f32.msk $0xffff, v25  }
0x3ce: {  	[tilespmem:v10+s26+$0x0] =	vst.idx.add.f32.msk $0xffff, v19  }
0x3cf: {  	[tilespmem:v22+s25+$0x0] =	vst.idx.add.f32.msk $0xffff, v27  }
.Ltmp13:
0x3d0: {  	[tilespmem:v11+s26+$0x0] =	vst.idx.add.f32.msk $0xffff, v7;
	(pc) =	sbr.rel @p2 .LBB2_22-.Ltmp13, $4  }
0x3d1: {  	[tilespmem:v12+s25+$0x0] =	vst.idx.add.f32.msk $0xffff, v28  }
0x3d2: {  	[tilespmem:v13+s26+$0x0] =	vst.idx.add.f32.msk $0xffff, v8  }
0x3d3: {  	[tilespmem:v17+s25+$0x0] =	vst.idx.add.f32.msk $0xffff, v29  }
0x3d4: {  	s18 =	sadd.s32 $0x400, s18;
	[tilespmem:v14+s26+$0x0] =	vst.idx.add.f32.msk $0xffff, v16  }
0x3d5: {  	s31 =	sadd.s32 $0x1, s31  }
0x3d6: {  	p2 =	sne.s32 s31, $0x30  }
.Ltmp14:
0x3d7: {  	_ = 	snop;
	(pc) =	sbr.rel @p2 .LBB2_21-.Ltmp14, $2  }
0x3d8: {  	_ =	sdelay $0x2  }
0x3d9: {  	s30 =	sadd.s32 $0x1, s30  }
0x3da: {  	s2 =	sadd.s32 s29, s12  }
0x3db: {  	s2 =	sshrl.u32 s2, $0x3  }
0x3dc: {  	s30 =	simm.s32 $0x0;
	s2 =	sadd.s32 s1, s2  }
0x3dd: {  	[tilespmem:s22], [sflag:$0x1] =	stream.linear.gather [hbm4b:s2+s30], $0x4800, $0x38;
	[tilespmem:$0xE780] =	vst v63  }
0x3de: {  	_ =	swait.ge [sflag:s28], $0x4800  }
0x3df: {  	[sflag:s28] =	ssyncset.done $0x0  }
0x3e0: {  	s31 =	simm.s32 $0x0;
	[sflag:s28] =	ssyncadd.s32 $0xFFFFB800  }
.LBB2_25:
0x3e1: {  	s2 =	sand.u32 $0x7, s30  }
0x3e2: {  	s2 =	sshll.u32 s2, $0x9  }
0x3e3: {  	s2 =	sshrl.u32 s2, $0x2  }
0x3e4: {  	s4 =	sshrl.u32 s31, $0x3;
	v6 =	vmov s2  }
0x3e5: {  	s18 =	smul.u32 $0x3000, s4;
	_ =	sdelay $0x1  }
0x3e6: {  	s2 =	sshra.s32 s18, $0x2  }
0x3e7: {  	s18 =	sor.u32 $0x40, s2  }
0x3e8: {  	v8 =	vld.idx.msk [tilespmem:v6+s18+$0x30 ss:$0x1], $0xffff  }
0x3e9: {  	v9 =	vld.idx.msk [tilespmem:v6+s18+$0xFFFFFFD0 ss:$0x1], $0xffff  }
0x3ea: {  	v10 =	vld.idx.msk [tilespmem:v6+s18+$0xFFFFFFE0 ss:$0x1], $0xffff  }
0x3eb: {  	v11 =	vld.idx.msk [tilespmem:v6+s18+$0xFFFFFFF0 ss:$0x1], $0xffff  }
0x3ec: {  	s2 =	sadd.s32 $0x4800, s2;
	v12 =	vld.idx.msk [tilespmem:v6+s18+$0x0 ss:$0x1], $0xffff  }
0x3ed: {  	v13 =	vld.idx.msk [tilespmem:v6+s2+$0x4870 ss:$0x1], $0xffff  }
0x3ee: {  	v14 =	vld.idx.msk [tilespmem:v6+s18+$0x10 ss:$0x1], $0xffff  }
0x3ef: {  	v15 =	vld.idx.msk [tilespmem:v6+s18+$0x20 ss:$0x1], $0xffff  }
0x3f0: {  	v17 =	vld.idx.msk [tilespmem:v6+s18+$0xFFFFFFC0 ss:$0x1], $0xffff  }
0x3f1: {  	v18 =	vld.idx.msk [tilespmem:v6+s2+$0x4800 ss:$0x1], $0xffff  }
0x3f2: {  	v7 =	vor.u32 $0x500, v0;
	v19 =	vld.idx.msk [tilespmem:v6+s2+$0x4810 ss:$0x1], $0xffff;
	v8 =	vshll.u32 v8, $0x4  }
0x3f3: {  	v20 =	vld.idx.msk [tilespmem:v6+s2+$0x4820 ss:$0x1], $0xffff;
	v16 =	vadd.s32 v7, v8  }
0x3f4: {  	v53 =	vld.idx.msk [tilespmem:v6+s2+$0x4830 ss:$0x1], $0xffff;
	v9 =	vshll.u32 v9, $0x4;
	v8 =	vor.u32 v0, v8  }
0x3f5: {  	v54 =	vld.idx.msk [tilespmem:v6+s2+$0x4840 ss:$0x1], $0xffff;
	v52 =	vshll.u32 v17, $0x4;
	v51 =	vadd.s32 v7, v9  }
0x3f6: {  	v22 =	vld.idx.msk [tilespmem:v6+s2+$0x4850 ss:$0x1], $0xffff;
	v10 =	vshll.u32 v10, $0x4;
	v17 =	vadd.s32 v7, v52  }
0x3f7: {  	v25 =	vld.idx.msk [tilespmem:v6+s2+$0x4860 ss:$0x1], $0xffff;
	v21 =	vmul.f32 v13, v13;
	v11 =	vshll.u32 v11, $0x4;
	v23 =	vadd.s32 v7, v10  }
0x3f8: {  	v55 =	vadd.s32 v7, v11;
	[tilespmem:v16+s25+$0x0] =	vst.idx.add.f32.msk $0xffff, v13  }
0x3f9: {  	v58 =	vshll.u32 v14, $0x4;
	[tilespmem:v8+s26+$0x0] =	vst.idx.add.f32.msk $0xffff, v21;
	v8 =	vor.u32 v0, v9  }
0x3fa: {  	v60 =	vshll.u32 v15, $0x4;
	v14 =	vadd.s32 v7, v58;
	[tilespmem:v51+s25+$0x0] =	vst.idx.add.f32.msk $0xffff, v19  }
0x3fb: {  	v61 =	vadd.s32 v7, v60;
	[tilespmem:v17+s25+$0x0] =	vst.idx.add.f32.msk $0xffff, v18  }
0x3fc: {  	v24 =	vmul.f32 v19, v19;
	[tilespmem:v23+s25+$0x0] =	vst.idx.add.f32.msk $0xffff, v20;
	v9 =	vor.u32 v0, v52  }
0x3fd: {  	v10 =	vor.u32 v0, v10;
	[tilespmem:v55+s25+$0x0] =	vst.idx.add.f32.msk $0xffff, v53  }
0x3fe: {  	v11 =	vor.u32 v0, v11;
	[tilespmem:v8+s26+$0x0] =	vst.idx.add.f32.msk $0xffff, v24;
	v8 =	vshll.u32 v12, $0x4  }
0x3ff: {  	v56 =	vmul.f32 v18, v18;
	[tilespmem:v14+s25+$0x0] =	vst.idx.add.f32.msk $0xffff, v22;
	v12 =	vadd.s32 v7, v8  }
0x400: {  	v57 =	vmul.f32 v20, v20;
	[tilespmem:v61+s25+$0x0] =	vst.idx.add.f32.msk $0xffff, v25;
	v8 =	vor.u32 v0, v8  }
0x401: {  	v59 =	vmul.f32 v53, v53;
	[tilespmem:v9+s26+$0x0] =	vst.idx.add.f32.msk $0xffff, v56;
	v9 =	vor.u32 v0, v58  }
0x402: {  	[tilespmem:v10+s26+$0x0] =	vst.idx.add.f32.msk $0xffff, v57;
	v10 =	vor.u32 v0, v60  }
0x403: {  	v62 =	vmul.f32 v54, v54;
	[tilespmem:v11+s26+$0x0] =	vst.idx.add.f32.msk $0xffff, v59  }
0x404: {  	v63 =	vmul.f32 v22, v22;
	[tilespmem:v12+s25+$0x0] =	vst.idx.add.f32.msk $0xffff, v54  }
0x405: {  	[tilespmem:v8+s26+$0x0] =	vst.idx.add.f32.msk $0xffff, v62;
	v8 =	vmul.f32 v25, v25  }
0x406: {  	[tilespmem:v9+s26+$0x0] =	vst.idx.add.f32.msk $0xffff, v63  }
0x407: {  	s4 =	simm.s32 $0x0;
	s18 =	sadd.s32 $0x400, s18;
	[tilespmem:v10+s26+$0x0] =	vst.idx.add.f32.msk $0xffff, v8  }
.LBB2_26:
0x408: {  	v8 =	vld.idx.msk [tilespmem:v6+s18+$0x30 ss:$0x1], $0xffff  }
0x409: {  	s4 =	sadd.s32 $0x80, s4;
	v9 =	vld.idx.msk [tilespmem:v6+s18+$0xFFFFFFD0 ss:$0x1], $0xffff  }
0x40a: {  	p2 =	slt.u32 s4, $0x100;
	v10 =	vld.idx.msk [tilespmem:v6+s18+$0xFFFFFFE0 ss:$0x1], $0xffff  }
0x40b: {  	v11 =	vld.idx.msk [tilespmem:v6+s18+$0xFFFFFFF0 ss:$0x1], $0xffff  }
0x40c: {  	s2 =	sadd.s32 $0x400, s2;
	v12 =	vld.idx.msk [tilespmem:v6+s18+$0x0 ss:$0x1], $0xffff  }
0x40d: {  	v13 =	vld.idx.msk [tilespmem:v6+s2+$0x4870 ss:$0x1], $0xffff  }
0x40e: {  	v8 =	vshll.u32 v8, $0x4;
	v14 =	vld.idx.msk [tilespmem:v6+s18+$0x10 ss:$0x1], $0xffff  }
0x40f: {  	v9 =	vshll.u32 v9, $0x4;
	v16 =	vadd.s32 v7, v8;
	v15 =	vld.idx.msk [tilespmem:v6+s18+$0x20 ss:$0x1], $0xffff  }
0x410: {  	v8 =	vor.u32 v0, v8;
	v18 =	vadd.s32 v7, v9;
	v10 =	vshll.u32 v10, $0x4;
	v17 =	vld.idx.msk [tilespmem:v6+s18+$0xFFFFFFC0 ss:$0x1], $0xffff  }
0x411: {  	v9 =	vor.u32 v0, v9;
	v20 =	vadd.s32 v7, v10;
	v11 =	vshll.u32 v11, $0x4;
	v19 =	vld.idx.msk [tilespmem:v6+s2+$0x4800 ss:$0x1], $0xffff  }
0x412: {  	v10 =	vor.u32 v0, v10;
	v22 =	vadd.s32 v7, v11;
	v12 =	vshll.u32 v12, $0x4;
	v21 =	vld.idx.msk [tilespmem:v6+s2+$0x4810 ss:$0x1], $0xffff  }
0x413: {  	v11 =	vor.u32 v0, v11;
	v24 =	vadd.s32 v7, v12;
	v25 =	vmul.f32 v13, v13;
	v23 =	vld.idx.msk [tilespmem:v6+s2+$0x4820 ss:$0x1], $0xffff  }
0x414: {  	v12 =	vor.u32 v0, v12;
	v14 =	vshll.u32 v14, $0x4;
	[tilespmem:v16+s25+$0x0] =	vst.idx.add.f32.msk $0xffff, v13  }
0x415: {  	v13 =	vadd.s32 v7, v14;
	v14 =	vor.u32 v0, v14;
	v15 =	vshll.u32 v15, $0x4;
	[tilespmem:v8+s26+$0x0] =	vst.idx.add.f32.msk $0xffff, v25  }
0x416: {  	v8 =	vshll.u32 v17, $0x4;
	v17 =	vadd.s32 v7, v15;
	v15 =	vor.u32 v0, v15;
	v16 =	vld.idx.msk [tilespmem:v6+s2+$0x4830 ss:$0x1], $0xffff  }
0x417: {  	v25 =	vadd.s32 v7, v8;
	v26 =	vmul.f32 v19, v19;
	v8 =	vor.u32 v0, v8;
	v27 =	vld.idx.msk [tilespmem:v6+s2+$0x4840 ss:$0x1], $0xffff  }
0x418: {  	v28 =	vmul.f32 v21, v21;
	v29 =	vld.idx.msk [tilespmem:v6+s2+$0x4850 ss:$0x1], $0xffff  }
0x419: {  	v30 =	vmul.f32 v23, v23;
	v31 =	vld.idx.msk [tilespmem:v6+s2+$0x4860 ss:$0x1], $0xffff  }
0x41a: {  	[tilespmem:v18+s25+$0x0] =	vst.idx.add.f32.msk $0xffff, v21  }
0x41b: {  	[tilespmem:v9+s26+$0x0] =	vst.idx.add.f32.msk $0xffff, v28  }
0x41c: {  	v9 =	vmul.f32 v16, v16;
	[tilespmem:v25+s25+$0x0] =	vst.idx.add.f32.msk $0xffff, v19  }
0x41d: {  	[tilespmem:v8+s26+$0x0] =	vst.idx.add.f32.msk $0xffff, v26;
	v8 =	vmul.f32 v27, v27  }
0x41e: {  	v18 =	vmul.f32 v29, v29;
	[tilespmem:v20+s25+$0x0] =	vst.idx.add.f32.msk $0xffff, v23  }
0x41f: {  	[tilespmem:v10+s26+$0x0] =	vst.idx.add.f32.msk $0xffff, v30;
	v10 =	vmul.f32 v31, v31  }
0x420: {  	[tilespmem:v22+s25+$0x0] =	vst.idx.add.f32.msk $0xffff, v16  }
0x421: {  	[tilespmem:v11+s26+$0x0] =	vst.idx.add.f32.msk $0xffff, v9  }
0x422: {  	[tilespmem:v24+s25+$0x0] =	vst.idx.add.f32.msk $0xffff, v27  }
.Ltmp15:
0x423: {  	[tilespmem:v12+s26+$0x0] =	vst.idx.add.f32.msk $0xffff, v8;
	(pc) =	sbr.rel @p2 .LBB2_26-.Ltmp15, $4  }
0x424: {  	[tilespmem:v13+s25+$0x0] =	vst.idx.add.f32.msk $0xffff, v29  }
0x425: {  	[tilespmem:v14+s26+$0x0] =	vst.idx.add.f32.msk $0xffff, v18  }
0x426: {  	[tilespmem:v17+s25+$0x0] =	vst.idx.add.f32.msk $0xffff, v31  }
0x427: {  	s18 =	sadd.s32 $0x400, s18;
	[tilespmem:v15+s26+$0x0] =	vst.idx.add.f32.msk $0xffff, v10  }
0x428: {  	s31 =	sadd.s32 $0x1, s31  }
0x429: {  	p2 =	sne.s32 s31, $0x30  }
.Ltmp16:
0x42a: {  	_ = 	snop;
	(pc) =	sbr.rel @p2 .LBB2_25-.Ltmp16, $2  }
0x42b: {  	_ =	sdelay $0x2  }
0x42c: {  	s30 =	sadd.s32 $0x1, s30  }
0x42d: {  	s2 =	sadd.s32 s29, s13  }
0x42e: {  	s2 =	sshrl.u32 s2, $0x3  }
0x42f: {  	s30 =	simm.s32 $0x0;
	s2 =	sadd.s32 s1, s2  }
0x430: {  	[tilespmem:s23], [sflag:$0x2] =	stream.linear.gather [hbm4b:s2+s30], $0x4800, $0x38;
	[tilespmem:$0xE780] =	vst v63  }
0x431: {  	_ =	swait.ge [sflag:s24], $0x4800  }
0x432: {  	[sflag:s24] =	ssyncset.done $0x0  }
0x433: {  	s31 =	simm.s32 $0x0;
	[sflag:s24] =	ssyncadd.s32 $0xFFFFB800  }
.LBB2_29:
0x434: {  	s2 =	sshrl.u32 s31, $0x3  }
0x435: {  	s4 =	sand.u32 $0x7, s30;
	s2 =	smul.u32 $0x3000, s2  }
0x436: {  	s4 =	sshll.u32 s4, $0x9  }
0x437: {  	s2 =	sor.u32 s4, s2  }
0x438: {  	s2 =	sshra.s32 s2, $0x2  }
0x439: {  	s18 =	sor.u32 $0x40, s2  }
0x43a: {  	v7 =	vld [tilespmem:s18+$0x30]  }
0x43b: {  	v8 =	vld [tilespmem:s18+$0xFFFFFFD0]  }
0x43c: {  	v9 =	vld [tilespmem:s18+$0xFFFFFFE0]  }
0x43d: {  	v10 =	vld [tilespmem:s18+$0xFFFFFFF0]  }
0x43e: {  	s2 =	sadd.s32 $0x4840, s2;
	v11 =	vld [tilespmem:s18+$0x0]  }
0x43f: {  	v12 =	vld [tilespmem:s2+$0x30]  }
0x440: {  	v13 =	vld [tilespmem:s18+$0x10]  }
0x441: {  	v16 =	vld [tilespmem:s18+$0xFFFFFFC0]  }
0x442: {  	v6 =	vor.u32 $0x600, v0;
	v15 =	vld [tilespmem:s18+$0x20];
	v7 =	vshll.u32 v7, $0x4  }
0x443: {  	v17 =	vld [tilespmem:s2+$0xFFFFFFC0];
	v14 =	vadd.s32 v6, v7  }
0x444: {  	v18 =	vld [tilespmem:s2+$0xFFFFFFD0];
	v7 =	vor.u32 v0, v7  }
0x445: {  	v53 =	vld [tilespmem:s2+$0xFFFFFFE0]  }
0x446: {  	v54 =	vld [tilespmem:s2+$0xFFFFFFF0];
	v52 =	vshll.u32 v16, $0x4  }
0x447: {  	v20 =	vld [tilespmem:s2+$0x0];
	v19 =	vmul.f32 v12, v12;
	v9 =	vshll.u32 v9, $0x4;
	v16 =	vadd.s32 v6, v52  }
0x448: {  	v8 =	vshll.u32 v8, $0x4;
	v22 =	vadd.s32 v6, v9;
	[tilespmem:v14+s25+$0x0] =	vst.idx.add.f32.msk $0xffff, v12  }
0x449: {  	v11 =	vshll.u32 v11, $0x4;
	[tilespmem:v7+s26+$0x0] =	vst.idx.add.f32.msk $0xffff, v19;
	v7 =	vadd.s32 v6, v8  }
0x44a: {  	v21 =	vld [tilespmem:s2+$0x10];
	v57 =	vshll.u32 v13, $0x4;
	v55 =	vadd.s32 v6, v11  }
0x44b: {  	v23 =	vld [tilespmem:s2+$0x20];
	v13 =	vadd.s32 v6, v57  }
0x44c: {  	v9 =	vor.u32 v0, v9;
	[tilespmem:v16+s25+$0x0] =	vst.idx.add.f32.msk $0xffff, v17  }
0x44d: {  	v10 =	vshll.u32 v10, $0x4;
	[tilespmem:v22+s25+$0x0] =	vst.idx.add.f32.msk $0xffff, v53;
	v8 =	vor.u32 v0, v8  }
0x44e: {  	[tilespmem:v7+s25+$0x0] =	vst.idx.add.f32.msk $0xffff, v18;
	v7 =	vadd.s32 v6, v10  }
0x44f: {  	v56 =	vmul.f32 v53, v53;
	v59 =	vor.u32 v0, v57;
	[tilespmem:v55+s25+$0x0] =	vst.idx.add.f32.msk $0xffff, v20  }
0x450: {  	v12 =	vor.u32 v0, v52;
	[tilespmem:v13+s25+$0x0] =	vst.idx.add.f32.msk $0xffff, v21;
	v18 =	vmul.f32 v18, v18  }
0x451: {  	[tilespmem:v9+s26+$0x0] =	vst.idx.add.f32.msk $0xffff, v56;
	v10 =	vor.u32 v0, v10  }
0x452: {  	v60 =	vshll.u32 v15, $0x4;
	v63 =	vmul.f32 v21, v21;
	[tilespmem:v8+s26+$0x0] =	vst.idx.add.f32.msk $0xffff, v18;
	v8 =	vor.u32 v0, v11  }
0x453: {  	v24 =	vmul.f32 v17, v17;
	[tilespmem:v7+s25+$0x0] =	vst.idx.add.f32.msk $0xffff, v54;
	v7 =	vadd.s32 v6, v60  }
0x454: {  	v58 =	vmul.f32 v54, v54;
	v62 =	vor.u32 v0, v60;
	[tilespmem:v59+s26+$0x0] =	vst.idx.add.f32.msk $0xffff, v63  }
0x455: {  	v61 =	vmul.f32 v20, v20;
	[tilespmem:v12+s26+$0x0] =	vst.idx.add.f32.msk $0xffff, v24  }
0x456: {  	[tilespmem:v10+s26+$0x0] =	vst.idx.add.f32.msk $0xffff, v58  }
0x457: {  	[tilespmem:v8+s26+$0x0] =	vst.idx.add.f32.msk $0xffff, v61;
	v8 =	vmul.f32 v23, v23  }
0x458: {  	[tilespmem:v7+s25+$0x0] =	vst.idx.add.f32.msk $0xffff, v23  }
0x459: {  	s4 =	simm.s32 $0x0;
	s18 =	sadd.s32 $0x400, s18;
	[tilespmem:v62+s26+$0x0] =	vst.idx.add.f32.msk $0xffff, v8  }
.LBB2_30:
0x45a: {  	v7 =	vld [tilespmem:s18+$0x30]  }
0x45b: {  	s4 =	sadd.s32 $0x80, s4;
	v8 =	vld [tilespmem:s18+$0xFFFFFFD0]  }
0x45c: {  	p2 =	slt.u32 s4, $0x100;
	v9 =	vld [tilespmem:s18+$0xFFFFFFE0]  }
0x45d: {  	v10 =	vld [tilespmem:s18+$0xFFFFFFF0]  }
0x45e: {  	s2 =	sadd.s32 $0x400, s2;
	v11 =	vld [tilespmem:s18+$0x0]  }
0x45f: {  	v12 =	vld [tilespmem:s2+$0x30];
	v7 =	vshll.u32 v7, $0x4  }
0x460: {  	v8 =	vshll.u32 v8, $0x4;
	v13 =	vld [tilespmem:s18+$0x10];
	v14 =	vadd.s32 v6, v7  }
0x461: {  	v7 =	vor.u32 v0, v7;
	v15 =	vadd.s32 v6, v8;
	v9 =	vshll.u32 v9, $0x4;
	v16 =	vld [tilespmem:s18+$0x20]  }
0x462: {  	v8 =	vor.u32 v0, v8;
	v17 =	vld [tilespmem:s18+$0xFFFFFFC0];
	v18 =	vadd.s32 v6, v9;
	v10 =	vshll.u32 v10, $0x4  }
0x463: {  	v9 =	vor.u32 v0, v9;
	v19 =	vld [tilespmem:s2+$0xFFFFFFC0];
	v20 =	vadd.s32 v6, v10;
	v11 =	vshll.u32 v11, $0x4  }
0x464: {  	v10 =	vor.u32 v0, v10;
	v21 =	vld [tilespmem:s2+$0xFFFFFFD0];
	v22 =	vadd.s32 v6, v11;
	v23 =	vmul.f32 v12, v12  }
0x465: {  	v11 =	vor.u32 v0, v11;
	v13 =	vshll.u32 v13, $0x4;
	[tilespmem:v14+s25+$0x0] =	vst.idx.add.f32.msk $0xffff, v12  }
0x466: {  	v12 =	vadd.s32 v6, v13;
	v13 =	vor.u32 v0, v13;
	v14 =	vshll.u32 v16, $0x4;
	[tilespmem:v7+s26+$0x0] =	vst.idx.add.f32.msk $0xffff, v23  }
0x467: {  	v7 =	vshll.u32 v17, $0x4;
	v16 =	vld [tilespmem:s2+$0xFFFFFFE0];
	v17 =	vadd.s32 v6, v14;
	v14 =	vor.u32 v0, v14  }
0x468: {  	v23 =	vadd.s32 v6, v7;
	v24 =	vmul.f32 v19, v19;
	v7 =	vor.u32 v0, v7;
	v25 =	vld [tilespmem:s2+$0xFFFFFFF0]  }
0x469: {  	v26 =	vmul.f32 v21, v21;
	v27 =	vld [tilespmem:s2+$0x0]  }
0x46a: {  	v28 =	vld [tilespmem:s2+$0x10]  }
0x46b: {  	v29 =	vld [tilespmem:s2+$0x20]  }
0x46c: {  	[tilespmem:v15+s25+$0x0] =	vst.idx.add.f32.msk $0xffff, v21;
	v15 =	vmul.f32 v16, v16  }
0x46d: {  	[tilespmem:v23+s25+$0x0] =	vst.idx.add.f32.msk $0xffff, v19;
	v19 =	vmul.f32 v25, v25  }
0x46e: {  	[tilespmem:v7+s26+$0x0] =	vst.idx.add.f32.msk $0xffff, v24;
	v7 =	vmul.f32 v27, v27  }
0x46f: {  	[tilespmem:v8+s26+$0x0] =	vst.idx.add.f32.msk $0xffff, v26;
	v8 =	vmul.f32 v28, v28  }
0x470: {  	[tilespmem:v18+s25+$0x0] =	vst.idx.add.f32.msk $0xffff, v16;
	v16 =	vmul.f32 v29, v29  }
0x471: {  	[tilespmem:v9+s26+$0x0] =	vst.idx.add.f32.msk $0xffff, v15  }
0x472: {  	[tilespmem:v20+s25+$0x0] =	vst.idx.add.f32.msk $0xffff, v25  }
0x473: {  	[tilespmem:v10+s26+$0x0] =	vst.idx.add.f32.msk $0xffff, v19  }
0x474: {  	[tilespmem:v22+s25+$0x0] =	vst.idx.add.f32.msk $0xffff, v27  }
.Ltmp17:
0x475: {  	[tilespmem:v11+s26+$0x0] =	vst.idx.add.f32.msk $0xffff, v7;
	(pc) =	sbr.rel @p2 .LBB2_30-.Ltmp17, $4  }
0x476: {  	[tilespmem:v12+s25+$0x0] =	vst.idx.add.f32.msk $0xffff, v28  }
0x477: {  	[tilespmem:v13+s26+$0x0] =	vst.idx.add.f32.msk $0xffff, v8  }
0x478: {  	[tilespmem:v17+s25+$0x0] =	vst.idx.add.f32.msk $0xffff, v29  }
0x479: {  	s18 =	sadd.s32 $0x400, s18;
	[tilespmem:v14+s26+$0x0] =	vst.idx.add.f32.msk $0xffff, v16  }
0x47a: {  	s31 =	sadd.s32 $0x1, s31  }
0x47b: {  	p2 =	sne.s32 s31, $0x30  }
.Ltmp18:
0x47c: {  	_ = 	snop;
	(pc) =	sbr.rel @p2 .LBB2_29-.Ltmp18, $2  }
0x47d: {  	_ =	sdelay $0x2  }
0x47e: {  	s30 =	sadd.s32 $0x1, s30  }
0x47f: {  	s2 =	sadd.s32 s29, s14  }
0x480: {  	s2 =	sshrl.u32 s2, $0x3  }
0x481: {  	s30 =	simm.s32 $0x0;
	s2 =	sadd.s32 s1, s2  }
0x482: {  	[tilespmem:s22], [sflag:$0x1] =	stream.linear.gather [hbm4b:s2+s30], $0x4800, $0x38;
	[tilespmem:$0xE780] =	vst v63  }
0x483: {  	_ =	swait.ge [sflag:s28], $0x4800  }
0x484: {  	[sflag:s28] =	ssyncset.done $0x0  }
0x485: {  	s31 =	simm.s32 $0x0;
	[sflag:s28] =	ssyncadd.s32 $0xFFFFB800  }
.LBB2_33:
0x486: {  	s2 =	sand.u32 $0x7, s30  }
0x487: {  	s2 =	sshll.u32 s2, $0x9  }
0x488: {  	s2 =	sshrl.u32 s2, $0x2  }
0x489: {  	s4 =	sshrl.u32 s31, $0x3;
	v6 =	vmov s2  }
0x48a: {  	s18 =	smul.u32 $0x3000, s4;
	_ =	sdelay $0x1  }
0x48b: {  	s2 =	sshra.s32 s18, $0x2  }
0x48c: {  	s18 =	sor.u32 $0x40, s2  }
0x48d: {  	v8 =	vld.idx.msk [tilespmem:v6+s18+$0x30 ss:$0x1], $0xffff  }
0x48e: {  	v9 =	vld.idx.msk [tilespmem:v6+s18+$0xFFFFFFD0 ss:$0x1], $0xffff  }
0x48f: {  	v10 =	vld.idx.msk [tilespmem:v6+s18+$0xFFFFFFE0 ss:$0x1], $0xffff  }
0x490: {  	v11 =	vld.idx.msk [tilespmem:v6+s18+$0xFFFFFFF0 ss:$0x1], $0xffff  }
0x491: {  	s2 =	sadd.s32 $0x4800, s2;
	v12 =	vld.idx.msk [tilespmem:v6+s18+$0x0 ss:$0x1], $0xffff  }
0x492: {  	v13 =	vld.idx.msk [tilespmem:v6+s2+$0x4870 ss:$0x1], $0xffff  }
0x493: {  	v14 =	vld.idx.msk [tilespmem:v6+s18+$0x10 ss:$0x1], $0xffff  }
0x494: {  	v15 =	vld.idx.msk [tilespmem:v6+s18+$0x20 ss:$0x1], $0xffff  }
0x495: {  	v17 =	vld.idx.msk [tilespmem:v6+s18+$0xFFFFFFC0 ss:$0x1], $0xffff  }
0x496: {  	v18 =	vld.idx.msk [tilespmem:v6+s2+$0x4800 ss:$0x1], $0xffff  }
0x497: {  	v7 =	vor.u32 $0x700, v0;
	v19 =	vld.idx.msk [tilespmem:v6+s2+$0x4810 ss:$0x1], $0xffff;
	v8 =	vshll.u32 v8, $0x4  }
0x498: {  	v20 =	vld.idx.msk [tilespmem:v6+s2+$0x4820 ss:$0x1], $0xffff;
	v16 =	vadd.s32 v7, v8  }
0x499: {  	v53 =	vld.idx.msk [tilespmem:v6+s2+$0x4830 ss:$0x1], $0xffff;
	v9 =	vshll.u32 v9, $0x4;
	v8 =	vor.u32 v0, v8  }
0x49a: {  	v54 =	vld.idx.msk [tilespmem:v6+s2+$0x4840 ss:$0x1], $0xffff;
	v52 =	vshll.u32 v17, $0x4;
	v51 =	vadd.s32 v7, v9  }
0x49b: {  	v22 =	vld.idx.msk [tilespmem:v6+s2+$0x4850 ss:$0x1], $0xffff;
	v10 =	vshll.u32 v10, $0x4;
	v17 =	vadd.s32 v7, v52  }
0x49c: {  	v25 =	vld.idx.msk [tilespmem:v6+s2+$0x4860 ss:$0x1], $0xffff;
	v21 =	vmul.f32 v13, v13;
	v11 =	vshll.u32 v11, $0x4;
	v23 =	vadd.s32 v7, v10  }
0x49d: {  	v55 =	vadd.s32 v7, v11;
	[tilespmem:v16+s25+$0x0] =	vst.idx.add.f32.msk $0xffff, v13  }
0x49e: {  	v58 =	vshll.u32 v14, $0x4;
	[tilespmem:v8+s26+$0x0] =	vst.idx.add.f32.msk $0xffff, v21;
	v8 =	vor.u32 v0, v9  }
0x49f: {  	v60 =	vshll.u32 v15, $0x4;
	v14 =	vadd.s32 v7, v58;
	[tilespmem:v51+s25+$0x0] =	vst.idx.add.f32.msk $0xffff, v19  }
0x4a0: {  	v61 =	vadd.s32 v7, v60;
	[tilespmem:v17+s25+$0x0] =	vst.idx.add.f32.msk $0xffff, v18  }
0x4a1: {  	v24 =	vmul.f32 v19, v19;
	[tilespmem:v23+s25+$0x0] =	vst.idx.add.f32.msk $0xffff, v20;
	v9 =	vor.u32 v0, v52  }
0x4a2: {  	v10 =	vor.u32 v0, v10;
	[tilespmem:v55+s25+$0x0] =	vst.idx.add.f32.msk $0xffff, v53  }
0x4a3: {  	v11 =	vor.u32 v0, v11;
	[tilespmem:v8+s26+$0x0] =	vst.idx.add.f32.msk $0xffff, v24;
	v8 =	vshll.u32 v12, $0x4  }
0x4a4: {  	v56 =	vmul.f32 v18, v18;
	[tilespmem:v14+s25+$0x0] =	vst.idx.add.f32.msk $0xffff, v22;
	v12 =	vadd.s32 v7, v8  }
0x4a5: {  	v57 =	vmul.f32 v20, v20;
	[tilespmem:v61+s25+$0x0] =	vst.idx.add.f32.msk $0xffff, v25;
	v8 =	vor.u32 v0, v8  }
0x4a6: {  	v59 =	vmul.f32 v53, v53;
	[tilespmem:v9+s26+$0x0] =	vst.idx.add.f32.msk $0xffff, v56;
	v9 =	vor.u32 v0, v58  }
0x4a7: {  	[tilespmem:v10+s26+$0x0] =	vst.idx.add.f32.msk $0xffff, v57;
	v10 =	vor.u32 v0, v60  }
0x4a8: {  	v62 =	vmul.f32 v54, v54;
	[tilespmem:v11+s26+$0x0] =	vst.idx.add.f32.msk $0xffff, v59  }
0x4a9: {  	v63 =	vmul.f32 v22, v22;
	[tilespmem:v12+s25+$0x0] =	vst.idx.add.f32.msk $0xffff, v54  }
0x4aa: {  	[tilespmem:v8+s26+$0x0] =	vst.idx.add.f32.msk $0xffff, v62;
	v8 =	vmul.f32 v25, v25  }
0x4ab: {  	[tilespmem:v9+s26+$0x0] =	vst.idx.add.f32.msk $0xffff, v63  }
0x4ac: {  	s4 =	simm.s32 $0x0;
	s18 =	sadd.s32 $0x400, s18;
	[tilespmem:v10+s26+$0x0] =	vst.idx.add.f32.msk $0xffff, v8  }
.LBB2_34:
0x4ad: {  	v8 =	vld.idx.msk [tilespmem:v6+s18+$0x30 ss:$0x1], $0xffff  }
0x4ae: {  	s4 =	sadd.s32 $0x80, s4;
	v9 =	vld.idx.msk [tilespmem:v6+s18+$0xFFFFFFD0 ss:$0x1], $0xffff  }
0x4af: {  	p2 =	slt.u32 s4, $0x100;
	v10 =	vld.idx.msk [tilespmem:v6+s18+$0xFFFFFFE0 ss:$0x1], $0xffff  }
0x4b0: {  	v11 =	vld.idx.msk [tilespmem:v6+s18+$0xFFFFFFF0 ss:$0x1], $0xffff  }
0x4b1: {  	s2 =	sadd.s32 $0x400, s2;
	v12 =	vld.idx.msk [tilespmem:v6+s18+$0x0 ss:$0x1], $0xffff  }
0x4b2: {  	v13 =	vld.idx.msk [tilespmem:v6+s2+$0x4870 ss:$0x1], $0xffff  }
0x4b3: {  	v8 =	vshll.u32 v8, $0x4;
	v14 =	vld.idx.msk [tilespmem:v6+s18+$0x10 ss:$0x1], $0xffff  }
0x4b4: {  	v9 =	vshll.u32 v9, $0x4;
	v16 =	vadd.s32 v7, v8;
	v15 =	vld.idx.msk [tilespmem:v6+s18+$0x20 ss:$0x1], $0xffff  }
0x4b5: {  	v8 =	vor.u32 v0, v8;
	v18 =	vadd.s32 v7, v9;
	v10 =	vshll.u32 v10, $0x4;
	v17 =	vld.idx.msk [tilespmem:v6+s18+$0xFFFFFFC0 ss:$0x1], $0xffff  }
0x4b6: {  	v9 =	vor.u32 v0, v9;
	v20 =	vadd.s32 v7, v10;
	v11 =	vshll.u32 v11, $0x4;
	v19 =	vld.idx.msk [tilespmem:v6+s2+$0x4800 ss:$0x1], $0xffff  }
0x4b7: {  	v10 =	vor.u32 v0, v10;
	v22 =	vadd.s32 v7, v11;
	v12 =	vshll.u32 v12, $0x4;
	v21 =	vld.idx.msk [tilespmem:v6+s2+$0x4810 ss:$0x1], $0xffff  }
0x4b8: {  	v11 =	vor.u32 v0, v11;
	v24 =	vadd.s32 v7, v12;
	v25 =	vmul.f32 v13, v13;
	v23 =	vld.idx.msk [tilespmem:v6+s2+$0x4820 ss:$0x1], $0xffff  }
0x4b9: {  	v12 =	vor.u32 v0, v12;
	v14 =	vshll.u32 v14, $0x4;
	[tilespmem:v16+s25+$0x0] =	vst.idx.add.f32.msk $0xffff, v13  }
0x4ba: {  	v13 =	vadd.s32 v7, v14;
	v14 =	vor.u32 v0, v14;
	v15 =	vshll.u32 v15, $0x4;
	[tilespmem:v8+s26+$0x0] =	vst.idx.add.f32.msk $0xffff, v25  }
0x4bb: {  	v8 =	vshll.u32 v17, $0x4;
	v17 =	vadd.s32 v7, v15;
	v15 =	vor.u32 v0, v15;
	v16 =	vld.idx.msk [tilespmem:v6+s2+$0x4830 ss:$0x1], $0xffff  }
0x4bc: {  	v25 =	vadd.s32 v7, v8;
	v26 =	vmul.f32 v19, v19;
	v8 =	vor.u32 v0, v8;
	v27 =	vld.idx.msk [tilespmem:v6+s2+$0x4840 ss:$0x1], $0xffff  }
0x4bd: {  	v28 =	vmul.f32 v21, v21;
	v29 =	vld.idx.msk [tilespmem:v6+s2+$0x4850 ss:$0x1], $0xffff  }
0x4be: {  	v30 =	vmul.f32 v23, v23;
	v31 =	vld.idx.msk [tilespmem:v6+s2+$0x4860 ss:$0x1], $0xffff  }
0x4bf: {  	[tilespmem:v18+s25+$0x0] =	vst.idx.add.f32.msk $0xffff, v21  }
0x4c0: {  	[tilespmem:v9+s26+$0x0] =	vst.idx.add.f32.msk $0xffff, v28  }
0x4c1: {  	v9 =	vmul.f32 v16, v16;
	[tilespmem:v25+s25+$0x0] =	vst.idx.add.f32.msk $0xffff, v19  }
0x4c2: {  	[tilespmem:v8+s26+$0x0] =	vst.idx.add.f32.msk $0xffff, v26;
	v8 =	vmul.f32 v27, v27  }
0x4c3: {  	v18 =	vmul.f32 v29, v29;
	[tilespmem:v20+s25+$0x0] =	vst.idx.add.f32.msk $0xffff, v23  }
0x4c4: {  	[tilespmem:v10+s26+$0x0] =	vst.idx.add.f32.msk $0xffff, v30;
	v10 =	vmul.f32 v31, v31  }
0x4c5: {  	[tilespmem:v22+s25+$0x0] =	vst.idx.add.f32.msk $0xffff, v16  }
0x4c6: {  	[tilespmem:v11+s26+$0x0] =	vst.idx.add.f32.msk $0xffff, v9  }
0x4c7: {  	[tilespmem:v24+s25+$0x0] =	vst.idx.add.f32.msk $0xffff, v27  }
.Ltmp19:
0x4c8: {  	[tilespmem:v12+s26+$0x0] =	vst.idx.add.f32.msk $0xffff, v8;
	(pc) =	sbr.rel @p2 .LBB2_34-.Ltmp19, $4  }
0x4c9: {  	[tilespmem:v13+s25+$0x0] =	vst.idx.add.f32.msk $0xffff, v29  }
0x4ca: {  	[tilespmem:v14+s26+$0x0] =	vst.idx.add.f32.msk $0xffff, v18  }
0x4cb: {  	[tilespmem:v17+s25+$0x0] =	vst.idx.add.f32.msk $0xffff, v31  }
0x4cc: {  	s18 =	sadd.s32 $0x400, s18;
	[tilespmem:v15+s26+$0x0] =	vst.idx.add.f32.msk $0xffff, v10  }
0x4cd: {  	s31 =	sadd.s32 $0x1, s31  }
0x4ce: {  	p2 =	sne.s32 s31, $0x30  }
.Ltmp20:
0x4cf: {  	_ = 	snop;
	(pc) =	sbr.rel @p2 .LBB2_33-.Ltmp20, $2  }
0x4d0: {  	_ =	sdelay $0x2  }
0x4d1: {  	s30 =	sadd.s32 $0x1, s30  }
0x4d2: {  	s2 =	sadd.s32 s29, s15  }
0x4d3: {  	s2 =	sshrl.u32 s2, $0x3  }
0x4d4: {  	s30 =	simm.s32 $0x0;
	s2 =	sadd.s32 s1, s2  }
0x4d5: {  	[tilespmem:s23], [sflag:$0x2] =	stream.linear.gather [hbm4b:s2+s30], $0x4800, $0x38;
	[tilespmem:$0xE780] =	vst v63  }
0x4d6: {  	_ =	swait.ge [sflag:s24], $0x4800  }
0x4d7: {  	[sflag:s24] =	ssyncset.done $0x0  }
0x4d8: {  	s31 =	simm.s32 $0x0;
	[sflag:s24] =	ssyncadd.s32 $0xFFFFB800  }
.LBB2_37:
0x4d9: {  	s2 =	sshrl.u32 s31, $0x3  }
0x4da: {  	s4 =	sand.u32 $0x7, s30;
	s2 =	smul.u32 $0x3000, s2  }
0x4db: {  	s4 =	sshll.u32 s4, $0x9  }
0x4dc: {  	s2 =	sor.u32 s4, s2  }
0x4dd: {  	s2 =	sshra.s32 s2, $0x2  }
0x4de: {  	s18 =	sor.u32 $0x40, s2  }
0x4df: {  	v7 =	vld [tilespmem:s18+$0x30]  }
0x4e0: {  	v8 =	vld [tilespmem:s18+$0xFFFFFFD0]  }
0x4e1: {  	v9 =	vld [tilespmem:s18+$0xFFFFFFE0]  }
0x4e2: {  	v10 =	vld [tilespmem:s18+$0xFFFFFFF0]  }
0x4e3: {  	s2 =	sadd.s32 $0x4840, s2;
	v11 =	vld [tilespmem:s18+$0x0]  }
0x4e4: {  	v12 =	vld [tilespmem:s2+$0x30]  }
0x4e5: {  	v13 =	vld [tilespmem:s18+$0x10]  }
0x4e6: {  	v16 =	vld [tilespmem:s18+$0xFFFFFFC0]  }
0x4e7: {  	v6 =	vor.u32 $0x800, v0;
	v15 =	vld [tilespmem:s18+$0x20];
	v7 =	vshll.u32 v7, $0x4  }
0x4e8: {  	v17 =	vld [tilespmem:s2+$0xFFFFFFC0];
	v14 =	vadd.s32 v6, v7  }
0x4e9: {  	v18 =	vld [tilespmem:s2+$0xFFFFFFD0];
	v7 =	vor.u32 v0, v7  }
0x4ea: {  	v53 =	vld [tilespmem:s2+$0xFFFFFFE0]  }
0x4eb: {  	v54 =	vld [tilespmem:s2+$0xFFFFFFF0];
	v52 =	vshll.u32 v16, $0x4  }
0x4ec: {  	v20 =	vld [tilespmem:s2+$0x0];
	v19 =	vmul.f32 v12, v12;
	v9 =	vshll.u32 v9, $0x4;
	v16 =	vadd.s32 v6, v52  }
0x4ed: {  	v8 =	vshll.u32 v8, $0x4;
	v22 =	vadd.s32 v6, v9;
	[tilespmem:v14+s25+$0x0] =	vst.idx.add.f32.msk $0xffff, v12  }
0x4ee: {  	v11 =	vshll.u32 v11, $0x4;
	[tilespmem:v7+s26+$0x0] =	vst.idx.add.f32.msk $0xffff, v19;
	v7 =	vadd.s32 v6, v8  }
0x4ef: {  	v21 =	vld [tilespmem:s2+$0x10];
	v57 =	vshll.u32 v13, $0x4;
	v55 =	vadd.s32 v6, v11  }
0x4f0: {  	v23 =	vld [tilespmem:s2+$0x20];
	v13 =	vadd.s32 v6, v57  }
0x4f1: {  	v9 =	vor.u32 v0, v9;
	[tilespmem:v16+s25+$0x0] =	vst.idx.add.f32.msk $0xffff, v17  }
0x4f2: {  	v10 =	vshll.u32 v10, $0x4;
	[tilespmem:v22+s25+$0x0] =	vst.idx.add.f32.msk $0xffff, v53;
	v8 =	vor.u32 v0, v8  }
0x4f3: {  	[tilespmem:v7+s25+$0x0] =	vst.idx.add.f32.msk $0xffff, v18;
	v7 =	vadd.s32 v6, v10  }
0x4f4: {  	v56 =	vmul.f32 v53, v53;
	v59 =	vor.u32 v0, v57;
	[tilespmem:v55+s25+$0x0] =	vst.idx.add.f32.msk $0xffff, v20  }
0x4f5: {  	v12 =	vor.u32 v0, v52;
	[tilespmem:v13+s25+$0x0] =	vst.idx.add.f32.msk $0xffff, v21;
	v18 =	vmul.f32 v18, v18  }
0x4f6: {  	[tilespmem:v9+s26+$0x0] =	vst.idx.add.f32.msk $0xffff, v56;
	v10 =	vor.u32 v0, v10  }
0x4f7: {  	v60 =	vshll.u32 v15, $0x4;
	v63 =	vmul.f32 v21, v21;
	[tilespmem:v8+s26+$0x0] =	vst.idx.add.f32.msk $0xffff, v18;
	v8 =	vor.u32 v0, v11  }
0x4f8: {  	v24 =	vmul.f32 v17, v17;
	[tilespmem:v7+s25+$0x0] =	vst.idx.add.f32.msk $0xffff, v54;
	v7 =	vadd.s32 v6, v60  }
0x4f9: {  	v58 =	vmul.f32 v54, v54;
	v62 =	vor.u32 v0, v60;
	[tilespmem:v59+s26+$0x0] =	vst.idx.add.f32.msk $0xffff, v63  }
0x4fa: {  	v61 =	vmul.f32 v20, v20;
	[tilespmem:v12+s26+$0x0] =	vst.idx.add.f32.msk $0xffff, v24  }
0x4fb: {  	[tilespmem:v10+s26+$0x0] =	vst.idx.add.f32.msk $0xffff, v58  }
0x4fc: {  	[tilespmem:v8+s26+$0x0] =	vst.idx.add.f32.msk $0xffff, v61;
	v8 =	vmul.f32 v23, v23  }
0x4fd: {  	[tilespmem:v7+s25+$0x0] =	vst.idx.add.f32.msk $0xffff, v23  }
0x4fe: {  	s4 =	simm.s32 $0x0;
	s18 =	sadd.s32 $0x400, s18;
	[tilespmem:v62+s26+$0x0] =	vst.idx.add.f32.msk $0xffff, v8  }
.LBB2_38:
0x4ff: {  	v7 =	vld [tilespmem:s18+$0x30]  }
0x500: {  	s4 =	sadd.s32 $0x80, s4;
	v8 =	vld [tilespmem:s18+$0xFFFFFFD0]  }
0x501: {  	p2 =	slt.u32 s4, $0x100;
	v9 =	vld [tilespmem:s18+$0xFFFFFFE0]  }
0x502: {  	v10 =	vld [tilespmem:s18+$0xFFFFFFF0]  }
0x503: {  	s2 =	sadd.s32 $0x400, s2;
	v11 =	vld [tilespmem:s18+$0x0]  }
0x504: {  	v12 =	vld [tilespmem:s2+$0x30];
	v7 =	vshll.u32 v7, $0x4  }
0x505: {  	v8 =	vshll.u32 v8, $0x4;
	v13 =	vld [tilespmem:s18+$0x10];
	v14 =	vadd.s32 v6, v7  }
0x506: {  	v7 =	vor.u32 v0, v7;
	v15 =	vadd.s32 v6, v8;
	v9 =	vshll.u32 v9, $0x4;
	v16 =	vld [tilespmem:s18+$0x20]  }
0x507: {  	v8 =	vor.u32 v0, v8;
	v17 =	vld [tilespmem:s18+$0xFFFFFFC0];
	v18 =	vadd.s32 v6, v9;
	v10 =	vshll.u32 v10, $0x4  }
0x508: {  	v9 =	vor.u32 v0, v9;
	v19 =	vld [tilespmem:s2+$0xFFFFFFC0];
	v20 =	vadd.s32 v6, v10;
	v11 =	vshll.u32 v11, $0x4  }
0x509: {  	v10 =	vor.u32 v0, v10;
	v21 =	vld [tilespmem:s2+$0xFFFFFFD0];
	v22 =	vadd.s32 v6, v11;
	v23 =	vmul.f32 v12, v12  }
0x50a: {  	v11 =	vor.u32 v0, v11;
	v13 =	vshll.u32 v13, $0x4;
	[tilespmem:v14+s25+$0x0] =	vst.idx.add.f32.msk $0xffff, v12  }
0x50b: {  	v12 =	vadd.s32 v6, v13;
	v13 =	vor.u32 v0, v13;
	v14 =	vshll.u32 v16, $0x4;
	[tilespmem:v7+s26+$0x0] =	vst.idx.add.f32.msk $0xffff, v23  }
0x50c: {  	v7 =	vshll.u32 v17, $0x4;
	v16 =	vld [tilespmem:s2+$0xFFFFFFE0];
	v17 =	vadd.s32 v6, v14;
	v14 =	vor.u32 v0, v14  }
0x50d: {  	v23 =	vadd.s32 v6, v7;
	v24 =	vmul.f32 v19, v19;
	v7 =	vor.u32 v0, v7;
	v25 =	vld [tilespmem:s2+$0xFFFFFFF0]  }
0x50e: {  	v26 =	vmul.f32 v21, v21;
	v27 =	vld [tilespmem:s2+$0x0]  }
0x50f: {  	v28 =	vld [tilespmem:s2+$0x10]  }
0x510: {  	v29 =	vld [tilespmem:s2+$0x20]  }
0x511: {  	[tilespmem:v15+s25+$0x0] =	vst.idx.add.f32.msk $0xffff, v21;
	v15 =	vmul.f32 v16, v16  }
0x512: {  	[tilespmem:v23+s25+$0x0] =	vst.idx.add.f32.msk $0xffff, v19;
	v19 =	vmul.f32 v25, v25  }
0x513: {  	[tilespmem:v7+s26+$0x0] =	vst.idx.add.f32.msk $0xffff, v24;
	v7 =	vmul.f32 v27, v27  }
0x514: {  	[tilespmem:v8+s26+$0x0] =	vst.idx.add.f32.msk $0xffff, v26;
	v8 =	vmul.f32 v28, v28  }
0x515: {  	[tilespmem:v18+s25+$0x0] =	vst.idx.add.f32.msk $0xffff, v16;
	v16 =	vmul.f32 v29, v29  }
0x516: {  	[tilespmem:v9+s26+$0x0] =	vst.idx.add.f32.msk $0xffff, v15  }
0x517: {  	[tilespmem:v20+s25+$0x0] =	vst.idx.add.f32.msk $0xffff, v25  }
0x518: {  	[tilespmem:v10+s26+$0x0] =	vst.idx.add.f32.msk $0xffff, v19  }
0x519: {  	[tilespmem:v22+s25+$0x0] =	vst.idx.add.f32.msk $0xffff, v27  }
.Ltmp21:
0x51a: {  	[tilespmem:v11+s26+$0x0] =	vst.idx.add.f32.msk $0xffff, v7;
	(pc) =	sbr.rel @p2 .LBB2_38-.Ltmp21, $4  }
0x51b: {  	[tilespmem:v12+s25+$0x0] =	vst.idx.add.f32.msk $0xffff, v28  }
0x51c: {  	[tilespmem:v13+s26+$0x0] =	vst.idx.add.f32.msk $0xffff, v8  }
0x51d: {  	[tilespmem:v17+s25+$0x0] =	vst.idx.add.f32.msk $0xffff, v29  }
0x51e: {  	s18 =	sadd.s32 $0x400, s18;
	[tilespmem:v14+s26+$0x0] =	vst.idx.add.f32.msk $0xffff, v16  }
0x51f: {  	s31 =	sadd.s32 $0x1, s31  }
0x520: {  	p2 =	sne.s32 s31, $0x30  }
.Ltmp22:
0x521: {  	_ = 	snop;
	(pc) =	sbr.rel @p2 .LBB2_37-.Ltmp22, $2  }
0x522: {  	_ =	sdelay $0x2  }
0x523: {  	s30 =	sadd.s32 $0x1, s30  }
0x524: {  	s2 =	sadd.s32 s29, s16  }
0x525: {  	s2 =	sshrl.u32 s2, $0x3  }
0x526: {  	s30 =	simm.s32 $0x0;
	s2 =	sadd.s32 s1, s2  }
0x527: {  	[tilespmem:s22], [sflag:$0x1] =	stream.linear.gather [hbm4b:s2+s30], $0x4800, $0x38;
	[tilespmem:$0xE780] =	vst v63  }
0x528: {  	_ =	swait.ge [sflag:s28], $0x4800  }
0x529: {  	[sflag:s28] =	ssyncset.done $0x0  }
0x52a: {  	s31 =	simm.s32 $0x0;
	[sflag:s28] =	ssyncadd.s32 $0xFFFFB800  }
.LBB2_41:
0x52b: {  	s2 =	sand.u32 $0x7, s30  }
0x52c: {  	s2 =	sshll.u32 s2, $0x9  }
0x52d: {  	s2 =	sshrl.u32 s2, $0x2  }
0x52e: {  	s4 =	sshrl.u32 s31, $0x3;
	v6 =	vmov s2  }
0x52f: {  	s18 =	smul.u32 $0x3000, s4;
	_ =	sdelay $0x1  }
0x530: {  	s2 =	sshra.s32 s18, $0x2  }
0x531: {  	s18 =	sor.u32 $0x40, s2  }
0x532: {  	v8 =	vld.idx.msk [tilespmem:v6+s18+$0x30 ss:$0x1], $0xffff  }
0x533: {  	v9 =	vld.idx.msk [tilespmem:v6+s18+$0xFFFFFFD0 ss:$0x1], $0xffff  }
0x534: {  	v10 =	vld.idx.msk [tilespmem:v6+s18+$0xFFFFFFE0 ss:$0x1], $0xffff  }
0x535: {  	v11 =	vld.idx.msk [tilespmem:v6+s18+$0xFFFFFFF0 ss:$0x1], $0xffff  }
0x536: {  	s2 =	sadd.s32 $0x4800, s2;
	v12 =	vld.idx.msk [tilespmem:v6+s18+$0x0 ss:$0x1], $0xffff  }
0x537: {  	v13 =	vld.idx.msk [tilespmem:v6+s2+$0x4870 ss:$0x1], $0xffff  }
0x538: {  	v14 =	vld.idx.msk [tilespmem:v6+s18+$0x10 ss:$0x1], $0xffff  }
0x539: {  	v15 =	vld.idx.msk [tilespmem:v6+s18+$0x20 ss:$0x1], $0xffff  }
0x53a: {  	v17 =	vld.idx.msk [tilespmem:v6+s18+$0xFFFFFFC0 ss:$0x1], $0xffff  }
0x53b: {  	v18 =	vld.idx.msk [tilespmem:v6+s2+$0x4800 ss:$0x1], $0xffff  }
0x53c: {  	v7 =	vor.u32 $0x900, v0;
	v19 =	vld.idx.msk [tilespmem:v6+s2+$0x4810 ss:$0x1], $0xffff;
	v8 =	vshll.u32 v8, $0x4  }
0x53d: {  	v20 =	vld.idx.msk [tilespmem:v6+s2+$0x4820 ss:$0x1], $0xffff;
	v16 =	vadd.s32 v7, v8  }
0x53e: {  	v53 =	vld.idx.msk [tilespmem:v6+s2+$0x4830 ss:$0x1], $0xffff;
	v9 =	vshll.u32 v9, $0x4;
	v8 =	vor.u32 v0, v8  }
0x53f: {  	v54 =	vld.idx.msk [tilespmem:v6+s2+$0x4840 ss:$0x1], $0xffff;
	v52 =	vshll.u32 v17, $0x4;
	v51 =	vadd.s32 v7, v9  }
0x540: {  	v22 =	vld.idx.msk [tilespmem:v6+s2+$0x4850 ss:$0x1], $0xffff;
	v10 =	vshll.u32 v10, $0x4;
	v17 =	vadd.s32 v7, v52  }
0x541: {  	v25 =	vld.idx.msk [tilespmem:v6+s2+$0x4860 ss:$0x1], $0xffff;
	v21 =	vmul.f32 v13, v13;
	v11 =	vshll.u32 v11, $0x4;
	v23 =	vadd.s32 v7, v10  }
0x542: {  	v55 =	vadd.s32 v7, v11;
	[tilespmem:v16+s25+$0x0] =	vst.idx.add.f32.msk $0xffff, v13  }
0x543: {  	v58 =	vshll.u32 v14, $0x4;
	[tilespmem:v8+s26+$0x0] =	vst.idx.add.f32.msk $0xffff, v21;
	v8 =	vor.u32 v0, v9  }
0x544: {  	v60 =	vshll.u32 v15, $0x4;
	v14 =	vadd.s32 v7, v58;
	[tilespmem:v51+s25+$0x0] =	vst.idx.add.f32.msk $0xffff, v19  }
0x545: {  	v61 =	vadd.s32 v7, v60;
	[tilespmem:v17+s25+$0x0] =	vst.idx.add.f32.msk $0xffff, v18  }
0x546: {  	v24 =	vmul.f32 v19, v19;
	[tilespmem:v23+s25+$0x0] =	vst.idx.add.f32.msk $0xffff, v20;
	v9 =	vor.u32 v0, v52  }
0x547: {  	v10 =	vor.u32 v0, v10;
	[tilespmem:v55+s25+$0x0] =	vst.idx.add.f32.msk $0xffff, v53  }
0x548: {  	v11 =	vor.u32 v0, v11;
	[tilespmem:v8+s26+$0x0] =	vst.idx.add.f32.msk $0xffff, v24;
	v8 =	vshll.u32 v12, $0x4  }
0x549: {  	v56 =	vmul.f32 v18, v18;
	[tilespmem:v14+s25+$0x0] =	vst.idx.add.f32.msk $0xffff, v22;
	v12 =	vadd.s32 v7, v8  }
0x54a: {  	v57 =	vmul.f32 v20, v20;
	[tilespmem:v61+s25+$0x0] =	vst.idx.add.f32.msk $0xffff, v25;
	v8 =	vor.u32 v0, v8  }
0x54b: {  	v59 =	vmul.f32 v53, v53;
	[tilespmem:v9+s26+$0x0] =	vst.idx.add.f32.msk $0xffff, v56;
	v9 =	vor.u32 v0, v58  }
0x54c: {  	[tilespmem:v10+s26+$0x0] =	vst.idx.add.f32.msk $0xffff, v57;
	v10 =	vor.u32 v0, v60  }
0x54d: {  	v62 =	vmul.f32 v54, v54;
	[tilespmem:v11+s26+$0x0] =	vst.idx.add.f32.msk $0xffff, v59  }
0x54e: {  	v63 =	vmul.f32 v22, v22;
	[tilespmem:v12+s25+$0x0] =	vst.idx.add.f32.msk $0xffff, v54  }
0x54f: {  	[tilespmem:v8+s26+$0x0] =	vst.idx.add.f32.msk $0xffff, v62;
	v8 =	vmul.f32 v25, v25  }
0x550: {  	[tilespmem:v9+s26+$0x0] =	vst.idx.add.f32.msk $0xffff, v63  }
0x551: {  	s4 =	simm.s32 $0x0;
	s18 =	sadd.s32 $0x400, s18;
	[tilespmem:v10+s26+$0x0] =	vst.idx.add.f32.msk $0xffff, v8  }
.LBB2_42:
0x552: {  	v8 =	vld.idx.msk [tilespmem:v6+s18+$0x30 ss:$0x1], $0xffff  }
0x553: {  	s4 =	sadd.s32 $0x80, s4;
	v9 =	vld.idx.msk [tilespmem:v6+s18+$0xFFFFFFD0 ss:$0x1], $0xffff  }
0x554: {  	p2 =	slt.u32 s4, $0x100;
	v10 =	vld.idx.msk [tilespmem:v6+s18+$0xFFFFFFE0 ss:$0x1], $0xffff  }
0x555: {  	v11 =	vld.idx.msk [tilespmem:v6+s18+$0xFFFFFFF0 ss:$0x1], $0xffff  }
0x556: {  	s2 =	sadd.s32 $0x400, s2;
	v12 =	vld.idx.msk [tilespmem:v6+s18+$0x0 ss:$0x1], $0xffff  }
0x557: {  	v13 =	vld.idx.msk [tilespmem:v6+s2+$0x4870 ss:$0x1], $0xffff  }
0x558: {  	v8 =	vshll.u32 v8, $0x4;
	v14 =	vld.idx.msk [tilespmem:v6+s18+$0x10 ss:$0x1], $0xffff  }
0x559: {  	v9 =	vshll.u32 v9, $0x4;
	v16 =	vadd.s32 v7, v8;
	v15 =	vld.idx.msk [tilespmem:v6+s18+$0x20 ss:$0x1], $0xffff  }
0x55a: {  	v8 =	vor.u32 v0, v8;
	v18 =	vadd.s32 v7, v9;
	v10 =	vshll.u32 v10, $0x4;
	v17 =	vld.idx.msk [tilespmem:v6+s18+$0xFFFFFFC0 ss:$0x1], $0xffff  }
0x55b: {  	v9 =	vor.u32 v0, v9;
	v20 =	vadd.s32 v7, v10;
	v11 =	vshll.u32 v11, $0x4;
	v19 =	vld.idx.msk [tilespmem:v6+s2+$0x4800 ss:$0x1], $0xffff  }
0x55c: {  	v10 =	vor.u32 v0, v10;
	v22 =	vadd.s32 v7, v11;
	v12 =	vshll.u32 v12, $0x4;
	v21 =	vld.idx.msk [tilespmem:v6+s2+$0x4810 ss:$0x1], $0xffff  }
0x55d: {  	v11 =	vor.u32 v0, v11;
	v24 =	vadd.s32 v7, v12;
	v25 =	vmul.f32 v13, v13;
	v23 =	vld.idx.msk [tilespmem:v6+s2+$0x4820 ss:$0x1], $0xffff  }
0x55e: {  	v12 =	vor.u32 v0, v12;
	v14 =	vshll.u32 v14, $0x4;
	[tilespmem:v16+s25+$0x0] =	vst.idx.add.f32.msk $0xffff, v13  }
0x55f: {  	v13 =	vadd.s32 v7, v14;
	v14 =	vor.u32 v0, v14;
	v15 =	vshll.u32 v15, $0x4;
	[tilespmem:v8+s26+$0x0] =	vst.idx.add.f32.msk $0xffff, v25  }
0x560: {  	v8 =	vshll.u32 v17, $0x4;
	v17 =	vadd.s32 v7, v15;
	v15 =	vor.u32 v0, v15;
	v16 =	vld.idx.msk [tilespmem:v6+s2+$0x4830 ss:$0x1], $0xffff  }
0x561: {  	v25 =	vadd.s32 v7, v8;
	v26 =	vmul.f32 v19, v19;
	v8 =	vor.u32 v0, v8;
	v27 =	vld.idx.msk [tilespmem:v6+s2+$0x4840 ss:$0x1], $0xffff  }
0x562: {  	v28 =	vmul.f32 v21, v21;
	v29 =	vld.idx.msk [tilespmem:v6+s2+$0x4850 ss:$0x1], $0xffff  }
0x563: {  	v30 =	vmul.f32 v23, v23;
	v31 =	vld.idx.msk [tilespmem:v6+s2+$0x4860 ss:$0x1], $0xffff  }
0x564: {  	[tilespmem:v18+s25+$0x0] =	vst.idx.add.f32.msk $0xffff, v21  }
0x565: {  	[tilespmem:v9+s26+$0x0] =	vst.idx.add.f32.msk $0xffff, v28  }
0x566: {  	v9 =	vmul.f32 v16, v16;
	[tilespmem:v25+s25+$0x0] =	vst.idx.add.f32.msk $0xffff, v19  }
0x567: {  	[tilespmem:v8+s26+$0x0] =	vst.idx.add.f32.msk $0xffff, v26;
	v8 =	vmul.f32 v27, v27  }
0x568: {  	v18 =	vmul.f32 v29, v29;
	[tilespmem:v20+s25+$0x0] =	vst.idx.add.f32.msk $0xffff, v23  }
0x569: {  	[tilespmem:v10+s26+$0x0] =	vst.idx.add.f32.msk $0xffff, v30;
	v10 =	vmul.f32 v31, v31  }
0x56a: {  	[tilespmem:v22+s25+$0x0] =	vst.idx.add.f32.msk $0xffff, v16  }
0x56b: {  	[tilespmem:v11+s26+$0x0] =	vst.idx.add.f32.msk $0xffff, v9  }
0x56c: {  	[tilespmem:v24+s25+$0x0] =	vst.idx.add.f32.msk $0xffff, v27  }
.Ltmp23:
0x56d: {  	[tilespmem:v12+s26+$0x0] =	vst.idx.add.f32.msk $0xffff, v8;
	(pc) =	sbr.rel @p2 .LBB2_42-.Ltmp23, $4  }
0x56e: {  	[tilespmem:v13+s25+$0x0] =	vst.idx.add.f32.msk $0xffff, v29  }
0x56f: {  	[tilespmem:v14+s26+$0x0] =	vst.idx.add.f32.msk $0xffff, v18  }
0x570: {  	[tilespmem:v17+s25+$0x0] =	vst.idx.add.f32.msk $0xffff, v31  }
0x571: {  	s18 =	sadd.s32 $0x400, s18;
	[tilespmem:v15+s26+$0x0] =	vst.idx.add.f32.msk $0xffff, v10  }
0x572: {  	s31 =	sadd.s32 $0x1, s31  }
0x573: {  	p2 =	sne.s32 s31, $0x30  }
.Ltmp24:
0x574: {  	_ = 	snop;
	(pc) =	sbr.rel @p2 .LBB2_41-.Ltmp24, $2  }
0x575: {  	_ =	sdelay $0x2  }
0x576: {  	s30 =	sadd.s32 $0x1, s30  }
0x577: {  	s2 =	sadd.s32 s29, s17  }
0x578: {  	s2 =	sshrl.u32 s2, $0x3  }
0x579: {  	s29 =	simm.s32 $0x0;
	s2 =	sadd.s32 s1, s2  }
0x57a: {  	[tilespmem:s23], [sflag:$0x2] =	stream.linear.gather [hbm4b:s2+s29], $0x4800, $0x38;
	[tilespmem:$0xE780] =	vst v63  }
0x57b: {  	_ =	swait.ge [sflag:s24], $0x4800  }
0x57c: {  	[sflag:s24] =	ssyncset.done $0x0  }
0x57d: {  	s30 =	simm.s32 $0x0;
	[sflag:s24] =	ssyncadd.s32 $0xFFFFB800  }
.LBB2_45:
0x57e: {  	s2 =	sshrl.u32 s30, $0x3  }
0x57f: {  	s4 =	sand.u32 $0x7, s29;
	s2 =	smul.u32 $0x3000, s2  }
0x580: {  	s4 =	sshll.u32 s4, $0x9  }
0x581: {  	s2 =	sor.u32 s4, s2  }
0x582: {  	s2 =	sshra.s32 s2, $0x2  }
0x583: {  	s18 =	sor.u32 $0x40, s2  }
0x584: {  	v7 =	vld [tilespmem:s18+$0x30]  }
0x585: {  	v8 =	vld [tilespmem:s18+$0xFFFFFFD0]  }
0x586: {  	v9 =	vld [tilespmem:s18+$0xFFFFFFE0]  }
0x587: {  	v10 =	vld [tilespmem:s18+$0xFFFFFFF0]  }
0x588: {  	s2 =	sadd.s32 $0x4840, s2;
	v11 =	vld [tilespmem:s18+$0x0]  }
0x589: {  	v12 =	vld [tilespmem:s2+$0x30]  }
0x58a: {  	v13 =	vld [tilespmem:s18+$0x10]  }
0x58b: {  	v16 =	vld [tilespmem:s18+$0xFFFFFFC0]  }
0x58c: {  	v6 =	vor.u32 $0xA00, v0;
	v15 =	vld [tilespmem:s18+$0x20];
	v7 =	vshll.u32 v7, $0x4  }
0x58d: {  	v17 =	vld [tilespmem:s2+$0xFFFFFFC0];
	v14 =	vadd.s32 v6, v7  }
0x58e: {  	v18 =	vld [tilespmem:s2+$0xFFFFFFD0];
	v7 =	vor.u32 v0, v7  }
0x58f: {  	v53 =	vld [tilespmem:s2+$0xFFFFFFE0]  }
0x590: {  	v54 =	vld [tilespmem:s2+$0xFFFFFFF0];
	v52 =	vshll.u32 v16, $0x4  }
0x591: {  	v20 =	vld [tilespmem:s2+$0x0];
	v19 =	vmul.f32 v12, v12;
	v9 =	vshll.u32 v9, $0x4;
	v16 =	vadd.s32 v6, v52  }
0x592: {  	v8 =	vshll.u32 v8, $0x4;
	v22 =	vadd.s32 v6, v9;
	[tilespmem:v14+s25+$0x0] =	vst.idx.add.f32.msk $0xffff, v12  }
0x593: {  	v11 =	vshll.u32 v11, $0x4;
	[tilespmem:v7+s26+$0x0] =	vst.idx.add.f32.msk $0xffff, v19;
	v7 =	vadd.s32 v6, v8  }
0x594: {  	v21 =	vld [tilespmem:s2+$0x10];
	v57 =	vshll.u32 v13, $0x4;
	v55 =	vadd.s32 v6, v11  }
0x595: {  	v23 =	vld [tilespmem:s2+$0x20];
	v13 =	vadd.s32 v6, v57  }
0x596: {  	v9 =	vor.u32 v0, v9;
	[tilespmem:v16+s25+$0x0] =	vst.idx.add.f32.msk $0xffff, v17  }
0x597: {  	v10 =	vshll.u32 v10, $0x4;
	[tilespmem:v22+s25+$0x0] =	vst.idx.add.f32.msk $0xffff, v53;
	v8 =	vor.u32 v0, v8  }
0x598: {  	[tilespmem:v7+s25+$0x0] =	vst.idx.add.f32.msk $0xffff, v18;
	v7 =	vadd.s32 v6, v10  }
0x599: {  	v56 =	vmul.f32 v53, v53;
	v59 =	vor.u32 v0, v57;
	[tilespmem:v55+s25+$0x0] =	vst.idx.add.f32.msk $0xffff, v20  }
0x59a: {  	v12 =	vor.u32 v0, v52;
	[tilespmem:v13+s25+$0x0] =	vst.idx.add.f32.msk $0xffff, v21;
	v18 =	vmul.f32 v18, v18  }
0x59b: {  	[tilespmem:v9+s26+$0x0] =	vst.idx.add.f32.msk $0xffff, v56;
	v10 =	vor.u32 v0, v10  }
0x59c: {  	v60 =	vshll.u32 v15, $0x4;
	v63 =	vmul.f32 v21, v21;
	[tilespmem:v8+s26+$0x0] =	vst.idx.add.f32.msk $0xffff, v18;
	v8 =	vor.u32 v0, v11  }
0x59d: {  	v24 =	vmul.f32 v17, v17;
	[tilespmem:v7+s25+$0x0] =	vst.idx.add.f32.msk $0xffff, v54;
	v7 =	vadd.s32 v6, v60  }
0x59e: {  	v58 =	vmul.f32 v54, v54;
	v62 =	vor.u32 v0, v60;
	[tilespmem:v59+s26+$0x0] =	vst.idx.add.f32.msk $0xffff, v63  }
0x59f: {  	v61 =	vmul.f32 v20, v20;
	[tilespmem:v12+s26+$0x0] =	vst.idx.add.f32.msk $0xffff, v24  }
0x5a0: {  	[tilespmem:v10+s26+$0x0] =	vst.idx.add.f32.msk $0xffff, v58  }
0x5a1: {  	[tilespmem:v8+s26+$0x0] =	vst.idx.add.f32.msk $0xffff, v61;
	v8 =	vmul.f32 v23, v23  }
0x5a2: {  	[tilespmem:v7+s25+$0x0] =	vst.idx.add.f32.msk $0xffff, v23  }
0x5a3: {  	s4 =	simm.s32 $0x0;
	s18 =	sadd.s32 $0x400, s18;
	[tilespmem:v62+s26+$0x0] =	vst.idx.add.f32.msk $0xffff, v8  }
.LBB2_46:
0x5a4: {  	v7 =	vld [tilespmem:s18+$0x30]  }
0x5a5: {  	s4 =	sadd.s32 $0x80, s4;
	v8 =	vld [tilespmem:s18+$0xFFFFFFD0]  }
0x5a6: {  	p2 =	slt.u32 s4, $0x100;
	v9 =	vld [tilespmem:s18+$0xFFFFFFE0]  }
0x5a7: {  	v10 =	vld [tilespmem:s18+$0xFFFFFFF0]  }
0x5a8: {  	s2 =	sadd.s32 $0x400, s2;
	v11 =	vld [tilespmem:s18+$0x0]  }
0x5a9: {  	v12 =	vld [tilespmem:s2+$0x30];
	v7 =	vshll.u32 v7, $0x4  }
0x5aa: {  	v8 =	vshll.u32 v8, $0x4;
	v13 =	vld [tilespmem:s18+$0x10];
	v14 =	vadd.s32 v6, v7  }
0x5ab: {  	v7 =	vor.u32 v0, v7;
	v15 =	vadd.s32 v6, v8;
	v9 =	vshll.u32 v9, $0x4;
	v16 =	vld [tilespmem:s18+$0x20]  }
0x5ac: {  	v8 =	vor.u32 v0, v8;
	v17 =	vld [tilespmem:s18+$0xFFFFFFC0];
	v18 =	vadd.s32 v6, v9;
	v10 =	vshll.u32 v10, $0x4  }
0x5ad: {  	v9 =	vor.u32 v0, v9;
	v19 =	vld [tilespmem:s2+$0xFFFFFFC0];
	v20 =	vadd.s32 v6, v10;
	v11 =	vshll.u32 v11, $0x4  }
0x5ae: {  	v10 =	vor.u32 v0, v10;
	v21 =	vld [tilespmem:s2+$0xFFFFFFD0];
	v22 =	vadd.s32 v6, v11;
	v23 =	vmul.f32 v12, v12  }
0x5af: {  	v11 =	vor.u32 v0, v11;
	v13 =	vshll.u32 v13, $0x4;
	[tilespmem:v14+s25+$0x0] =	vst.idx.add.f32.msk $0xffff, v12  }
0x5b0: {  	v12 =	vadd.s32 v6, v13;
	v13 =	vor.u32 v0, v13;
	v14 =	vshll.u32 v16, $0x4;
	[tilespmem:v7+s26+$0x0] =	vst.idx.add.f32.msk $0xffff, v23  }
0x5b1: {  	v7 =	vshll.u32 v17, $0x4;
	v16 =	vld [tilespmem:s2+$0xFFFFFFE0];
	v17 =	vadd.s32 v6, v14;
	v14 =	vor.u32 v0, v14  }
0x5b2: {  	v23 =	vadd.s32 v6, v7;
	v24 =	vmul.f32 v19, v19;
	v7 =	vor.u32 v0, v7;
	v25 =	vld [tilespmem:s2+$0xFFFFFFF0]  }
0x5b3: {  	v26 =	vmul.f32 v21, v21;
	v27 =	vld [tilespmem:s2+$0x0]  }
0x5b4: {  	v28 =	vld [tilespmem:s2+$0x10]  }
0x5b5: {  	v29 =	vld [tilespmem:s2+$0x20]  }
0x5b6: {  	[tilespmem:v15+s25+$0x0] =	vst.idx.add.f32.msk $0xffff, v21;
	v15 =	vmul.f32 v16, v16  }
0x5b7: {  	[tilespmem:v23+s25+$0x0] =	vst.idx.add.f32.msk $0xffff, v19;
	v19 =	vmul.f32 v25, v25  }
0x5b8: {  	[tilespmem:v7+s26+$0x0] =	vst.idx.add.f32.msk $0xffff, v24;
	v7 =	vmul.f32 v27, v27  }
0x5b9: {  	[tilespmem:v8+s26+$0x0] =	vst.idx.add.f32.msk $0xffff, v26;
	v8 =	vmul.f32 v28, v28  }
0x5ba: {  	[tilespmem:v18+s25+$0x0] =	vst.idx.add.f32.msk $0xffff, v16;
	v16 =	vmul.f32 v29, v29  }
0x5bb: {  	[tilespmem:v9+s26+$0x0] =	vst.idx.add.f32.msk $0xffff, v15  }
0x5bc: {  	[tilespmem:v20+s25+$0x0] =	vst.idx.add.f32.msk $0xffff, v25  }
0x5bd: {  	[tilespmem:v10+s26+$0x0] =	vst.idx.add.f32.msk $0xffff, v19  }
0x5be: {  	[tilespmem:v22+s25+$0x0] =	vst.idx.add.f32.msk $0xffff, v27  }
.Ltmp25:
0x5bf: {  	[tilespmem:v11+s26+$0x0] =	vst.idx.add.f32.msk $0xffff, v7;
	(pc) =	sbr.rel @p2 .LBB2_46-.Ltmp25, $4  }
0x5c0: {  	[tilespmem:v12+s25+$0x0] =	vst.idx.add.f32.msk $0xffff, v28  }
0x5c1: {  	[tilespmem:v13+s26+$0x0] =	vst.idx.add.f32.msk $0xffff, v8  }
0x5c2: {  	[tilespmem:v17+s25+$0x0] =	vst.idx.add.f32.msk $0xffff, v29  }
0x5c3: {  	s18 =	sadd.s32 $0x400, s18;
	[tilespmem:v14+s26+$0x0] =	vst.idx.add.f32.msk $0xffff, v16  }
0x5c4: {  	s30 =	sadd.s32 $0x1, s30  }
0x5c5: {  	p2 =	sne.s32 s30, $0x30  }
.Ltmp26:
0x5c6: {  	_ = 	snop;
	(pc) =	sbr.rel @p2 .LBB2_45-.Ltmp26, $2  }
0x5c7: {  	_ =	sdelay $0x2  }
0x5c8: {  	s29 =	sadd.s32 $0x1, s29  }
0x5c9: {  	_ =	swait.ge [sflag:s28], $0x4800  }
0x5ca: {  	[sflag:s28] =	ssyncset.done $0x0  }
0x5cb: {  	s29 =	simm.s32 $0x0;
	s30 =	simm.s32 $0x0;
	[sflag:s28] =	ssyncadd.s32 $0xFFFFB800  }
.LBB2_49:
0x5cc: {  	s2 =	sand.u32 $0x7, s29  }
0x5cd: {  	s2 =	sshll.u32 s2, $0x9  }
0x5ce: {  	s2 =	sshrl.u32 s2, $0x2  }
0x5cf: {  	s4 =	sshrl.u32 s30, $0x3;
	v6 =	vmov s2  }
0x5d0: {  	s31 =	smul.u32 $0x3000, s4;
	_ =	sdelay $0x1  }
0x5d1: {  	s2 =	sshra.s32 s31, $0x2  }
0x5d2: {  	s18 =	sor.u32 $0x40, s2  }
0x5d3: {  	v8 =	vld.idx.msk [tilespmem:v6+s18+$0x30 ss:$0x1], $0xffff  }
0x5d4: {  	v9 =	vld.idx.msk [tilespmem:v6+s18+$0xFFFFFFD0 ss:$0x1], $0xffff  }
0x5d5: {  	v10 =	vld.idx.msk [tilespmem:v6+s18+$0xFFFFFFE0 ss:$0x1], $0xffff  }
0x5d6: {  	v11 =	vld.idx.msk [tilespmem:v6+s18+$0xFFFFFFF0 ss:$0x1], $0xffff  }
0x5d7: {  	s2 =	sadd.s32 $0x4800, s2;
	v12 =	vld.idx.msk [tilespmem:v6+s18+$0x0 ss:$0x1], $0xffff  }
0x5d8: {  	v13 =	vld.idx.msk [tilespmem:v6+s2+$0x4870 ss:$0x1], $0xffff  }
0x5d9: {  	v14 =	vld.idx.msk [tilespmem:v6+s18+$0x10 ss:$0x1], $0xffff  }
0x5da: {  	v15 =	vld.idx.msk [tilespmem:v6+s18+$0x20 ss:$0x1], $0xffff  }
0x5db: {  	v17 =	vld.idx.msk [tilespmem:v6+s18+$0xFFFFFFC0 ss:$0x1], $0xffff  }
0x5dc: {  	v18 =	vld.idx.msk [tilespmem:v6+s2+$0x4800 ss:$0x1], $0xffff  }
0x5dd: {  	v7 =	vor.u32 $0xB00, v0;
	v19 =	vld.idx.msk [tilespmem:v6+s2+$0x4810 ss:$0x1], $0xffff;
	v8 =	vshll.u32 v8, $0x4  }
0x5de: {  	v20 =	vld.idx.msk [tilespmem:v6+s2+$0x4820 ss:$0x1], $0xffff;
	v16 =	vadd.s32 v7, v8  }
0x5df: {  	v53 =	vld.idx.msk [tilespmem:v6+s2+$0x4830 ss:$0x1], $0xffff;
	v9 =	vshll.u32 v9, $0x4;
	v8 =	vor.u32 v0, v8  }
0x5e0: {  	v54 =	vld.idx.msk [tilespmem:v6+s2+$0x4840 ss:$0x1], $0xffff;
	v52 =	vshll.u32 v17, $0x4;
	v51 =	vadd.s32 v7, v9  }
0x5e1: {  	v22 =	vld.idx.msk [tilespmem:v6+s2+$0x4850 ss:$0x1], $0xffff;
	v10 =	vshll.u32 v10, $0x4;
	v17 =	vadd.s32 v7, v52  }
0x5e2: {  	v25 =	vld.idx.msk [tilespmem:v6+s2+$0x4860 ss:$0x1], $0xffff;
	v21 =	vmul.f32 v13, v13;
	v11 =	vshll.u32 v11, $0x4;
	v23 =	vadd.s32 v7, v10  }
0x5e3: {  	v55 =	vadd.s32 v7, v11;
	[tilespmem:v16+s25+$0x0] =	vst.idx.add.f32.msk $0xffff, v13  }
0x5e4: {  	v58 =	vshll.u32 v14, $0x4;
	[tilespmem:v8+s26+$0x0] =	vst.idx.add.f32.msk $0xffff, v21;
	v8 =	vor.u32 v0, v9  }
0x5e5: {  	v60 =	vshll.u32 v15, $0x4;
	v14 =	vadd.s32 v7, v58;
	[tilespmem:v51+s25+$0x0] =	vst.idx.add.f32.msk $0xffff, v19  }
0x5e6: {  	v61 =	vadd.s32 v7, v60;
	[tilespmem:v17+s25+$0x0] =	vst.idx.add.f32.msk $0xffff, v18  }
0x5e7: {  	v24 =	vmul.f32 v19, v19;
	[tilespmem:v23+s25+$0x0] =	vst.idx.add.f32.msk $0xffff, v20;
	v9 =	vor.u32 v0, v52  }
0x5e8: {  	v10 =	vor.u32 v0, v10;
	[tilespmem:v55+s25+$0x0] =	vst.idx.add.f32.msk $0xffff, v53  }
0x5e9: {  	v11 =	vor.u32 v0, v11;
	[tilespmem:v8+s26+$0x0] =	vst.idx.add.f32.msk $0xffff, v24;
	v8 =	vshll.u32 v12, $0x4  }
0x5ea: {  	v56 =	vmul.f32 v18, v18;
	[tilespmem:v14+s25+$0x0] =	vst.idx.add.f32.msk $0xffff, v22;
	v12 =	vadd.s32 v7, v8  }
0x5eb: {  	v57 =	vmul.f32 v20, v20;
	[tilespmem:v61+s25+$0x0] =	vst.idx.add.f32.msk $0xffff, v25;
	v8 =	vor.u32 v0, v8  }
0x5ec: {  	v59 =	vmul.f32 v53, v53;
	[tilespmem:v9+s26+$0x0] =	vst.idx.add.f32.msk $0xffff, v56;
	v9 =	vor.u32 v0, v58  }
0x5ed: {  	[tilespmem:v10+s26+$0x0] =	vst.idx.add.f32.msk $0xffff, v57;
	v10 =	vor.u32 v0, v60  }
0x5ee: {  	v62 =	vmul.f32 v54, v54;
	[tilespmem:v11+s26+$0x0] =	vst.idx.add.f32.msk $0xffff, v59  }
0x5ef: {  	v63 =	vmul.f32 v22, v22;
	[tilespmem:v12+s25+$0x0] =	vst.idx.add.f32.msk $0xffff, v54  }
0x5f0: {  	[tilespmem:v8+s26+$0x0] =	vst.idx.add.f32.msk $0xffff, v62;
	v8 =	vmul.f32 v25, v25  }
0x5f1: {  	[tilespmem:v9+s26+$0x0] =	vst.idx.add.f32.msk $0xffff, v63  }
0x5f2: {  	s4 =	simm.s32 $0x0;
	s18 =	sadd.s32 $0x400, s18;
	[tilespmem:v10+s26+$0x0] =	vst.idx.add.f32.msk $0xffff, v8  }
.LBB2_50:
0x5f3: {  	v8 =	vld.idx.msk [tilespmem:v6+s18+$0x30 ss:$0x1], $0xffff  }
0x5f4: {  	s4 =	sadd.s32 $0x80, s4;
	v9 =	vld.idx.msk [tilespmem:v6+s18+$0xFFFFFFD0 ss:$0x1], $0xffff  }
0x5f5: {  	p2 =	slt.u32 s4, $0x100;
	v10 =	vld.idx.msk [tilespmem:v6+s18+$0xFFFFFFE0 ss:$0x1], $0xffff  }
0x5f6: {  	v11 =	vld.idx.msk [tilespmem:v6+s18+$0xFFFFFFF0 ss:$0x1], $0xffff  }
0x5f7: {  	s2 =	sadd.s32 $0x400, s2;
	v12 =	vld.idx.msk [tilespmem:v6+s18+$0x0 ss:$0x1], $0xffff  }
0x5f8: {  	v13 =	vld.idx.msk [tilespmem:v6+s2+$0x4870 ss:$0x1], $0xffff  }
0x5f9: {  	v8 =	vshll.u32 v8, $0x4;
	v14 =	vld.idx.msk [tilespmem:v6+s18+$0x10 ss:$0x1], $0xffff  }
0x5fa: {  	v9 =	vshll.u32 v9, $0x4;
	v16 =	vadd.s32 v7, v8;
	v15 =	vld.idx.msk [tilespmem:v6+s18+$0x20 ss:$0x1], $0xffff  }
0x5fb: {  	v8 =	vor.u32 v0, v8;
	v18 =	vadd.s32 v7, v9;
	v10 =	vshll.u32 v10, $0x4;
	v17 =	vld.idx.msk [tilespmem:v6+s18+$0xFFFFFFC0 ss:$0x1], $0xffff  }
0x5fc: {  	v9 =	vor.u32 v0, v9;
	v20 =	vadd.s32 v7, v10;
	v11 =	vshll.u32 v11, $0x4;
	v19 =	vld.idx.msk [tilespmem:v6+s2+$0x4800 ss:$0x1], $0xffff  }
0x5fd: {  	v10 =	vor.u32 v0, v10;
	v22 =	vadd.s32 v7, v11;
	v12 =	vshll.u32 v12, $0x4;
	v21 =	vld.idx.msk [tilespmem:v6+s2+$0x4810 ss:$0x1], $0xffff  }
0x5fe: {  	v11 =	vor.u32 v0, v11;
	v24 =	vadd.s32 v7, v12;
	v25 =	vmul.f32 v13, v13;
	v23 =	vld.idx.msk [tilespmem:v6+s2+$0x4820 ss:$0x1], $0xffff  }
0x5ff: {  	v12 =	vor.u32 v0, v12;
	v14 =	vshll.u32 v14, $0x4;
	[tilespmem:v16+s25+$0x0] =	vst.idx.add.f32.msk $0xffff, v13  }
0x600: {  	v13 =	vadd.s32 v7, v14;
	v14 =	vor.u32 v0, v14;
	v15 =	vshll.u32 v15, $0x4;
	[tilespmem:v8+s26+$0x0] =	vst.idx.add.f32.msk $0xffff, v25  }
0x601: {  	v8 =	vshll.u32 v17, $0x4;
	v17 =	vadd.s32 v7, v15;
	v15 =	vor.u32 v0, v15;
	v16 =	vld.idx.msk [tilespmem:v6+s2+$0x4830 ss:$0x1], $0xffff  }
0x602: {  	v25 =	vadd.s32 v7, v8;
	v26 =	vmul.f32 v19, v19;
	v8 =	vor.u32 v0, v8;
	v27 =	vld.idx.msk [tilespmem:v6+s2+$0x4840 ss:$0x1], $0xffff  }
0x603: {  	v28 =	vmul.f32 v21, v21;
	v29 =	vld.idx.msk [tilespmem:v6+s2+$0x4850 ss:$0x1], $0xffff  }
0x604: {  	v30 =	vmul.f32 v23, v23;
	v31 =	vld.idx.msk [tilespmem:v6+s2+$0x4860 ss:$0x1], $0xffff  }
0x605: {  	[tilespmem:v18+s25+$0x0] =	vst.idx.add.f32.msk $0xffff, v21  }
0x606: {  	[tilespmem:v9+s26+$0x0] =	vst.idx.add.f32.msk $0xffff, v28  }
0x607: {  	v9 =	vmul.f32 v16, v16;
	[tilespmem:v25+s25+$0x0] =	vst.idx.add.f32.msk $0xffff, v19  }
0x608: {  	[tilespmem:v8+s26+$0x0] =	vst.idx.add.f32.msk $0xffff, v26;
	v8 =	vmul.f32 v27, v27  }
0x609: {  	v18 =	vmul.f32 v29, v29;
	[tilespmem:v20+s25+$0x0] =	vst.idx.add.f32.msk $0xffff, v23  }
0x60a: {  	[tilespmem:v10+s26+$0x0] =	vst.idx.add.f32.msk $0xffff, v30;
	v10 =	vmul.f32 v31, v31  }
0x60b: {  	[tilespmem:v22+s25+$0x0] =	vst.idx.add.f32.msk $0xffff, v16  }
0x60c: {  	[tilespmem:v11+s26+$0x0] =	vst.idx.add.f32.msk $0xffff, v9  }
0x60d: {  	[tilespmem:v24+s25+$0x0] =	vst.idx.add.f32.msk $0xffff, v27  }
.Ltmp27:
0x60e: {  	[tilespmem:v12+s26+$0x0] =	vst.idx.add.f32.msk $0xffff, v8;
	(pc) =	sbr.rel @p2 .LBB2_50-.Ltmp27, $4  }
0x60f: {  	[tilespmem:v13+s25+$0x0] =	vst.idx.add.f32.msk $0xffff, v29  }
0x610: {  	[tilespmem:v14+s26+$0x0] =	vst.idx.add.f32.msk $0xffff, v18  }
0x611: {  	[tilespmem:v17+s25+$0x0] =	vst.idx.add.f32.msk $0xffff, v31  }
0x612: {  	s18 =	sadd.s32 $0x400, s18;
	[tilespmem:v15+s26+$0x0] =	vst.idx.add.f32.msk $0xffff, v10  }
0x613: {  	s30 =	sadd.s32 $0x1, s30  }
0x614: {  	p2 =	sne.s32 s30, $0x30  }
.Ltmp28:
0x615: {  	_ = 	snop;
	(pc) =	sbr.rel @p2 .LBB2_49-.Ltmp28, $2  }
0x616: {  	_ =	sdelay $0x2  }
0x617: {  	s29 =	sadd.s32 $0x1, s29  }
.Ltmp29:
0x618: {  	(pc) =	sbr.rel @p0 .LBB2_57-.Ltmp29, $1  }
0x619: {  	_ =	sdelay $0x3  }
0x61a: {  	s2 =	simm.s32 $0x0;
	s4 =	simm.s32 $0x0  }
.LBB2_54:
0x61b: {  	s18 =	sshrl.u32 s4, $0x3  }
0x61c: {  	s29 =	sand.u32 $0x7, s2;
	s18 =	smul.u32 $0x3000, s18  }
0x61d: {  	s29 =	sshll.u32 s29, $0x9  }
0x61e: {  	s18 =	sor.u32 s29, s18  }
0x61f: {  	s18 =	sshra.s32 s18, $0x2  }
0x620: {  	s29 =	sor.u32 $0x40, s18  }
0x621: {  	v6 =	vld [tilespmem:s29+$0x30]  }
0x622: {  	v7 =	vld [tilespmem:s29+$0xFFFFFFD0]  }
0x623: {  	v8 =	vld [tilespmem:s29+$0xFFFFFFE0]  }
0x624: {  	v9 =	vld [tilespmem:s29+$0xFFFFFFF0]  }
0x625: {  	v10 =	vld [tilespmem:s29+$0x0]  }
0x626: {  	v6 =	vshll.u32 v6, $0x4  }
0x627: {  	v7 =	vshll.u32 v7, $0x4;
	v6 =	vadd.s32 v2, v6  }
0x628: {  	v8 =	vshll.u32 v8, $0x4;
	v7 =	vadd.s32 v2, v7  }
0x629: {  	v11 =	vld [tilespmem:s29+$0x10];
	v9 =	vshll.u32 v9, $0x4;
	v8 =	vadd.s32 v2, v8  }
0x62a: {  	v12 =	vld [tilespmem:s29+$0x20];
	v10 =	vshll.u32 v10, $0x4;
	v9 =	vadd.s32 v2, v9  }
0x62b: {  	v13 =	vld [tilespmem:s29+$0xFFFFFFC0];
	v10 =	vadd.s32 v2, v10  }
0x62c: {  	[tilespmem:v6+s26+$0x0] =	vst.idx.add.f32.msk $0xffff, v5  }
0x62d: {  	[tilespmem:v7+s26+$0x0] =	vst.idx.add.f32.msk $0xffff, v5  }
0x62e: {  	[tilespmem:v8+s26+$0x0] =	vst.idx.add.f32.msk $0xffff, v5  }
0x62f: {  	[tilespmem:v9+s26+$0x0] =	vst.idx.add.f32.msk $0xffff, v5  }
0x630: {  	v6 =	vshll.u32 v11, $0x4;
	v7 =	vshll.u32 v12, $0x4;
	v8 =	vshll.u32 v13, $0x4;
	[tilespmem:v10+s26+$0x0] =	vst.idx.add.f32.msk $0xffff, v5  }
0x631: {  	s18 =	simm.s32 $0x0;
	s29 =	sadd.s32 $0x400, s29;
	v6 =	vadd.s32 v2, v6;
	v7 =	vadd.s32 v2, v7;
	v8 =	vadd.s32 v2, v8  }
.LBB2_55:
0x632: {  	v9 =	vld [tilespmem:s29+$0x30];
	s18 =	sadd.s32 $0x80, s18  }
0x633: {  	v10 =	vld [tilespmem:s29+$0xFFFFFFD0];
	p2 =	slt.u32 s18, $0x100  }
0x634: {  	v11 =	vld [tilespmem:s29+$0xFFFFFFE0]  }
0x635: {  	v12 =	vld [tilespmem:s29+$0xFFFFFFF0]  }
0x636: {  	v13 =	vld [tilespmem:s29+$0x0]  }
0x637: {  	v14 =	vld [tilespmem:s29+$0x10];
	v9 =	vshll.u32 v9, $0x4  }
0x638: {  	v10 =	vshll.u32 v10, $0x4;
	v15 =	vld [tilespmem:s29+$0x20];
	v9 =	vadd.s32 v2, v9  }
0x639: {  	v16 =	vld [tilespmem:s29+$0xFFFFFFC0];
	v10 =	vadd.s32 v2, v10;
	v11 =	vshll.u32 v11, $0x4  }
0x63a: {  	v11 =	vadd.s32 v2, v11;
	v12 =	vshll.u32 v12, $0x4;
	[tilespmem:v8+s26+$0x0] =	vst.idx.add.f32.msk $0xffff, v5  }
0x63b: {  	v12 =	vadd.s32 v2, v12;
	v8 =	vshll.u32 v13, $0x4;
	[tilespmem:v6+s26+$0x0] =	vst.idx.add.f32.msk $0xffff, v5  }
0x63c: {  	v13 =	vadd.s32 v2, v8;
	v6 =	vshll.u32 v14, $0x4;
	[tilespmem:v7+s26+$0x0] =	vst.idx.add.f32.msk $0xffff, v5  }
.Ltmp30:
0x63d: {  	v6 =	vadd.s32 v2, v6;
	v7 =	vshll.u32 v15, $0x4;
	[tilespmem:v9+s26+$0x0] =	vst.idx.add.f32.msk $0xffff, v5;
	(pc) =	sbr.rel @p2 .LBB2_55-.Ltmp30, $4  }
0x63e: {  	v8 =	vshll.u32 v16, $0x4;
	[tilespmem:v10+s26+$0x0] =	vst.idx.add.f32.msk $0xffff, v5;
	v7 =	vadd.s32 v2, v7  }
0x63f: {  	v8 =	vadd.s32 v2, v8;
	[tilespmem:v11+s26+$0x0] =	vst.idx.add.f32.msk $0xffff, v5  }
0x640: {  	[tilespmem:v12+s26+$0x0] =	vst.idx.add.f32.msk $0xffff, v5  }
0x641: {  	s29 =	sadd.s32 $0x400, s29;
	[tilespmem:v13+s26+$0x0] =	vst.idx.add.f32.msk $0xffff, v5  }
0x642: {  	s4 =	sadd.s32 $0x1, s4  }
0x643: {  	p2 =	sne.s32 s4, $0x30  }
.Ltmp31:
0x644: {  	_ = 	snop;
	(pc) =	sbr.rel @p2 .LBB2_54-.Ltmp31, $4  }
.Ltmp32:
0x645: {  	_ = 	snop;
	(pc) =	sbr.rel @!p2 .LBB2_57-.Ltmp32, $4  }
0x646: {  	[tilespmem:v8+s26+$0x0] =	vst.idx.add.f32.msk $0xffff, v5  }
0x647: {  	[tilespmem:v6+s26+$0x0] =	vst.idx.add.f32.msk $0xffff, v5  }
0x648: {  	[tilespmem:v7+s26+$0x0] =	vst.idx.add.f32.msk $0xffff, v5;
	s2 =	sadd.s32 $0x1, s2  }
0x649: {  	_ = 	snop  }
.LBB2_59:
0x64a: {  	_ =	sfence.sel $0x180000  }
0x64b: {  	[bflag:$0x0] =	sbarrier.arrive $0xFFFF  }
0x64c: {  	_ =	strace $0x90000047  }
0x64d: {  	s0 =	stileid.u32;
	[bflag:$0x2] =	sbarrier.arrive $0xFFFF  }
0x64e: {  	p0 =	sne.s32 s0, $0x0;
	s0 =	rddreg [dreg:$0x3]  }
0x64f: {  	s0 =	sadd.s32 @!p0 $0x100000, s0  }
0x650: {  	[sflag:s0] =	ssyncadd.tile.s32 @!p0 $0x1;
	_ =	shalt  }
.Lfunc_end2:
_tile_overlayer_lowered:
.L_overlay_start_2:
0x651: {  	(tag) =	ssettag $0x2  }
0x652: {  	s0 =	rddreg [dreg:$0x0];
	s2 =	stileid.u32  }
0x653: {  	s1 =	rddreg [dreg:$0x1];
	p0 =	sne.s32 s2, $0x0  }
0x654: {  	s3 =	rddreg [dreg:$0x2];
	[bflag:$0x3] =	sbarrier.arrive $0xFFFF;
	s2 =	simm.s32 @!p0 $0x1C03  }
0x655: {  	[timem:s3], [sflag:s2] =	dma.local @!p0 [hbm:s0], s1  }
0x656: {  	s0 =	simm.s32 @!p0 $0x3  }
0x657: {  	_ =	swait.ge @!p0 [sflag:s0], s1  }
0x658: {  	s1 =	ssub.s32 @!p0 $0x0, s1;
	[sflag:s0] =	ssyncset.done @!p0 $0x0  }
0x659: {  	[sflag:s0] =	ssyncadd.s32 @!p0 s1  }
0x65a: {  	[bflag:$0x3] =	sbarrier.arrive $0xFFFF  }
0x65b: {  	_ =	shalt  }

</sc_bundles>
